<compile_context>
chip_gen: v7x
topology: tpu7x:2x2x1
jax: 0.10.2.dev20260603
libtpu: 0.0.44.dev20260713+nightly
codegen_flags: <defaults>
</compile_context>

<pallas_src>
import functools

import jax
import jax.numpy as jnp
from jax import lax
from jax.experimental import pallas as pl
from jax.experimental.pallas import tpu as pltpu
from jax.experimental.pallas import tpu_sc as plsc

N = 10000
E = 320000
D = 128
NC = 2
NS = 16
NW = NC * NS
CHUNK = 125
ECH = E // CHUNK
CPW = ECH // NW
SCH = 50
SECH = E // SCH
SCPW = SECH // NW
NPAD = 10240
RPT = NPAD // NS
DEGW = 128


def _s_op(u, eidx, zrows):
    mesh = plsc.VectorSubcoreMesh(core_axis_name="c", subcore_axis_name="s")

    @functools.partial(
        pl.kernel,
        out_type=jax.ShapeDtypeStruct((NC, NPAD, D), jnp.float32),
        mesh=mesh,
        scratch_types=[
            [pltpu.VMEM((4, 2, SCH), jnp.int32) for _ in range(2)],
            [pltpu.VMEM((SCH, D), jnp.float32) for _ in range(4)],
            pltpu.VMEM_SHARED((NPAD, D), jnp.float32),
            [pltpu.SemaphoreType.DMA for _ in range(2)],
            [pltpu.SemaphoreType.DMA for _ in range(4)],
            [pltpu.SemaphoreType.DMA for _ in range(4)],
        ],
    )
    def k(u_hbm, ei_hbm, z_hbm, out_hbm, ibuf, rows, acc, isem, rsem, ssem):
        cid = lax.axis_index("c")
        sid = lax.axis_index("s")
        wid = sid * NC + cid
        r0 = pl.multiple_of(sid * RPT, 8)
        c0 = wid * SCPW
        cq = c0 + SCPW - 4

        def ifetch_start(cb, p):
            pltpu.async_copy(ei_hbm.at[pl.ds(cb, 4)], ibuf[p], isem[p])

        def ifetch_wait(p):
            pltpu.make_async_copy(ei_hbm.at[pl.ds(c0, 4)], ibuf[p], isem[p]).wait()

        def gather_start(p, t, r):
            pltpu.async_copy(u_hbm.at[ibuf[p].at[t, 0]], rows[r], rsem[r])

        def gather_wait(r):
            pltpu.make_async_copy(u_hbm.at[ibuf[0].at[0, 0]], rows[r], rsem[r]).wait()

        def scatter_start(p, t, r):
            pltpu.async_copy(rows[r], acc.at[ibuf[p].at[t, 1]], ssem[r], add=True)

        def scatter_wait(r):
            pltpu.make_async_copy(rows[r], acc.at[ibuf[0].at[0, 1]], ssem[r]).wait()

        ifetch_start(c0, 0)

        def zrow(i, carry):
            for c in range(8):
                rows[2][i, pl.ds(c * 16, 16)] = jnp.zeros((16,), jnp.float32)
                rows[3][i, pl.ds(c * 16, 16)] = jnp.zeros((16,), jnp.float32)
            return carry

        lax.fori_loop(0, SCH, zrow, 0)
        pltpu.sync_copy(z_hbm, acc.at[pl.ds(r0, RPT)])
        plsc.subcore_barrier()
        ifetch_wait(0)
        gather_start(0, 0, 0)
        gather_start(0, 1, 1)
        scatter_start(0, 0, 2)
        scatter_start(0, 0, 3)

        def body(j, carry):
            base = c0 + 8 * j
            gather_wait(0)
            scatter_start(0, 0, 0)
            scatter_wait(2)
            gather_start(0, 2, 2)
            ifetch_start(base + 4, 1)
            gather_wait(1)
            scatter_start(0, 1, 1)
            scatter_wait(3)
            gather_start(0, 3, 3)
            gather_wait(2)
            scatter_start(0, 2, 2)
            scatter_wait(0)
            ifetch_wait(1)
            gather_start(1, 0, 0)
            gather_wait(3)
            scatter_start(0, 3, 3)
            scatter_wait(1)
            gather_start(1, 1, 1)
            gather_wait(0)
            scatter_start(1, 0, 0)
            scatter_wait(2)
            gather_start(1, 2, 2)
            ifetch_start(jnp.minimum(base + 8, cq), 0)
            gather_wait(1)
            scatter_start(1, 1, 1)
            scatter_wait(3)
            gather_start(1, 3, 3)
            gather_wait(2)
            scatter_start(1, 2, 2)
            scatter_wait(0)
            ifetch_wait(0)
            gather_start(0, 0, 0)
            gather_wait(3)
            scatter_start(1, 3, 3)
            scatter_wait(1)
            gather_start(0, 1, 1)
            return carry

        lax.fori_loop(0, SCPW // 8, body, 0)
        scatter_wait(2)
        scatter_wait(3)
        gather_wait(0)
        gather_wait(1)
        plsc.subcore_barrier()
        pltpu.sync_copy(acc.at[pl.ds(r0, RPT)], out_hbm.at[cid, pl.ds(r0, RPT)])

    return k(u, eidx, zrows)


def _deg_op(eidx, onesd, zdeg):
    mesh = plsc.VectorSubcoreMesh(core_axis_name="c", subcore_axis_name="s")

    @functools.partial(
        pl.kernel,
        out_type=jax.ShapeDtypeStruct((NC, NPAD, DEGW), jnp.float32),
        mesh=mesh,
        scratch_types=[
            [pltpu.VMEM((8, 2, CHUNK), jnp.int32) for _ in range(2)],
            pltpu.VMEM((CHUNK, DEGW), jnp.float32),
            pltpu.VMEM_SHARED((NPAD, DEGW), jnp.float32),
            [pltpu.SemaphoreType.DMA for _ in range(2)],
            pltpu.SemaphoreType.DMA,
        ],
    )
    def k(ei_hbm, ones_hbm, z_hbm, out_hbm, ibuf, onesb, acc, isem, ssem):
        cid = lax.axis_index("c")
        sid = lax.axis_index("s")
        wid = sid * NC + cid
        r0 = pl.multiple_of(sid * RPT, 8)
        c0 = wid * CPW

        def ifetch_start(cb, p):
            pltpu.async_copy(ei_hbm.at[pl.ds(cb, 8)], ibuf[p], isem[p])

        def ifetch_wait(p):
            pltpu.make_async_copy(ei_hbm.at[pl.ds(c0, 8)], ibuf[p], isem[p]).wait()

        ifetch_start(c0, 0)
        pltpu.sync_copy(ones_hbm, onesb)
        pltpu.sync_copy(z_hbm, acc.at[pl.ds(r0, RPT)])
        plsc.subcore_barrier()

        def group(p):
            for t in range(8):
                pltpu.async_copy(onesb, acc.at[ibuf[p].at[t, 0]], ssem, add=True)
            for t in range(8):
                pltpu.make_async_copy(onesb, acc.at[ibuf[p].at[t, 0]], ssem).wait()

        def body(j, carry):
            base = c0 + 16 * j
            ifetch_start(base + 8, 1)
            ifetch_wait(0)
            group(0)
            ifetch_start(jnp.minimum(base + 16, c0 + CPW - 8), 0)
            ifetch_wait(1)
            group(1)
            return carry

        lax.fori_loop(0, CPW // 16, body, 0)
        ifetch_wait(0)
        plsc.subcore_barrier()
        pltpu.sync_copy(acc.at[pl.ds(r0, RPT)], out_hbm.at[cid, pl.ds(r0, RPT)])

    return k(eidx, onesd, zdeg)


BN = 2000


def _tc_pre(degp, x):
    def body(degp_ref, x_ref, dinv_ref, u0_ref):
        deg = degp_ref[0][:, 0:1] + degp_ref[1][:, 0:1]
        dinv = jnp.where(deg > 0, lax.rsqrt(deg), 0.0)
        dinv_ref[...] = jnp.broadcast_to(dinv, (BN, D))
        u0_ref[...] = x_ref[...] * dinv

    return pl.pallas_call(
        body,
        grid=(N // BN,),
        in_specs=[
            pl.BlockSpec((NC, BN, DEGW), lambda i: (0, i, 0)),
            pl.BlockSpec((BN, D), lambda i: (i, 0)),
        ],
        out_specs=[pl.BlockSpec((BN, D), lambda i: (i, 0))] * 2,
        out_shape=[jax.ShapeDtypeStruct((N, D), jnp.float32)] * 2,
    )(degp, x)


def _tc_u(P, dinvb):

    def body(p_ref, dinv_ref, u_ref):
        dv = dinv_ref[...]
        u_ref[...] = -(dv * dv * (p_ref[0] + p_ref[1]))

    return pl.pallas_call(
        body,
        grid=(N // BN,),
        in_specs=[
            pl.BlockSpec((NC, BN, D), lambda i: (0, i, 0)),
            pl.BlockSpec((BN, D), lambda i: (i, 0)),
        ],
        out_specs=pl.BlockSpec((BN, D), lambda i: (i, 0)),
        out_shape=jax.ShapeDtypeStruct((N, D), jnp.float32),
    )(P, dinvb)


def _tc_acc(P, dinvb, t0, W):

    def body(p_ref, dinv_ref, t0_ref, w_ref, acc_ref):
        tx1 = -(dinv_ref[...] * (p_ref[0] + p_ref[1]))
        acc_ref[...] = jnp.dot(
            t0_ref[...], w_ref[0], preferred_element_type=jnp.float32
        ) + jnp.dot(tx1, w_ref[1], preferred_element_type=jnp.float32)

    return pl.pallas_call(
        body,
        grid=(N // BN,),
        in_specs=[
            pl.BlockSpec((NC, BN, D), lambda i: (0, i, 0)),
            pl.BlockSpec((BN, D), lambda i: (i, 0)),
            pl.BlockSpec((BN, D), lambda i: (i, 0)),
            pl.BlockSpec((3, D, D), lambda i: (0, 0, 0)),
        ],
        out_specs=pl.BlockSpec((BN, D), lambda i: (i, 0)),
        out_shape=jax.ShapeDtypeStruct((N, D), jnp.float32),
    )(P, dinvb, t0, W)


def _tc_mid2(P, dinvb, t0, acc, W, b):

    def body(p_ref, dinv_ref, t0_ref, acc_ref, w_ref, b_ref, h_ref, u_ref):
        dv = dinv_ref[...]
        tx2 = -2.0 * dv * (p_ref[0] + p_ref[1]) - t0_ref[...]
        pre = (
            acc_ref[...]
            + jnp.dot(tx2, w_ref[2], preferred_element_type=jnp.float32)
            + b_ref[...]
        )
        h = jnp.maximum(pre, 0.0)
        h_ref[...] = h
        u_ref[...] = dv * h

    return pl.pallas_call(
        body,
        grid=(N // BN,),
        in_specs=[
            pl.BlockSpec((NC, BN, D), lambda i: (0, i, 0)),
            pl.BlockSpec((BN, D), lambda i: (i, 0)),
            pl.BlockSpec((BN, D), lambda i: (i, 0)),
            pl.BlockSpec((BN, D), lambda i: (i, 0)),
            pl.BlockSpec((3, D, D), lambda i: (0, 0, 0)),
            pl.BlockSpec((1, D), lambda i: (0, 0)),
        ],
        out_specs=[pl.BlockSpec((BN, D), lambda i: (i, 0))] * 2,
        out_shape=[jax.ShapeDtypeStruct((N, D), jnp.float32)] * 2,
    )(P, dinvb, t0, acc, W, b)


def _tc_fin(P, dinvb, t0, acc, W, b):

    def body(p_ref, dinv_ref, t0_ref, acc_ref, w_ref, b_ref, o_ref):
        dv = dinv_ref[...]
        ty2 = -2.0 * dv * (p_ref[0] + p_ref[1]) - t0_ref[...]
        o_ref[...] = (
            acc_ref[...]
            + jnp.dot(ty2, w_ref[2], preferred_element_type=jnp.float32)
            + b_ref[...]
        )

    return pl.pallas_call(
        body,
        grid=(N // BN,),
        in_specs=[
            pl.BlockSpec((NC, BN, D), lambda i: (0, i, 0)),
            pl.BlockSpec((BN, D), lambda i: (i, 0)),
            pl.BlockSpec((BN, D), lambda i: (i, 0)),
            pl.BlockSpec((BN, D), lambda i: (i, 0)),
            pl.BlockSpec((3, D, D), lambda i: (0, 0, 0)),
            pl.BlockSpec((1, D), lambda i: (0, 0)),
        ],
        out_specs=pl.BlockSpec((BN, D), lambda i: (i, 0)),
        out_shape=jax.ShapeDtypeStruct((N, D), jnp.float32),
    )(P, dinvb, t0, acc, W, b)


def kernel(x, edge_index, W1, b1, W2, b2):
    eidx = edge_index.reshape(2, ECH, CHUNK).transpose(1, 0, 2)
    eidx_s = edge_index.reshape(2, SECH, SCH).transpose(1, 0, 2)
    zrows = jnp.zeros((RPT, D), jnp.float32)
    zdeg = jnp.zeros((RPT, DEGW), jnp.float32)
    onesd = jnp.ones((CHUNK, DEGW), jnp.float32)
    b1r = b1.reshape(1, D)
    b2r = b2.reshape(1, D)

    degp = _deg_op(eidx, onesd, zdeg)
    dinvb, u0 = _tc_pre(degp, x)
    P1 = _s_op(u0, eidx_s, zrows)
    u1 = _tc_u(P1, dinvb)
    P2 = _s_op(u1, eidx_s, zrows)
    acc1 = _tc_acc(P1, dinvb, x, W1)
    h, u2 = _tc_mid2(P2, dinvb, x, acc1, W1, b1r)
    P3 = _s_op(u2, eidx_s, zrows)
    u3 = _tc_u(P3, dinvb)
    P4 = _s_op(u3, eidx_s, zrows)
    acc2 = _tc_acc(P3, dinvb, h, W2)
    return _tc_fin(P4, dinvb, h, acc2, W2, b2r)

# --- scband reference (transcript-rebuilt; emitter-appended) ---
"""Pipeline reference for scband-cheb-net-model-88424786690457 (READ-ONLY COPY).

The authoritative reference and input builder live on the scoring server;
editing this copy changes nothing except your own understanding.
"""

import jax, jax.numpy as jnp
import numpy as np

N = 10000
E = 320000
D_IN = 128
D_HID = 128
D_OUT = 128
K = 3


def _glorot(key, shape):
    fan_in, fan_out = shape[-2], shape[-1]
    std = np.sqrt(2.0 / (fan_in + fan_out))
    return jax.random.normal(key, shape, dtype=jnp.float32) * std


def setup_inputs(seed: int = 0) -> dict:
    key = jax.random.key(seed)
    k1, k2, k3, k4 = jax.random.split(key, 4)
    x = jax.random.normal(k1, (N, D_IN), dtype=jnp.float32)
    edge_index = jax.random.randint(k2, (2, E), 0, N, dtype=jnp.int32)
    # ChebConv params: K weight matrices per layer + bias
    W1 = _glorot(k3, (K, D_IN, D_HID))
    b1 = jnp.zeros((D_HID,), dtype=jnp.float32)
    W2 = _glorot(k4, (K, D_HID, D_OUT))
    b2 = jnp.zeros((D_OUT,), dtype=jnp.float32)
    return {"x": x, "edge_index": edge_index, "W1": W1, "b1": b1, "W2": W2, "b2": b2}


def _cheb_conv(x, src, dst, W, b):
    # PyG ChebConv with normalization='sym', lambda_max=2.0, no edge weights.
    # L_hat = 2L/lambda_max - I = -D^{-1/2} A D^{-1/2} (zero diagonal).
    n = x.shape[0]
    deg = jax.ops.segment_sum(jnp.ones(src.shape[0], dtype=x.dtype), src, num_segments=n)
    dinv = jnp.where(deg > 0, 1.0 / jnp.sqrt(deg), 0.0)
    w = -dinv[src] * dinv[dst]  # per-edge L_hat value (off-diagonal)

    def prop(t):
        return jax.ops.segment_sum(w[:, None] * t[src], dst, num_segments=n)

    Tx0 = x
    out = Tx0 @ W[0]
    Tx1 = prop(Tx0)
    out = out + Tx1 @ W[1]
    for k in range(2, W.shape[0]):
        Tx2 = 2.0 * prop(Tx1) - Tx0
        out = out + Tx2 @ W[k]
        Tx0, Tx1 = Tx1, Tx2
    return out + b


def reference(x, edge_index, W1, b1, W2, b2):
    src = edge_index[0]
    dst = edge_index[1]
    h = _cheb_conv(x, src, dst, W1, b1)
    h = jax.nn.relu(h)
    # dropout: identity in eval mode
    out = _cheb_conv(h, src, dst, W2, b2)
    return out

if __name__ == "__main__":
    import jax
    _d = setup_inputs()
    print(jax.jit(kernel)(*tuple(_d.values())))

</pallas_src>

<mosaic_0001>
#map = affine_map<(d0, d1) -> (0, 0)>
#map1 = affine_map<(d0, d1) -> (0, 0, 0)>
module attributes {stable_mosaic.version = 14 : i64} {
  func.func @k(%arg0: i32, %arg1: i32, %arg2: memref<10000x128xf32, #tpu.memory_space<hbm>>, %arg3: memref<6400x2x50xi32, #tpu.memory_space<hbm>>, %arg4: memref<640x128xf32, #tpu.memory_space<hbm>>, %arg5: memref<2x10240x128xf32, #tpu.memory_space<hbm>>, %arg6: memref<4x2x50xi32, #tpu.memory_space<vmem>>, %arg7: memref<4x2x50xi32, #tpu.memory_space<vmem>>, %arg8: memref<50x128xf32, #tpu.memory_space<vmem>>, %arg9: memref<50x128xf32, #tpu.memory_space<vmem>>, %arg10: memref<50x128xf32, #tpu.memory_space<vmem>>, %arg11: memref<50x128xf32, #tpu.memory_space<vmem>>, %arg12: memref<10240x128xf32, #tpu.memory_space<vmem_shared>>, %arg13: memref<!tpu.dma_semaphore, #tpu.memory_space<semaphore_mem>>, %arg14: memref<!tpu.dma_semaphore, #tpu.memory_space<semaphore_mem>>, %arg15: memref<!tpu.dma_semaphore, #tpu.memory_space<semaphore_mem>>, %arg16: memref<!tpu.dma_semaphore, #tpu.memory_space<semaphore_mem>>, %arg17: memref<!tpu.dma_semaphore, #tpu.memory_space<semaphore_mem>>, %arg18: memref<!tpu.dma_semaphore, #tpu.memory_space<semaphore_mem>>, %arg19: memref<!tpu.dma_semaphore, #tpu.memory_space<semaphore_mem>>, %arg20: memref<!tpu.dma_semaphore, #tpu.memory_space<semaphore_mem>>, %arg21: memref<!tpu.dma_semaphore, #tpu.memory_space<semaphore_mem>>, %arg22: memref<!tpu.dma_semaphore, #tpu.memory_space<semaphore_mem>>) attributes {dimension_semantics = [#tpu.dimension_semantics<core_parallel>, #tpu.dimension_semantics<subcore_parallel>], iteration_bounds = array<i64: 2, 16>, scalar_prefetch = 0 : i64, scratch_operands = 17 : i64, tpu.core_type = #tpu.core_type<sc_vector_subcore>, window_params = [{transform_indices = #map}, {transform_indices = #map1}, {transform_indices = #map}, {transform_indices = #map1}]} {
    %mul3A = arith.constant 2 : i32
    %mul3A_0 = arith.muli %arg1, %mul3A : i32
    %add3A = arith.addi %mul3A_0, %arg0 : i32
    %mul3A_1 = arith.constant 640 : i32
    %mul3A_2 = arith.muli %arg1, %mul3A_1 : i32
    %multiple_of3A = tpu.assume_multiple %mul3A_2, 8 : i32
    %mul3A_3 = arith.constant 200 : i32
    %mul3A_4 = arith.muli %add3A, %mul3A_3 : i32
    %add3A_5 = arith.constant 200 : i32
    %add3A_6 = arith.addi %mul3A_4, %add3A_5 : i32
    %sub3A = arith.constant 4 : i32
    %sub3A_7 = arith.subi %add3A_6, %sub3A : i32
    %dma_start3A = arith.constant 0 : i32
    %dma_start3A_8 = arith.constant 0 : i32
    %dma_start3A_9 = tpu.memref_slice %arg3[%mul3A_4, %dma_start3A, %dma_start3A_8] : memref<6400x2x50xi32, #tpu.memory_space<hbm>> -> memref<4x2x50xi32, #tpu.memory_space<hbm>>
    %dma_start3A_10 = arith.constant 0 : i32
    %dma_start3A_11 = arith.constant 0 : i32
    %dma_start3A_12 = tpu.memref_slice %arg3[%mul3A_4, %dma_start3A_10, %dma_start3A_11] : memref<6400x2x50xi32, #tpu.memory_space<hbm>> -> memref<4x2x50xi32, #tpu.memory_space<hbm>>
    tpu.enqueue_dma source(%dma_start3A_12 : memref<4x2x50xi32, #tpu.memory_space<hbm>>) target(%arg6 : memref<4x2x50xi32, #tpu.memory_space<vmem>>) target_semaphore(%arg13 : memref<!tpu.dma_semaphore, #tpu.memory_space<semaphore_mem>>)
    %scan3A = arith.constant 0 : i32
    %scan3A_13 = arith.constant 0 : i32
    %scan3A_14 = arith.constant 50 : i32
    %scan3A_15 = arith.addi %scan3A_13, %scan3A_14 : i32
    %scan3A_16 = arith.constant 1 : i32
    scf.for %scan3A_94 = %scan3A_13 to %scan3A_15 step %scan3A_16  : i32 {
      %broadcast_in_dim3A = arith.constant 0.000000e+00 : f32
      %broadcast_in_dim3A_95 = vector.broadcast %broadcast_in_dim3A : f32 to vector<16xf32>
      %swap3A = arith.index_cast %scan3A_94 : i32 to index
      %swap3A_96 = arith.constant 0 : index
      %swap3A_97 = tpu.vector_load %arg10[%swap3A, %swap3A_96] {strides = array<i32>} : memref<50x128xf32, #tpu.memory_space<vmem>>, vector<1x16xf32>,
      %swap3A_98 = vector.shape_cast %swap3A_97 : vector<1x16xf32> to vector<16xf32>
      %swap3A_99 = vector.shape_cast %broadcast_in_dim3A_95 : vector<16xf32> to vector<1x16xf32>
      tpu.vector_store %arg10[%swap3A, %swap3A_96], %swap3A_99 {strides = array<i32>} : memref<50x128xf32, #tpu.memory_space<vmem>>, vector<1x16xf32>,
      %broadcast_in_dim3A_100 = arith.constant 0.000000e+00 : f32
      %broadcast_in_dim3A_101 = vector.broadcast %broadcast_in_dim3A_100 : f32 to vector<16xf32>
      %swap3A_102 = arith.index_cast %scan3A_94 : i32 to index
      %swap3A_103 = arith.constant 0 : index
      %swap3A_104 = tpu.vector_load %arg11[%swap3A_102, %swap3A_103] {strides = array<i32>} : memref<50x128xf32, #tpu.memory_space<vmem>>, vector<1x16xf32>,
      %swap3A_105 = vector.shape_cast %swap3A_104 : vector<1x16xf32> to vector<16xf32>
      %swap3A_106 = vector.shape_cast %broadcast_in_dim3A_101 : vector<16xf32> to vector<1x16xf32>
      tpu.vector_store %arg11[%swap3A_102, %swap3A_103], %swap3A_106 {strides = array<i32>} : memref<50x128xf32, #tpu.memory_space<vmem>>, vector<1x16xf32>,
      %broadcast_in_dim3A_107 = arith.constant 0.000000e+00 : f32
      %broadcast_in_dim3A_108 = vector.broadcast %broadcast_in_dim3A_107 : f32 to vector<16xf32>
      %swap3A_109 = arith.index_cast %scan3A_94 : i32 to index
      %swap3A_110 = arith.constant 16 : index
      %swap3A_111 = tpu.vector_load %arg10[%swap3A_109, %swap3A_110] {strides = array<i32>} : memref<50x128xf32, #tpu.memory_space<vmem>>, vector<1x16xf32>,
      %swap3A_112 = vector.shape_cast %swap3A_111 : vector<1x16xf32> to vector<16xf32>
      %swap3A_113 = vector.shape_cast %broadcast_in_dim3A_108 : vector<16xf32> to vector<1x16xf32>
      tpu.vector_store %arg10[%swap3A_109, %swap3A_110], %swap3A_113 {strides = array<i32>} : memref<50x128xf32, #tpu.memory_space<vmem>>, vector<1x16xf32>,
      %broadcast_in_dim3A_114 = arith.constant 0.000000e+00 : f32
      %broadcast_in_dim3A_115 = vector.broadcast %broadcast_in_dim3A_114 : f32 to vector<16xf32>
      %swap3A_116 = arith.index_cast %scan3A_94 : i32 to index
      %swap3A_117 = arith.constant 16 : index
      %swap3A_118 = tpu.vector_load %arg11[%swap3A_116, %swap3A_117] {strides = array<i32>} : memref<50x128xf32, #tpu.memory_space<vmem>>, vector<1x16xf32>,
      %swap3A_119 = vector.shape_cast %swap3A_118 : vector<1x16xf32> to vector<16xf32>
      %swap3A_120 = vector.shape_cast %broadcast_in_dim3A_115 : vector<16xf32> to vector<1x16xf32>
      tpu.vector_store %arg11[%swap3A_116, %swap3A_117], %swap3A_120 {strides = array<i32>} : memref<50x128xf32, #tpu.memory_space<vmem>>, vector<1x16xf32>,
      %broadcast_in_dim3A_121 = arith.constant 0.000000e+00 : f32
      %broadcast_in_dim3A_122 = vector.broadcast %broadcast_in_dim3A_121 : f32 to vector<16xf32>
      %swap3A_123 = arith.index_cast %scan3A_94 : i32 to index
      %swap3A_124 = arith.constant 32 : index
      %swap3A_125 = tpu.vector_load %arg10[%swap3A_123, %swap3A_124] {strides = array<i32>} : memref<50x128xf32, #tpu.memory_space<vmem>>, vector<1x16xf32>,
      %swap3A_126 = vector.shape_cast %swap3A_125 : vector<1x16xf32> to vector<16xf32>
      %swap3A_127 = vector.shape_cast %broadcast_in_dim3A_122 : vector<16xf32> to vector<1x16xf32>
      tpu.vector_store %arg10[%swap3A_123, %swap3A_124], %swap3A_127 {strides = array<i32>} : memref<50x128xf32, #tpu.memory_space<vmem>>, vector<1x16xf32>,
      %broadcast_in_dim3A_128 = arith.constant 0.000000e+00 : f32
      %broadcast_in_dim3A_129 = vector.broadcast %broadcast_in_dim3A_128 : f32 to vector<16xf32>
      %swap3A_130 = arith.index_cast %scan3A_94 : i32 to index
      %swap3A_131 = arith.constant 32 : index
      %swap3A_132 = tpu.vector_load %arg11[%swap3A_130, %swap3A_131] {strides = array<i32>} : memref<50x128xf32, #tpu.memory_space<vmem>>, vector<1x16xf32>,
      %swap3A_133 = vector.shape_cast %swap3A_132 : vector<1x16xf32> to vector<16xf32>
      %swap3A_134 = vector.shape_cast %broadcast_in_dim3A_129 : vector<16xf32> to vector<1x16xf32>
      tpu.vector_store %arg11[%swap3A_130, %swap3A_131], %swap3A_134 {strides = array<i32>} : memref<50x128xf32, #tpu.memory_space<vmem>>, vector<1x16xf32>,
      %broadcast_in_dim3A_135 = arith.constant 0.000000e+00 : f32
      %broadcast_in_dim3A_136 = vector.broadcast %broadcast_in_dim3A_135 : f32 to vector<16xf32>
      %swap3A_137 = arith.index_cast %scan3A_94 : i32 to index
      %swap3A_138 = arith.constant 48 : index
      %swap3A_139 = tpu.vector_load %arg10[%swap3A_137, %swap3A_138] {strides = array<i32>} : memref<50x128xf32, #tpu.memory_space<vmem>>, vector<1x16xf32>,
      %swap3A_140 = vector.shape_cast %swap3A_139 : vector<1x16xf32> to vector<16xf32>
      %swap3A_141 = vector.shape_cast %broadcast_in_dim3A_136 : vector<16xf32> to vector<1x16xf32>
      tpu.vector_store %arg10[%swap3A_137, %swap3A_138], %swap3A_141 {strides = array<i32>} : memref<50x128xf32, #tpu.memory_space<vmem>>, vector<1x16xf32>,
      %broadcast_in_dim3A_142 = arith.constant 0.000000e+00 : f32
      %broadcast_in_dim3A_143 = vector.broadcast %broadcast_in_dim3A_142 : f32 to vector<16xf32>
      %swap3A_144 = arith.index_cast %scan3A_94 : i32 to index
      %swap3A_145 = arith.constant 48 : index
      %swap3A_146 = tpu.vector_load %arg11[%swap3A_144, %swap3A_145] {strides = array<i32>} : memref<50x128xf32, #tpu.memory_space<vmem>>, vector<1x16xf32>,
      %swap3A_147 = vector.shape_cast %swap3A_146 : vector<1x16xf32> to vector<16xf32>
      %swap3A_148 = vector.shape_cast %broadcast_in_dim3A_143 : vector<16xf32> to vector<1x16xf32>
      tpu.vector_store %arg11[%swap3A_144, %swap3A_145], %swap3A_148 {strides = array<i32>} : memref<50x128xf32, #tpu.memory_space<vmem>>, vector<1x16xf32>,
      %broadcast_in_dim3A_149 = arith.constant 0.000000e+00 : f32
      %broadcast_in_dim3A_150 = vector.broadcast %broadcast_in_dim3A_149 : f32 to vector<16xf32>
      %swap3A_151 = arith.index_cast %scan3A_94 : i32 to index
      %swap3A_152 = arith.constant 64 : index
      %swap3A_153 = tpu.vector_load %arg10[%swap3A_151, %swap3A_152] {strides = array<i32>} : memref<50x128xf32, #tpu.memory_space<vmem>>, vector<1x16xf32>,
      %swap3A_154 = vector.shape_cast %swap3A_153 : vector<1x16xf32> to vector<16xf32>
      %swap3A_155 = vector.shape_cast %broadcast_in_dim3A_150 : vector<16xf32> to vector<1x16xf32>
      tpu.vector_store %arg10[%swap3A_151, %swap3A_152], %swap3A_155 {strides = array<i32>} : memref<50x128xf32, #tpu.memory_space<vmem>>, vector<1x16xf32>,
      %broadcast_in_dim3A_156 = arith.constant 0.000000e+00 : f32
      %broadcast_in_dim3A_157 = vector.broadcast %broadcast_in_dim3A_156 : f32 to vector<16xf32>
      %swap3A_158 = arith.index_cast %scan3A_94 : i32 to index
      %swap3A_159 = arith.constant 64 : index
      %swap3A_160 = tpu.vector_load %arg11[%swap3A_158, %swap3A_159] {strides = array<i32>} : memref<50x128xf32, #tpu.memory_space<vmem>>, vector<1x16xf32>,
      %swap3A_161 = vector.shape_cast %swap3A_160 : vector<1x16xf32> to vector<16xf32>
      %swap3A_162 = vector.shape_cast %broadcast_in_dim3A_157 : vector<16xf32> to vector<1x16xf32>
      tpu.vector_store %arg11[%swap3A_158, %swap3A_159], %swap3A_162 {strides = array<i32>} : memref<50x128xf32, #tpu.memory_space<vmem>>, vector<1x16xf32>,
      %broadcast_in_dim3A_163 = arith.constant 0.000000e+00 : f32
      %broadcast_in_dim3A_164 = vector.broadcast %broadcast_in_dim3A_163 : f32 to vector<16xf32>
      %swap3A_165 = arith.index_cast %scan3A_94 : i32 to index
      %swap3A_166 = arith.constant 80 : index
      %swap3A_167 = tpu.vector_load %arg10[%swap3A_165, %swap3A_166] {strides = array<i32>} : memref<50x128xf32, #tpu.memory_space<vmem>>, vector<1x16xf32>,
      %swap3A_168 = vector.shape_cast %swap3A_167 : vector<1x16xf32> to vector<16xf32>
      %swap3A_169 = vector.shape_cast %broadcast_in_dim3A_164 : vector<16xf32> to vector<1x16xf32>
      tpu.vector_store %arg10[%swap3A_165, %swap3A_166], %swap3A_169 {strides = array<i32>} : memref<50x128xf32, #tpu.memory_space<vmem>>, vector<1x16xf32>,
      %broadcast_in_dim3A_170 = arith.constant 0.000000e+00 : f32
      %broadcast_in_dim3A_171 = vector.broadcast %broadcast_in_dim3A_170 : f32 to vector<16xf32>
      %swap3A_172 = arith.index_cast %scan3A_94 : i32 to index
      %swap3A_173 = arith.constant 80 : index
      %swap3A_174 = tpu.vector_load %arg11[%swap3A_172, %swap3A_173] {strides = array<i32>} : memref<50x128xf32, #tpu.memory_space<vmem>>, vector<1x16xf32>,
      %swap3A_175 = vector.shape_cast %swap3A_174 : vector<1x16xf32> to vector<16xf32>
      %swap3A_176 = vector.shape_cast %broadcast_in_dim3A_171 : vector<16xf32> to vector<1x16xf32>
      tpu.vector_store %arg11[%swap3A_172, %swap3A_173], %swap3A_176 {strides = array<i32>} : memref<50x128xf32, #tpu.memory_space<vmem>>, vector<1x16xf32>,
      %broadcast_in_dim3A_177 = arith.constant 0.000000e+00 : f32
      %broadcast_in_dim3A_178 = vector.broadcast %broadcast_in_dim3A_177 : f32 to vector<16xf32>
      %swap3A_179 = arith.index_cast %scan3A_94 : i32 to index
      %swap3A_180 = arith.constant 96 : index
      %swap3A_181 = tpu.vector_load %arg10[%swap3A_179, %swap3A_180] {strides = array<i32>} : memref<50x128xf32, #tpu.memory_space<vmem>>, vector<1x16xf32>,
      %swap3A_182 = vector.shape_cast %swap3A_181 : vector<1x16xf32> to vector<16xf32>
      %swap3A_183 = vector.shape_cast %broadcast_in_dim3A_178 : vector<16xf32> to vector<1x16xf32>
      tpu.vector_store %arg10[%swap3A_179, %swap3A_180], %swap3A_183 {strides = array<i32>} : memref<50x128xf32, #tpu.memory_space<vmem>>, vector<1x16xf32>,
      %broadcast_in_dim3A_184 = arith.constant 0.000000e+00 : f32
      %broadcast_in_dim3A_185 = vector.broadcast %broadcast_in_dim3A_184 : f32 to vector<16xf32>
      %swap3A_186 = arith.index_cast %scan3A_94 : i32 to index
      %swap3A_187 = arith.constant 96 : index
      %swap3A_188 = tpu.vector_load %arg11[%swap3A_186, %swap3A_187] {strides = array<i32>} : memref<50x128xf32, #tpu.memory_space<vmem>>, vector<1x16xf32>,
      %swap3A_189 = vector.shape_cast %swap3A_188 : vector<1x16xf32> to vector<16xf32>
      %swap3A_190 = vector.shape_cast %broadcast_in_dim3A_185 : vector<16xf32> to vector<1x16xf32>
      tpu.vector_store %arg11[%swap3A_186, %swap3A_187], %swap3A_190 {strides = array<i32>} : memref<50x128xf32, #tpu.memory_space<vmem>>, vector<1x16xf32>,
      %broadcast_in_dim3A_191 = arith.constant 0.000000e+00 : f32
      %broadcast_in_dim3A_192 = vector.broadcast %broadcast_in_dim3A_191 : f32 to vector<16xf32>
      %swap3A_193 = arith.index_cast %scan3A_94 : i32 to index
      %swap3A_194 = arith.constant 112 : index
      %swap3A_195 = tpu.vector_load %arg10[%swap3A_193, %swap3A_194] {strides = array<i32>} : memref<50x128xf32, #tpu.memory_space<vmem>>, vector<1x16xf32>,
      %swap3A_196 = vector.shape_cast %swap3A_195 : vector<1x16xf32> to vector<16xf32>
      %swap3A_197 = vector.shape_cast %broadcast_in_dim3A_192 : vector<16xf32> to vector<1x16xf32>
      tpu.vector_store %arg10[%swap3A_193, %swap3A_194], %swap3A_197 {strides = array<i32>} : memref<50x128xf32, #tpu.memory_space<vmem>>, vector<1x16xf32>,
      %broadcast_in_dim3A_198 = arith.constant 0.000000e+00 : f32
      %broadcast_in_dim3A_199 = vector.broadcast %broadcast_in_dim3A_198 : f32 to vector<16xf32>
      %swap3A_200 = arith.index_cast %scan3A_94 : i32 to index
      %swap3A_201 = arith.constant 112 : index
      %swap3A_202 = tpu.vector_load %arg11[%swap3A_200, %swap3A_201] {strides = array<i32>} : memref<50x128xf32, #tpu.memory_space<vmem>>, vector<1x16xf32>,
      %swap3A_203 = vector.shape_cast %swap3A_202 : vector<1x16xf32> to vector<16xf32>
      %swap3A_204 = vector.shape_cast %broadcast_in_dim3A_199 : vector<16xf32> to vector<1x16xf32>
      tpu.vector_store %arg11[%swap3A_200, %swap3A_201], %swap3A_204 {strides = array<i32>} : memref<50x128xf32, #tpu.memory_space<vmem>>, vector<1x16xf32>,
    }
    %scan3A_17 = arith.constant 50 : i32
    "tpu.region"() ({
      %run_scoped3A = tpu.sem_alloc : memref<!tpu.dma_semaphore, #tpu.memory_space<semaphore_mem>>
      %dma_start3A_94 = arith.constant 0 : i32
      %dma_start3A_95 = tpu.memref_slice %arg12[%multiple_of3A, %dma_start3A_94] : memref<10240x128xf32, #tpu.memory_space<vmem_shared>> -> memref<640x128xf32, #tpu.memory_space<vmem_shared>>
      tpu.enqueue_dma source(%arg4 : memref<640x128xf32, #tpu.memory_space<hbm>>) target(%dma_start3A_95 : memref<640x128xf32, #tpu.memory_space<vmem_shared>>) target_semaphore(%run_scoped3A : memref<!tpu.dma_semaphore, #tpu.memory_space<semaphore_mem>>)
      %dma_wait3A_96 = arith.constant 0 : i32
      %dma_wait3A_97 = tpu.memref_slice %arg12[%multiple_of3A, %dma_wait3A_96] : memref<10240x128xf32, #tpu.memory_space<vmem_shared>> -> memref<640x128xf32, #tpu.memory_space<vmem_shared>>
      tpu.wait_dma2 semaphore(%run_scoped3A : memref<!tpu.dma_semaphore, #tpu.memory_space<semaphore_mem>>) src(%arg4 : memref<640x128xf32, #tpu.memory_space<hbm>>) dst(%dma_wait3A_97 : memref<640x128xf32, #tpu.memory_space<vmem_shared>>)
      tpu.yield
    }) : () -> ()
    %barrier3A = arith.constant 0 : index
    tpu.barrier barrier_id(%barrier3A)
    %dma_wait3A = arith.constant 0 : i32
    %dma_wait3A_18 = arith.constant 0 : i32
    %dma_wait3A_19 = tpu.memref_slice %arg3[%mul3A_4, %dma_wait3A, %dma_wait3A_18] : memref<6400x2x50xi32, #tpu.memory_space<hbm>> -> memref<4x2x50xi32, #tpu.memory_space<hbm>>
    %dma_wait3A_20 = arith.constant 0 : i32
    %dma_wait3A_21 = arith.constant 0 : i32
    %dma_wait3A_22 = tpu.memref_slice %arg3[%mul3A_4, %dma_wait3A_20, %dma_wait3A_21] : memref<6400x2x50xi32, #tpu.memory_space<hbm>> -> memref<4x2x50xi32, #tpu.memory_space<hbm>>
    tpu.wait_dma2 semaphore(%arg13 : memref<!tpu.dma_semaphore, #tpu.memory_space<semaphore_mem>>) src(%dma_wait3A_22 : memref<4x2x50xi32, #tpu.memory_space<hbm>>) dst(%arg6 : memref<4x2x50xi32, #tpu.memory_space<vmem>>)
    %dma_start3A_23 = arith.constant 0 : i32
    %dma_start3A_24 = arith.constant 0 : i32
    %dma_start3A_25 = arith.constant 0 : i32
    %dma_start3A_26 = tpu.memref_slice %arg6[%dma_start3A_23, %dma_start3A_24, %dma_start3A_25] : memref<4x2x50xi32, #tpu.memory_space<vmem>> -> memref<1x1x50xi32, #tpu.memory_space<vmem>>
    %dma_start3A_27 = tpu.memref_squeeze %dma_start3A_26 : memref<1x1x50xi32, #tpu.memory_space<vmem>> -> memref<50xi32, #tpu.memory_space<vmem>>
    %dma_start3A_28 = arith.constant 0 : i32
    %dma_start3A_29 = arith.constant 0 : i32
    %dma_start3A_30 = tpu.memref_slice %arg2[%dma_start3A_28, %dma_start3A_29] : memref<10000x128xf32, #tpu.memory_space<hbm>> -> memref<10000x128xf32, #tpu.memory_space<hbm>>
    tpu.enqueue_indirect_dma source(%dma_start3A_30 : memref<10000x128xf32, #tpu.memory_space<hbm>>) target(%arg8 : memref<50x128xf32, #tpu.memory_space<vmem>>) offsets(%dma_start3A_27 : memref<50xi32, #tpu.memory_space<vmem>>) semaphore(%arg15 : memref<!tpu.dma_semaphore, #tpu.memory_space<semaphore_mem>>)
    %dma_start3A_31 = arith.constant 1 : i32
    %dma_start3A_32 = arith.constant 0 : i32
    %dma_start3A_33 = arith.constant 0 : i32
    %dma_start3A_34 = tpu.memref_slice %arg6[%dma_start3A_31, %dma_start3A_32, %dma_start3A_33] : memref<4x2x50xi32, #tpu.memory_space<vmem>> -> memref<1x1x50xi32, #tpu.memory_space<vmem>>
    %dma_start3A_35 = tpu.memref_squeeze %dma_start3A_34 : memref<1x1x50xi32, #tpu.memory_space<vmem>> -> memref<50xi32, #tpu.memory_space<vmem>>
    %dma_start3A_36 = arith.constant 0 : i32
    %dma_start3A_37 = arith.constant 0 : i32
    %dma_start3A_38 = tpu.memref_slice %arg2[%dma_start3A_36, %dma_start3A_37] : memref<10000x128xf32, #tpu.memory_space<hbm>> -> memref<10000x128xf32, #tpu.memory_space<hbm>>
    tpu.enqueue_indirect_dma source(%dma_start3A_38 : memref<10000x128xf32, #tpu.memory_space<hbm>>) target(%arg9 : memref<50x128xf32, #tpu.memory_space<vmem>>) offsets(%dma_start3A_35 : memref<50xi32, #tpu.memory_space<vmem>>) semaphore(%arg16 : memref<!tpu.dma_semaphore, #tpu.memory_space<semaphore_mem>>)
    %dma_start3A_39 = arith.constant 0 : i32
    %dma_start3A_40 = arith.constant 1 : i32
    %dma_start3A_41 = arith.constant 0 : i32
    %dma_start3A_42 = tpu.memref_slice %arg6[%dma_start3A_39, %dma_start3A_40, %dma_start3A_41] : memref<4x2x50xi32, #tpu.memory_space<vmem>> -> memref<1x1x50xi32, #tpu.memory_space<vmem>>
    %dma_start3A_43 = tpu.memref_squeeze %dma_start3A_42 : memref<1x1x50xi32, #tpu.memory_space<vmem>> -> memref<50xi32, #tpu.memory_space<vmem>>
    %dma_start3A_44 = arith.constant 0 : i32
    %dma_start3A_45 = arith.constant 0 : i32
    %dma_start3A_46 = tpu.memref_slice %arg12[%dma_start3A_44, %dma_start3A_45] : memref<10240x128xf32, #tpu.memory_space<vmem_shared>> -> memref<10240x128xf32, #tpu.memory_space<vmem_shared>>
    tpu.enqueue_indirect_dma source(%arg10 : memref<50x128xf32, #tpu.memory_space<vmem>>) target(%dma_start3A_46 : memref<10240x128xf32, #tpu.memory_space<vmem_shared>>) offsets(%dma_start3A_43 : memref<50xi32, #tpu.memory_space<vmem>>) semaphore(%arg21 : memref<!tpu.dma_semaphore, #tpu.memory_space<semaphore_mem>>) {add = true}
    %dma_start3A_47 = arith.constant 0 : i32
    %dma_start3A_48 = arith.constant 1 : i32
    %dma_start3A_49 = arith.constant 0 : i32
    %dma_start3A_50 = tpu.memref_slice %arg6[%dma_start3A_47, %dma_start3A_48, %dma_start3A_49] : memref<4x2x50xi32, #tpu.memory_space<vmem>> -> memref<1x1x50xi32, #tpu.memory_space<vmem>>
    %dma_start3A_51 = tpu.memref_squeeze %dma_start3A_50 : memref<1x1x50xi32, #tpu.memory_space<vmem>> -> memref<50xi32, #tpu.memory_space<vmem>>
    %dma_start3A_52 = arith.constant 0 : i32
    %dma_start3A_53 = arith.constant 0 : i32
    %dma_start3A_54 = tpu.memref_slice %arg12[%dma_start3A_52, %dma_start3A_53] : memref<10240x128xf32, #tpu.memory_space<vmem_shared>> -> memref<10240x128xf32, #tpu.memory_space<vmem_shared>>
    tpu.enqueue_indirect_dma source(%arg11 : memref<50x128xf32, #tpu.memory_space<vmem>>) target(%dma_start3A_54 : memref<10240x128xf32, #tpu.memory_space<vmem_shared>>) offsets(%dma_start3A_51 : memref<50xi32, #tpu.memory_space<vmem>>) semaphore(%arg22 : memref<!tpu.dma_semaphore, #tpu.memory_space<semaphore_mem>>) {add = true}
    %scan3A_55 = arith.constant 0 : i32
    %scan3A_56 = arith.constant 0 : i32
    %scan3A_57 = arith.constant 25 : i32
    %scan3A_58 = arith.addi %scan3A_56, %scan3A_57 : i32
    %scan3A_59 = arith.constant 1 : i32
    scf.for %scan3A_94 = %scan3A_56 to %scan3A_58 step %scan3A_59  : i32 {
      %mul3A_95 = arith.constant 8 : i32
      %mul3A_96 = arith.muli %mul3A_95, %scan3A_94 : i32
      %add3A_97 = arith.addi %mul3A_4, %mul3A_96 : i32
      %dma_wait3A_98 = arith.constant 0 : i32
      %dma_wait3A_99 = arith.constant 0 : i32
      %dma_wait3A_100 = arith.constant 0 : i32
      %dma_wait3A_101 = tpu.memref_slice %arg6[%dma_wait3A_98, %dma_wait3A_99, %dma_wait3A_100] : memref<4x2x50xi32, #tpu.memory_space<vmem>> -> memref<1x1x50xi32, #tpu.memory_space<vmem>>
      %dma_wait3A_102 = tpu.memref_squeeze %dma_wait3A_101 : memref<1x1x50xi32, #tpu.memory_space<vmem>> -> memref<50xi32, #tpu.memory_space<vmem>>
      %dma_wait3A_103 = arith.constant 0 : i32
      %dma_wait3A_104 = arith.constant 0 : i32
      %dma_wait3A_105 = tpu.memref_slice %arg2[%dma_wait3A_103, %dma_wait3A_104] : memref<10000x128xf32, #tpu.memory_space<hbm>> -> memref<10000x128xf32, #tpu.memory_space<hbm>>
      tpu.wait_indirect_dma semaphore(%arg15 : memref<!tpu.dma_semaphore, #tpu.memory_space<semaphore_mem>>) src(%dma_wait3A_105 : memref<10000x128xf32, #tpu.memory_space<hbm>>) dst(%arg8 : memref<50x128xf32, #tpu.memory_space<vmem>>)
      %dma_start3A_106 = arith.constant 0 : i32
      %dma_start3A_107 = arith.constant 1 : i32
      %dma_start3A_108 = arith.constant 0 : i32
      %dma_start3A_109 = tpu.memref_slice %arg6[%dma_start3A_106, %dma_start3A_107, %dma_start3A_108] : memref<4x2x50xi32, #tpu.memory_space<vmem>> -> memref<1x1x50xi32, #tpu.memory_space<vmem>>
      %dma_start3A_110 = tpu.memref_squeeze %dma_start3A_109 : memref<1x1x50xi32, #tpu.memory_space<vmem>> -> memref<50xi32, #tpu.memory_space<vmem>>
      %dma_start3A_111 = arith.constant 0 : i32
      %dma_start3A_112 = arith.constant 0 : i32
      %dma_start3A_113 = tpu.memref_slice %arg12[%dma_start3A_111, %dma_start3A_112] : memref<10240x128xf32, #tpu.memory_space<vmem_shared>> -> memref<10240x128xf32, #tpu.memory_space<vmem_shared>>
      tpu.enqueue_indirect_dma source(%arg8 : memref<50x128xf32, #tpu.memory_space<vmem>>) target(%dma_start3A_113 : memref<10240x128xf32, #tpu.memory_space<vmem_shared>>) offsets(%dma_start3A_110 : memref<50xi32, #tpu.memory_space<vmem>>) semaphore(%arg19 : memref<!tpu.dma_semaphore, #tpu.memory_space<semaphore_mem>>) {add = true}
      %dma_wait3A_114 = arith.constant 0 : i32
      %dma_wait3A_115 = arith.constant 1 : i32
      %dma_wait3A_116 = arith.constant 0 : i32
      %dma_wait3A_117 = tpu.memref_slice %arg6[%dma_wait3A_114, %dma_wait3A_115, %dma_wait3A_116] : memref<4x2x50xi32, #tpu.memory_space<vmem>> -> memref<1x1x50xi32, #tpu.memory_space<vmem>>
      %dma_wait3A_118 = tpu.memref_squeeze %dma_wait3A_117 : memref<1x1x50xi32, #tpu.memory_space<vmem>> -> memref<50xi32, #tpu.memory_space<vmem>>
      %dma_wait3A_119 = arith.constant 0 : i32
      %dma_wait3A_120 = arith.constant 0 : i32
      %dma_wait3A_121 = tpu.memref_slice %arg12[%dma_wait3A_119, %dma_wait3A_120] : memref<10240x128xf32, #tpu.memory_space<vmem_shared>> -> memref<10240x128xf32, #tpu.memory_space<vmem_shared>>
      tpu.wait_indirect_dma semaphore(%arg21 : memref<!tpu.dma_semaphore, #tpu.memory_space<semaphore_mem>>) src(%arg10 : memref<50x128xf32, #tpu.memory_space<vmem>>) dst(%dma_wait3A_121 : memref<10240x128xf32, #tpu.memory_space<vmem_shared>>)
      %dma_start3A_122 = arith.constant 2 : i32
      %dma_start3A_123 = arith.constant 0 : i32
      %dma_start3A_124 = arith.constant 0 : i32
      %dma_start3A_125 = tpu.memref_slice %arg6[%dma_start3A_122, %dma_start3A_123, %dma_start3A_124] : memref<4x2x50xi32, #tpu.memory_space<vmem>> -> memref<1x1x50xi32, #tpu.memory_space<vmem>>
      %dma_start3A_126 = tpu.memref_squeeze %dma_start3A_125 : memref<1x1x50xi32, #tpu.memory_space<vmem>> -> memref<50xi32, #tpu.memory_space<vmem>>
      %dma_start3A_127 = arith.constant 0 : i32
      %dma_start3A_128 = arith.constant 0 : i32
      %dma_start3A_129 = tpu.memref_slice %arg2[%dma_start3A_127, %dma_start3A_128] : memref<10000x128xf32, #tpu.memory_space<hbm>> -> memref<10000x128xf32, #tpu.memory_space<hbm>>
      tpu.enqueue_indirect_dma source(%dma_start3A_129 : memref<10000x128xf32, #tpu.memory_space<hbm>>) target(%arg10 : memref<50x128xf32, #tpu.memory_space<vmem>>) offsets(%dma_start3A_126 : memref<50xi32, #tpu.memory_space<vmem>>) semaphore(%arg17 : memref<!tpu.dma_semaphore, #tpu.memory_space<semaphore_mem>>)
      %add3A_130 = arith.constant 4 : i32
      %add3A_131 = arith.addi %add3A_97, %add3A_130 : i32
      %dma_start3A_132 = arith.constant 0 : i32
      %dma_start3A_133 = arith.constant 0 : i32
      %dma_start3A_134 = tpu.memref_slice %arg3[%add3A_131, %dma_start3A_132, %dma_start3A_133] : memref<6400x2x50xi32, #tpu.memory_space<hbm>> -> memref<4x2x50xi32, #tpu.memory_space<hbm>>
      %dma_start3A_135 = arith.constant 0 : i32
      %dma_start3A_136 = arith.constant 0 : i32
      %dma_start3A_137 = tpu.memref_slice %arg3[%add3A_131, %dma_start3A_135, %dma_start3A_136] : memref<6400x2x50xi32, #tpu.memory_space<hbm>> -> memref<4x2x50xi32, #tpu.memory_space<hbm>>
      tpu.enqueue_dma source(%dma_start3A_137 : memref<4x2x50xi32, #tpu.memory_space<hbm>>) target(%arg7 : memref<4x2x50xi32, #tpu.memory_space<vmem>>) target_semaphore(%arg14 : memref<!tpu.dma_semaphore, #tpu.memory_space<semaphore_mem>>)
      %dma_wait3A_138 = arith.constant 0 : i32
      %dma_wait3A_139 = arith.constant 0 : i32
      %dma_wait3A_140 = arith.constant 0 : i32
      %dma_wait3A_141 = tpu.memref_slice %arg6[%dma_wait3A_138, %dma_wait3A_139, %dma_wait3A_140] : memref<4x2x50xi32, #tpu.memory_space<vmem>> -> memref<1x1x50xi32, #tpu.memory_space<vmem>>
      %dma_wait3A_142 = tpu.memref_squeeze %dma_wait3A_141 : memref<1x1x50xi32, #tpu.memory_space<vmem>> -> memref<50xi32, #tpu.memory_space<vmem>>
      %dma_wait3A_143 = arith.constant 0 : i32
      %dma_wait3A_144 = arith.constant 0 : i32
      %dma_wait3A_145 = tpu.memref_slice %arg2[%dma_wait3A_143, %dma_wait3A_144] : memref<10000x128xf32, #tpu.memory_space<hbm>> -> memref<10000x128xf32, #tpu.memory_space<hbm>>
      tpu.wait_indirect_dma semaphore(%arg16 : memref<!tpu.dma_semaphore, #tpu.memory_space<semaphore_mem>>) src(%dma_wait3A_145 : memref<10000x128xf32, #tpu.memory_space<hbm>>) dst(%arg9 : memref<50x128xf32, #tpu.memory_space<vmem>>)
      %dma_start3A_146 = arith.constant 1 : i32
      %dma_start3A_147 = arith.constant 1 : i32
      %dma_start3A_148 = arith.constant 0 : i32
      %dma_start3A_149 = tpu.memref_slice %arg6[%dma_start3A_146, %dma_start3A_147, %dma_start3A_148] : memref<4x2x50xi32, #tpu.memory_space<vmem>> -> memref<1x1x50xi32, #tpu.memory_space<vmem>>
      %dma_start3A_150 = tpu.memref_squeeze %dma_start3A_149 : memref<1x1x50xi32, #tpu.memory_space<vmem>> -> memref<50xi32, #tpu.memory_space<vmem>>
      %dma_start3A_151 = arith.constant 0 : i32
      %dma_start3A_152 = arith.constant 0 : i32
      %dma_start3A_153 = tpu.memref_slice %arg12[%dma_start3A_151, %dma_start3A_152] : memref<10240x128xf32, #tpu.memory_space<vmem_shared>> -> memref<10240x128xf32, #tpu.memory_space<vmem_shared>>
      tpu.enqueue_indirect_dma source(%arg9 : memref<50x128xf32, #tpu.memory_space<vmem>>) target(%dma_start3A_153 : memref<10240x128xf32, #tpu.memory_space<vmem_shared>>) offsets(%dma_start3A_150 : memref<50xi32, #tpu.memory_space<vmem>>) semaphore(%arg20 : memref<!tpu.dma_semaphore, #tpu.memory_space<semaphore_mem>>) {add = true}
      %dma_wait3A_154 = arith.constant 0 : i32
      %dma_wait3A_155 = arith.constant 1 : i32
      %dma_wait3A_156 = arith.constant 0 : i32
      %dma_wait3A_157 = tpu.memref_slice %arg6[%dma_wait3A_154, %dma_wait3A_155, %dma_wait3A_156] : memref<4x2x50xi32, #tpu.memory_space<vmem>> -> memref<1x1x50xi32, #tpu.memory_space<vmem>>
      %dma_wait3A_158 = tpu.memref_squeeze %dma_wait3A_157 : memref<1x1x50xi32, #tpu.memory_space<vmem>> -> memref<50xi32, #tpu.memory_space<vmem>>
      %dma_wait3A_159 = arith.constant 0 : i32
      %dma_wait3A_160 = arith.constant 0 : i32
      %dma_wait3A_161 = tpu.memref_slice %arg12[%dma_wait3A_159, %dma_wait3A_160] : memref<10240x128xf32, #tpu.memory_space<vmem_shared>> -> memref<10240x128xf32, #tpu.memory_space<vmem_shared>>
      tpu.wait_indirect_dma semaphore(%arg22 : memref<!tpu.dma_semaphore, #tpu.memory_space<semaphore_mem>>) src(%arg11 : memref<50x128xf32, #tpu.memory_space<vmem>>) dst(%dma_wait3A_161 : memref<10240x128xf32, #tpu.memory_space<vmem_shared>>)
      %dma_start3A_162 = arith.constant 3 : i32
      %dma_start3A_163 = arith.constant 0 : i32
      %dma_start3A_164 = arith.constant 0 : i32
      %dma_start3A_165 = tpu.memref_slice %arg6[%dma_start3A_162, %dma_start3A_163, %dma_start3A_164] : memref<4x2x50xi32, #tpu.memory_space<vmem>> -> memref<1x1x50xi32, #tpu.memory_space<vmem>>
      %dma_start3A_166 = tpu.memref_squeeze %dma_start3A_165 : memref<1x1x50xi32, #tpu.memory_space<vmem>> -> memref<50xi32, #tpu.memory_space<vmem>>
      %dma_start3A_167 = arith.constant 0 : i32
      %dma_start3A_168 = arith.constant 0 : i32
      %dma_start3A_169 = tpu.memref_slice %arg2[%dma_start3A_167, %dma_start3A_168] : memref<10000x128xf32, #tpu.memory_space<hbm>> -> memref<10000x128xf32, #tpu.memory_space<hbm>>
      tpu.enqueue_indirect_dma source(%dma_start3A_169 : memref<10000x128xf32, #tpu.memory_space<hbm>>) target(%arg11 : memref<50x128xf32, #tpu.memory_space<vmem>>) offsets(%dma_start3A_166 : memref<50xi32, #tpu.memory_space<vmem>>) semaphore(%arg18 : memref<!tpu.dma_semaphore, #tpu.memory_space<semaphore_mem>>)
      %dma_wait3A_170 = arith.constant 0 : i32
      %dma_wait3A_171 = arith.constant 0 : i32
      %dma_wait3A_172 = arith.constant 0 : i32
      %dma_wait3A_173 = tpu.memref_slice %arg6[%dma_wait3A_170, %dma_wait3A_171, %dma_wait3A_172] : memref<4x2x50xi32, #tpu.memory_space<vmem>> -> memref<1x1x50xi32, #tpu.memory_space<vmem>>
      %dma_wait3A_174 = tpu.memref_squeeze %dma_wait3A_173 : memref<1x1x50xi32, #tpu.memory_space<vmem>> -> memref<50xi32, #tpu.memory_space<vmem>>
      %dma_wait3A_175 = arith.constant 0 : i32
      %dma_wait3A_176 = arith.constant 0 : i32
      %dma_wait3A_177 = tpu.memref_slice %arg2[%dma_wait3A_175, %dma_wait3A_176] : memref<10000x128xf32, #tpu.memory_space<hbm>> -> memref<10000x128xf32, #tpu.memory_space<hbm>>
      tpu.wait_indirect_dma semaphore(%arg17 : memref<!tpu.dma_semaphore, #tpu.memory_space<semaphore_mem>>) src(%dma_wait3A_177 : memref<10000x128xf32, #tpu.memory_space<hbm>>) dst(%arg10 : memref<50x128xf32, #tpu.memory_space<vmem>>)
      %dma_start3A_178 = arith.constant 2 : i32
      %dma_start3A_179 = arith.constant 1 : i32
      %dma_start3A_180 = arith.constant 0 : i32
      %dma_start3A_181 = tpu.memref_slice %arg6[%dma_start3A_178, %dma_start3A_179, %dma_start3A_180] : memref<4x2x50xi32, #tpu.memory_space<vmem>> -> memref<1x1x50xi32, #tpu.memory_space<vmem>>
      %dma_start3A_182 = tpu.memref_squeeze %dma_start3A_181 : memref<1x1x50xi32, #tpu.memory_space<vmem>> -> memref<50xi32, #tpu.memory_space<vmem>>
      %dma_start3A_183 = arith.constant 0 : i32
      %dma_start3A_184 = arith.constant 0 : i32
      %dma_start3A_185 = tpu.memref_slice %arg12[%dma_start3A_183, %dma_start3A_184] : memref<10240x128xf32, #tpu.memory_space<vmem_shared>> -> memref<10240x128xf32, #tpu.memory_space<vmem_shared>>
      tpu.enqueue_indirect_dma source(%arg10 : memref<50x128xf32, #tpu.memory_space<vmem>>) target(%dma_start3A_185 : memref<10240x128xf32, #tpu.memory_space<vmem_shared>>) offsets(%dma_start3A_182 : memref<50xi32, #tpu.memory_space<vmem>>) semaphore(%arg21 : memref<!tpu.dma_semaphore, #tpu.memory_space<semaphore_mem>>) {add = true}
      %dma_wait3A_186 = arith.constant 0 : i32
      %dma_wait3A_187 = arith.constant 1 : i32
      %dma_wait3A_188 = arith.constant 0 : i32
      %dma_wait3A_189 = tpu.memref_slice %arg6[%dma_wait3A_186, %dma_wait3A_187, %dma_wait3A_188] : memref<4x2x50xi32, #tpu.memory_space<vmem>> -> memref<1x1x50xi32, #tpu.memory_space<vmem>>
      %dma_wait3A_190 = tpu.memref_squeeze %dma_wait3A_189 : memref<1x1x50xi32, #tpu.memory_space<vmem>> -> memref<50xi32, #tpu.memory_space<vmem>>
      %dma_wait3A_191 = arith.constant 0 : i32
      %dma_wait3A_192 = arith.constant 0 : i32
      %dma_wait3A_193 = tpu.memref_slice %arg12[%dma_wait3A_191, %dma_wait3A_192] : memref<10240x128xf32, #tpu.memory_space<vmem_shared>> -> memref<10240x128xf32, #tpu.memory_space<vmem_shared>>
      tpu.wait_indirect_dma semaphore(%arg19 : memref<!tpu.dma_semaphore, #tpu.memory_space<semaphore_mem>>) src(%arg8 : memref<50x128xf32, #tpu.memory_space<vmem>>) dst(%dma_wait3A_193 : memref<10240x128xf32, #tpu.memory_space<vmem_shared>>)
      %dma_wait3A_194 = arith.constant 0 : i32
      %dma_wait3A_195 = arith.constant 0 : i32
      %dma_wait3A_196 = tpu.memref_slice %arg3[%mul3A_4, %dma_wait3A_194, %dma_wait3A_195] : memref<6400x2x50xi32, #tpu.memory_space<hbm>> -> memref<4x2x50xi32, #tpu.memory_space<hbm>>
      %dma_wait3A_197 = arith.constant 0 : i32
      %dma_wait3A_198 = arith.constant 0 : i32
      %dma_wait3A_199 = tpu.memref_slice %arg3[%mul3A_4, %dma_wait3A_197, %dma_wait3A_198] : memref<6400x2x50xi32, #tpu.memory_space<hbm>> -> memref<4x2x50xi32, #tpu.memory_space<hbm>>
      tpu.wait_dma2 semaphore(%arg14 : memref<!tpu.dma_semaphore, #tpu.memory_space<semaphore_mem>>) src(%dma_wait3A_199 : memref<4x2x50xi32, #tpu.memory_space<hbm>>) dst(%arg7 : memref<4x2x50xi32, #tpu.memory_space<vmem>>)
      %dma_start3A_200 = arith.constant 0 : i32
      %dma_start3A_201 = arith.constant 0 : i32
      %dma_start3A_202 = arith.constant 0 : i32
      %dma_start3A_203 = tpu.memref_slice %arg7[%dma_start3A_200, %dma_start3A_201, %dma_start3A_202] : memref<4x2x50xi32, #tpu.memory_space<vmem>> -> memref<1x1x50xi32, #tpu.memory_space<vmem>>
      %dma_start3A_204 = tpu.memref_squeeze %dma_start3A_203 : memref<1x1x50xi32, #tpu.memory_space<vmem>> -> memref<50xi32, #tpu.memory_space<vmem>>
      %dma_start3A_205 = arith.constant 0 : i32
      %dma_start3A_206 = arith.constant 0 : i32
      %dma_start3A_207 = tpu.memref_slice %arg2[%dma_start3A_205, %dma_start3A_206] : memref<10000x128xf32, #tpu.memory_space<hbm>> -> memref<10000x128xf32, #tpu.memory_space<hbm>>
      tpu.enqueue_indirect_dma source(%dma_start3A_207 : memref<10000x128xf32, #tpu.memory_space<hbm>>) target(%arg8 : memref<50x128xf32, #tpu.memory_space<vmem>>) offsets(%dma_start3A_204 : memref<50xi32, #tpu.memory_space<vmem>>) semaphore(%arg15 : memref<!tpu.dma_semaphore, #tpu.memory_space<semaphore_mem>>)
      %dma_wait3A_208 = arith.constant 0 : i32
      %dma_wait3A_209 = arith.constant 0 : i32
      %dma_wait3A_210 = arith.constant 0 : i32
      %dma_wait3A_211 = tpu.memref_slice %arg6[%dma_wait3A_208, %dma_wait3A_209, %dma_wait3A_210] : memref<4x2x50xi32, #tpu.memory_space<vmem>> -> memref<1x1x50xi32, #tpu.memory_space<vmem>>
      %dma_wait3A_212 = tpu.memref_squeeze %dma_wait3A_211 : memref<1x1x50xi32, #tpu.memory_space<vmem>> -> memref<50xi32, #tpu.memory_space<vmem>>
      %dma_wait3A_213 = arith.constant 0 : i32
      %dma_wait3A_214 = arith.constant 0 : i32
      %dma_wait3A_215 = tpu.memref_slice %arg2[%dma_wait3A_213, %dma_wait3A_214] : memref<10000x128xf32, #tpu.memory_space<hbm>> -> memref<10000x128xf32, #tpu.memory_space<hbm>>
      tpu.wait_indirect_dma semaphore(%arg18 : memref<!tpu.dma_semaphore, #tpu.memory_space<semaphore_mem>>) src(%dma_wait3A_215 : memref<10000x128xf32, #tpu.memory_space<hbm>>) dst(%arg11 : memref<50x128xf32, #tpu.memory_space<vmem>>)
      %dma_start3A_216 = arith.constant 3 : i32
      %dma_start3A_217 = arith.constant 1 : i32
      %dma_start3A_218 = arith.constant 0 : i32
      %dma_start3A_219 = tpu.memref_slice %arg6[%dma_start3A_216, %dma_start3A_217, %dma_start3A_218] : memref<4x2x50xi32, #tpu.memory_space<vmem>> -> memref<1x1x50xi32, #tpu.memory_space<vmem>>
      %dma_start3A_220 = tpu.memref_squeeze %dma_start3A_219 : memref<1x1x50xi32, #tpu.memory_space<vmem>> -> memref<50xi32, #tpu.memory_space<vmem>>
      %dma_start3A_221 = arith.constant 0 : i32
      %dma_start3A_222 = arith.constant 0 : i32
      %dma_start3A_223 = tpu.memref_slice %arg12[%dma_start3A_221, %dma_start3A_222] : memref<10240x128xf32, #tpu.memory_space<vmem_shared>> -> memref<10240x128xf32, #tpu.memory_space<vmem_shared>>
      tpu.enqueue_indirect_dma source(%arg11 : memref<50x128xf32, #tpu.memory_space<vmem>>) target(%dma_start3A_223 : memref<10240x128xf32, #tpu.memory_space<vmem_shared>>) offsets(%dma_start3A_220 : memref<50xi32, #tpu.memory_space<vmem>>) semaphore(%arg22 : memref<!tpu.dma_semaphore, #tpu.memory_space<semaphore_mem>>) {add = true}
      %dma_wait3A_224 = arith.constant 0 : i32
      %dma_wait3A_225 = arith.constant 1 : i32
      %dma_wait3A_226 = arith.constant 0 : i32
      %dma_wait3A_227 = tpu.memref_slice %arg6[%dma_wait3A_224, %dma_wait3A_225, %dma_wait3A_226] : memref<4x2x50xi32, #tpu.memory_space<vmem>> -> memref<1x1x50xi32, #tpu.memory_space<vmem>>
      %dma_wait3A_228 = tpu.memref_squeeze %dma_wait3A_227 : memref<1x1x50xi32, #tpu.memory_space<vmem>> -> memref<50xi32, #tpu.memory_space<vmem>>
      %dma_wait3A_229 = arith.constant 0 : i32
      %dma_wait3A_230 = arith.constant 0 : i32
      %dma_wait3A_231 = tpu.memref_slice %arg12[%dma_wait3A_229, %dma_wait3A_230] : memref<10240x128xf32, #tpu.memory_space<vmem_shared>> -> memref<10240x128xf32, #tpu.memory_space<vmem_shared>>
      tpu.wait_indirect_dma semaphore(%arg20 : memref<!tpu.dma_semaphore, #tpu.memory_space<semaphore_mem>>) src(%arg9 : memref<50x128xf32, #tpu.memory_space<vmem>>) dst(%dma_wait3A_231 : memref<10240x128xf32, #tpu.memory_space<vmem_shared>>)
      %dma_start3A_232 = arith.constant 1 : i32
      %dma_start3A_233 = arith.constant 0 : i32
      %dma_start3A_234 = arith.constant 0 : i32
      %dma_start3A_235 = tpu.memref_slice %arg7[%dma_start3A_232, %dma_start3A_233, %dma_start3A_234] : memref<4x2x50xi32, #tpu.memory_space<vmem>> -> memref<1x1x50xi32, #tpu.memory_space<vmem>>
      %dma_start3A_236 = tpu.memref_squeeze %dma_start3A_235 : memref<1x1x50xi32, #tpu.memory_space<vmem>> -> memref<50xi32, #tpu.memory_space<vmem>>
      %dma_start3A_237 = arith.constant 0 : i32
      %dma_start3A_238 = arith.constant 0 : i32
      %dma_start3A_239 = tpu.memref_slice %arg2[%dma_start3A_237, %dma_start3A_238] : memref<10000x128xf32, #tpu.memory_space<hbm>> -> memref<10000x128xf32, #tpu.memory_space<hbm>>
      tpu.enqueue_indirect_dma source(%dma_start3A_239 : memref<10000x128xf32, #tpu.memory_space<hbm>>) target(%arg9 : memref<50x128xf32, #tpu.memory_space<vmem>>) offsets(%dma_start3A_236 : memref<50xi32, #tpu.memory_space<vmem>>) semaphore(%arg16 : memref<!tpu.dma_semaphore, #tpu.memory_space<semaphore_mem>>)
      %dma_wait3A_240 = arith.constant 0 : i32
      %dma_wait3A_241 = arith.constant 0 : i32
      %dma_wait3A_242 = arith.constant 0 : i32
      %dma_wait3A_243 = tpu.memref_slice %arg6[%dma_wait3A_240, %dma_wait3A_241, %dma_wait3A_242] : memref<4x2x50xi32, #tpu.memory_space<vmem>> -> memref<1x1x50xi32, #tpu.memory_space<vmem>>
      %dma_wait3A_244 = tpu.memref_squeeze %dma_wait3A_243 : memref<1x1x50xi32, #tpu.memory_space<vmem>> -> memref<50xi32, #tpu.memory_space<vmem>>
      %dma_wait3A_245 = arith.constant 0 : i32
      %dma_wait3A_246 = arith.constant 0 : i32
      %dma_wait3A_247 = tpu.memref_slice %arg2[%dma_wait3A_245, %dma_wait3A_246] : memref<10000x128xf32, #tpu.memory_space<hbm>> -> memref<10000x128xf32, #tpu.memory_space<hbm>>
      tpu.wait_indirect_dma semaphore(%arg15 : memref<!tpu.dma_semaphore, #tpu.memory_space<semaphore_mem>>) src(%dma_wait3A_247 : memref<10000x128xf32, #tpu.memory_space<hbm>>) dst(%arg8 : memref<50x128xf32, #tpu.memory_space<vmem>>)
      %dma_start3A_248 = arith.constant 0 : i32
      %dma_start3A_249 = arith.constant 1 : i32
      %dma_start3A_250 = arith.constant 0 : i32
      %dma_start3A_251 = tpu.memref_slice %arg7[%dma_start3A_248, %dma_start3A_249, %dma_start3A_250] : memref<4x2x50xi32, #tpu.memory_space<vmem>> -> memref<1x1x50xi32, #tpu.memory_space<vmem>>
      %dma_start3A_252 = tpu.memref_squeeze %dma_start3A_251 : memref<1x1x50xi32, #tpu.memory_space<vmem>> -> memref<50xi32, #tpu.memory_space<vmem>>
      %dma_start3A_253 = arith.constant 0 : i32
      %dma_start3A_254 = arith.constant 0 : i32
      %dma_start3A_255 = tpu.memref_slice %arg12[%dma_start3A_253, %dma_start3A_254] : memref<10240x128xf32, #tpu.memory_space<vmem_shared>> -> memref<10240x128xf32, #tpu.memory_space<vmem_shared>>
      tpu.enqueue_indirect_dma source(%arg8 : memref<50x128xf32, #tpu.memory_space<vmem>>) target(%dma_start3A_255 : memref<10240x128xf32, #tpu.memory_space<vmem_shared>>) offsets(%dma_start3A_252 : memref<50xi32, #tpu.memory_space<vmem>>) semaphore(%arg19 : memref<!tpu.dma_semaphore, #tpu.memory_space<semaphore_mem>>) {add = true}
      %dma_wait3A_256 = arith.constant 0 : i32
      %dma_wait3A_257 = arith.constant 1 : i32
      %dma_wait3A_258 = arith.constant 0 : i32
      %dma_wait3A_259 = tpu.memref_slice %arg6[%dma_wait3A_256, %dma_wait3A_257, %dma_wait3A_258] : memref<4x2x50xi32, #tpu.memory_space<vmem>> -> memref<1x1x50xi32, #tpu.memory_space<vmem>>
      %dma_wait3A_260 = tpu.memref_squeeze %dma_wait3A_259 : memref<1x1x50xi32, #tpu.memory_space<vmem>> -> memref<50xi32, #tpu.memory_space<vmem>>
      %dma_wait3A_261 = arith.constant 0 : i32
      %dma_wait3A_262 = arith.constant 0 : i32
      %dma_wait3A_263 = tpu.memref_slice %arg12[%dma_wait3A_261, %dma_wait3A_262] : memref<10240x128xf32, #tpu.memory_space<vmem_shared>> -> memref<10240x128xf32, #tpu.memory_space<vmem_shared>>
      tpu.wait_indirect_dma semaphore(%arg21 : memref<!tpu.dma_semaphore, #tpu.memory_space<semaphore_mem>>) src(%arg10 : memref<50x128xf32, #tpu.memory_space<vmem>>) dst(%dma_wait3A_263 : memref<10240x128xf32, #tpu.memory_space<vmem_shared>>)
      %dma_start3A_264 = arith.constant 2 : i32
      %dma_start3A_265 = arith.constant 0 : i32
      %dma_start3A_266 = arith.constant 0 : i32
      %dma_start3A_267 = tpu.memref_slice %arg7[%dma_start3A_264, %dma_start3A_265, %dma_start3A_266] : memref<4x2x50xi32, #tpu.memory_space<vmem>> -> memref<1x1x50xi32, #tpu.memory_space<vmem>>
      %dma_start3A_268 = tpu.memref_squeeze %dma_start3A_267 : memref<1x1x50xi32, #tpu.memory_space<vmem>> -> memref<50xi32, #tpu.memory_space<vmem>>
      %dma_start3A_269 = arith.constant 0 : i32
      %dma_start3A_270 = arith.constant 0 : i32
      %dma_start3A_271 = tpu.memref_slice %arg2[%dma_start3A_269, %dma_start3A_270] : memref<10000x128xf32, #tpu.memory_space<hbm>> -> memref<10000x128xf32, #tpu.memory_space<hbm>>
      tpu.enqueue_indirect_dma source(%dma_start3A_271 : memref<10000x128xf32, #tpu.memory_space<hbm>>) target(%arg10 : memref<50x128xf32, #tpu.memory_space<vmem>>) offsets(%dma_start3A_268 : memref<50xi32, #tpu.memory_space<vmem>>) semaphore(%arg17 : memref<!tpu.dma_semaphore, #tpu.memory_space<semaphore_mem>>)
      %add3A_272 = arith.constant 8 : i32
      %add3A_273 = arith.addi %add3A_97, %add3A_272 : i32
      %min3A = arith.minsi %add3A_273, %sub3A_7 : i32
      %dma_start3A_274 = arith.constant 0 : i32
      %dma_start3A_275 = arith.constant 0 : i32
      %dma_start3A_276 = tpu.memref_slice %arg3[%min3A, %dma_start3A_274, %dma_start3A_275] : memref<6400x2x50xi32, #tpu.memory_space<hbm>> -> memref<4x2x50xi32, #tpu.memory_space<hbm>>
      %dma_start3A_277 = arith.constant 0 : i32
      %dma_start3A_278 = arith.constant 0 : i32
      %dma_start3A_279 = tpu.memref_slice %arg3[%min3A, %dma_start3A_277, %dma_start3A_278] : memref<6400x2x50xi32, #tpu.memory_space<hbm>> -> memref<4x2x50xi32, #tpu.memory_space<hbm>>
      tpu.enqueue_dma source(%dma_start3A_279 : memref<4x2x50xi32, #tpu.memory_space<hbm>>) target(%arg6 : memref<4x2x50xi32, #tpu.memory_space<vmem>>) target_semaphore(%arg13 : memref<!tpu.dma_semaphore, #tpu.memory_space<semaphore_mem>>)
      %dma_wait3A_280 = arith.constant 0 : i32
      %dma_wait3A_281 = arith.constant 0 : i32
      %dma_wait3A_282 = arith.constant 0 : i32
      %dma_wait3A_283 = tpu.memref_slice %arg6[%dma_wait3A_280, %dma_wait3A_281, %dma_wait3A_282] : memref<4x2x50xi32, #tpu.memory_space<vmem>> -> memref<1x1x50xi32, #tpu.memory_space<vmem>>
      %dma_wait3A_284 = tpu.memref_squeeze %dma_wait3A_283 : memref<1x1x50xi32, #tpu.memory_space<vmem>> -> memref<50xi32, #tpu.memory_space<vmem>>
      %dma_wait3A_285 = arith.constant 0 : i32
      %dma_wait3A_286 = arith.constant 0 : i32
      %dma_wait3A_287 = tpu.memref_slice %arg2[%dma_wait3A_285, %dma_wait3A_286] : memref<10000x128xf32, #tpu.memory_space<hbm>> -> memref<10000x128xf32, #tpu.memory_space<hbm>>
      tpu.wait_indirect_dma semaphore(%arg16 : memref<!tpu.dma_semaphore, #tpu.memory_space<semaphore_mem>>) src(%dma_wait3A_287 : memref<10000x128xf32, #tpu.memory_space<hbm>>) dst(%arg9 : memref<50x128xf32, #tpu.memory_space<vmem>>)
      %dma_start3A_288 = arith.constant 1 : i32
      %dma_start3A_289 = arith.constant 1 : i32
      %dma_start3A_290 = arith.constant 0 : i32
      %dma_start3A_291 = tpu.memref_slice %arg7[%dma_start3A_288, %dma_start3A_289, %dma_start3A_290] : memref<4x2x50xi32, #tpu.memory_space<vmem>> -> memref<1x1x50xi32, #tpu.memory_space<vmem>>
      %dma_start3A_292 = tpu.memref_squeeze %dma_start3A_291 : memref<1x1x50xi32, #tpu.memory_space<vmem>> -> memref<50xi32, #tpu.memory_space<vmem>>
      %dma_start3A_293 = arith.constant 0 : i32
      %dma_start3A_294 = arith.constant 0 : i32
      %dma_start3A_295 = tpu.memref_slice %arg12[%dma_start3A_293, %dma_start3A_294] : memref<10240x128xf32, #tpu.memory_space<vmem_shared>> -> memref<10240x128xf32, #tpu.memory_space<vmem_shared>>
      tpu.enqueue_indirect_dma source(%arg9 : memref<50x128xf32, #tpu.memory_space<vmem>>) target(%dma_start3A_295 : memref<10240x128xf32, #tpu.memory_space<vmem_shared>>) offsets(%dma_start3A_292 : memref<50xi32, #tpu.memory_space<vmem>>) semaphore(%arg20 : memref<!tpu.dma_semaphore, #tpu.memory_space<semaphore_mem>>) {add = true}
      %dma_wait3A_296 = arith.constant 0 : i32
      %dma_wait3A_297 = arith.constant 1 : i32
      %dma_wait3A_298 = arith.constant 0 : i32
      %dma_wait3A_299 = tpu.memref_slice %arg6[%dma_wait3A_296, %dma_wait3A_297, %dma_wait3A_298] : memref<4x2x50xi32, #tpu.memory_space<vmem>> -> memref<1x1x50xi32, #tpu.memory_space<vmem>>
      %dma_wait3A_300 = tpu.memref_squeeze %dma_wait3A_299 : memref<1x1x50xi32, #tpu.memory_space<vmem>> -> memref<50xi32, #tpu.memory_space<vmem>>
      %dma_wait3A_301 = arith.constant 0 : i32
      %dma_wait3A_302 = arith.constant 0 : i32
      %dma_wait3A_303 = tpu.memref_slice %arg12[%dma_wait3A_301, %dma_wait3A_302] : memref<10240x128xf32, #tpu.memory_space<vmem_shared>> -> memref<10240x128xf32, #tpu.memory_space<vmem_shared>>
      tpu.wait_indirect_dma semaphore(%arg22 : memref<!tpu.dma_semaphore, #tpu.memory_space<semaphore_mem>>) src(%arg11 : memref<50x128xf32, #tpu.memory_space<vmem>>) dst(%dma_wait3A_303 : memref<10240x128xf32, #tpu.memory_space<vmem_shared>>)
      %dma_start3A_304 = arith.constant 3 : i32
      %dma_start3A_305 = arith.constant 0 : i32
      %dma_start3A_306 = arith.constant 0 : i32
      %dma_start3A_307 = tpu.memref_slice %arg7[%dma_start3A_304, %dma_start3A_305, %dma_start3A_306] : memref<4x2x50xi32, #tpu.memory_space<vmem>> -> memref<1x1x50xi32, #tpu.memory_space<vmem>>
      %dma_start3A_308 = tpu.memref_squeeze %dma_start3A_307 : memref<1x1x50xi32, #tpu.memory_space<vmem>> -> memref<50xi32, #tpu.memory_space<vmem>>
      %dma_start3A_309 = arith.constant 0 : i32
      %dma_start3A_310 = arith.constant 0 : i32
      %dma_start3A_311 = tpu.memref_slice %arg2[%dma_start3A_309, %dma_start3A_310] : memref<10000x128xf32, #tpu.memory_space<hbm>> -> memref<10000x128xf32, #tpu.memory_space<hbm>>
      tpu.enqueue_indirect_dma source(%dma_start3A_311 : memref<10000x128xf32, #tpu.memory_space<hbm>>) target(%arg11 : memref<50x128xf32, #tpu.memory_space<vmem>>) offsets(%dma_start3A_308 : memref<50xi32, #tpu.memory_space<vmem>>) semaphore(%arg18 : memref<!tpu.dma_semaphore, #tpu.memory_space<semaphore_mem>>)
      %dma_wait3A_312 = arith.constant 0 : i32
      %dma_wait3A_313 = arith.constant 0 : i32
      %dma_wait3A_314 = arith.constant 0 : i32
      %dma_wait3A_315 = tpu.memref_slice %arg6[%dma_wait3A_312, %dma_wait3A_313, %dma_wait3A_314] : memref<4x2x50xi32, #tpu.memory_space<vmem>> -> memref<1x1x50xi32, #tpu.memory_space<vmem>>
      %dma_wait3A_316 = tpu.memref_squeeze %dma_wait3A_315 : memref<1x1x50xi32, #tpu.memory_space<vmem>> -> memref<50xi32, #tpu.memory_space<vmem>>
      %dma_wait3A_317 = arith.constant 0 : i32
      %dma_wait3A_318 = arith.constant 0 : i32
      %dma_wait3A_319 = tpu.memref_slice %arg2[%dma_wait3A_317, %dma_wait3A_318] : memref<10000x128xf32, #tpu.memory_space<hbm>> -> memref<10000x128xf32, #tpu.memory_space<hbm>>
      tpu.wait_indirect_dma semaphore(%arg17 : memref<!tpu.dma_semaphore, #tpu.memory_space<semaphore_mem>>) src(%dma_wait3A_319 : memref<10000x128xf32, #tpu.memory_space<hbm>>) dst(%arg10 : memref<50x128xf32, #tpu.memory_space<vmem>>)
      %dma_start3A_320 = arith.constant 2 : i32
      %dma_start3A_321 = arith.constant 1 : i32
      %dma_start3A_322 = arith.constant 0 : i32
      %dma_start3A_323 = tpu.memref_slice %arg7[%dma_start3A_320, %dma_start3A_321, %dma_start3A_322] : memref<4x2x50xi32, #tpu.memory_space<vmem>> -> memref<1x1x50xi32, #tpu.memory_space<vmem>>
      %dma_start3A_324 = tpu.memref_squeeze %dma_start3A_323 : memref<1x1x50xi32, #tpu.memory_space<vmem>> -> memref<50xi32, #tpu.memory_space<vmem>>
      %dma_start3A_325 = arith.constant 0 : i32
      %dma_start3A_326 = arith.constant 0 : i32
      %dma_start3A_327 = tpu.memref_slice %arg12[%dma_start3A_325, %dma_start3A_326] : memref<10240x128xf32, #tpu.memory_space<vmem_shared>> -> memref<10240x128xf32, #tpu.memory_space<vmem_shared>>
      tpu.enqueue_indirect_dma source(%arg10 : memref<50x128xf32, #tpu.memory_space<vmem>>) target(%dma_start3A_327 : memref<10240x128xf32, #tpu.memory_space<vmem_shared>>) offsets(%dma_start3A_324 : memref<50xi32, #tpu.memory_space<vmem>>) semaphore(%arg21 : memref<!tpu.dma_semaphore, #tpu.memory_space<semaphore_mem>>) {add = true}
      %dma_wait3A_328 = arith.constant 0 : i32
      %dma_wait3A_329 = arith.constant 1 : i32
      %dma_wait3A_330 = arith.constant 0 : i32
      %dma_wait3A_331 = tpu.memref_slice %arg6[%dma_wait3A_328, %dma_wait3A_329, %dma_wait3A_330] : memref<4x2x50xi32, #tpu.memory_space<vmem>> -> memref<1x1x50xi32, #tpu.memory_space<vmem>>
      %dma_wait3A_332 = tpu.memref_squeeze %dma_wait3A_331 : memref<1x1x50xi32, #tpu.memory_space<vmem>> -> memref<50xi32, #tpu.memory_space<vmem>>
      %dma_wait3A_333 = arith.constant 0 : i32
      %dma_wait3A_334 = arith.constant 0 : i32
      %dma_wait3A_335 = tpu.memref_slice %arg12[%dma_wait3A_333, %dma_wait3A_334] : memref<10240x128xf32, #tpu.memory_space<vmem_shared>> -> memref<10240x128xf32, #tpu.memory_space<vmem_shared>>
      tpu.wait_indirect_dma semaphore(%arg19 : memref<!tpu.dma_semaphore, #tpu.memory_space<semaphore_mem>>) src(%arg8 : memref<50x128xf32, #tpu.memory_space<vmem>>) dst(%dma_wait3A_335 : memref<10240x128xf32, #tpu.memory_space<vmem_shared>>)
      %dma_wait3A_336 = arith.constant 0 : i32
      %dma_wait3A_337 = arith.constant 0 : i32
      %dma_wait3A_338 = tpu.memref_slice %arg3[%mul3A_4, %dma_wait3A_336, %dma_wait3A_337] : memref<6400x2x50xi32, #tpu.memory_space<hbm>> -> memref<4x2x50xi32, #tpu.memory_space<hbm>>
      %dma_wait3A_339 = arith.constant 0 : i32
      %dma_wait3A_340 = arith.constant 0 : i32
      %dma_wait3A_341 = tpu.memref_slice %arg3[%mul3A_4, %dma_wait3A_339, %dma_wait3A_340] : memref<6400x2x50xi32, #tpu.memory_space<hbm>> -> memref<4x2x50xi32, #tpu.memory_space<hbm>>
      tpu.wait_dma2 semaphore(%arg13 : memref<!tpu.dma_semaphore, #tpu.memory_space<semaphore_mem>>) src(%dma_wait3A_341 : memref<4x2x50xi32, #tpu.memory_space<hbm>>) dst(%arg6 : memref<4x2x50xi32, #tpu.memory_space<vmem>>)
      %dma_start3A_342 = arith.constant 0 : i32
      %dma_start3A_343 = arith.constant 0 : i32
      %dma_start3A_344 = arith.constant 0 : i32
      %dma_start3A_345 = tpu.memref_slice %arg6[%dma_start3A_342, %dma_start3A_343, %dma_start3A_344] : memref<4x2x50xi32, #tpu.memory_space<vmem>> -> memref<1x1x50xi32, #tpu.memory_space<vmem>>
      %dma_start3A_346 = tpu.memref_squeeze %dma_start3A_345 : memref<1x1x50xi32, #tpu.memory_space<vmem>> -> memref<50xi32, #tpu.memory_space<vmem>>
      %dma_start3A_347 = arith.constant 0 : i32
      %dma_start3A_348 = arith.constant 0 : i32
      %dma_start3A_349 = tpu.memref_slice %arg2[%dma_start3A_347, %dma_start3A_348] : memref<10000x128xf32, #tpu.memory_space<hbm>> -> memref<10000x128xf32, #tpu.memory_space<hbm>>
      tpu.enqueue_indirect_dma source(%dma_start3A_349 : memref<10000x128xf32, #tpu.memory_space<hbm>>) target(%arg8 : memref<50x128xf32, #tpu.memory_space<vmem>>) offsets(%dma_start3A_346 : memref<50xi32, #tpu.memory_space<vmem>>) semaphore(%arg15 : memref<!tpu.dma_semaphore, #tpu.memory_space<semaphore_mem>>)
      %dma_wait3A_350 = arith.constant 0 : i32
      %dma_wait3A_351 = arith.constant 0 : i32
      %dma_wait3A_352 = arith.constant 0 : i32
      %dma_wait3A_353 = tpu.memref_slice %arg6[%dma_wait3A_350, %dma_wait3A_351, %dma_wait3A_352] : memref<4x2x50xi32, #tpu.memory_space<vmem>> -> memref<1x1x50xi32, #tpu.memory_space<vmem>>
      %dma_wait3A_354 = tpu.memref_squeeze %dma_wait3A_353 : memref<1x1x50xi32, #tpu.memory_space<vmem>> -> memref<50xi32, #tpu.memory_space<vmem>>
      %dma_wait3A_355 = arith.constant 0 : i32
      %dma_wait3A_356 = arith.constant 0 : i32
      %dma_wait3A_357 = tpu.memref_slice %arg2[%dma_wait3A_355, %dma_wait3A_356] : memref<10000x128xf32, #tpu.memory_space<hbm>> -> memref<10000x128xf32, #tpu.memory_space<hbm>>
      tpu.wait_indirect_dma semaphore(%arg18 : memref<!tpu.dma_semaphore, #tpu.memory_space<semaphore_mem>>) src(%dma_wait3A_357 : memref<10000x128xf32, #tpu.memory_space<hbm>>) dst(%arg11 : memref<50x128xf32, #tpu.memory_space<vmem>>)
      %dma_start3A_358 = arith.constant 3 : i32
      %dma_start3A_359 = arith.constant 1 : i32
      %dma_start3A_360 = arith.constant 0 : i32
      %dma_start3A_361 = tpu.memref_slice %arg7[%dma_start3A_358, %dma_start3A_359, %dma_start3A_360] : memref<4x2x50xi32, #tpu.memory_space<vmem>> -> memref<1x1x50xi32, #tpu.memory_space<vmem>>
      %dma_start3A_362 = tpu.memref_squeeze %dma_start3A_361 : memref<1x1x50xi32, #tpu.memory_space<vmem>> -> memref<50xi32, #tpu.memory_space<vmem>>
      %dma_start3A_363 = arith.constant 0 : i32
      %dma_start3A_364 = arith.constant 0 : i32
      %dma_start3A_365 = tpu.memref_slice %arg12[%dma_start3A_363, %dma_start3A_364] : memref<10240x128xf32, #tpu.memory_space<vmem_shared>> -> memref<10240x128xf32, #tpu.memory_space<vmem_shared>>
      tpu.enqueue_indirect_dma source(%arg11 : memref<50x128xf32, #tpu.memory_space<vmem>>) target(%dma_start3A_365 : memref<10240x128xf32, #tpu.memory_space<vmem_shared>>) offsets(%dma_start3A_362 : memref<50xi32, #tpu.memory_space<vmem>>) semaphore(%arg22 : memref<!tpu.dma_semaphore, #tpu.memory_space<semaphore_mem>>) {add = true}
      %dma_wait3A_366 = arith.constant 0 : i32
      %dma_wait3A_367 = arith.constant 1 : i32
      %dma_wait3A_368 = arith.constant 0 : i32
      %dma_wait3A_369 = tpu.memref_slice %arg6[%dma_wait3A_366, %dma_wait3A_367, %dma_wait3A_368] : memref<4x2x50xi32, #tpu.memory_space<vmem>> -> memref<1x1x50xi32, #tpu.memory_space<vmem>>
      %dma_wait3A_370 = tpu.memref_squeeze %dma_wait3A_369 : memref<1x1x50xi32, #tpu.memory_space<vmem>> -> memref<50xi32, #tpu.memory_space<vmem>>
      %dma_wait3A_371 = arith.constant 0 : i32
      %dma_wait3A_372 = arith.constant 0 : i32
      %dma_wait3A_373 = tpu.memref_slice %arg12[%dma_wait3A_371, %dma_wait3A_372] : memref<10240x128xf32, #tpu.memory_space<vmem_shared>> -> memref<10240x128xf32, #tpu.memory_space<vmem_shared>>
      tpu.wait_indirect_dma semaphore(%arg20 : memref<!tpu.dma_semaphore, #tpu.memory_space<semaphore_mem>>) src(%arg9 : memref<50x128xf32, #tpu.memory_space<vmem>>) dst(%dma_wait3A_373 : memref<10240x128xf32, #tpu.memory_space<vmem_shared>>)
      %dma_start3A_374 = arith.constant 1 : i32
      %dma_start3A_375 = arith.constant 0 : i32
      %dma_start3A_376 = arith.constant 0 : i32
      %dma_start3A_377 = tpu.memref_slice %arg6[%dma_start3A_374, %dma_start3A_375, %dma_start3A_376] : memref<4x2x50xi32, #tpu.memory_space<vmem>> -> memref<1x1x50xi32, #tpu.memory_space<vmem>>
      %dma_start3A_378 = tpu.memref_squeeze %dma_start3A_377 : memref<1x1x50xi32, #tpu.memory_space<vmem>> -> memref<50xi32, #tpu.memory_space<vmem>>
      %dma_start3A_379 = arith.constant 0 : i32
      %dma_start3A_380 = arith.constant 0 : i32
      %dma_start3A_381 = tpu.memref_slice %arg2[%dma_start3A_379, %dma_start3A_380] : memref<10000x128xf32, #tpu.memory_space<hbm>> -> memref<10000x128xf32, #tpu.memory_space<hbm>>
      tpu.enqueue_indirect_dma source(%dma_start3A_381 : memref<10000x128xf32, #tpu.memory_space<hbm>>) target(%arg9 : memref<50x128xf32, #tpu.memory_space<vmem>>) offsets(%dma_start3A_378 : memref<50xi32, #tpu.memory_space<vmem>>) semaphore(%arg16 : memref<!tpu.dma_semaphore, #tpu.memory_space<semaphore_mem>>)
    }
    %scan3A_60 = arith.constant 25 : i32
    %dma_wait3A_61 = arith.constant 0 : i32
    %dma_wait3A_62 = arith.constant 1 : i32
    %dma_wait3A_63 = arith.constant 0 : i32
    %dma_wait3A_64 = tpu.memref_slice %arg6[%dma_wait3A_61, %dma_wait3A_62, %dma_wait3A_63] : memref<4x2x50xi32, #tpu.memory_space<vmem>> -> memref<1x1x50xi32, #tpu.memory_space<vmem>>
    %dma_wait3A_65 = tpu.memref_squeeze %dma_wait3A_64 : memref<1x1x50xi32, #tpu.memory_space<vmem>> -> memref<50xi32, #tpu.memory_space<vmem>>
    %dma_wait3A_66 = arith.constant 0 : i32
    %dma_wait3A_67 = arith.constant 0 : i32
    %dma_wait3A_68 = tpu.memref_slice %arg12[%dma_wait3A_66, %dma_wait3A_67] : memref<10240x128xf32, #tpu.memory_space<vmem_shared>> -> memref<10240x128xf32, #tpu.memory_space<vmem_shared>>
    tpu.wait_indirect_dma semaphore(%arg21 : memref<!tpu.dma_semaphore, #tpu.memory_space<semaphore_mem>>) src(%arg10 : memref<50x128xf32, #tpu.memory_space<vmem>>) dst(%dma_wait3A_68 : memref<10240x128xf32, #tpu.memory_space<vmem_shared>>)
    %dma_wait3A_69 = arith.constant 0 : i32
    %dma_wait3A_70 = arith.constant 1 : i32
    %dma_wait3A_71 = arith.constant 0 : i32
    %dma_wait3A_72 = tpu.memref_slice %arg6[%dma_wait3A_69, %dma_wait3A_70, %dma_wait3A_71] : memref<4x2x50xi32, #tpu.memory_space<vmem>> -> memref<1x1x50xi32, #tpu.memory_space<vmem>>
    %dma_wait3A_73 = tpu.memref_squeeze %dma_wait3A_72 : memref<1x1x50xi32, #tpu.memory_space<vmem>> -> memref<50xi32, #tpu.memory_space<vmem>>
    %dma_wait3A_74 = arith.constant 0 : i32
    %dma_wait3A_75 = arith.constant 0 : i32
    %dma_wait3A_76 = tpu.memref_slice %arg12[%dma_wait3A_74, %dma_wait3A_75] : memref<10240x128xf32, #tpu.memory_space<vmem_shared>> -> memref<10240x128xf32, #tpu.memory_space<vmem_shared>>
    tpu.wait_indirect_dma semaphore(%arg22 : memref<!tpu.dma_semaphore, #tpu.memory_space<semaphore_mem>>) src(%arg11 : memref<50x128xf32, #tpu.memory_space<vmem>>) dst(%dma_wait3A_76 : memref<10240x128xf32, #tpu.memory_space<vmem_shared>>)
    %dma_wait3A_77 = arith.constant 0 : i32
    %dma_wait3A_78 = arith.constant 0 : i32
    %dma_wait3A_79 = arith.constant 0 : i32
    %dma_wait3A_80 = tpu.memref_slice %arg6[%dma_wait3A_77, %dma_wait3A_78, %dma_wait3A_79] : memref<4x2x50xi32, #tpu.memory_space<vmem>> -> memref<1x1x50xi32, #tpu.memory_space<vmem>>
    %dma_wait3A_81 = tpu.memref_squeeze %dma_wait3A_80 : memref<1x1x50xi32, #tpu.memory_space<vmem>> -> memref<50xi32, #tpu.memory_space<vmem>>
    %dma_wait3A_82 = arith.constant 0 : i32
    %dma_wait3A_83 = arith.constant 0 : i32
    %dma_wait3A_84 = tpu.memref_slice %arg2[%dma_wait3A_82, %dma_wait3A_83] : memref<10000x128xf32, #tpu.memory_space<hbm>> -> memref<10000x128xf32, #tpu.memory_space<hbm>>
    tpu.wait_indirect_dma semaphore(%arg15 : memref<!tpu.dma_semaphore, #tpu.memory_space<semaphore_mem>>) src(%dma_wait3A_84 : memref<10000x128xf32, #tpu.memory_space<hbm>>) dst(%arg8 : memref<50x128xf32, #tpu.memory_space<vmem>>)
    %dma_wait3A_85 = arith.constant 0 : i32
    %dma_wait3A_86 = arith.constant 0 : i32
    %dma_wait3A_87 = arith.constant 0 : i32
    %dma_wait3A_88 = tpu.memref_slice %arg6[%dma_wait3A_85, %dma_wait3A_86, %dma_wait3A_87] : memref<4x2x50xi32, #tpu.memory_space<vmem>> -> memref<1x1x50xi32, #tpu.memory_space<vmem>>
    %dma_wait3A_89 = tpu.memref_squeeze %dma_wait3A_88 : memref<1x1x50xi32, #tpu.memory_space<vmem>> -> memref<50xi32, #tpu.memory_space<vmem>>
    %dma_wait3A_90 = arith.constant 0 : i32
    %dma_wait3A_91 = arith.constant 0 : i32
    %dma_wait3A_92 = tpu.memref_slice %arg2[%dma_wait3A_90, %dma_wait3A_91] : memref<10000x128xf32, #tpu.memory_space<hbm>> -> memref<10000x128xf32, #tpu.memory_space<hbm>>
    tpu.wait_indirect_dma semaphore(%arg16 : memref<!tpu.dma_semaphore, #tpu.memory_space<semaphore_mem>>) src(%dma_wait3A_92 : memref<10000x128xf32, #tpu.memory_space<hbm>>) dst(%arg9 : memref<50x128xf32, #tpu.memory_space<vmem>>)
    %barrier3A_93 = arith.constant 0 : index
    tpu.barrier barrier_id(%barrier3A_93)
    "tpu.region"() ({
      %run_scoped3A = tpu.sem_alloc : memref<!tpu.dma_semaphore, #tpu.memory_space<semaphore_mem>>
      %dma_start3A_94 = arith.constant 0 : i32
      %dma_start3A_95 = tpu.memref_slice %arg5[%arg0, %multiple_of3A, %dma_start3A_94] : memref<2x10240x128xf32, #tpu.memory_space<hbm>> -> memref<1x640x128xf32, #tpu.memory_space<hbm>>
      %dma_start3A_96 = tpu.memref_squeeze %dma_start3A_95 : memref<1x640x128xf32, #tpu.memory_space<hbm>> -> memref<640x128xf32, #tpu.memory_space<hbm>>
      %dma_start3A_97 = arith.constant 0 : i32
      %dma_start3A_98 = tpu.memref_slice %arg12[%multiple_of3A, %dma_start3A_97] : memref<10240x128xf32, #tpu.memory_space<vmem_shared>> -> memref<640x128xf32, #tpu.memory_space<vmem_shared>>
      tpu.enqueue_dma source(%dma_start3A_98 : memref<640x128xf32, #tpu.memory_space<vmem_shared>>) target(%dma_start3A_96 : memref<640x128xf32, #tpu.memory_space<hbm>>) target_semaphore(%run_scoped3A : memref<!tpu.dma_semaphore, #tpu.memory_space<semaphore_mem>>)
      %dma_wait3A_99 = arith.constant 0 : i32
      %dma_wait3A_100 = tpu.memref_slice %arg5[%arg0, %multiple_of3A, %dma_wait3A_99] : memref<2x10240x128xf32, #tpu.memory_space<hbm>> -> memref<1x640x128xf32, #tpu.memory_space<hbm>>
      %dma_wait3A_101 = tpu.memref_squeeze %dma_wait3A_100 : memref<1x640x128xf32, #tpu.memory_space<hbm>> -> memref<640x128xf32, #tpu.memory_space<hbm>>
      %dma_wait3A_102 = arith.constant 0 : i32
      %dma_wait3A_103 = tpu.memref_slice %arg12[%multiple_of3A, %dma_wait3A_102] : memref<10240x128xf32, #tpu.memory_space<vmem_shared>> -> memref<640x128xf32, #tpu.memory_space<vmem_shared>>
      tpu.wait_dma2 semaphore(%run_scoped3A : memref<!tpu.dma_semaphore, #tpu.memory_space<semaphore_mem>>) src(%dma_wait3A_103 : memref<640x128xf32, #tpu.memory_space<vmem_shared>>) dst(%dma_wait3A_101 : memref<640x128xf32, #tpu.memory_space<hbm>>)
      tpu.yield
    }) : () -> ()
    return
  }
}

#map = affine_map<(d0, d1) -> (0, 0, 0)>
#map1 = affine_map<(d0, d1) -> (0, 0)>
module attributes {stable_mosaic.version = 14 : i64} {
  func.func @k(%arg0: i32, %arg1: i32, %arg2: memref<2560x2x125xi32, #tpu.memory_space<hbm>>, %arg3: memref<125x128xf32, #tpu.memory_space<hbm>>, %arg4: memref<640x128xf32, #tpu.memory_space<hbm>>, %arg5: memref<2x10240x128xf32, #tpu.memory_space<hbm>>, %arg6: memref<8x2x125xi32, #tpu.memory_space<vmem>>, %arg7: memref<8x2x125xi32, #tpu.memory_space<vmem>>, %arg8: memref<125x128xf32, #tpu.memory_space<vmem>>, %arg9: memref<10240x128xf32, #tpu.memory_space<vmem_shared>>, %arg10: memref<!tpu.dma_semaphore, #tpu.memory_space<semaphore_mem>>, %arg11: memref<!tpu.dma_semaphore, #tpu.memory_space<semaphore_mem>>, %arg12: memref<!tpu.dma_semaphore, #tpu.memory_space<semaphore_mem>>) attributes {dimension_semantics = [#tpu.dimension_semantics<core_parallel>, #tpu.dimension_semantics<subcore_parallel>], iteration_bounds = array<i64: 2, 16>, scalar_prefetch = 0 : i64, scratch_operands = 7 : i64, tpu.core_type = #tpu.core_type<sc_vector_subcore>, window_params = [{transform_indices = #map}, {transform_indices = #map1}, {transform_indices = #map1}, {transform_indices = #map}]} {
    %mul3A = arith.constant 2 : i32
    %mul3A_0 = arith.muli %arg1, %mul3A : i32
    %add3A = arith.addi %mul3A_0, %arg0 : i32
    %mul3A_1 = arith.constant 640 : i32
    %mul3A_2 = arith.muli %arg1, %mul3A_1 : i32
    %multiple_of3A = tpu.assume_multiple %mul3A_2, 8 : i32
    %mul3A_3 = arith.constant 80 : i32
    %mul3A_4 = arith.muli %add3A, %mul3A_3 : i32
    %dma_start3A = arith.constant 0 : i32
    %dma_start3A_5 = arith.constant 0 : i32
    %dma_start3A_6 = tpu.memref_slice %arg2[%mul3A_4, %dma_start3A, %dma_start3A_5] : memref<2560x2x125xi32, #tpu.memory_space<hbm>> -> memref<8x2x125xi32, #tpu.memory_space<hbm>>
    %dma_start3A_7 = arith.constant 0 : i32
    %dma_start3A_8 = arith.constant 0 : i32
    %dma_start3A_9 = tpu.memref_slice %arg2[%mul3A_4, %dma_start3A_7, %dma_start3A_8] : memref<2560x2x125xi32, #tpu.memory_space<hbm>> -> memref<8x2x125xi32, #tpu.memory_space<hbm>>
    tpu.enqueue_dma source(%dma_start3A_9 : memref<8x2x125xi32, #tpu.memory_space<hbm>>) target(%arg6 : memref<8x2x125xi32, #tpu.memory_space<vmem>>) target_semaphore(%arg10 : memref<!tpu.dma_semaphore, #tpu.memory_space<semaphore_mem>>)
    "tpu.region"() ({
      %run_scoped3A = tpu.sem_alloc : memref<!tpu.dma_semaphore, #tpu.memory_space<semaphore_mem>>
      tpu.enqueue_dma source(%arg3 : memref<125x128xf32, #tpu.memory_space<hbm>>) target(%arg8 : memref<125x128xf32, #tpu.memory_space<vmem>>) target_semaphore(%run_scoped3A : memref<!tpu.dma_semaphore, #tpu.memory_space<semaphore_mem>>)
      tpu.wait_dma2 semaphore(%run_scoped3A : memref<!tpu.dma_semaphore, #tpu.memory_space<semaphore_mem>>) src(%arg3 : memref<125x128xf32, #tpu.memory_space<hbm>>) dst(%arg8 : memref<125x128xf32, #tpu.memory_space<vmem>>)
      tpu.yield
    }) : () -> ()
    "tpu.region"() ({
      %run_scoped3A = tpu.sem_alloc : memref<!tpu.dma_semaphore, #tpu.memory_space<semaphore_mem>>
      %dma_start3A_21 = arith.constant 0 : i32
      %dma_start3A_22 = tpu.memref_slice %arg9[%multiple_of3A, %dma_start3A_21] : memref<10240x128xf32, #tpu.memory_space<vmem_shared>> -> memref<640x128xf32, #tpu.memory_space<vmem_shared>>
      tpu.enqueue_dma source(%arg4 : memref<640x128xf32, #tpu.memory_space<hbm>>) target(%dma_start3A_22 : memref<640x128xf32, #tpu.memory_space<vmem_shared>>) target_semaphore(%run_scoped3A : memref<!tpu.dma_semaphore, #tpu.memory_space<semaphore_mem>>)
      %dma_wait3A_23 = arith.constant 0 : i32
      %dma_wait3A_24 = tpu.memref_slice %arg9[%multiple_of3A, %dma_wait3A_23] : memref<10240x128xf32, #tpu.memory_space<vmem_shared>> -> memref<640x128xf32, #tpu.memory_space<vmem_shared>>
      tpu.wait_dma2 semaphore(%run_scoped3A : memref<!tpu.dma_semaphore, #tpu.memory_space<semaphore_mem>>) src(%arg4 : memref<640x128xf32, #tpu.memory_space<hbm>>) dst(%dma_wait3A_24 : memref<640x128xf32, #tpu.memory_space<vmem_shared>>)
      tpu.yield
    }) : () -> ()
    %barrier3A = arith.constant 0 : index
    tpu.barrier barrier_id(%barrier3A)
    %scan3A = arith.constant 0 : i32
    %scan3A_10 = arith.constant 0 : i32
    %scan3A_11 = arith.constant 5 : i32
    %scan3A_12 = arith.addi %scan3A_10, %scan3A_11 : i32
    %scan3A_13 = arith.constant 1 : i32
    scf.for %scan3A_21 = %scan3A_10 to %scan3A_12 step %scan3A_13  : i32 {
      %mul3A_22 = arith.constant 16 : i32
      %mul3A_23 = arith.muli %mul3A_22, %scan3A_21 : i32
      %add3A_24 = arith.addi %mul3A_4, %mul3A_23 : i32
      %add3A_25 = arith.constant 8 : i32
      %add3A_26 = arith.addi %add3A_24, %add3A_25 : i32
      %dma_start3A_27 = arith.constant 0 : i32
      %dma_start3A_28 = arith.constant 0 : i32
      %dma_start3A_29 = tpu.memref_slice %arg2[%add3A_26, %dma_start3A_27, %dma_start3A_28] : memref<2560x2x125xi32, #tpu.memory_space<hbm>> -> memref<8x2x125xi32, #tpu.memory_space<hbm>>
      %dma_start3A_30 = arith.constant 0 : i32
      %dma_start3A_31 = arith.constant 0 : i32
      %dma_start3A_32 = tpu.memref_slice %arg2[%add3A_26, %dma_start3A_30, %dma_start3A_31] : memref<2560x2x125xi32, #tpu.memory_space<hbm>> -> memref<8x2x125xi32, #tpu.memory_space<hbm>>
      tpu.enqueue_dma source(%dma_start3A_32 : memref<8x2x125xi32, #tpu.memory_space<hbm>>) target(%arg7 : memref<8x2x125xi32, #tpu.memory_space<vmem>>) target_semaphore(%arg11 : memref<!tpu.dma_semaphore, #tpu.memory_space<semaphore_mem>>)
      %dma_wait3A_33 = arith.constant 0 : i32
      %dma_wait3A_34 = arith.constant 0 : i32
      %dma_wait3A_35 = tpu.memref_slice %arg2[%mul3A_4, %dma_wait3A_33, %dma_wait3A_34] : memref<2560x2x125xi32, #tpu.memory_space<hbm>> -> memref<8x2x125xi32, #tpu.memory_space<hbm>>
      %dma_wait3A_36 = arith.constant 0 : i32
      %dma_wait3A_37 = arith.constant 0 : i32
      %dma_wait3A_38 = tpu.memref_slice %arg2[%mul3A_4, %dma_wait3A_36, %dma_wait3A_37] : memref<2560x2x125xi32, #tpu.memory_space<hbm>> -> memref<8x2x125xi32, #tpu.memory_space<hbm>>
      tpu.wait_dma2 semaphore(%arg10 : memref<!tpu.dma_semaphore, #tpu.memory_space<semaphore_mem>>) src(%dma_wait3A_38 : memref<8x2x125xi32, #tpu.memory_space<hbm>>) dst(%arg6 : memref<8x2x125xi32, #tpu.memory_space<vmem>>)
      %dma_start3A_39 = arith.constant 0 : i32
      %dma_start3A_40 = arith.constant 0 : i32
      %dma_start3A_41 = arith.constant 0 : i32
      %dma_start3A_42 = tpu.memref_slice %arg6[%dma_start3A_39, %dma_start3A_40, %dma_start3A_41] : memref<8x2x125xi32, #tpu.memory_space<vmem>> -> memref<1x1x125xi32, #tpu.memory_space<vmem>>
      %dma_start3A_43 = tpu.memref_squeeze %dma_start3A_42 : memref<1x1x125xi32, #tpu.memory_space<vmem>> -> memref<125xi32, #tpu.memory_space<vmem>>
      %dma_start3A_44 = arith.constant 0 : i32
      %dma_start3A_45 = arith.constant 0 : i32
      %dma_start3A_46 = tpu.memref_slice %arg9[%dma_start3A_44, %dma_start3A_45] : memref<10240x128xf32, #tpu.memory_space<vmem_shared>> -> memref<10240x128xf32, #tpu.memory_space<vmem_shared>>
      tpu.enqueue_indirect_dma source(%arg8 : memref<125x128xf32, #tpu.memory_space<vmem>>) target(%dma_start3A_46 : memref<10240x128xf32, #tpu.memory_space<vmem_shared>>) offsets(%dma_start3A_43 : memref<125xi32, #tpu.memory_space<vmem>>) semaphore(%arg12 : memref<!tpu.dma_semaphore, #tpu.memory_space<semaphore_mem>>) {add = true}
      %dma_start3A_47 = arith.constant 1 : i32
      %dma_start3A_48 = arith.constant 0 : i32
      %dma_start3A_49 = arith.constant 0 : i32
      %dma_start3A_50 = tpu.memref_slice %arg6[%dma_start3A_47, %dma_start3A_48, %dma_start3A_49] : memref<8x2x125xi32, #tpu.memory_space<vmem>> -> memref<1x1x125xi32, #tpu.memory_space<vmem>>
      %dma_start3A_51 = tpu.memref_squeeze %dma_start3A_50 : memref<1x1x125xi32, #tpu.memory_space<vmem>> -> memref<125xi32, #tpu.memory_space<vmem>>
      %dma_start3A_52 = arith.constant 0 : i32
      %dma_start3A_53 = arith.constant 0 : i32
      %dma_start3A_54 = tpu.memref_slice %arg9[%dma_start3A_52, %dma_start3A_53] : memref<10240x128xf32, #tpu.memory_space<vmem_shared>> -> memref<10240x128xf32, #tpu.memory_space<vmem_shared>>
      tpu.enqueue_indirect_dma source(%arg8 : memref<125x128xf32, #tpu.memory_space<vmem>>) target(%dma_start3A_54 : memref<10240x128xf32, #tpu.memory_space<vmem_shared>>) offsets(%dma_start3A_51 : memref<125xi32, #tpu.memory_space<vmem>>) semaphore(%arg12 : memref<!tpu.dma_semaphore, #tpu.memory_space<semaphore_mem>>) {add = true}
      %dma_start3A_55 = arith.constant 2 : i32
      %dma_start3A_56 = arith.constant 0 : i32
      %dma_start3A_57 = arith.constant 0 : i32
      %dma_start3A_58 = tpu.memref_slice %arg6[%dma_start3A_55, %dma_start3A_56, %dma_start3A_57] : memref<8x2x125xi32, #tpu.memory_space<vmem>> -> memref<1x1x125xi32, #tpu.memory_space<vmem>>
      %dma_start3A_59 = tpu.memref_squeeze %dma_start3A_58 : memref<1x1x125xi32, #tpu.memory_space<vmem>> -> memref<125xi32, #tpu.memory_space<vmem>>
      %dma_start3A_60 = arith.constant 0 : i32
      %dma_start3A_61 = arith.constant 0 : i32
      %dma_start3A_62 = tpu.memref_slice %arg9[%dma_start3A_60, %dma_start3A_61] : memref<10240x128xf32, #tpu.memory_space<vmem_shared>> -> memref<10240x128xf32, #tpu.memory_space<vmem_shared>>
      tpu.enqueue_indirect_dma source(%arg8 : memref<125x128xf32, #tpu.memory_space<vmem>>) target(%dma_start3A_62 : memref<10240x128xf32, #tpu.memory_space<vmem_shared>>) offsets(%dma_start3A_59 : memref<125xi32, #tpu.memory_space<vmem>>) semaphore(%arg12 : memref<!tpu.dma_semaphore, #tpu.memory_space<semaphore_mem>>) {add = true}
      %dma_start3A_63 = arith.constant 3 : i32
      %dma_start3A_64 = arith.constant 0 : i32
      %dma_start3A_65 = arith.constant 0 : i32
      %dma_start3A_66 = tpu.memref_slice %arg6[%dma_start3A_63, %dma_start3A_64, %dma_start3A_65] : memref<8x2x125xi32, #tpu.memory_space<vmem>> -> memref<1x1x125xi32, #tpu.memory_space<vmem>>
      %dma_start3A_67 = tpu.memref_squeeze %dma_start3A_66 : memref<1x1x125xi32, #tpu.memory_space<vmem>> -> memref<125xi32, #tpu.memory_space<vmem>>
      %dma_start3A_68 = arith.constant 0 : i32
      %dma_start3A_69 = arith.constant 0 : i32
      %dma_start3A_70 = tpu.memref_slice %arg9[%dma_start3A_68, %dma_start3A_69] : memref<10240x128xf32, #tpu.memory_space<vmem_shared>> -> memref<10240x128xf32, #tpu.memory_space<vmem_shared>>
      tpu.enqueue_indirect_dma source(%arg8 : memref<125x128xf32, #tpu.memory_space<vmem>>) target(%dma_start3A_70 : memref<10240x128xf32, #tpu.memory_space<vmem_shared>>) offsets(%dma_start3A_67 : memref<125xi32, #tpu.memory_space<vmem>>) semaphore(%arg12 : memref<!tpu.dma_semaphore, #tpu.memory_space<semaphore_mem>>) {add = true}
      %dma_start3A_71 = arith.constant 4 : i32
      %dma_start3A_72 = arith.constant 0 : i32
      %dma_start3A_73 = arith.constant 0 : i32
      %dma_start3A_74 = tpu.memref_slice %arg6[%dma_start3A_71, %dma_start3A_72, %dma_start3A_73] : memref<8x2x125xi32, #tpu.memory_space<vmem>> -> memref<1x1x125xi32, #tpu.memory_space<vmem>>
      %dma_start3A_75 = tpu.memref_squeeze %dma_start3A_74 : memref<1x1x125xi32, #tpu.memory_space<vmem>> -> memref<125xi32, #tpu.memory_space<vmem>>
      %dma_start3A_76 = arith.constant 0 : i32
      %dma_start3A_77 = arith.constant 0 : i32
      %dma_start3A_78 = tpu.memref_slice %arg9[%dma_start3A_76, %dma_start3A_77] : memref<10240x128xf32, #tpu.memory_space<vmem_shared>> -> memref<10240x128xf32, #tpu.memory_space<vmem_shared>>
      tpu.enqueue_indirect_dma source(%arg8 : memref<125x128xf32, #tpu.memory_space<vmem>>) target(%dma_start3A_78 : memref<10240x128xf32, #tpu.memory_space<vmem_shared>>) offsets(%dma_start3A_75 : memref<125xi32, #tpu.memory_space<vmem>>) semaphore(%arg12 : memref<!tpu.dma_semaphore, #tpu.memory_space<semaphore_mem>>) {add = true}
      %dma_start3A_79 = arith.constant 5 : i32
      %dma_start3A_80 = arith.constant 0 : i32
      %dma_start3A_81 = arith.constant 0 : i32
      %dma_start3A_82 = tpu.memref_slice %arg6[%dma_start3A_79, %dma_start3A_80, %dma_start3A_81] : memref<8x2x125xi32, #tpu.memory_space<vmem>> -> memref<1x1x125xi32, #tpu.memory_space<vmem>>
      %dma_start3A_83 = tpu.memref_squeeze %dma_start3A_82 : memref<1x1x125xi32, #tpu.memory_space<vmem>> -> memref<125xi32, #tpu.memory_space<vmem>>
      %dma_start3A_84 = arith.constant 0 : i32
      %dma_start3A_85 = arith.constant 0 : i32
      %dma_start3A_86 = tpu.memref_slice %arg9[%dma_start3A_84, %dma_start3A_85] : memref<10240x128xf32, #tpu.memory_space<vmem_shared>> -> memref<10240x128xf32, #tpu.memory_space<vmem_shared>>
      tpu.enqueue_indirect_dma source(%arg8 : memref<125x128xf32, #tpu.memory_space<vmem>>) target(%dma_start3A_86 : memref<10240x128xf32, #tpu.memory_space<vmem_shared>>) offsets(%dma_start3A_83 : memref<125xi32, #tpu.memory_space<vmem>>) semaphore(%arg12 : memref<!tpu.dma_semaphore, #tpu.memory_space<semaphore_mem>>) {add = true}
      %dma_start3A_87 = arith.constant 6 : i32
      %dma_start3A_88 = arith.constant 0 : i32
      %dma_start3A_89 = arith.constant 0 : i32
      %dma_start3A_90 = tpu.memref_slice %arg6[%dma_start3A_87, %dma_start3A_88, %dma_start3A_89] : memref<8x2x125xi32, #tpu.memory_space<vmem>> -> memref<1x1x125xi32, #tpu.memory_space<vmem>>
      %dma_start3A_91 = tpu.memref_squeeze %dma_start3A_90 : memref<1x1x125xi32, #tpu.memory_space<vmem>> -> memref<125xi32, #tpu.memory_space<vmem>>
      %dma_start3A_92 = arith.constant 0 : i32
      %dma_start3A_93 = arith.constant 0 : i32
      %dma_start3A_94 = tpu.memref_slice %arg9[%dma_start3A_92, %dma_start3A_93] : memref<10240x128xf32, #tpu.memory_space<vmem_shared>> -> memref<10240x128xf32, #tpu.memory_space<vmem_shared>>
      tpu.enqueue_indirect_dma source(%arg8 : memref<125x128xf32, #tpu.memory_space<vmem>>) target(%dma_start3A_94 : memref<10240x128xf32, #tpu.memory_space<vmem_shared>>) offsets(%dma_start3A_91 : memref<125xi32, #tpu.memory_space<vmem>>) semaphore(%arg12 : memref<!tpu.dma_semaphore, #tpu.memory_space<semaphore_mem>>) {add = true}
      %dma_start3A_95 = arith.constant 7 : i32
      %dma_start3A_96 = arith.constant 0 : i32
      %dma_start3A_97 = arith.constant 0 : i32
      %dma_start3A_98 = tpu.memref_slice %arg6[%dma_start3A_95, %dma_start3A_96, %dma_start3A_97] : memref<8x2x125xi32, #tpu.memory_space<vmem>> -> memref<1x1x125xi32, #tpu.memory_space<vmem>>
      %dma_start3A_99 = tpu.memref_squeeze %dma_start3A_98 : memref<1x1x125xi32, #tpu.memory_space<vmem>> -> memref<125xi32, #tpu.memory_space<vmem>>
      %dma_start3A_100 = arith.constant 0 : i32
      %dma_start3A_101 = arith.constant 0 : i32
      %dma_start3A_102 = tpu.memref_slice %arg9[%dma_start3A_100, %dma_start3A_101] : memref<10240x128xf32, #tpu.memory_space<vmem_shared>> -> memref<10240x128xf32, #tpu.memory_space<vmem_shared>>
      tpu.enqueue_indirect_dma source(%arg8 : memref<125x128xf32, #tpu.memory_space<vmem>>) target(%dma_start3A_102 : memref<10240x128xf32, #tpu.memory_space<vmem_shared>>) offsets(%dma_start3A_99 : memref<125xi32, #tpu.memory_space<vmem>>) semaphore(%arg12 : memref<!tpu.dma_semaphore, #tpu.memory_space<semaphore_mem>>) {add = true}
      %dma_wait3A_103 = arith.constant 0 : i32
      %dma_wait3A_104 = arith.constant 0 : i32
      %dma_wait3A_105 = arith.constant 0 : i32
      %dma_wait3A_106 = tpu.memref_slice %arg6[%dma_wait3A_103, %dma_wait3A_104, %dma_wait3A_105] : memref<8x2x125xi32, #tpu.memory_space<vmem>> -> memref<1x1x125xi32, #tpu.memory_space<vmem>>
      %dma_wait3A_107 = tpu.memref_squeeze %dma_wait3A_106 : memref<1x1x125xi32, #tpu.memory_space<vmem>> -> memref<125xi32, #tpu.memory_space<vmem>>
      %dma_wait3A_108 = arith.constant 0 : i32
      %dma_wait3A_109 = arith.constant 0 : i32
      %dma_wait3A_110 = tpu.memref_slice %arg9[%dma_wait3A_108, %dma_wait3A_109] : memref<10240x128xf32, #tpu.memory_space<vmem_shared>> -> memref<10240x128xf32, #tpu.memory_space<vmem_shared>>
      tpu.wait_indirect_dma semaphore(%arg12 : memref<!tpu.dma_semaphore, #tpu.memory_space<semaphore_mem>>) src(%arg8 : memref<125x128xf32, #tpu.memory_space<vmem>>) dst(%dma_wait3A_110 : memref<10240x128xf32, #tpu.memory_space<vmem_shared>>)
      %dma_wait3A_111 = arith.constant 1 : i32
      %dma_wait3A_112 = arith.constant 0 : i32
      %dma_wait3A_113 = arith.constant 0 : i32
      %dma_wait3A_114 = tpu.memref_slice %arg6[%dma_wait3A_111, %dma_wait3A_112, %dma_wait3A_113] : memref<8x2x125xi32, #tpu.memory_space<vmem>> -> memref<1x1x125xi32, #tpu.memory_space<vmem>>
      %dma_wait3A_115 = tpu.memref_squeeze %dma_wait3A_114 : memref<1x1x125xi32, #tpu.memory_space<vmem>> -> memref<125xi32, #tpu.memory_space<vmem>>
      %dma_wait3A_116 = arith.constant 0 : i32
      %dma_wait3A_117 = arith.constant 0 : i32
      %dma_wait3A_118 = tpu.memref_slice %arg9[%dma_wait3A_116, %dma_wait3A_117] : memref<10240x128xf32, #tpu.memory_space<vmem_shared>> -> memref<10240x128xf32, #tpu.memory_space<vmem_shared>>
      tpu.wait_indirect_dma semaphore(%arg12 : memref<!tpu.dma_semaphore, #tpu.memory_space<semaphore_mem>>) src(%arg8 : memref<125x128xf32, #tpu.memory_space<vmem>>) dst(%dma_wait3A_118 : memref<10240x128xf32, #tpu.memory_space<vmem_shared>>)
      %dma_wait3A_119 = arith.constant 2 : i32
      %dma_wait3A_120 = arith.constant 0 : i32
      %dma_wait3A_121 = arith.constant 0 : i32
      %dma_wait3A_122 = tpu.memref_slice %arg6[%dma_wait3A_119, %dma_wait3A_120, %dma_wait3A_121] : memref<8x2x125xi32, #tpu.memory_space<vmem>> -> memref<1x1x125xi32, #tpu.memory_space<vmem>>
      %dma_wait3A_123 = tpu.memref_squeeze %dma_wait3A_122 : memref<1x1x125xi32, #tpu.memory_space<vmem>> -> memref<125xi32, #tpu.memory_space<vmem>>
      %dma_wait3A_124 = arith.constant 0 : i32
      %dma_wait3A_125 = arith.constant 0 : i32
      %dma_wait3A_126 = tpu.memref_slice %arg9[%dma_wait3A_124, %dma_wait3A_125] : memref<10240x128xf32, #tpu.memory_space<vmem_shared>> -> memref<10240x128xf32, #tpu.memory_space<vmem_shared>>
      tpu.wait_indirect_dma semaphore(%arg12 : memref<!tpu.dma_semaphore, #tpu.memory_space<semaphore_mem>>) src(%arg8 : memref<125x128xf32, #tpu.memory_space<vmem>>) dst(%dma_wait3A_126 : memref<10240x128xf32, #tpu.memory_space<vmem_shared>>)
      %dma_wait3A_127 = arith.constant 3 : i32
      %dma_wait3A_128 = arith.constant 0 : i32
      %dma_wait3A_129 = arith.constant 0 : i32
      %dma_wait3A_130 = tpu.memref_slice %arg6[%dma_wait3A_127, %dma_wait3A_128, %dma_wait3A_129] : memref<8x2x125xi32, #tpu.memory_space<vmem>> -> memref<1x1x125xi32, #tpu.memory_space<vmem>>
      %dma_wait3A_131 = tpu.memref_squeeze %dma_wait3A_130 : memref<1x1x125xi32, #tpu.memory_space<vmem>> -> memref<125xi32, #tpu.memory_space<vmem>>
      %dma_wait3A_132 = arith.constant 0 : i32
      %dma_wait3A_133 = arith.constant 0 : i32
      %dma_wait3A_134 = tpu.memref_slice %arg9[%dma_wait3A_132, %dma_wait3A_133] : memref<10240x128xf32, #tpu.memory_space<vmem_shared>> -> memref<10240x128xf32, #tpu.memory_space<vmem_shared>>
      tpu.wait_indirect_dma semaphore(%arg12 : memref<!tpu.dma_semaphore, #tpu.memory_space<semaphore_mem>>) src(%arg8 : memref<125x128xf32, #tpu.memory_space<vmem>>) dst(%dma_wait3A_134 : memref<10240x128xf32, #tpu.memory_space<vmem_shared>>)
      %dma_wait3A_135 = arith.constant 4 : i32
      %dma_wait3A_136 = arith.constant 0 : i32
      %dma_wait3A_137 = arith.constant 0 : i32
      %dma_wait3A_138 = tpu.memref_slice %arg6[%dma_wait3A_135, %dma_wait3A_136, %dma_wait3A_137] : memref<8x2x125xi32, #tpu.memory_space<vmem>> -> memref<1x1x125xi32, #tpu.memory_space<vmem>>
      %dma_wait3A_139 = tpu.memref_squeeze %dma_wait3A_138 : memref<1x1x125xi32, #tpu.memory_space<vmem>> -> memref<125xi32, #tpu.memory_space<vmem>>
      %dma_wait3A_140 = arith.constant 0 : i32
      %dma_wait3A_141 = arith.constant 0 : i32
      %dma_wait3A_142 = tpu.memref_slice %arg9[%dma_wait3A_140, %dma_wait3A_141] : memref<10240x128xf32, #tpu.memory_space<vmem_shared>> -> memref<10240x128xf32, #tpu.memory_space<vmem_shared>>
      tpu.wait_indirect_dma semaphore(%arg12 : memref<!tpu.dma_semaphore, #tpu.memory_space<semaphore_mem>>) src(%arg8 : memref<125x128xf32, #tpu.memory_space<vmem>>) dst(%dma_wait3A_142 : memref<10240x128xf32, #tpu.memory_space<vmem_shared>>)
      %dma_wait3A_143 = arith.constant 5 : i32
      %dma_wait3A_144 = arith.constant 0 : i32
      %dma_wait3A_145 = arith.constant 0 : i32
      %dma_wait3A_146 = tpu.memref_slice %arg6[%dma_wait3A_143, %dma_wait3A_144, %dma_wait3A_145] : memref<8x2x125xi32, #tpu.memory_space<vmem>> -> memref<1x1x125xi32, #tpu.memory_space<vmem>>
      %dma_wait3A_147 = tpu.memref_squeeze %dma_wait3A_146 : memref<1x1x125xi32, #tpu.memory_space<vmem>> -> memref<125xi32, #tpu.memory_space<vmem>>
      %dma_wait3A_148 = arith.constant 0 : i32
      %dma_wait3A_149 = arith.constant 0 : i32
      %dma_wait3A_150 = tpu.memref_slice %arg9[%dma_wait3A_148, %dma_wait3A_149] : memref<10240x128xf32, #tpu.memory_space<vmem_shared>> -> memref<10240x128xf32, #tpu.memory_space<vmem_shared>>
      tpu.wait_indirect_dma semaphore(%arg12 : memref<!tpu.dma_semaphore, #tpu.memory_space<semaphore_mem>>) src(%arg8 : memref<125x128xf32, #tpu.memory_space<vmem>>) dst(%dma_wait3A_150 : memref<10240x128xf32, #tpu.memory_space<vmem_shared>>)
      %dma_wait3A_151 = arith.constant 6 : i32
      %dma_wait3A_152 = arith.constant 0 : i32
      %dma_wait3A_153 = arith.constant 0 : i32
      %dma_wait3A_154 = tpu.memref_slice %arg6[%dma_wait3A_151, %dma_wait3A_152, %dma_wait3A_153] : memref<8x2x125xi32, #tpu.memory_space<vmem>> -> memref<1x1x125xi32, #tpu.memory_space<vmem>>
      %dma_wait3A_155 = tpu.memref_squeeze %dma_wait3A_154 : memref<1x1x125xi32, #tpu.memory_space<vmem>> -> memref<125xi32, #tpu.memory_space<vmem>>
      %dma_wait3A_156 = arith.constant 0 : i32
      %dma_wait3A_157 = arith.constant 0 : i32
      %dma_wait3A_158 = tpu.memref_slice %arg9[%dma_wait3A_156, %dma_wait3A_157] : memref<10240x128xf32, #tpu.memory_space<vmem_shared>> -> memref<10240x128xf32, #tpu.memory_space<vmem_shared>>
      tpu.wait_indirect_dma semaphore(%arg12 : memref<!tpu.dma_semaphore, #tpu.memory_space<semaphore_mem>>) src(%arg8 : memref<125x128xf32, #tpu.memory_space<vmem>>) dst(%dma_wait3A_158 : memref<10240x128xf32, #tpu.memory_space<vmem_shared>>)
      %dma_wait3A_159 = arith.constant 7 : i32
      %dma_wait3A_160 = arith.constant 0 : i32
      %dma_wait3A_161 = arith.constant 0 : i32
      %dma_wait3A_162 = tpu.memref_slice %arg6[%dma_wait3A_159, %dma_wait3A_160, %dma_wait3A_161] : memref<8x2x125xi32, #tpu.memory_space<vmem>> -> memref<1x1x125xi32, #tpu.memory_space<vmem>>
      %dma_wait3A_163 = tpu.memref_squeeze %dma_wait3A_162 : memref<1x1x125xi32, #tpu.memory_space<vmem>> -> memref<125xi32, #tpu.memory_space<vmem>>
      %dma_wait3A_164 = arith.constant 0 : i32
      %dma_wait3A_165 = arith.constant 0 : i32
      %dma_wait3A_166 = tpu.memref_slice %arg9[%dma_wait3A_164, %dma_wait3A_165] : memref<10240x128xf32, #tpu.memory_space<vmem_shared>> -> memref<10240x128xf32, #tpu.memory_space<vmem_shared>>
      tpu.wait_indirect_dma semaphore(%arg12 : memref<!tpu.dma_semaphore, #tpu.memory_space<semaphore_mem>>) src(%arg8 : memref<125x128xf32, #tpu.memory_space<vmem>>) dst(%dma_wait3A_166 : memref<10240x128xf32, #tpu.memory_space<vmem_shared>>)
      %add3A_167 = arith.constant 16 : i32
      %add3A_168 = arith.addi %add3A_24, %add3A_167 : i32
      %add3A_169 = arith.constant 80 : i32
      %add3A_170 = arith.addi %mul3A_4, %add3A_169 : i32
      %sub3A = arith.constant 8 : i32
      %sub3A_171 = arith.subi %add3A_170, %sub3A : i32
      %min3A = arith.minsi %add3A_168, %sub3A_171 : i32
      %dma_start3A_172 = arith.constant 0 : i32
      %dma_start3A_173 = arith.constant 0 : i32
      %dma_start3A_174 = tpu.memref_slice %arg2[%min3A, %dma_start3A_172, %dma_start3A_173] : memref<2560x2x125xi32, #tpu.memory_space<hbm>> -> memref<8x2x125xi32, #tpu.memory_space<hbm>>
      %dma_start3A_175 = arith.constant 0 : i32
      %dma_start3A_176 = arith.constant 0 : i32
      %dma_start3A_177 = tpu.memref_slice %arg2[%min3A, %dma_start3A_175, %dma_start3A_176] : memref<2560x2x125xi32, #tpu.memory_space<hbm>> -> memref<8x2x125xi32, #tpu.memory_space<hbm>>
      tpu.enqueue_dma source(%dma_start3A_177 : memref<8x2x125xi32, #tpu.memory_space<hbm>>) target(%arg6 : memref<8x2x125xi32, #tpu.memory_space<vmem>>) target_semaphore(%arg10 : memref<!tpu.dma_semaphore, #tpu.memory_space<semaphore_mem>>)
      %dma_wait3A_178 = arith.constant 0 : i32
      %dma_wait3A_179 = arith.constant 0 : i32
      %dma_wait3A_180 = tpu.memref_slice %arg2[%mul3A_4, %dma_wait3A_178, %dma_wait3A_179] : memref<2560x2x125xi32, #tpu.memory_space<hbm>> -> memref<8x2x125xi32, #tpu.memory_space<hbm>>
      %dma_wait3A_181 = arith.constant 0 : i32
      %dma_wait3A_182 = arith.constant 0 : i32
      %dma_wait3A_183 = tpu.memref_slice %arg2[%mul3A_4, %dma_wait3A_181, %dma_wait3A_182] : memref<2560x2x125xi32, #tpu.memory_space<hbm>> -> memref<8x2x125xi32, #tpu.memory_space<hbm>>
      tpu.wait_dma2 semaphore(%arg11 : memref<!tpu.dma_semaphore, #tpu.memory_space<semaphore_mem>>) src(%dma_wait3A_183 : memref<8x2x125xi32, #tpu.memory_space<hbm>>) dst(%arg7 : memref<8x2x125xi32, #tpu.memory_space<vmem>>)
      %dma_start3A_184 = arith.constant 0 : i32
      %dma_start3A_185 = arith.constant 0 : i32
      %dma_start3A_186 = arith.constant 0 : i32
      %dma_start3A_187 = tpu.memref_slice %arg7[%dma_start3A_184, %dma_start3A_185, %dma_start3A_186] : memref<8x2x125xi32, #tpu.memory_space<vmem>> -> memref<1x1x125xi32, #tpu.memory_space<vmem>>
      %dma_start3A_188 = tpu.memref_squeeze %dma_start3A_187 : memref<1x1x125xi32, #tpu.memory_space<vmem>> -> memref<125xi32, #tpu.memory_space<vmem>>
      %dma_start3A_189 = arith.constant 0 : i32
      %dma_start3A_190 = arith.constant 0 : i32
      %dma_start3A_191 = tpu.memref_slice %arg9[%dma_start3A_189, %dma_start3A_190] : memref<10240x128xf32, #tpu.memory_space<vmem_shared>> -> memref<10240x128xf32, #tpu.memory_space<vmem_shared>>
      tpu.enqueue_indirect_dma source(%arg8 : memref<125x128xf32, #tpu.memory_space<vmem>>) target(%dma_start3A_191 : memref<10240x128xf32, #tpu.memory_space<vmem_shared>>) offsets(%dma_start3A_188 : memref<125xi32, #tpu.memory_space<vmem>>) semaphore(%arg12 : memref<!tpu.dma_semaphore, #tpu.memory_space<semaphore_mem>>) {add = true}
      %dma_start3A_192 = arith.constant 1 : i32
      %dma_start3A_193 = arith.constant 0 : i32
      %dma_start3A_194 = arith.constant 0 : i32
      %dma_start3A_195 = tpu.memref_slice %arg7[%dma_start3A_192, %dma_start3A_193, %dma_start3A_194] : memref<8x2x125xi32, #tpu.memory_space<vmem>> -> memref<1x1x125xi32, #tpu.memory_space<vmem>>
      %dma_start3A_196 = tpu.memref_squeeze %dma_start3A_195 : memref<1x1x125xi32, #tpu.memory_space<vmem>> -> memref<125xi32, #tpu.memory_space<vmem>>
      %dma_start3A_197 = arith.constant 0 : i32
      %dma_start3A_198 = arith.constant 0 : i32
      %dma_start3A_199 = tpu.memref_slice %arg9[%dma_start3A_197, %dma_start3A_198] : memref<10240x128xf32, #tpu.memory_space<vmem_shared>> -> memref<10240x128xf32, #tpu.memory_space<vmem_shared>>
      tpu.enqueue_indirect_dma source(%arg8 : memref<125x128xf32, #tpu.memory_space<vmem>>) target(%dma_start3A_199 : memref<10240x128xf32, #tpu.memory_space<vmem_shared>>) offsets(%dma_start3A_196 : memref<125xi32, #tpu.memory_space<vmem>>) semaphore(%arg12 : memref<!tpu.dma_semaphore, #tpu.memory_space<semaphore_mem>>) {add = true}
      %dma_start3A_200 = arith.constant 2 : i32
      %dma_start3A_201 = arith.constant 0 : i32
      %dma_start3A_202 = arith.constant 0 : i32
      %dma_start3A_203 = tpu.memref_slice %arg7[%dma_start3A_200, %dma_start3A_201, %dma_start3A_202] : memref<8x2x125xi32, #tpu.memory_space<vmem>> -> memref<1x1x125xi32, #tpu.memory_space<vmem>>
      %dma_start3A_204 = tpu.memref_squeeze %dma_start3A_203 : memref<1x1x125xi32, #tpu.memory_space<vmem>> -> memref<125xi32, #tpu.memory_space<vmem>>
      %dma_start3A_205 = arith.constant 0 : i32
      %dma_start3A_206 = arith.constant 0 : i32
      %dma_start3A_207 = tpu.memref_slice %arg9[%dma_start3A_205, %dma_start3A_206] : memref<10240x128xf32, #tpu.memory_space<vmem_shared>> -> memref<10240x128xf32, #tpu.memory_space<vmem_shared>>
      tpu.enqueue_indirect_dma source(%arg8 : memref<125x128xf32, #tpu.memory_space<vmem>>) target(%dma_start3A_207 : memref<10240x128xf32, #tpu.memory_space<vmem_shared>>) offsets(%dma_start3A_204 : memref<125xi32, #tpu.memory_space<vmem>>) semaphore(%arg12 : memref<!tpu.dma_semaphore, #tpu.memory_space<semaphore_mem>>) {add = true}
      %dma_start3A_208 = arith.constant 3 : i32
      %dma_start3A_209 = arith.constant 0 : i32
      %dma_start3A_210 = arith.constant 0 : i32
      %dma_start3A_211 = tpu.memref_slice %arg7[%dma_start3A_208, %dma_start3A_209, %dma_start3A_210] : memref<8x2x125xi32, #tpu.memory_space<vmem>> -> memref<1x1x125xi32, #tpu.memory_space<vmem>>
      %dma_start3A_212 = tpu.memref_squeeze %dma_start3A_211 : memref<1x1x125xi32, #tpu.memory_space<vmem>> -> memref<125xi32, #tpu.memory_space<vmem>>
      %dma_start3A_213 = arith.constant 0 : i32
      %dma_start3A_214 = arith.constant 0 : i32
      %dma_start3A_215 = tpu.memref_slice %arg9[%dma_start3A_213, %dma_start3A_214] : memref<10240x128xf32, #tpu.memory_space<vmem_shared>> -> memref<10240x128xf32, #tpu.memory_space<vmem_shared>>
      tpu.enqueue_indirect_dma source(%arg8 : memref<125x128xf32, #tpu.memory_space<vmem>>) target(%dma_start3A_215 : memref<10240x128xf32, #tpu.memory_space<vmem_shared>>) offsets(%dma_start3A_212 : memref<125xi32, #tpu.memory_space<vmem>>) semaphore(%arg12 : memref<!tpu.dma_semaphore, #tpu.memory_space<semaphore_mem>>) {add = true}
      %dma_start3A_216 = arith.constant 4 : i32
      %dma_start3A_217 = arith.constant 0 : i32
      %dma_start3A_218 = arith.constant 0 : i32
      %dma_start3A_219 = tpu.memref_slice %arg7[%dma_start3A_216, %dma_start3A_217, %dma_start3A_218] : memref<8x2x125xi32, #tpu.memory_space<vmem>> -> memref<1x1x125xi32, #tpu.memory_space<vmem>>
      %dma_start3A_220 = tpu.memref_squeeze %dma_start3A_219 : memref<1x1x125xi32, #tpu.memory_space<vmem>> -> memref<125xi32, #tpu.memory_space<vmem>>
      %dma_start3A_221 = arith.constant 0 : i32
      %dma_start3A_222 = arith.constant 0 : i32
      %dma_start3A_223 = tpu.memref_slice %arg9[%dma_start3A_221, %dma_start3A_222] : memref<10240x128xf32, #tpu.memory_space<vmem_shared>> -> memref<10240x128xf32, #tpu.memory_space<vmem_shared>>
      tpu.enqueue_indirect_dma source(%arg8 : memref<125x128xf32, #tpu.memory_space<vmem>>) target(%dma_start3A_223 : memref<10240x128xf32, #tpu.memory_space<vmem_shared>>) offsets(%dma_start3A_220 : memref<125xi32, #tpu.memory_space<vmem>>) semaphore(%arg12 : memref<!tpu.dma_semaphore, #tpu.memory_space<semaphore_mem>>) {add = true}
      %dma_start3A_224 = arith.constant 5 : i32
      %dma_start3A_225 = arith.constant 0 : i32
      %dma_start3A_226 = arith.constant 0 : i32
      %dma_start3A_227 = tpu.memref_slice %arg7[%dma_start3A_224, %dma_start3A_225, %dma_start3A_226] : memref<8x2x125xi32, #tpu.memory_space<vmem>> -> memref<1x1x125xi32, #tpu.memory_space<vmem>>
      %dma_start3A_228 = tpu.memref_squeeze %dma_start3A_227 : memref<1x1x125xi32, #tpu.memory_space<vmem>> -> memref<125xi32, #tpu.memory_space<vmem>>
      %dma_start3A_229 = arith.constant 0 : i32
      %dma_start3A_230 = arith.constant 0 : i32
      %dma_start3A_231 = tpu.memref_slice %arg9[%dma_start3A_229, %dma_start3A_230] : memref<10240x128xf32, #tpu.memory_space<vmem_shared>> -> memref<10240x128xf32, #tpu.memory_space<vmem_shared>>
      tpu.enqueue_indirect_dma source(%arg8 : memref<125x128xf32, #tpu.memory_space<vmem>>) target(%dma_start3A_231 : memref<10240x128xf32, #tpu.memory_space<vmem_shared>>) offsets(%dma_start3A_228 : memref<125xi32, #tpu.memory_space<vmem>>) semaphore(%arg12 : memref<!tpu.dma_semaphore, #tpu.memory_space<semaphore_mem>>) {add = true}
      %dma_start3A_232 = arith.constant 6 : i32
      %dma_start3A_233 = arith.constant 0 : i32
      %dma_start3A_234 = arith.constant 0 : i32
      %dma_start3A_235 = tpu.memref_slice %arg7[%dma_start3A_232, %dma_start3A_233, %dma_start3A_234] : memref<8x2x125xi32, #tpu.memory_space<vmem>> -> memref<1x1x125xi32, #tpu.memory_space<vmem>>
      %dma_start3A_236 = tpu.memref_squeeze %dma_start3A_235 : memref<1x1x125xi32, #tpu.memory_space<vmem>> -> memref<125xi32, #tpu.memory_space<vmem>>
      %dma_start3A_237 = arith.constant 0 : i32
      %dma_start3A_238 = arith.constant 0 : i32
      %dma_start3A_239 = tpu.memref_slice %arg9[%dma_start3A_237, %dma_start3A_238] : memref<10240x128xf32, #tpu.memory_space<vmem_shared>> -> memref<10240x128xf32, #tpu.memory_space<vmem_shared>>
      tpu.enqueue_indirect_dma source(%arg8 : memref<125x128xf32, #tpu.memory_space<vmem>>) target(%dma_start3A_239 : memref<10240x128xf32, #tpu.memory_space<vmem_shared>>) offsets(%dma_start3A_236 : memref<125xi32, #tpu.memory_space<vmem>>) semaphore(%arg12 : memref<!tpu.dma_semaphore, #tpu.memory_space<semaphore_mem>>) {add = true}
      %dma_start3A_240 = arith.constant 7 : i32
      %dma_start3A_241 = arith.constant 0 : i32
      %dma_start3A_242 = arith.constant 0 : i32
      %dma_start3A_243 = tpu.memref_slice %arg7[%dma_start3A_240, %dma_start3A_241, %dma_start3A_242] : memref<8x2x125xi32, #tpu.memory_space<vmem>> -> memref<1x1x125xi32, #tpu.memory_space<vmem>>
      %dma_start3A_244 = tpu.memref_squeeze %dma_start3A_243 : memref<1x1x125xi32, #tpu.memory_space<vmem>> -> memref<125xi32, #tpu.memory_space<vmem>>
      %dma_start3A_245 = arith.constant 0 : i32
      %dma_start3A_246 = arith.constant 0 : i32
      %dma_start3A_247 = tpu.memref_slice %arg9[%dma_start3A_245, %dma_start3A_246] : memref<10240x128xf32, #tpu.memory_space<vmem_shared>> -> memref<10240x128xf32, #tpu.memory_space<vmem_shared>>
      tpu.enqueue_indirect_dma source(%arg8 : memref<125x128xf32, #tpu.memory_space<vmem>>) target(%dma_start3A_247 : memref<10240x128xf32, #tpu.memory_space<vmem_shared>>) offsets(%dma_start3A_244 : memref<125xi32, #tpu.memory_space<vmem>>) semaphore(%arg12 : memref<!tpu.dma_semaphore, #tpu.memory_space<semaphore_mem>>) {add = true}
      %dma_wait3A_248 = arith.constant 0 : i32
      %dma_wait3A_249 = arith.constant 0 : i32
      %dma_wait3A_250 = arith.constant 0 : i32
      %dma_wait3A_251 = tpu.memref_slice %arg7[%dma_wait3A_248, %dma_wait3A_249, %dma_wait3A_250] : memref<8x2x125xi32, #tpu.memory_space<vmem>> -> memref<1x1x125xi32, #tpu.memory_space<vmem>>
      %dma_wait3A_252 = tpu.memref_squeeze %dma_wait3A_251 : memref<1x1x125xi32, #tpu.memory_space<vmem>> -> memref<125xi32, #tpu.memory_space<vmem>>
      %dma_wait3A_253 = arith.constant 0 : i32
      %dma_wait3A_254 = arith.constant 0 : i32
      %dma_wait3A_255 = tpu.memref_slice %arg9[%dma_wait3A_253, %dma_wait3A_254] : memref<10240x128xf32, #tpu.memory_space<vmem_shared>> -> memref<10240x128xf32, #tpu.memory_space<vmem_shared>>
      tpu.wait_indirect_dma semaphore(%arg12 : memref<!tpu.dma_semaphore, #tpu.memory_space<semaphore_mem>>) src(%arg8 : memref<125x128xf32, #tpu.memory_space<vmem>>) dst(%dma_wait3A_255 : memref<10240x128xf32, #tpu.memory_space<vmem_shared>>)
      %dma_wait3A_256 = arith.constant 1 : i32
      %dma_wait3A_257 = arith.constant 0 : i32
      %dma_wait3A_258 = arith.constant 0 : i32
      %dma_wait3A_259 = tpu.memref_slice %arg7[%dma_wait3A_256, %dma_wait3A_257, %dma_wait3A_258] : memref<8x2x125xi32, #tpu.memory_space<vmem>> -> memref<1x1x125xi32, #tpu.memory_space<vmem>>
      %dma_wait3A_260 = tpu.memref_squeeze %dma_wait3A_259 : memref<1x1x125xi32, #tpu.memory_space<vmem>> -> memref<125xi32, #tpu.memory_space<vmem>>
      %dma_wait3A_261 = arith.constant 0 : i32
      %dma_wait3A_262 = arith.constant 0 : i32
      %dma_wait3A_263 = tpu.memref_slice %arg9[%dma_wait3A_261, %dma_wait3A_262] : memref<10240x128xf32, #tpu.memory_space<vmem_shared>> -> memref<10240x128xf32, #tpu.memory_space<vmem_shared>>
      tpu.wait_indirect_dma semaphore(%arg12 : memref<!tpu.dma_semaphore, #tpu.memory_space<semaphore_mem>>) src(%arg8 : memref<125x128xf32, #tpu.memory_space<vmem>>) dst(%dma_wait3A_263 : memref<10240x128xf32, #tpu.memory_space<vmem_shared>>)
      %dma_wait3A_264 = arith.constant 2 : i32
      %dma_wait3A_265 = arith.constant 0 : i32
      %dma_wait3A_266 = arith.constant 0 : i32
      %dma_wait3A_267 = tpu.memref_slice %arg7[%dma_wait3A_264, %dma_wait3A_265, %dma_wait3A_266] : memref<8x2x125xi32, #tpu.memory_space<vmem>> -> memref<1x1x125xi32, #tpu.memory_space<vmem>>
      %dma_wait3A_268 = tpu.memref_squeeze %dma_wait3A_267 : memref<1x1x125xi32, #tpu.memory_space<vmem>> -> memref<125xi32, #tpu.memory_space<vmem>>
      %dma_wait3A_269 = arith.constant 0 : i32
      %dma_wait3A_270 = arith.constant 0 : i32
      %dma_wait3A_271 = tpu.memref_slice %arg9[%dma_wait3A_269, %dma_wait3A_270] : memref<10240x128xf32, #tpu.memory_space<vmem_shared>> -> memref<10240x128xf32, #tpu.memory_space<vmem_shared>>
      tpu.wait_indirect_dma semaphore(%arg12 : memref<!tpu.dma_semaphore, #tpu.memory_space<semaphore_mem>>) src(%arg8 : memref<125x128xf32, #tpu.memory_space<vmem>>) dst(%dma_wait3A_271 : memref<10240x128xf32, #tpu.memory_space<vmem_shared>>)
      %dma_wait3A_272 = arith.constant 3 : i32
      %dma_wait3A_273 = arith.constant 0 : i32
      %dma_wait3A_274 = arith.constant 0 : i32
      %dma_wait3A_275 = tpu.memref_slice %arg7[%dma_wait3A_272, %dma_wait3A_273, %dma_wait3A_274] : memref<8x2x125xi32, #tpu.memory_space<vmem>> -> memref<1x1x125xi32, #tpu.memory_space<vmem>>
      %dma_wait3A_276 = tpu.memref_squeeze %dma_wait3A_275 : memref<1x1x125xi32, #tpu.memory_space<vmem>> -> memref<125xi32, #tpu.memory_space<vmem>>
      %dma_wait3A_277 = arith.constant 0 : i32
      %dma_wait3A_278 = arith.constant 0 : i32
      %dma_wait3A_279 = tpu.memref_slice %arg9[%dma_wait3A_277, %dma_wait3A_278] : memref<10240x128xf32, #tpu.memory_space<vmem_shared>> -> memref<10240x128xf32, #tpu.memory_space<vmem_shared>>
      tpu.wait_indirect_dma semaphore(%arg12 : memref<!tpu.dma_semaphore, #tpu.memory_space<semaphore_mem>>) src(%arg8 : memref<125x128xf32, #tpu.memory_space<vmem>>) dst(%dma_wait3A_279 : memref<10240x128xf32, #tpu.memory_space<vmem_shared>>)
      %dma_wait3A_280 = arith.constant 4 : i32
      %dma_wait3A_281 = arith.constant 0 : i32
      %dma_wait3A_282 = arith.constant 0 : i32
      %dma_wait3A_283 = tpu.memref_slice %arg7[%dma_wait3A_280, %dma_wait3A_281, %dma_wait3A_282] : memref<8x2x125xi32, #tpu.memory_space<vmem>> -> memref<1x1x125xi32, #tpu.memory_space<vmem>>
      %dma_wait3A_284 = tpu.memref_squeeze %dma_wait3A_283 : memref<1x1x125xi32, #tpu.memory_space<vmem>> -> memref<125xi32, #tpu.memory_space<vmem>>
      %dma_wait3A_285 = arith.constant 0 : i32
      %dma_wait3A_286 = arith.constant 0 : i32
      %dma_wait3A_287 = tpu.memref_slice %arg9[%dma_wait3A_285, %dma_wait3A_286] : memref<10240x128xf32, #tpu.memory_space<vmem_shared>> -> memref<10240x128xf32, #tpu.memory_space<vmem_shared>>
      tpu.wait_indirect_dma semaphore(%arg12 : memref<!tpu.dma_semaphore, #tpu.memory_space<semaphore_mem>>) src(%arg8 : memref<125x128xf32, #tpu.memory_space<vmem>>) dst(%dma_wait3A_287 : memref<10240x128xf32, #tpu.memory_space<vmem_shared>>)
      %dma_wait3A_288 = arith.constant 5 : i32
      %dma_wait3A_289 = arith.constant 0 : i32
      %dma_wait3A_290 = arith.constant 0 : i32
      %dma_wait3A_291 = tpu.memref_slice %arg7[%dma_wait3A_288, %dma_wait3A_289, %dma_wait3A_290] : memref<8x2x125xi32, #tpu.memory_space<vmem>> -> memref<1x1x125xi32, #tpu.memory_space<vmem>>
      %dma_wait3A_292 = tpu.memref_squeeze %dma_wait3A_291 : memref<1x1x125xi32, #tpu.memory_space<vmem>> -> memref<125xi32, #tpu.memory_space<vmem>>
      %dma_wait3A_293 = arith.constant 0 : i32
      %dma_wait3A_294 = arith.constant 0 : i32
      %dma_wait3A_295 = tpu.memref_slice %arg9[%dma_wait3A_293, %dma_wait3A_294] : memref<10240x128xf32, #tpu.memory_space<vmem_shared>> -> memref<10240x128xf32, #tpu.memory_space<vmem_shared>>
      tpu.wait_indirect_dma semaphore(%arg12 : memref<!tpu.dma_semaphore, #tpu.memory_space<semaphore_mem>>) src(%arg8 : memref<125x128xf32, #tpu.memory_space<vmem>>) dst(%dma_wait3A_295 : memref<10240x128xf32, #tpu.memory_space<vmem_shared>>)
      %dma_wait3A_296 = arith.constant 6 : i32
      %dma_wait3A_297 = arith.constant 0 : i32
      %dma_wait3A_298 = arith.constant 0 : i32
      %dma_wait3A_299 = tpu.memref_slice %arg7[%dma_wait3A_296, %dma_wait3A_297, %dma_wait3A_298] : memref<8x2x125xi32, #tpu.memory_space<vmem>> -> memref<1x1x125xi32, #tpu.memory_space<vmem>>
      %dma_wait3A_300 = tpu.memref_squeeze %dma_wait3A_299 : memref<1x1x125xi32, #tpu.memory_space<vmem>> -> memref<125xi32, #tpu.memory_space<vmem>>
      %dma_wait3A_301 = arith.constant 0 : i32
      %dma_wait3A_302 = arith.constant 0 : i32
      %dma_wait3A_303 = tpu.memref_slice %arg9[%dma_wait3A_301, %dma_wait3A_302] : memref<10240x128xf32, #tpu.memory_space<vmem_shared>> -> memref<10240x128xf32, #tpu.memory_space<vmem_shared>>
      tpu.wait_indirect_dma semaphore(%arg12 : memref<!tpu.dma_semaphore, #tpu.memory_space<semaphore_mem>>) src(%arg8 : memref<125x128xf32, #tpu.memory_space<vmem>>) dst(%dma_wait3A_303 : memref<10240x128xf32, #tpu.memory_space<vmem_shared>>)
      %dma_wait3A_304 = arith.constant 7 : i32
      %dma_wait3A_305 = arith.constant 0 : i32
      %dma_wait3A_306 = arith.constant 0 : i32
      %dma_wait3A_307 = tpu.memref_slice %arg7[%dma_wait3A_304, %dma_wait3A_305, %dma_wait3A_306] : memref<8x2x125xi32, #tpu.memory_space<vmem>> -> memref<1x1x125xi32, #tpu.memory_space<vmem>>
      %dma_wait3A_308 = tpu.memref_squeeze %dma_wait3A_307 : memref<1x1x125xi32, #tpu.memory_space<vmem>> -> memref<125xi32, #tpu.memory_space<vmem>>
      %dma_wait3A_309 = arith.constant 0 : i32
      %dma_wait3A_310 = arith.constant 0 : i32
      %dma_wait3A_311 = tpu.memref_slice %arg9[%dma_wait3A_309, %dma_wait3A_310] : memref<10240x128xf32, #tpu.memory_space<vmem_shared>> -> memref<10240x128xf32, #tpu.memory_space<vmem_shared>>
      tpu.wait_indirect_dma semaphore(%arg12 : memref<!tpu.dma_semaphore, #tpu.memory_space<semaphore_mem>>) src(%arg8 : memref<125x128xf32, #tpu.memory_space<vmem>>) dst(%dma_wait3A_311 : memref<10240x128xf32, #tpu.memory_space<vmem_shared>>)
    }
    %scan3A_14 = arith.constant 5 : i32
    %dma_wait3A = arith.constant 0 : i32
    %dma_wait3A_15 = arith.constant 0 : i32
    %dma_wait3A_16 = tpu.memref_slice %arg2[%mul3A_4, %dma_wait3A, %dma_wait3A_15] : memref<2560x2x125xi32, #tpu.memory_space<hbm>> -> memref<8x2x125xi32, #tpu.memory_space<hbm>>
    %dma_wait3A_17 = arith.constant 0 : i32
    %dma_wait3A_18 = arith.constant 0 : i32
    %dma_wait3A_19 = tpu.memref_slice %arg2[%mul3A_4, %dma_wait3A_17, %dma_wait3A_18] : memref<2560x2x125xi32, #tpu.memory_space<hbm>> -> memref<8x2x125xi32, #tpu.memory_space<hbm>>
    tpu.wait_dma2 semaphore(%arg10 : memref<!tpu.dma_semaphore, #tpu.memory_space<semaphore_mem>>) src(%dma_wait3A_19 : memref<8x2x125xi32, #tpu.memory_space<hbm>>) dst(%arg6 : memref<8x2x125xi32, #tpu.memory_space<vmem>>)
    %barrier3A_20 = arith.constant 0 : index
    tpu.barrier barrier_id(%barrier3A_20)
    "tpu.region"() ({
      %run_scoped3A = tpu.sem_alloc : memref<!tpu.dma_semaphore, #tpu.memory_space<semaphore_mem>>
      %dma_start3A_21 = arith.constant 0 : i32
      %dma_start3A_22 = tpu.memref_slice %arg5[%arg0, %multiple_of3A, %dma_start3A_21] : memref<2x10240x128xf32, #tpu.memory_space<hbm>> -> memref<1x640x128xf32, #tpu.memory_space<hbm>>
      %dma_start3A_23 = tpu.memref_squeeze %dma_start3A_22 : memref<1x640x128xf32, #tpu.memory_space<hbm>> -> memref<640x128xf32, #tpu.memory_space<hbm>>
      %dma_start3A_24 = arith.constant 0 : i32
      %dma_start3A_25 = tpu.memref_slice %arg9[%multiple_of3A, %dma_start3A_24] : memref<10240x128xf32, #tpu.memory_space<vmem_shared>> -> memref<640x128xf32, #tpu.memory_space<vmem_shared>>
      tpu.enqueue_dma source(%dma_start3A_25 : memref<640x128xf32, #tpu.memory_space<vmem_shared>>) target(%dma_start3A_23 : memref<640x128xf32, #tpu.memory_space<hbm>>) target_semaphore(%run_scoped3A : memref<!tpu.dma_semaphore, #tpu.memory_space<semaphore_mem>>)
      %dma_wait3A_26 = arith.constant 0 : i32
      %dma_wait3A_27 = tpu.memref_slice %arg5[%arg0, %multiple_of3A, %dma_wait3A_26] : memref<2x10240x128xf32, #tpu.memory_space<hbm>> -> memref<1x640x128xf32, #tpu.memory_space<hbm>>
      %dma_wait3A_28 = tpu.memref_squeeze %dma_wait3A_27 : memref<1x640x128xf32, #tpu.memory_space<hbm>> -> memref<640x128xf32, #tpu.memory_space<hbm>>
      %dma_wait3A_29 = arith.constant 0 : i32
      %dma_wait3A_30 = tpu.memref_slice %arg9[%multiple_of3A, %dma_wait3A_29] : memref<10240x128xf32, #tpu.memory_space<vmem_shared>> -> memref<640x128xf32, #tpu.memory_space<vmem_shared>>
      tpu.wait_dma2 semaphore(%run_scoped3A : memref<!tpu.dma_semaphore, #tpu.memory_space<semaphore_mem>>) src(%dma_wait3A_30 : memref<640x128xf32, #tpu.memory_space<vmem_shared>>) dst(%dma_wait3A_28 : memref<640x128xf32, #tpu.memory_space<hbm>>)
      tpu.yield
    }) : () -> ()
    return
  }
}

#map = affine_map<(d0, d1) -> (0, 0)>
#map1 = affine_map<(d0, d1) -> (0, 0, 0)>
module attributes {stable_mosaic.version = 14 : i64} {
  func.func @k(%arg0: i32, %arg1: i32, %arg2: memref<10000x128xf32, #tpu.memory_space<hbm>>, %arg3: memref<6400x2x50xi32, #tpu.memory_space<hbm>>, %arg4: memref<640x128xf32, #tpu.memory_space<hbm>>, %arg5: memref<2x10240x128xf32, #tpu.memory_space<hbm>>, %arg6: memref<4x2x50xi32, #tpu.memory_space<vmem>>, %arg7: memref<4x2x50xi32, #tpu.memory_space<vmem>>, %arg8: memref<50x128xf32, #tpu.memory_space<vmem>>, %arg9: memref<50x128xf32, #tpu.memory_space<vmem>>, %arg10: memref<50x128xf32, #tpu.memory_space<vmem>>, %arg11: memref<50x128xf32, #tpu.memory_space<vmem>>, %arg12: memref<10240x128xf32, #tpu.memory_space<vmem_shared>>, %arg13: memref<!tpu.dma_semaphore, #tpu.memory_space<semaphore_mem>>, %arg14: memref<!tpu.dma_semaphore, #tpu.memory_space<semaphore_mem>>, %arg15: memref<!tpu.dma_semaphore, #tpu.memory_space<semaphore_mem>>, %arg16: memref<!tpu.dma_semaphore, #tpu.memory_space<semaphore_mem>>, %arg17: memref<!tpu.dma_semaphore, #tpu.memory_space<semaphore_mem>>, %arg18: memref<!tpu.dma_semaphore, #tpu.memory_space<semaphore_mem>>, %arg19: memref<!tpu.dma_semaphore, #tpu.memory_space<semaphore_mem>>, %arg20: memref<!tpu.dma_semaphore, #tpu.memory_space<semaphore_mem>>, %arg21: memref<!tpu.dma_semaphore, #tpu.memory_space<semaphore_mem>>, %arg22: memref<!tpu.dma_semaphore, #tpu.memory_space<semaphore_mem>>) attributes {dimension_semantics = [#tpu.dimension_semantics<core_parallel>, #tpu.dimension_semantics<subcore_parallel>], iteration_bounds = array<i64: 2, 16>, scalar_prefetch = 0 : i64, scratch_operands = 17 : i64, tpu.core_type = #tpu.core_type<sc_vector_subcore>, window_params = [{transform_indices = #map}, {transform_indices = #map1}, {transform_indices = #map}, {transform_indices = #map1}]} {
    %mul3A = arith.constant 2 : i32
    %mul3A_0 = arith.muli %arg1, %mul3A : i32
    %add3A = arith.addi %mul3A_0, %arg0 : i32
    %mul3A_1 = arith.constant 640 : i32
    %mul3A_2 = arith.muli %arg1, %mul3A_1 : i32
    %multiple_of3A = tpu.assume_multiple %mul3A_2, 8 : i32
    %mul3A_3 = arith.constant 200 : i32
    %mul3A_4 = arith.muli %add3A, %mul3A_3 : i32
    %add3A_5 = arith.constant 200 : i32
    %add3A_6 = arith.addi %mul3A_4, %add3A_5 : i32
    %sub3A = arith.constant 4 : i32
    %sub3A_7 = arith.subi %add3A_6, %sub3A : i32
    %dma_start3A = arith.constant 0 : i32
    %dma_start3A_8 = arith.constant 0 : i32
    %dma_start3A_9 = tpu.memref_slice %arg3[%mul3A_4, %dma_start3A, %dma_start3A_8] : memref<6400x2x50xi32, #tpu.memory_space<hbm>> -> memref<4x2x50xi32, #tpu.memory_space<hbm>>
    %dma_start3A_10 = arith.constant 0 : i32
    %dma_start3A_11 = arith.constant 0 : i32
    %dma_start3A_12 = tpu.memref_slice %arg3[%mul3A_4, %dma_start3A_10, %dma_start3A_11] : memref<6400x2x50xi32, #tpu.memory_space<hbm>> -> memref<4x2x50xi32, #tpu.memory_space<hbm>>
    tpu.enqueue_dma source(%dma_start3A_12 : memref<4x2x50xi32, #tpu.memory_space<hbm>>) target(%arg6 : memref<4x2x50xi32, #tpu.memory_space<vmem>>) target_semaphore(%arg13 : memref<!tpu.dma_semaphore, #tpu.memory_space<semaphore_mem>>)
    %scan3A = arith.constant 0 : i32
    %scan3A_13 = arith.constant 0 : i32
    %scan3A_14 = arith.constant 50 : i32
    %scan3A_15 = arith.addi %scan3A_13, %scan3A_14 : i32
    %scan3A_16 = arith.constant 1 : i32
    scf.for %scan3A_94 = %scan3A_13 to %scan3A_15 step %scan3A_16  : i32 {
      %broadcast_in_dim3A = arith.constant 0.000000e+00 : f32
      %broadcast_in_dim3A_95 = vector.broadcast %broadcast_in_dim3A : f32 to vector<16xf32>
      %swap3A = arith.index_cast %scan3A_94 : i32 to index
      %swap3A_96 = arith.constant 0 : index
      %swap3A_97 = tpu.vector_load %arg10[%swap3A, %swap3A_96] {strides = array<i32>} : memref<50x128xf32, #tpu.memory_space<vmem>>, vector<1x16xf32>,
      %swap3A_98 = vector.shape_cast %swap3A_97 : vector<1x16xf32> to vector<16xf32>
      %swap3A_99 = vector.shape_cast %broadcast_in_dim3A_95 : vector<16xf32> to vector<1x16xf32>
      tpu.vector_store %arg10[%swap3A, %swap3A_96], %swap3A_99 {strides = array<i32>} : memref<50x128xf32, #tpu.memory_space<vmem>>, vector<1x16xf32>,
      %broadcast_in_dim3A_100 = arith.constant 0.000000e+00 : f32
      %broadcast_in_dim3A_101 = vector.broadcast %broadcast_in_dim3A_100 : f32 to vector<16xf32>
      %swap3A_102 = arith.index_cast %scan3A_94 : i32 to index
      %swap3A_103 = arith.constant 0 : index
      %swap3A_104 = tpu.vector_load %arg11[%swap3A_102, %swap3A_103] {strides = array<i32>} : memref<50x128xf32, #tpu.memory_space<vmem>>, vector<1x16xf32>,
      %swap3A_105 = vector.shape_cast %swap3A_104 : vector<1x16xf32> to vector<16xf32>
      %swap3A_106 = vector.shape_cast %broadcast_in_dim3A_101 : vector<16xf32> to vector<1x16xf32>
      tpu.vector_store %arg11[%swap3A_102, %swap3A_103], %swap3A_106 {strides = array<i32>} : memref<50x128xf32, #tpu.memory_space<vmem>>, vector<1x16xf32>,
      %broadcast_in_dim3A_107 = arith.constant 0.000000e+00 : f32
      %broadcast_in_dim3A_108 = vector.broadcast %broadcast_in_dim3A_107 : f32 to vector<16xf32>
      %swap3A_109 = arith.index_cast %scan3A_94 : i32 to index
      %swap3A_110 = arith.constant 16 : index
      %swap3A_111 = tpu.vector_load %arg10[%swap3A_109, %swap3A_110] {strides = array<i32>} : memref<50x128xf32, #tpu.memory_space<vmem>>, vector<1x16xf32>,
      %swap3A_112 = vector.shape_cast %swap3A_111 : vector<1x16xf32> to vector<16xf32>
      %swap3A_113 = vector.shape_cast %broadcast_in_dim3A_108 : vector<16xf32> to vector<1x16xf32>
      tpu.vector_store %arg10[%swap3A_109, %swap3A_110], %swap3A_113 {strides = array<i32>} : memref<50x128xf32, #tpu.memory_space<vmem>>, vector<1x16xf32>,
      %broadcast_in_dim3A_114 = arith.constant 0.000000e+00 : f32
      %broadcast_in_dim3A_115 = vector.broadcast %broadcast_in_dim3A_114 : f32 to vector<16xf32>
      %swap3A_116 = arith.index_cast %scan3A_94 : i32 to index
      %swap3A_117 = arith.constant 16 : index
      %swap3A_118 = tpu.vector_load %arg11[%swap3A_116, %swap3A_117] {strides = array<i32>} : memref<50x128xf32, #tpu.memory_space<vmem>>, vector<1x16xf32>,
      %swap3A_119 = vector.shape_cast %swap3A_118 : vector<1x16xf32> to vector<16xf32>
      %swap3A_120 = vector.shape_cast %broadcast_in_dim3A_115 : vector<16xf32> to vector<1x16xf32>
      tpu.vector_store %arg11[%swap3A_116, %swap3A_117], %swap3A_120 {strides = array<i32>} : memref<50x128xf32, #tpu.memory_space<vmem>>, vector<1x16xf32>,
      %broadcast_in_dim3A_121 = arith.constant 0.000000e+00 : f32
      %broadcast_in_dim3A_122 = vector.broadcast %broadcast_in_dim3A_121 : f32 to vector<16xf32>
      %swap3A_123 = arith.index_cast %scan3A_94 : i32 to index
      %swap3A_124 = arith.constant 32 : index
      %swap3A_125 = tpu.vector_load %arg10[%swap3A_123, %swap3A_124] {strides = array<i32>} : memref<50x128xf32, #tpu.memory_space<vmem>>, vector<1x16xf32>,
      %swap3A_126 = vector.shape_cast %swap3A_125 : vector<1x16xf32> to vector<16xf32>
      %swap3A_127 = vector.shape_cast %broadcast_in_dim3A_122 : vector<16xf32> to vector<1x16xf32>
      tpu.vector_store %arg10[%swap3A_123, %swap3A_124], %swap3A_127 {strides = array<i32>} : memref<50x128xf32, #tpu.memory_space<vmem>>, vector<1x16xf32>,
      %broadcast_in_dim3A_128 = arith.constant 0.000000e+00 : f32
      %broadcast_in_dim3A_129 = vector.broadcast %broadcast_in_dim3A_128 : f32 to vector<16xf32>
      %swap3A_130 = arith.index_cast %scan3A_94 : i32 to index
      %swap3A_131 = arith.constant 32 : index
      %swap3A_132 = tpu.vector_load %arg11[%swap3A_130, %swap3A_131] {strides = array<i32>} : memref<50x128xf32, #tpu.memory_space<vmem>>, vector<1x16xf32>,
      %swap3A_133 = vector.shape_cast %swap3A_132 : vector<1x16xf32> to vector<16xf32>
      %swap3A_134 = vector.shape_cast %broadcast_in_dim3A_129 : vector<16xf32> to vector<1x16xf32>
      tpu.vector_store %arg11[%swap3A_130, %swap3A_131], %swap3A_134 {strides = array<i32>} : memref<50x128xf32, #tpu.memory_space<vmem>>, vector<1x16xf32>,
      %broadcast_in_dim3A_135 = arith.constant 0.000000e+00 : f32
      %broadcast_in_dim3A_136 = vector.broadcast %broadcast_in_dim3A_135 : f32 to vector<16xf32>
      %swap3A_137 = arith.index_cast %scan3A_94 : i32 to index
      %swap3A_138 = arith.constant 48 : index
      %swap3A_139 = tpu.vector_load %arg10[%swap3A_137, %swap3A_138] {strides = array<i32>} : memref<50x128xf32, #tpu.memory_space<vmem>>, vector<1x16xf32>,
      %swap3A_140 = vector.shape_cast %swap3A_139 : vector<1x16xf32> to vector<16xf32>
      %swap3A_141 = vector.shape_cast %broadcast_in_dim3A_136 : vector<16xf32> to vector<1x16xf32>
      tpu.vector_store %arg10[%swap3A_137, %swap3A_138], %swap3A_141 {strides = array<i32>} : memref<50x128xf32, #tpu.memory_space<vmem>>, vector<1x16xf32>,
      %broadcast_in_dim3A_142 = arith.constant 0.000000e+00 : f32
      %broadcast_in_dim3A_143 = vector.broadcast %broadcast_in_dim3A_142 : f32 to vector<16xf32>
      %swap3A_144 = arith.index_cast %scan3A_94 : i32 to index
      %swap3A_145 = arith.constant 48 : index
      %swap3A_146 = tpu.vector_load %arg11[%swap3A_144, %swap3A_145] {strides = array<i32>} : memref<50x128xf32, #tpu.memory_space<vmem>>, vector<1x16xf32>,
      %swap3A_147 = vector.shape_cast %swap3A_146 : vector<1x16xf32> to vector<16xf32>
      %swap3A_148 = vector.shape_cast %broadcast_in_dim3A_143 : vector<16xf32> to vector<1x16xf32>
      tpu.vector_store %arg11[%swap3A_144, %swap3A_145], %swap3A_148 {strides = array<i32>} : memref<50x128xf32, #tpu.memory_space<vmem>>, vector<1x16xf32>,
      %broadcast_in_dim3A_149 = arith.constant 0.000000e+00 : f32
      %broadcast_in_dim3A_150 = vector.broadcast %broadcast_in_dim3A_149 : f32 to vector<16xf32>
      %swap3A_151 = arith.index_cast %scan3A_94 : i32 to index
      %swap3A_152 = arith.constant 64 : index
      %swap3A_153 = tpu.vector_load %arg10[%swap3A_151, %swap3A_152] {strides = array<i32>} : memref<50x128xf32, #tpu.memory_space<vmem>>, vector<1x16xf32>,
      %swap3A_154 = vector.shape_cast %swap3A_153 : vector<1x16xf32> to vector<16xf32>
      %swap3A_155 = vector.shape_cast %broadcast_in_dim3A_150 : vector<16xf32> to vector<1x16xf32>
      tpu.vector_store %arg10[%swap3A_151, %swap3A_152], %swap3A_155 {strides = array<i32>} : memref<50x128xf32, #tpu.memory_space<vmem>>, vector<1x16xf32>,
      %broadcast_in_dim3A_156 = arith.constant 0.000000e+00 : f32
      %broadcast_in_dim3A_157 = vector.broadcast %broadcast_in_dim3A_156 : f32 to vector<16xf32>
      %swap3A_158 = arith.index_cast %scan3A_94 : i32 to index
      %swap3A_159 = arith.constant 64 : index
      %swap3A_160 = tpu.vector_load %arg11[%swap3A_158, %swap3A_159] {strides = array<i32>} : memref<50x128xf32, #tpu.memory_space<vmem>>, vector<1x16xf32>,
      %swap3A_161 = vector.shape_cast %swap3A_160 : vector<1x16xf32> to vector<16xf32>
      %swap3A_162 = vector.shape_cast %broadcast_in_dim3A_157 : vector<16xf32> to vector<1x16xf32>
      tpu.vector_store %arg11[%swap3A_158, %swap3A_159], %swap3A_162 {strides = array<i32>} : memref<50x128xf32, #tpu.memory_space<vmem>>, vector<1x16xf32>,
      %broadcast_in_dim3A_163 = arith.constant 0.000000e+00 : f32
      %broadcast_in_dim3A_164 = vector.broadcast %broadcast_in_dim3A_163 : f32 to vector<16xf32>
      %swap3A_165 = arith.index_cast %scan3A_94 : i32 to index
      %swap3A_166 = arith.constant 80 : index
      %swap3A_167 = tpu.vector_load %arg10[%swap3A_165, %swap3A_166] {strides = array<i32>} : memref<50x128xf32, #tpu.memory_space<vmem>>, vector<1x16xf32>,
      %swap3A_168 = vector.shape_cast %swap3A_167 : vector<1x16xf32> to vector<16xf32>
      %swap3A_169 = vector.shape_cast %broadcast_in_dim3A_164 : vector<16xf32> to vector<1x16xf32>
      tpu.vector_store %arg10[%swap3A_165, %swap3A_166], %swap3A_169 {strides = array<i32>} : memref<50x128xf32, #tpu.memory_space<vmem>>, vector<1x16xf32>,
      %broadcast_in_dim3A_170 = arith.constant 0.000000e+00 : f32
      %broadcast_in_dim3A_171 = vector.broadcast %broadcast_in_dim3A_170 : f32 to vector<16xf32>
      %swap3A_172 = arith.index_cast %scan3A_94 : i32 to index
      %swap3A_173 = arith.constant 80 : index
      %swap3A_174 = tpu.vector_load %arg11[%swap3A_172, %swap3A_173] {strides = array<i32>} : memref<50x128xf32, #tpu.memory_space<vmem>>, vector<1x16xf32>,
      %swap3A_175 = vector.shape_cast %swap3A_174 : vector<1x16xf32> to vector<16xf32>
      %swap3A_176 = vector.shape_cast %broadcast_in_dim3A_171 : vector<16xf32> to vector<1x16xf32>
      tpu.vector_store %arg11[%swap3A_172, %swap3A_173], %swap3A_176 {strides = array<i32>} : memref<50x128xf32, #tpu.memory_space<vmem>>, vector<1x16xf32>,
      %broadcast_in_dim3A_177 = arith.constant 0.000000e+00 : f32
      %broadcast_in_dim3A_178 = vector.broadcast %broadcast_in_dim3A_177 : f32 to vector<16xf32>
      %swap3A_179 = arith.index_cast %scan3A_94 : i32 to index
      %swap3A_180 = arith.constant 96 : index
      %swap3A_181 = tpu.vector_load %arg10[%swap3A_179, %swap3A_180] {strides = array<i32>} : memref<50x128xf32, #tpu.memory_space<vmem>>, vector<1x16xf32>,
      %swap3A_182 = vector.shape_cast %swap3A_181 : vector<1x16xf32> to vector<16xf32>
      %swap3A_183 = vector.shape_cast %broadcast_in_dim3A_178 : vector<16xf32> to vector<1x16xf32>
      tpu.vector_store %arg10[%swap3A_179, %swap3A_180], %swap3A_183 {strides = array<i32>} : memref<50x128xf32, #tpu.memory_space<vmem>>, vector<1x16xf32>,
      %broadcast_in_dim3A_184 = arith.constant 0.000000e+00 : f32
      %broadcast_in_dim3A_185 = vector.broadcast %broadcast_in_dim3A_184 : f32 to vector<16xf32>
      %swap3A_186 = arith.index_cast %scan3A_94 : i32 to index
      %swap3A_187 = arith.constant 96 : index
      %swap3A_188 = tpu.vector_load %arg11[%swap3A_186, %swap3A_187] {strides = array<i32>} : memref<50x128xf32, #tpu.memory_space<vmem>>, vector<1x16xf32>,
      %swap3A_189 = vector.shape_cast %swap3A_188 : vector<1x16xf32> to vector<16xf32>
      %swap3A_190 = vector.shape_cast %broadcast_in_dim3A_185 : vector<16xf32> to vector<1x16xf32>
      tpu.vector_store %arg11[%swap3A_186, %swap3A_187], %swap3A_190 {strides = array<i32>} : memref<50x128xf32, #tpu.memory_space<vmem>>, vector<1x16xf32>,
      %broadcast_in_dim3A_191 = arith.constant 0.000000e+00 : f32
      %broadcast_in_dim3A_192 = vector.broadcast %broadcast_in_dim3A_191 : f32 to vector<16xf32>
      %swap3A_193 = arith.index_cast %scan3A_94 : i32 to index
      %swap3A_194 = arith.constant 112 : index
      %swap3A_195 = tpu.vector_load %arg10[%swap3A_193, %swap3A_194] {strides = array<i32>} : memref<50x128xf32, #tpu.memory_space<vmem>>, vector<1x16xf32>,
      %swap3A_196 = vector.shape_cast %swap3A_195 : vector<1x16xf32> to vector<16xf32>
      %swap3A_197 = vector.shape_cast %broadcast_in_dim3A_192 : vector<16xf32> to vector<1x16xf32>
      tpu.vector_store %arg10[%swap3A_193, %swap3A_194], %swap3A_197 {strides = array<i32>} : memref<50x128xf32, #tpu.memory_space<vmem>>, vector<1x16xf32>,
      %broadcast_in_dim3A_198 = arith.constant 0.000000e+00 : f32
      %broadcast_in_dim3A_199 = vector.broadcast %broadcast_in_dim3A_198 : f32 to vector<16xf32>
      %swap3A_200 = arith.index_cast %scan3A_94 : i32 to index
      %swap3A_201 = arith.constant 112 : index
      %swap3A_202 = tpu.vector_load %arg11[%swap3A_200, %swap3A_201] {strides = array<i32>} : memref<50x128xf32, #tpu.memory_space<vmem>>, vector<1x16xf32>,
      %swap3A_203 = vector.shape_cast %swap3A_202 : vector<1x16xf32> to vector<16xf32>
      %swap3A_204 = vector.shape_cast %broadcast_in_dim3A_199 : vector<16xf32> to vector<1x16xf32>
      tpu.vector_store %arg11[%swap3A_200, %swap3A_201], %swap3A_204 {strides = array<i32>} : memref<50x128xf32, #tpu.memory_space<vmem>>, vector<1x16xf32>,
    }
    %scan3A_17 = arith.constant 50 : i32
    "tpu.region"() ({
      %run_scoped3A = tpu.sem_alloc : memref<!tpu.dma_semaphore, #tpu.memory_space<semaphore_mem>>
      %dma_start3A_94 = arith.constant 0 : i32
      %dma_start3A_95 = tpu.memref_slice %arg12[%multiple_of3A, %dma_start3A_94] : memref<10240x128xf32, #tpu.memory_space<vmem_shared>> -> memref<640x128xf32, #tpu.memory_space<vmem_shared>>
      tpu.enqueue_dma source(%arg4 : memref<640x128xf32, #tpu.memory_space<hbm>>) target(%dma_start3A_95 : memref<640x128xf32, #tpu.memory_space<vmem_shared>>) target_semaphore(%run_scoped3A : memref<!tpu.dma_semaphore, #tpu.memory_space<semaphore_mem>>)
      %dma_wait3A_96 = arith.constant 0 : i32
      %dma_wait3A_97 = tpu.memref_slice %arg12[%multiple_of3A, %dma_wait3A_96] : memref<10240x128xf32, #tpu.memory_space<vmem_shared>> -> memref<640x128xf32, #tpu.memory_space<vmem_shared>>
      tpu.wait_dma2 semaphore(%run_scoped3A : memref<!tpu.dma_semaphore, #tpu.memory_space<semaphore_mem>>) src(%arg4 : memref<640x128xf32, #tpu.memory_space<hbm>>) dst(%dma_wait3A_97 : memref<640x128xf32, #tpu.memory_space<vmem_shared>>)
      tpu.yield
    }) : () -> ()
    %barrier3A = arith.constant 0 : index
    tpu.barrier barrier_id(%barrier3A)
    %dma_wait3A = arith.constant 0 : i32
    %dma_wait3A_18 = arith.constant 0 : i32
    %dma_wait3A_19 = tpu.memref_slice %arg3[%mul3A_4, %dma_wait3A, %dma_wait3A_18] : memref<6400x2x50xi32, #tpu.memory_space<hbm>> -> memref<4x2x50xi32, #tpu.memory_space<hbm>>
    %dma_wait3A_20 = arith.constant 0 : i32
    %dma_wait3A_21 = arith.constant 0 : i32
    %dma_wait3A_22 = tpu.memref_slice %arg3[%mul3A_4, %dma_wait3A_20, %dma_wait3A_21] : memref<6400x2x50xi32, #tpu.memory_space<hbm>> -> memref<4x2x50xi32, #tpu.memory_space<hbm>>
    tpu.wait_dma2 semaphore(%arg13 : memref<!tpu.dma_semaphore, #tpu.memory_space<semaphore_mem>>) src(%dma_wait3A_22 : memref<4x2x50xi32, #tpu.memory_space<hbm>>) dst(%arg6 : memref<4x2x50xi32, #tpu.memory_space<vmem>>)
    %dma_start3A_23 = arith.constant 0 : i32
    %dma_start3A_24 = arith.constant 0 : i32
    %dma_start3A_25 = arith.constant 0 : i32
    %dma_start3A_26 = tpu.memref_slice %arg6[%dma_start3A_23, %dma_start3A_24, %dma_start3A_25] : memref<4x2x50xi32, #tpu.memory_space<vmem>> -> memref<1x1x50xi32, #tpu.memory_space<vmem>>
    %dma_start3A_27 = tpu.memref_squeeze %dma_start3A_26 : memref<1x1x50xi32, #tpu.memory_space<vmem>> -> memref<50xi32, #tpu.memory_space<vmem>>
    %dma_start3A_28 = arith.constant 0 : i32
    %dma_start3A_29 = arith.constant 0 : i32
    %dma_start3A_30 = tpu.memref_slice %arg2[%dma_start3A_28, %dma_start3A_29] : memref<10000x128xf32, #tpu.memory_space<hbm>> -> memref<10000x128xf32, #tpu.memory_space<hbm>>
    tpu.enqueue_indirect_dma source(%dma_start3A_30 : memref<10000x128xf32, #tpu.memory_space<hbm>>) target(%arg8 : memref<50x128xf32, #tpu.memory_space<vmem>>) offsets(%dma_start3A_27 : memref<50xi32, #tpu.memory_space<vmem>>) semaphore(%arg15 : memref<!tpu.dma_semaphore, #tpu.memory_space<semaphore_mem>>)
    %dma_start3A_31 = arith.constant 1 : i32
    %dma_start3A_32 = arith.constant 0 : i32
    %dma_start3A_33 = arith.constant 0 : i32
    %dma_start3A_34 = tpu.memref_slice %arg6[%dma_start3A_31, %dma_start3A_32, %dma_start3A_33] : memref<4x2x50xi32, #tpu.memory_space<vmem>> -> memref<1x1x50xi32, #tpu.memory_space<vmem>>
    %dma_start3A_35 = tpu.memref_squeeze %dma_start3A_34 : memref<1x1x50xi32, #tpu.memory_space<vmem>> -> memref<50xi32, #tpu.memory_space<vmem>>
    %dma_start3A_36 = arith.constant 0 : i32
    %dma_start3A_37 = arith.constant 0 : i32
    %dma_start3A_38 = tpu.memref_slice %arg2[%dma_start3A_36, %dma_start3A_37] : memref<10000x128xf32, #tpu.memory_space<hbm>> -> memref<10000x128xf32, #tpu.memory_space<hbm>>
    tpu.enqueue_indirect_dma source(%dma_start3A_38 : memref<10000x128xf32, #tpu.memory_space<hbm>>) target(%arg9 : memref<50x128xf32, #tpu.memory_space<vmem>>) offsets(%dma_start3A_35 : memref<50xi32, #tpu.memory_space<vmem>>) semaphore(%arg16 : memref<!tpu.dma_semaphore, #tpu.memory_space<semaphore_mem>>)
    %dma_start3A_39 = arith.constant 0 : i32
    %dma_start3A_40 = arith.constant 1 : i32
    %dma_start3A_41 = arith.constant 0 : i32
    %dma_start3A_42 = tpu.memref_slice %arg6[%dma_start3A_39, %dma_start3A_40, %dma_start3A_41] : memref<4x2x50xi32, #tpu.memory_space<vmem>> -> memref<1x1x50xi32, #tpu.memory_space<vmem>>
    %dma_start3A_43 = tpu.memref_squeeze %dma_start3A_42 : memref<1x1x50xi32, #tpu.memory_space<vmem>> -> memref<50xi32, #tpu.memory_space<vmem>>
    %dma_start3A_44 = arith.constant 0 : i32
    %dma_start3A_45 = arith.constant 0 : i32
    %dma_start3A_46 = tpu.memref_slice %arg12[%dma_start3A_44, %dma_start3A_45] : memref<10240x128xf32, #tpu.memory_space<vmem_shared>> -> memref<10240x128xf32, #tpu.memory_space<vmem_shared>>
    tpu.enqueue_indirect_dma source(%arg10 : memref<50x128xf32, #tpu.memory_space<vmem>>) target(%dma_start3A_46 : memref<10240x128xf32, #tpu.memory_space<vmem_shared>>) offsets(%dma_start3A_43 : memref<50xi32, #tpu.memory_space<vmem>>) semaphore(%arg21 : memref<!tpu.dma_semaphore, #tpu.memory_space<semaphore_mem>>) {add = true}
    %dma_start3A_47 = arith.constant 0 : i32
    %dma_start3A_48 = arith.constant 1 : i32
    %dma_start3A_49 = arith.constant 0 : i32
    %dma_start3A_50 = tpu.memref_slice %arg6[%dma_start3A_47, %dma_start3A_48, %dma_start3A_49] : memref<4x2x50xi32, #tpu.memory_space<vmem>> -> memref<1x1x50xi32, #tpu.memory_space<vmem>>
    %dma_start3A_51 = tpu.memref_squeeze %dma_start3A_50 : memref<1x1x50xi32, #tpu.memory_space<vmem>> -> memref<50xi32, #tpu.memory_space<vmem>>
    %dma_start3A_52 = arith.constant 0 : i32
    %dma_start3A_53 = arith.constant 0 : i32
    %dma_start3A_54 = tpu.memref_slice %arg12[%dma_start3A_52, %dma_start3A_53] : memref<10240x128xf32, #tpu.memory_space<vmem_shared>> -> memref<10240x128xf32, #tpu.memory_space<vmem_shared>>
    tpu.enqueue_indirect_dma source(%arg11 : memref<50x128xf32, #tpu.memory_space<vmem>>) target(%dma_start3A_54 : memref<10240x128xf32, #tpu.memory_space<vmem_shared>>) offsets(%dma_start3A_51 : memref<50xi32, #tpu.memory_space<vmem>>) semaphore(%arg22 : memref<!tpu.dma_semaphore, #tpu.memory_space<semaphore_mem>>) {add = true}
    %scan3A_55 = arith.constant 0 : i32
    %scan3A_56 = arith.constant 0 : i32
    %scan3A_57 = arith.constant 25 : i32
    %scan3A_58 = arith.addi %scan3A_56, %scan3A_57 : i32
    %scan3A_59 = arith.constant 1 : i32
    scf.for %scan3A_94 = %scan3A_56 to %scan3A_58 step %scan3A_59  : i32 {
      %mul3A_95 = arith.constant 8 : i32
      %mul3A_96 = arith.muli %mul3A_95, %scan3A_94 : i32
      %add3A_97 = arith.addi %mul3A_4, %mul3A_96 : i32
      %dma_wait3A_98 = arith.constant 0 : i32
      %dma_wait3A_99 = arith.constant 0 : i32
      %dma_wait3A_100 = arith.constant 0 : i32
      %dma_wait3A_101 = tpu.memref_slice %arg6[%dma_wait3A_98, %dma_wait3A_99, %dma_wait3A_100] : memref<4x2x50xi32, #tpu.memory_space<vmem>> -> memref<1x1x50xi32, #tpu.memory_space<vmem>>
      %dma_wait3A_102 = tpu.memref_squeeze %dma_wait3A_101 : memref<1x1x50xi32, #tpu.memory_space<vmem>> -> memref<50xi32, #tpu.memory_space<vmem>>
      %dma_wait3A_103 = arith.constant 0 : i32
      %dma_wait3A_104 = arith.constant 0 : i32
      %dma_wait3A_105 = tpu.memref_slice %arg2[%dma_wait3A_103, %dma_wait3A_104] : memref<10000x128xf32, #tpu.memory_space<hbm>> -> memref<10000x128xf32, #tpu.memory_space<hbm>>
      tpu.wait_indirect_dma semaphore(%arg15 : memref<!tpu.dma_semaphore, #tpu.memory_space<semaphore_mem>>) src(%dma_wait3A_105 : memref<10000x128xf32, #tpu.memory_space<hbm>>) dst(%arg8 : memref<50x128xf32, #tpu.memory_space<vmem>>)
      %dma_start3A_106 = arith.constant 0 : i32
      %dma_start3A_107 = arith.constant 1 : i32
      %dma_start3A_108 = arith.constant 0 : i32
      %dma_start3A_109 = tpu.memref_slice %arg6[%dma_start3A_106, %dma_start3A_107, %dma_start3A_108] : memref<4x2x50xi32, #tpu.memory_space<vmem>> -> memref<1x1x50xi32, #tpu.memory_space<vmem>>
      %dma_start3A_110 = tpu.memref_squeeze %dma_start3A_109 : memref<1x1x50xi32, #tpu.memory_space<vmem>> -> memref<50xi32, #tpu.memory_space<vmem>>
      %dma_start3A_111 = arith.constant 0 : i32
      %dma_start3A_112 = arith.constant 0 : i32
      %dma_start3A_113 = tpu.memref_slice %arg12[%dma_start3A_111, %dma_start3A_112] : memref<10240x128xf32, #tpu.memory_space<vmem_shared>> -> memref<10240x128xf32, #tpu.memory_space<vmem_shared>>
      tpu.enqueue_indirect_dma source(%arg8 : memref<50x128xf32, #tpu.memory_space<vmem>>) target(%dma_start3A_113 : memref<10240x128xf32, #tpu.memory_space<vmem_shared>>) offsets(%dma_start3A_110 : memref<50xi32, #tpu.memory_space<vmem>>) semaphore(%arg19 : memref<!tpu.dma_semaphore, #tpu.memory_space<semaphore_mem>>) {add = true}
      %dma_wait3A_114 = arith.constant 0 : i32
      %dma_wait3A_115 = arith.constant 1 : i32
      %dma_wait3A_116 = arith.constant 0 : i32
      %dma_wait3A_117 = tpu.memref_slice %arg6[%dma_wait3A_114, %dma_wait3A_115, %dma_wait3A_116] : memref<4x2x50xi32, #tpu.memory_space<vmem>> -> memref<1x1x50xi32, #tpu.memory_space<vmem>>
      %dma_wait3A_118 = tpu.memref_squeeze %dma_wait3A_117 : memref<1x1x50xi32, #tpu.memory_space<vmem>> -> memref<50xi32, #tpu.memory_space<vmem>>
      %dma_wait3A_119 = arith.constant 0 : i32
      %dma_wait3A_120 = arith.constant 0 : i32
      %dma_wait3A_121 = tpu.memref_slice %arg12[%dma_wait3A_119, %dma_wait3A_120] : memref<10240x128xf32, #tpu.memory_space<vmem_shared>> -> memref<10240x128xf32, #tpu.memory_space<vmem_shared>>
      tpu.wait_indirect_dma semaphore(%arg21 : memref<!tpu.dma_semaphore, #tpu.memory_space<semaphore_mem>>) src(%arg10 : memref<50x128xf32, #tpu.memory_space<vmem>>) dst(%dma_wait3A_121 : memref<10240x128xf32, #tpu.memory_space<vmem_shared>>)
      %dma_start3A_122 = arith.constant 2 : i32
      %dma_start3A_123 = arith.constant 0 : i32
      %dma_start3A_124 = arith.constant 0 : i32
      %dma_start3A_125 = tpu.memref_slice %arg6[%dma_start3A_122, %dma_start3A_123, %dma_start3A_124] : memref<4x2x50xi32, #tpu.memory_space<vmem>> -> memref<1x1x50xi32, #tpu.memory_space<vmem>>
      %dma_start3A_126 = tpu.memref_squeeze %dma_start3A_125 : memref<1x1x50xi32, #tpu.memory_space<vmem>> -> memref<50xi32, #tpu.memory_space<vmem>>
      %dma_start3A_127 = arith.constant 0 : i32
      %dma_start3A_128 = arith.constant 0 : i32
      %dma_start3A_129 = tpu.memref_slice %arg2[%dma_start3A_127, %dma_start3A_128] : memref<10000x128xf32, #tpu.memory_space<hbm>> -> memref<10000x128xf32, #tpu.memory_space<hbm>>
      tpu.enqueue_indirect_dma source(%dma_start3A_129 : memref<10000x128xf32, #tpu.memory_space<hbm>>) target(%arg10 : memref<50x128xf32, #tpu.memory_space<vmem>>) offsets(%dma_start3A_126 : memref<50xi32, #tpu.memory_space<vmem>>) semaphore(%arg17 : memref<!tpu.dma_semaphore, #tpu.memory_space<semaphore_mem>>)
      %add3A_130 = arith.constant 4 : i32
      %add3A_131 = arith.addi %add3A_97, %add3A_130 : i32
      %dma_start3A_132 = arith.constant 0 : i32
      %dma_start3A_133 = arith.constant 0 : i32
      %dma_start3A_134 = tpu.memref_slice %arg3[%add3A_131, %dma_start3A_132, %dma_start3A_133] : memref<6400x2x50xi32, #tpu.memory_space<hbm>> -> memref<4x2x50xi32, #tpu.memory_space<hbm>>
      %dma_start3A_135 = arith.constant 0 : i32
      %dma_start3A_136 = arith.constant 0 : i32
      %dma_start3A_137 = tpu.memref_slice %arg3[%add3A_131, %dma_start3A_135, %dma_start3A_136] : memref<6400x2x50xi32, #tpu.memory_space<hbm>> -> memref<4x2x50xi32, #tpu.memory_space<hbm>>
      tpu.enqueue_dma source(%dma_start3A_137 : memref<4x2x50xi32, #tpu.memory_space<hbm>>) target(%arg7 : memref<4x2x50xi32, #tpu.memory_space<vmem>>) target_semaphore(%arg14 : memref<!tpu.dma_semaphore, #tpu.memory_space<semaphore_mem>>)
      %dma_wait3A_138 = arith.constant 0 : i32
      %dma_wait3A_139 = arith.constant 0 : i32
      %dma_wait3A_140 = arith.constant 0 : i32
      %dma_wait3A_141 = tpu.memref_slice %arg6[%dma_wait3A_138, %dma_wait3A_139, %dma_wait3A_140] : memref<4x2x50xi32, #tpu.memory_space<vmem>> -> memref<1x1x50xi32, #tpu.memory_space<vmem>>
      %dma_wait3A_142 = tpu.memref_squeeze %dma_wait3A_141 : memref<1x1x50xi32, #tpu.memory_space<vmem>> -> memref<50xi32, #tpu.memory_space<vmem>>
      %dma_wait3A_143 = arith.constant 0 : i32
      %dma_wait3A_144 = arith.constant 0 : i32
      %dma_wait3A_145 = tpu.memref_slice %arg2[%dma_wait3A_143, %dma_wait3A_144] : memref<10000x128xf32, #tpu.memory_space<hbm>> -> memref<10000x128xf32, #tpu.memory_space<hbm>>
      tpu.wait_indirect_dma semaphore(%arg16 : memref<!tpu.dma_semaphore, #tpu.memory_space<semaphore_mem>>) src(%dma_wait3A_145 : memref<10000x128xf32, #tpu.memory_space<hbm>>) dst(%arg9 : memref<50x128xf32, #tpu.memory_space<vmem>>)
      %dma_start3A_146 = arith.constant 1 : i32
      %dma_start3A_147 = arith.constant 1 : i32
      %dma_start3A_148 = arith.constant 0 : i32
      %dma_start3A_149 = tpu.memref_slice %arg6[%dma_start3A_146, %dma_start3A_147, %dma_start3A_148] : memref<4x2x50xi32, #tpu.memory_space<vmem>> -> memref<1x1x50xi32, #tpu.memory_space<vmem>>
      %dma_start3A_150 = tpu.memref_squeeze %dma_start3A_149 : memref<1x1x50xi32, #tpu.memory_space<vmem>> -> memref<50xi32, #tpu.memory_space<vmem>>
      %dma_start3A_151 = arith.constant 0 : i32
      %dma_start3A_152 = arith.constant 0 : i32
      %dma_start3A_153 = tpu.memref_slice %arg12[%dma_start3A_151, %dma_start3A_152] : memref<10240x128xf32, #tpu.memory_space<vmem_shared>> -> memref<10240x128xf32, #tpu.memory_space<vmem_shared>>
      tpu.enqueue_indirect_dma source(%arg9 : memref<50x128xf32, #tpu.memory_space<vmem>>) target(%dma_start3A_153 : memref<10240x128xf32, #tpu.memory_space<vmem_shared>>) offsets(%dma_start3A_150 : memref<50xi32, #tpu.memory_space<vmem>>) semaphore(%arg20 : memref<!tpu.dma_semaphore, #tpu.memory_space<semaphore_mem>>) {add = true}
      %dma_wait3A_154 = arith.constant 0 : i32
      %dma_wait3A_155 = arith.constant 1 : i32
      %dma_wait3A_156 = arith.constant 0 : i32
      %dma_wait3A_157 = tpu.memref_slice %arg6[%dma_wait3A_154, %dma_wait3A_155, %dma_wait3A_156] : memref<4x2x50xi32, #tpu.memory_space<vmem>> -> memref<1x1x50xi32, #tpu.memory_space<vmem>>
      %dma_wait3A_158 = tpu.memref_squeeze %dma_wait3A_157 : memref<1x1x50xi32, #tpu.memory_space<vmem>> -> memref<50xi32, #tpu.memory_space<vmem>>
      %dma_wait3A_159 = arith.constant 0 : i32
      %dma_wait3A_160 = arith.constant 0 : i32
      %dma_wait3A_161 = tpu.memref_slice %arg12[%dma_wait3A_159, %dma_wait3A_160] : memref<10240x128xf32, #tpu.memory_space<vmem_shared>> -> memref<10240x128xf32, #tpu.memory_space<vmem_shared>>
      tpu.wait_indirect_dma semaphore(%arg22 : memref<!tpu.dma_semaphore, #tpu.memory_space<semaphore_mem>>) src(%arg11 : memref<50x128xf32, #tpu.memory_space<vmem>>) dst(%dma_wait3A_161 : memref<10240x128xf32, #tpu.memory_space<vmem_shared>>)
      %dma_start3A_162 = arith.constant 3 : i32
      %dma_start3A_163 = arith.constant 0 : i32
      %dma_start3A_164 = arith.constant 0 : i32
      %dma_start3A_165 = tpu.memref_slice %arg6[%dma_start3A_162, %dma_start3A_163, %dma_start3A_164] : memref<4x2x50xi32, #tpu.memory_space<vmem>> -> memref<1x1x50xi32, #tpu.memory_space<vmem>>
      %dma_start3A_166 = tpu.memref_squeeze %dma_start3A_165 : memref<1x1x50xi32, #tpu.memory_space<vmem>> -> memref<50xi32, #tpu.memory_space<vmem>>
      %dma_start3A_167 = arith.constant 0 : i32
      %dma_start3A_168 = arith.constant 0 : i32
      %dma_start3A_169 = tpu.memref_slice %arg2[%dma_start3A_167, %dma_start3A_168] : memref<10000x128xf32, #tpu.memory_space<hbm>> -> memref<10000x128xf32, #tpu.memory_space<hbm>>
      tpu.enqueue_indirect_dma source(%dma_start3A_169 : memref<10000x128xf32, #tpu.memory_space<hbm>>) target(%arg11 : memref<50x128xf32, #tpu.memory_space<vmem>>) offsets(%dma_start3A_166 : memref<50xi32, #tpu.memory_space<vmem>>) semaphore(%arg18 : memref<!tpu.dma_semaphore, #tpu.memory_space<semaphore_mem>>)
      %dma_wait3A_170 = arith.constant 0 : i32
      %dma_wait3A_171 = arith.constant 0 : i32
      %dma_wait3A_172 = arith.constant 0 : i32
      %dma_wait3A_173 = tpu.memref_slice %arg6[%dma_wait3A_170, %dma_wait3A_171, %dma_wait3A_172] : memref<4x2x50xi32, #tpu.memory_space<vmem>> -> memref<1x1x50xi32, #tpu.memory_space<vmem>>
      %dma_wait3A_174 = tpu.memref_squeeze %dma_wait3A_173 : memref<1x1x50xi32, #tpu.memory_space<vmem>> -> memref<50xi32, #tpu.memory_space<vmem>>
      %dma_wait3A_175 = arith.constant 0 : i32
      %dma_wait3A_176 = arith.constant 0 : i32
      %dma_wait3A_177 = tpu.memref_slice %arg2[%dma_wait3A_175, %dma_wait3A_176] : memref<10000x128xf32, #tpu.memory_space<hbm>> -> memref<10000x128xf32, #tpu.memory_space<hbm>>
      tpu.wait_indirect_dma semaphore(%arg17 : memref<!tpu.dma_semaphore, #tpu.memory_space<semaphore_mem>>) src(%dma_wait3A_177 : memref<10000x128xf32, #tpu.memory_space<hbm>>) dst(%arg10 : memref<50x128xf32, #tpu.memory_space<vmem>>)
      %dma_start3A_178 = arith.constant 2 : i32
      %dma_start3A_179 = arith.constant 1 : i32
      %dma_start3A_180 = arith.constant 0 : i32
      %dma_start3A_181 = tpu.memref_slice %arg6[%dma_start3A_178, %dma_start3A_179, %dma_start3A_180] : memref<4x2x50xi32, #tpu.memory_space<vmem>> -> memref<1x1x50xi32, #tpu.memory_space<vmem>>
      %dma_start3A_182 = tpu.memref_squeeze %dma_start3A_181 : memref<1x1x50xi32, #tpu.memory_space<vmem>> -> memref<50xi32, #tpu.memory_space<vmem>>
      %dma_start3A_183 = arith.constant 0 : i32
      %dma_start3A_184 = arith.constant 0 : i32
      %dma_start3A_185 = tpu.memref_slice %arg12[%dma_start3A_183, %dma_start3A_184] : memref<10240x128xf32, #tpu.memory_space<vmem_shared>> -> memref<10240x128xf32, #tpu.memory_space<vmem_shared>>
      tpu.enqueue_indirect_dma source(%arg10 : memref<50x128xf32, #tpu.memory_space<vmem>>) target(%dma_start3A_185 : memref<10240x128xf32, #tpu.memory_space<vmem_shared>>) offsets(%dma_start3A_182 : memref<50xi32, #tpu.memory_space<vmem>>) semaphore(%arg21 : memref<!tpu.dma_semaphore, #tpu.memory_space<semaphore_mem>>) {add = true}
      %dma_wait3A_186 = arith.constant 0 : i32
      %dma_wait3A_187 = arith.constant 1 : i32
      %dma_wait3A_188 = arith.constant 0 : i32
      %dma_wait3A_189 = tpu.memref_slice %arg6[%dma_wait3A_186, %dma_wait3A_187, %dma_wait3A_188] : memref<4x2x50xi32, #tpu.memory_space<vmem>> -> memref<1x1x50xi32, #tpu.memory_space<vmem>>
      %dma_wait3A_190 = tpu.memref_squeeze %dma_wait3A_189 : memref<1x1x50xi32, #tpu.memory_space<vmem>> -> memref<50xi32, #tpu.memory_space<vmem>>
      %dma_wait3A_191 = arith.constant 0 : i32
      %dma_wait3A_192 = arith.constant 0 : i32
      %dma_wait3A_193 = tpu.memref_slice %arg12[%dma_wait3A_191, %dma_wait3A_192] : memref<10240x128xf32, #tpu.memory_space<vmem_shared>> -> memref<10240x128xf32, #tpu.memory_space<vmem_shared>>
      tpu.wait_indirect_dma semaphore(%arg19 : memref<!tpu.dma_semaphore, #tpu.memory_space<semaphore_mem>>) src(%arg8 : memref<50x128xf32, #tpu.memory_space<vmem>>) dst(%dma_wait3A_193 : memref<10240x128xf32, #tpu.memory_space<vmem_shared>>)
      %dma_wait3A_194 = arith.constant 0 : i32
      %dma_wait3A_195 = arith.constant 0 : i32
      %dma_wait3A_196 = tpu.memref_slice %arg3[%mul3A_4, %dma_wait3A_194, %dma_wait3A_195] : memref<6400x2x50xi32, #tpu.memory_space<hbm>> -> memref<4x2x50xi32, #tpu.memory_space<hbm>>
      %dma_wait3A_197 = arith.constant 0 : i32
      %dma_wait3A_198 = arith.constant 0 : i32
      %dma_wait3A_199 = tpu.memref_slice %arg3[%mul3A_4, %dma_wait3A_197, %dma_wait3A_198] : memref<6400x2x50xi32, #tpu.memory_space<hbm>> -> memref<4x2x50xi32, #tpu.memory_space<hbm>>
      tpu.wait_dma2 semaphore(%arg14 : memref<!tpu.dma_semaphore, #tpu.memory_space<semaphore_mem>>) src(%dma_wait3A_199 : memref<4x2x50xi32, #tpu.memory_space<hbm>>) dst(%arg7 : memref<4x2x50xi32, #tpu.memory_space<vmem>>)
      %dma_start3A_200 = arith.constant 0 : i32
      %dma_start3A_201 = arith.constant 0 : i32
      %dma_start3A_202 = arith.constant 0 : i32
      %dma_start3A_203 = tpu.memref_slice %arg7[%dma_start3A_200, %dma_start3A_201, %dma_start3A_202] : memref<4x2x50xi32, #tpu.memory_space<vmem>> -> memref<1x1x50xi32, #tpu.memory_space<vmem>>
      %dma_start3A_204 = tpu.memref_squeeze %dma_start3A_203 : memref<1x1x50xi32, #tpu.memory_space<vmem>> -> memref<50xi32, #tpu.memory_space<vmem>>
      %dma_start3A_205 = arith.constant 0 : i32
      %dma_start3A_206 = arith.constant 0 : i32
      %dma_start3A_207 = tpu.memref_slice %arg2[%dma_start3A_205, %dma_start3A_206] : memref<10000x128xf32, #tpu.memory_space<hbm>> -> memref<10000x128xf32, #tpu.memory_space<hbm>>
      tpu.enqueue_indirect_dma source(%dma_start3A_207 : memref<10000x128xf32, #tpu.memory_space<hbm>>) target(%arg8 : memref<50x128xf32, #tpu.memory_space<vmem>>) offsets(%dma_start3A_204 : memref<50xi32, #tpu.memory_space<vmem>>) semaphore(%arg15 : memref<!tpu.dma_semaphore, #tpu.memory_space<semaphore_mem>>)
      %dma_wait3A_208 = arith.constant 0 : i32
      %dma_wait3A_209 = arith.constant 0 : i32
      %dma_wait3A_210 = arith.constant 0 : i32
      %dma_wait3A_211 = tpu.memref_slice %arg6[%dma_wait3A_208, %dma_wait3A_209, %dma_wait3A_210] : memref<4x2x50xi32, #tpu.memory_space<vmem>> -> memref<1x1x50xi32, #tpu.memory_space<vmem>>
      %dma_wait3A_212 = tpu.memref_squeeze %dma_wait3A_211 : memref<1x1x50xi32, #tpu.memory_space<vmem>> -> memref<50xi32, #tpu.memory_space<vmem>>
      %dma_wait3A_213 = arith.constant 0 : i32
      %dma_wait3A_214 = arith.constant 0 : i32
      %dma_wait3A_215 = tpu.memref_slice %arg2[%dma_wait3A_213, %dma_wait3A_214] : memref<10000x128xf32, #tpu.memory_space<hbm>> -> memref<10000x128xf32, #tpu.memory_space<hbm>>
      tpu.wait_indirect_dma semaphore(%arg18 : memref<!tpu.dma_semaphore, #tpu.memory_space<semaphore_mem>>) src(%dma_wait3A_215 : memref<10000x128xf32, #tpu.memory_space<hbm>>) dst(%arg11 : memref<50x128xf32, #tpu.memory_space<vmem>>)
      %dma_start3A_216 = arith.constant 3 : i32
      %dma_start3A_217 = arith.constant 1 : i32
      %dma_start3A_218 = arith.constant 0 : i32
      %dma_start3A_219 = tpu.memref_slice %arg6[%dma_start3A_216, %dma_start3A_217, %dma_start3A_218] : memref<4x2x50xi32, #tpu.memory_space<vmem>> -> memref<1x1x50xi32, #tpu.memory_space<vmem>>
      %dma_start3A_220 = tpu.memref_squeeze %dma_start3A_219 : memref<1x1x50xi32, #tpu.memory_space<vmem>> -> memref<50xi32, #tpu.memory_space<vmem>>
      %dma_start3A_221 = arith.constant 0 : i32
      %dma_start3A_222 = arith.constant 0 : i32
      %dma_start3A_223 = tpu.memref_slice %arg12[%dma_start3A_221, %dma_start3A_222] : memref<10240x128xf32, #tpu.memory_space<vmem_shared>> -> memref<10240x128xf32, #tpu.memory_space<vmem_shared>>
      tpu.enqueue_indirect_dma source(%arg11 : memref<50x128xf32, #tpu.memory_space<vmem>>) target(%dma_start3A_223 : memref<10240x128xf32, #tpu.memory_space<vmem_shared>>) offsets(%dma_start3A_220 : memref<50xi32, #tpu.memory_space<vmem>>) semaphore(%arg22 : memref<!tpu.dma_semaphore, #tpu.memory_space<semaphore_mem>>) {add = true}
      %dma_wait3A_224 = arith.constant 0 : i32
      %dma_wait3A_225 = arith.constant 1 : i32
      %dma_wait3A_226 = arith.constant 0 : i32
      %dma_wait3A_227 = tpu.memref_slice %arg6[%dma_wait3A_224, %dma_wait3A_225, %dma_wait3A_226] : memref<4x2x50xi32, #tpu.memory_space<vmem>> -> memref<1x1x50xi32, #tpu.memory_space<vmem>>
      %dma_wait3A_228 = tpu.memref_squeeze %dma_wait3A_227 : memref<1x1x50xi32, #tpu.memory_space<vmem>> -> memref<50xi32, #tpu.memory_space<vmem>>
      %dma_wait3A_229 = arith.constant 0 : i32
      %dma_wait3A_230 = arith.constant 0 : i32
      %dma_wait3A_231 = tpu.memref_slice %arg12[%dma_wait3A_229, %dma_wait3A_230] : memref<10240x128xf32, #tpu.memory_space<vmem_shared>> -> memref<10240x128xf32, #tpu.memory_space<vmem_shared>>
      tpu.wait_indirect_dma semaphore(%arg20 : memref<!tpu.dma_semaphore, #tpu.memory_space<semaphore_mem>>) src(%arg9 : memref<50x128xf32, #tpu.memory_space<vmem>>) dst(%dma_wait3A_231 : memref<10240x128xf32, #tpu.memory_space<vmem_shared>>)
      %dma_start3A_232 = arith.constant 1 : i32
      %dma_start3A_233 = arith.constant 0 : i32
      %dma_start3A_234 = arith.constant 0 : i32
      %dma_start3A_235 = tpu.memref_slice %arg7[%dma_start3A_232, %dma_start3A_233, %dma_start3A_234] : memref<4x2x50xi32, #tpu.memory_space<vmem>> -> memref<1x1x50xi32, #tpu.memory_space<vmem>>
      %dma_start3A_236 = tpu.memref_squeeze %dma_start3A_235 : memref<1x1x50xi32, #tpu.memory_space<vmem>> -> memref<50xi32, #tpu.memory_space<vmem>>
      %dma_start3A_237 = arith.constant 0 : i32
      %dma_start3A_238 = arith.constant 0 : i32
      %dma_start3A_239 = tpu.memref_slice %arg2[%dma_start3A_237, %dma_start3A_238] : memref<10000x128xf32, #tpu.memory_space<hbm>> -> memref<10000x128xf32, #tpu.memory_space<hbm>>
      tpu.enqueue_indirect_dma source(%dma_start3A_239 : memref<10000x128xf32, #tpu.memory_space<hbm>>) target(%arg9 : memref<50x128xf32, #tpu.memory_space<vmem>>) offsets(%dma_start3A_236 : memref<50xi32, #tpu.memory_space<vmem>>) semaphore(%arg16 : memref<!tpu.dma_semaphore, #tpu.memory_space<semaphore_mem>>)
      %dma_wait3A_240 = arith.constant 0 : i32
      %dma_wait3A_241 = arith.constant 0 : i32
      %dma_wait3A_242 = arith.constant 0 : i32
      %dma_wait3A_243 = tpu.memref_slice %arg6[%dma_wait3A_240, %dma_wait3A_241, %dma_wait3A_242] : memref<4x2x50xi32, #tpu.memory_space<vmem>> -> memref<1x1x50xi32, #tpu.memory_space<vmem>>
      %dma_wait3A_244 = tpu.memref_squeeze %dma_wait3A_243 : memref<1x1x50xi32, #tpu.memory_space<vmem>> -> memref<50xi32, #tpu.memory_space<vmem>>
      %dma_wait3A_245 = arith.constant 0 : i32
      %dma_wait3A_246 = arith.constant 0 : i32
      %dma_wait3A_247 = tpu.memref_slice %arg2[%dma_wait3A_245, %dma_wait3A_246] : memref<10000x128xf32, #tpu.memory_space<hbm>> -> memref<10000x128xf32, #tpu.memory_space<hbm>>
      tpu.wait_indirect_dma semaphore(%arg15 : memref<!tpu.dma_semaphore, #tpu.memory_space<semaphore_mem>>) src(%dma_wait3A_247 : memref<10000x128xf32, #tpu.memory_space<hbm>>) dst(%arg8 : memref<50x128xf32, #tpu.memory_space<vmem>>)
      %dma_start3A_248 = arith.constant 0 : i32
      %dma_start3A_249 = arith.constant 1 : i32
      %dma_start3A_250 = arith.constant 0 : i32
      %dma_start3A_251 = tpu.memref_slice %arg7[%dma_start3A_248, %dma_start3A_249, %dma_start3A_250] : memref<4x2x50xi32, #tpu.memory_space<vmem>> -> memref<1x1x50xi32, #tpu.memory_space<vmem>>
      %dma_start3A_252 = tpu.memref_squeeze %dma_start3A_251 : memref<1x1x50xi32, #tpu.memory_space<vmem>> -> memref<50xi32, #tpu.memory_space<vmem>>
      %dma_start3A_253 = arith.constant 0 : i32
      %dma_start3A_254 = arith.constant 0 : i32
      %dma_start3A_255 = tpu.memref_slice %arg12[%dma_start3A_253, %dma_start3A_254] : memref<10240x128xf32, #tpu.memory_space<vmem_shared>> -> memref<10240x128xf32, #tpu.memory_space<vmem_shared>>
      tpu.enqueue_indirect_dma source(%arg8 : memref<50x128xf32, #tpu.memory_space<vmem>>) target(%dma_start3A_255 : memref<10240x128xf32, #tpu.memory_space<vmem_shared>>) offsets(%dma_start3A_252 : memref<50xi32, #tpu.memory_space<vmem>>) semaphore(%arg19 : memref<!tpu.dma_semaphore, #tpu.memory_space<semaphore_mem>>) {add = true}
      %dma_wait3A_256 = arith.constant 0 : i32
      %dma_wait3A_257 = arith.constant 1 : i32
      %dma_wait3A_258 = arith.constant 0 : i32
      %dma_wait3A_259 = tpu.memref_slice %arg6[%dma_wait3A_256, %dma_wait3A_257, %dma_wait3A_258] : memref<4x2x50xi32, #tpu.memory_space<vmem>> -> memref<1x1x50xi32, #tpu.memory_space<vmem>>
      %dma_wait3A_260 = tpu.memref_squeeze %dma_wait3A_259 : memref<1x1x50xi32, #tpu.memory_space<vmem>> -> memref<50xi32, #tpu.memory_space<vmem>>
      %dma_wait3A_261 = arith.constant 0 : i32
      %dma_wait3A_262 = arith.constant 0 : i32
      %dma_wait3A_263 = tpu.memref_slice %arg12[%dma_wait3A_261, %dma_wait3A_262] : memref<10240x128xf32, #tpu.memory_space<vmem_shared>> -> memref<10240x128xf32, #tpu.memory_space<vmem_shared>>
      tpu.wait_indirect_dma semaphore(%arg21 : memref<!tpu.dma_semaphore, #tpu.memory_space<semaphore_mem>>) src(%arg10 : memref<50x128xf32, #tpu.memory_space<vmem>>) dst(%dma_wait3A_263 : memref<10240x128xf32, #tpu.memory_space<vmem_shared>>)
      %dma_start3A_264 = arith.constant 2 : i32
      %dma_start3A_265 = arith.constant 0 : i32
      %dma_start3A_266 = arith.constant 0 : i32
      %dma_start3A_267 = tpu.memref_slice %arg7[%dma_start3A_264, %dma_start3A_265, %dma_start3A_266] : memref<4x2x50xi32, #tpu.memory_space<vmem>> -> memref<1x1x50xi32, #tpu.memory_space<vmem>>
      %dma_start3A_268 = tpu.memref_squeeze %dma_start3A_267 : memref<1x1x50xi32, #tpu.memory_space<vmem>> -> memref<50xi32, #tpu.memory_space<vmem>>
      %dma_start3A_269 = arith.constant 0 : i32
      %dma_start3A_270 = arith.constant 0 : i32
      %dma_start3A_271 = tpu.memref_slice %arg2[%dma_start3A_269, %dma_start3A_270] : memref<10000x128xf32, #tpu.memory_space<hbm>> -> memref<10000x128xf32, #tpu.memory_space<hbm>>
      tpu.enqueue_indirect_dma source(%dma_start3A_271 : memref<10000x128xf32, #tpu.memory_space<hbm>>) target(%arg10 : memref<50x128xf32, #tpu.memory_space<vmem>>) offsets(%dma_start3A_268 : memref<50xi32, #tpu.memory_space<vmem>>) semaphore(%arg17 : memref<!tpu.dma_semaphore, #tpu.memory_space<semaphore_mem>>)
      %add3A_272 = arith.constant 8 : i32
      %add3A_273 = arith.addi %add3A_97, %add3A_272 : i32
      %min3A = arith.minsi %add3A_273, %sub3A_7 : i32
      %dma_start3A_274 = arith.constant 0 : i32
      %dma_start3A_275 = arith.constant 0 : i32
      %dma_start3A_276 = tpu.memref_slice %arg3[%min3A, %dma_start3A_274, %dma_start3A_275] : memref<6400x2x50xi32, #tpu.memory_space<hbm>> -> memref<4x2x50xi32, #tpu.memory_space<hbm>>
      %dma_start3A_277 = arith.constant 0 : i32
      %dma_start3A_278 = arith.constant 0 : i32
      %dma_start3A_279 = tpu.memref_slice %arg3[%min3A, %dma_start3A_277, %dma_start3A_278] : memref<6400x2x50xi32, #tpu.memory_space<hbm>> -> memref<4x2x50xi32, #tpu.memory_space<hbm>>
      tpu.enqueue_dma source(%dma_start3A_279 : memref<4x2x50xi32, #tpu.memory_space<hbm>>) target(%arg6 : memref<4x2x50xi32, #tpu.memory_space<vmem>>) target_semaphore(%arg13 : memref<!tpu.dma_semaphore, #tpu.memory_space<semaphore_mem>>)
      %dma_wait3A_280 = arith.constant 0 : i32
      %dma_wait3A_281 = arith.constant 0 : i32
      %dma_wait3A_282 = arith.constant 0 : i32
      %dma_wait3A_283 = tpu.memref_slice %arg6[%dma_wait3A_280, %dma_wait3A_281, %dma_wait3A_282] : memref<4x2x50xi32, #tpu.memory_space<vmem>> -> memref<1x1x50xi32, #tpu.memory_space<vmem>>
      %dma_wait3A_284 = tpu.memref_squeeze %dma_wait3A_283 : memref<1x1x50xi32, #tpu.memory_space<vmem>> -> memref<50xi32, #tpu.memory_space<vmem>>
      %dma_wait3A_285 = arith.constant 0 : i32
      %dma_wait3A_286 = arith.constant 0 : i32
      %dma_wait3A_287 = tpu.memref_slice %arg2[%dma_wait3A_285, %dma_wait3A_286] : memref<10000x128xf32, #tpu.memory_space<hbm>> -> memref<10000x128xf32, #tpu.memory_space<hbm>>
      tpu.wait_indirect_dma semaphore(%arg16 : memref<!tpu.dma_semaphore, #tpu.memory_space<semaphore_mem>>) src(%dma_wait3A_287 : memref<10000x128xf32, #tpu.memory_space<hbm>>) dst(%arg9 : memref<50x128xf32, #tpu.memory_space<vmem>>)
      %dma_start3A_288 = arith.constant 1 : i32
      %dma_start3A_289 = arith.constant 1 : i32
      %dma_start3A_290 = arith.constant 0 : i32
      %dma_start3A_291 = tpu.memref_slice %arg7[%dma_start3A_288, %dma_start3A_289, %dma_start3A_290] : memref<4x2x50xi32, #tpu.memory_space<vmem>> -> memref<1x1x50xi32, #tpu.memory_space<vmem>>
      %dma_start3A_292 = tpu.memref_squeeze %dma_start3A_291 : memref<1x1x50xi32, #tpu.memory_space<vmem>> -> memref<50xi32, #tpu.memory_space<vmem>>
      %dma_start3A_293 = arith.constant 0 : i32
      %dma_start3A_294 = arith.constant 0 : i32
      %dma_start3A_295 = tpu.memref_slice %arg12[%dma_start3A_293, %dma_start3A_294] : memref<10240x128xf32, #tpu.memory_space<vmem_shared>> -> memref<10240x128xf32, #tpu.memory_space<vmem_shared>>
      tpu.enqueue_indirect_dma source(%arg9 : memref<50x128xf32, #tpu.memory_space<vmem>>) target(%dma_start3A_295 : memref<10240x128xf32, #tpu.memory_space<vmem_shared>>) offsets(%dma_start3A_292 : memref<50xi32, #tpu.memory_space<vmem>>) semaphore(%arg20 : memref<!tpu.dma_semaphore, #tpu.memory_space<semaphore_mem>>) {add = true}
      %dma_wait3A_296 = arith.constant 0 : i32
      %dma_wait3A_297 = arith.constant 1 : i32
      %dma_wait3A_298 = arith.constant 0 : i32
      %dma_wait3A_299 = tpu.memref_slice %arg6[%dma_wait3A_296, %dma_wait3A_297, %dma_wait3A_298] : memref<4x2x50xi32, #tpu.memory_space<vmem>> -> memref<1x1x50xi32, #tpu.memory_space<vmem>>
      %dma_wait3A_300 = tpu.memref_squeeze %dma_wait3A_299 : memref<1x1x50xi32, #tpu.memory_space<vmem>> -> memref<50xi32, #tpu.memory_space<vmem>>
      %dma_wait3A_301 = arith.constant 0 : i32
      %dma_wait3A_302 = arith.constant 0 : i32
      %dma_wait3A_303 = tpu.memref_slice %arg12[%dma_wait3A_301, %dma_wait3A_302] : memref<10240x128xf32, #tpu.memory_space<vmem_shared>> -> memref<10240x128xf32, #tpu.memory_space<vmem_shared>>
      tpu.wait_indirect_dma semaphore(%arg22 : memref<!tpu.dma_semaphore, #tpu.memory_space<semaphore_mem>>) src(%arg11 : memref<50x128xf32, #tpu.memory_space<vmem>>) dst(%dma_wait3A_303 : memref<10240x128xf32, #tpu.memory_space<vmem_shared>>)
      %dma_start3A_304 = arith.constant 3 : i32
      %dma_start3A_305 = arith.constant 0 : i32
      %dma_start3A_306 = arith.constant 0 : i32
      %dma_start3A_307 = tpu.memref_slice %arg7[%dma_start3A_304, %dma_start3A_305, %dma_start3A_306] : memref<4x2x50xi32, #tpu.memory_space<vmem>> -> memref<1x1x50xi32, #tpu.memory_space<vmem>>
      %dma_start3A_308 = tpu.memref_squeeze %dma_start3A_307 : memref<1x1x50xi32, #tpu.memory_space<vmem>> -> memref<50xi32, #tpu.memory_space<vmem>>
      %dma_start3A_309 = arith.constant 0 : i32
      %dma_start3A_310 = arith.constant 0 : i32
      %dma_start3A_311 = tpu.memref_slice %arg2[%dma_start3A_309, %dma_start3A_310] : memref<10000x128xf32, #tpu.memory_space<hbm>> -> memref<10000x128xf32, #tpu.memory_space<hbm>>
      tpu.enqueue_indirect_dma source(%dma_start3A_311 : memref<10000x128xf32, #tpu.memory_space<hbm>>) target(%arg11 : memref<50x128xf32, #tpu.memory_space<vmem>>) offsets(%dma_start3A_308 : memref<50xi32, #tpu.memory_space<vmem>>) semaphore(%arg18 : memref<!tpu.dma_semaphore, #tpu.memory_space<semaphore_mem>>)
      %dma_wait3A_312 = arith.constant 0 : i32
      %dma_wait3A_313 = arith.constant 0 : i32
      %dma_wait3A_314 = arith.constant 0 : i32
      %dma_wait3A_315 = tpu.memref_slice %arg6[%dma_wait3A_312, %dma_wait3A_313, %dma_wait3A_314] : memref<4x2x50xi32, #tpu.memory_space<vmem>> -> memref<1x1x50xi32, #tpu.memory_space<vmem>>
      %dma_wait3A_316 = tpu.memref_squeeze %dma_wait3A_315 : memref<1x1x50xi32, #tpu.memory_space<vmem>> -> memref<50xi32, #tpu.memory_space<vmem>>
      %dma_wait3A_317 = arith.constant 0 : i32
      %dma_wait3A_318 = arith.constant 0 : i32
      %dma_wait3A_319 = tpu.memref_slice %arg2[%dma_wait3A_317, %dma_wait3A_318] : memref<10000x128xf32, #tpu.memory_space<hbm>> -> memref<10000x128xf32, #tpu.memory_space<hbm>>
      tpu.wait_indirect_dma semaphore(%arg17 : memref<!tpu.dma_semaphore, #tpu.memory_space<semaphore_mem>>) src(%dma_wait3A_319 : memref<10000x128xf32, #tpu.memory_space<hbm>>) dst(%arg10 : memref<50x128xf32, #tpu.memory_space<vmem>>)
      %dma_start3A_320 = arith.constant 2 : i32
      %dma_start3A_321 = arith.constant 1 : i32
      %dma_start3A_322 = arith.constant 0 : i32
      %dma_start3A_323 = tpu.memref_slice %arg7[%dma_start3A_320, %dma_start3A_321, %dma_start3A_322] : memref<4x2x50xi32, #tpu.memory_space<vmem>> -> memref<1x1x50xi32, #tpu.memory_space<vmem>>
      %dma_start3A_324 = tpu.memref_squeeze %dma_start3A_323 : memref<1x1x50xi32, #tpu.memory_space<vmem>> -> memref<50xi32, #tpu.memory_space<vmem>>
      %dma_start3A_325 = arith.constant 0 : i32
      %dma_start3A_326 = arith.constant 0 : i32
      %dma_start3A_327 = tpu.memref_slice %arg12[%dma_start3A_325, %dma_start3A_326] : memref<10240x128xf32, #tpu.memory_space<vmem_shared>> -> memref<10240x128xf32, #tpu.memory_space<vmem_shared>>
      tpu.enqueue_indirect_dma source(%arg10 : memref<50x128xf32, #tpu.memory_space<vmem>>) target(%dma_start3A_327 : memref<10240x128xf32, #tpu.memory_space<vmem_shared>>) offsets(%dma_start3A_324 : memref<50xi32, #tpu.memory_space<vmem>>) semaphore(%arg21 : memref<!tpu.dma_semaphore, #tpu.memory_space<semaphore_mem>>) {add = true}
      %dma_wait3A_328 = arith.constant 0 : i32
      %dma_wait3A_329 = arith.constant 1 : i32
      %dma_wait3A_330 = arith.constant 0 : i32
      %dma_wait3A_331 = tpu.memref_slice %arg6[%dma_wait3A_328, %dma_wait3A_329, %dma_wait3A_330] : memref<4x2x50xi32, #tpu.memory_space<vmem>> -> memref<1x1x50xi32, #tpu.memory_space<vmem>>
      %dma_wait3A_332 = tpu.memref_squeeze %dma_wait3A_331 : memref<1x1x50xi32, #tpu.memory_space<vmem>> -> memref<50xi32, #tpu.memory_space<vmem>>
      %dma_wait3A_333 = arith.constant 0 : i32
      %dma_wait3A_334 = arith.constant 0 : i32
      %dma_wait3A_335 = tpu.memref_slice %arg12[%dma_wait3A_333, %dma_wait3A_334] : memref<10240x128xf32, #tpu.memory_space<vmem_shared>> -> memref<10240x128xf32, #tpu.memory_space<vmem_shared>>
      tpu.wait_indirect_dma semaphore(%arg19 : memref<!tpu.dma_semaphore, #tpu.memory_space<semaphore_mem>>) src(%arg8 : memref<50x128xf32, #tpu.memory_space<vmem>>) dst(%dma_wait3A_335 : memref<10240x128xf32, #tpu.memory_space<vmem_shared>>)
      %dma_wait3A_336 = arith.constant 0 : i32
      %dma_wait3A_337 = arith.constant 0 : i32
      %dma_wait3A_338 = tpu.memref_slice %arg3[%mul3A_4, %dma_wait3A_336, %dma_wait3A_337] : memref<6400x2x50xi32, #tpu.memory_space<hbm>> -> memref<4x2x50xi32, #tpu.memory_space<hbm>>
      %dma_wait3A_339 = arith.constant 0 : i32
      %dma_wait3A_340 = arith.constant 0 : i32
      %dma_wait3A_341 = tpu.memref_slice %arg3[%mul3A_4, %dma_wait3A_339, %dma_wait3A_340] : memref<6400x2x50xi32, #tpu.memory_space<hbm>> -> memref<4x2x50xi32, #tpu.memory_space<hbm>>
      tpu.wait_dma2 semaphore(%arg13 : memref<!tpu.dma_semaphore, #tpu.memory_space<semaphore_mem>>) src(%dma_wait3A_341 : memref<4x2x50xi32, #tpu.memory_space<hbm>>) dst(%arg6 : memref<4x2x50xi32, #tpu.memory_space<vmem>>)
      %dma_start3A_342 = arith.constant 0 : i32
      %dma_start3A_343 = arith.constant 0 : i32
      %dma_start3A_344 = arith.constant 0 : i32
      %dma_start3A_345 = tpu.memref_slice %arg6[%dma_start3A_342, %dma_start3A_343, %dma_start3A_344] : memref<4x2x50xi32, #tpu.memory_space<vmem>> -> memref<1x1x50xi32, #tpu.memory_space<vmem>>
      %dma_start3A_346 = tpu.memref_squeeze %dma_start3A_345 : memref<1x1x50xi32, #tpu.memory_space<vmem>> -> memref<50xi32, #tpu.memory_space<vmem>>
      %dma_start3A_347 = arith.constant 0 : i32
      %dma_start3A_348 = arith.constant 0 : i32
      %dma_start3A_349 = tpu.memref_slice %arg2[%dma_start3A_347, %dma_start3A_348] : memref<10000x128xf32, #tpu.memory_space<hbm>> -> memref<10000x128xf32, #tpu.memory_space<hbm>>
      tpu.enqueue_indirect_dma source(%dma_start3A_349 : memref<10000x128xf32, #tpu.memory_space<hbm>>) target(%arg8 : memref<50x128xf32, #tpu.memory_space<vmem>>) offsets(%dma_start3A_346 : memref<50xi32, #tpu.memory_space<vmem>>) semaphore(%arg15 : memref<!tpu.dma_semaphore, #tpu.memory_space<semaphore_mem>>)
      %dma_wait3A_350 = arith.constant 0 : i32
      %dma_wait3A_351 = arith.constant 0 : i32
      %dma_wait3A_352 = arith.constant 0 : i32
      %dma_wait3A_353 = tpu.memref_slice %arg6[%dma_wait3A_350, %dma_wait3A_351, %dma_wait3A_352] : memref<4x2x50xi32, #tpu.memory_space<vmem>> -> memref<1x1x50xi32, #tpu.memory_space<vmem>>
      %dma_wait3A_354 = tpu.memref_squeeze %dma_wait3A_353 : memref<1x1x50xi32, #tpu.memory_space<vmem>> -> memref<50xi32, #tpu.memory_space<vmem>>
      %dma_wait3A_355 = arith.constant 0 : i32
      %dma_wait3A_356 = arith.constant 0 : i32
      %dma_wait3A_357 = tpu.memref_slice %arg2[%dma_wait3A_355, %dma_wait3A_356] : memref<10000x128xf32, #tpu.memory_space<hbm>> -> memref<10000x128xf32, #tpu.memory_space<hbm>>
      tpu.wait_indirect_dma semaphore(%arg18 : memref<!tpu.dma_semaphore, #tpu.memory_space<semaphore_mem>>) src(%dma_wait3A_357 : memref<10000x128xf32, #tpu.memory_space<hbm>>) dst(%arg11 : memref<50x128xf32, #tpu.memory_space<vmem>>)
      %dma_start3A_358 = arith.constant 3 : i32
      %dma_start3A_359 = arith.constant 1 : i32
      %dma_start3A_360 = arith.constant 0 : i32
      %dma_start3A_361 = tpu.memref_slice %arg7[%dma_start3A_358, %dma_start3A_359, %dma_start3A_360] : memref<4x2x50xi32, #tpu.memory_space<vmem>> -> memref<1x1x50xi32, #tpu.memory_space<vmem>>
      %dma_start3A_362 = tpu.memref_squeeze %dma_start3A_361 : memref<1x1x50xi32, #tpu.memory_space<vmem>> -> memref<50xi32, #tpu.memory_space<vmem>>
      %dma_start3A_363 = arith.constant 0 : i32
      %dma_start3A_364 = arith.constant 0 : i32
      %dma_start3A_365 = tpu.memref_slice %arg12[%dma_start3A_363, %dma_start3A_364] : memref<10240x128xf32, #tpu.memory_space<vmem_shared>> -> memref<10240x128xf32, #tpu.memory_space<vmem_shared>>
      tpu.enqueue_indirect_dma source(%arg11 : memref<50x128xf32, #tpu.memory_space<vmem>>) target(%dma_start3A_365 : memref<10240x128xf32, #tpu.memory_space<vmem_shared>>) offsets(%dma_start3A_362 : memref<50xi32, #tpu.memory_space<vmem>>) semaphore(%arg22 : memref<!tpu.dma_semaphore, #tpu.memory_space<semaphore_mem>>) {add = true}
      %dma_wait3A_366 = arith.constant 0 : i32
      %dma_wait3A_367 = arith.constant 1 : i32
      %dma_wait3A_368 = arith.constant 0 : i32
      %dma_wait3A_369 = tpu.memref_slice %arg6[%dma_wait3A_366, %dma_wait3A_367, %dma_wait3A_368] : memref<4x2x50xi32, #tpu.memory_space<vmem>> -> memref<1x1x50xi32, #tpu.memory_space<vmem>>
      %dma_wait3A_370 = tpu.memref_squeeze %dma_wait3A_369 : memref<1x1x50xi32, #tpu.memory_space<vmem>> -> memref<50xi32, #tpu.memory_space<vmem>>
      %dma_wait3A_371 = arith.constant 0 : i32
      %dma_wait3A_372 = arith.constant 0 : i32
      %dma_wait3A_373 = tpu.memref_slice %arg12[%dma_wait3A_371, %dma_wait3A_372] : memref<10240x128xf32, #tpu.memory_space<vmem_shared>> -> memref<10240x128xf32, #tpu.memory_space<vmem_shared>>
      tpu.wait_indirect_dma semaphore(%arg20 : memref<!tpu.dma_semaphore, #tpu.memory_space<semaphore_mem>>) src(%arg9 : memref<50x128xf32, #tpu.memory_space<vmem>>) dst(%dma_wait3A_373 : memref<10240x128xf32, #tpu.memory_space<vmem_shared>>)
      %dma_start3A_374 = arith.constant 1 : i32
      %dma_start3A_375 = arith.constant 0 : i32
      %dma_start3A_376 = arith.constant 0 : i32
      %dma_start3A_377 = tpu.memref_slice %arg6[%dma_start3A_374, %dma_start3A_375, %dma_start3A_376] : memref<4x2x50xi32, #tpu.memory_space<vmem>> -> memref<1x1x50xi32, #tpu.memory_space<vmem>>
      %dma_start3A_378 = tpu.memref_squeeze %dma_start3A_377 : memref<1x1x50xi32, #tpu.memory_space<vmem>> -> memref<50xi32, #tpu.memory_space<vmem>>
      %dma_start3A_379 = arith.constant 0 : i32
      %dma_start3A_380 = arith.constant 0 : i32
      %dma_start3A_381 = tpu.memref_slice %arg2[%dma_start3A_379, %dma_start3A_380] : memref<10000x128xf32, #tpu.memory_space<hbm>> -> memref<10000x128xf32, #tpu.memory_space<hbm>>
      tpu.enqueue_indirect_dma source(%dma_start3A_381 : memref<10000x128xf32, #tpu.memory_space<hbm>>) target(%arg9 : memref<50x128xf32, #tpu.memory_space<vmem>>) offsets(%dma_start3A_378 : memref<50xi32, #tpu.memory_space<vmem>>) semaphore(%arg16 : memref<!tpu.dma_semaphore, #tpu.memory_space<semaphore_mem>>)
    }
    %scan3A_60 = arith.constant 25 : i32
    %dma_wait3A_61 = arith.constant 0 : i32
    %dma_wait3A_62 = arith.constant 1 : i32
    %dma_wait3A_63 = arith.constant 0 : i32
    %dma_wait3A_64 = tpu.memref_slice %arg6[%dma_wait3A_61, %dma_wait3A_62, %dma_wait3A_63] : memref<4x2x50xi32, #tpu.memory_space<vmem>> -> memref<1x1x50xi32, #tpu.memory_space<vmem>>
    %dma_wait3A_65 = tpu.memref_squeeze %dma_wait3A_64 : memref<1x1x50xi32, #tpu.memory_space<vmem>> -> memref<50xi32, #tpu.memory_space<vmem>>
    %dma_wait3A_66 = arith.constant 0 : i32
    %dma_wait3A_67 = arith.constant 0 : i32
    %dma_wait3A_68 = tpu.memref_slice %arg12[%dma_wait3A_66, %dma_wait3A_67] : memref<10240x128xf32, #tpu.memory_space<vmem_shared>> -> memref<10240x128xf32, #tpu.memory_space<vmem_shared>>
    tpu.wait_indirect_dma semaphore(%arg21 : memref<!tpu.dma_semaphore, #tpu.memory_space<semaphore_mem>>) src(%arg10 : memref<50x128xf32, #tpu.memory_space<vmem>>) dst(%dma_wait3A_68 : memref<10240x128xf32, #tpu.memory_space<vmem_shared>>)
    %dma_wait3A_69 = arith.constant 0 : i32
    %dma_wait3A_70 = arith.constant 1 : i32
    %dma_wait3A_71 = arith.constant 0 : i32
    %dma_wait3A_72 = tpu.memref_slice %arg6[%dma_wait3A_69, %dma_wait3A_70, %dma_wait3A_71] : memref<4x2x50xi32, #tpu.memory_space<vmem>> -> memref<1x1x50xi32, #tpu.memory_space<vmem>>
    %dma_wait3A_73 = tpu.memref_squeeze %dma_wait3A_72 : memref<1x1x50xi32, #tpu.memory_space<vmem>> -> memref<50xi32, #tpu.memory_space<vmem>>
    %dma_wait3A_74 = arith.constant 0 : i32
    %dma_wait3A_75 = arith.constant 0 : i32
    %dma_wait3A_76 = tpu.memref_slice %arg12[%dma_wait3A_74, %dma_wait3A_75] : memref<10240x128xf32, #tpu.memory_space<vmem_shared>> -> memref<10240x128xf32, #tpu.memory_space<vmem_shared>>
    tpu.wait_indirect_dma semaphore(%arg22 : memref<!tpu.dma_semaphore, #tpu.memory_space<semaphore_mem>>) src(%arg11 : memref<50x128xf32, #tpu.memory_space<vmem>>) dst(%dma_wait3A_76 : memref<10240x128xf32, #tpu.memory_space<vmem_shared>>)
    %dma_wait3A_77 = arith.constant 0 : i32
    %dma_wait3A_78 = arith.constant 0 : i32
    %dma_wait3A_79 = arith.constant 0 : i32
    %dma_wait3A_80 = tpu.memref_slice %arg6[%dma_wait3A_77, %dma_wait3A_78, %dma_wait3A_79] : memref<4x2x50xi32, #tpu.memory_space<vmem>> -> memref<1x1x50xi32, #tpu.memory_space<vmem>>
    %dma_wait3A_81 = tpu.memref_squeeze %dma_wait3A_80 : memref<1x1x50xi32, #tpu.memory_space<vmem>> -> memref<50xi32, #tpu.memory_space<vmem>>
    %dma_wait3A_82 = arith.constant 0 : i32
    %dma_wait3A_83 = arith.constant 0 : i32
    %dma_wait3A_84 = tpu.memref_slice %arg2[%dma_wait3A_82, %dma_wait3A_83] : memref<10000x128xf32, #tpu.memory_space<hbm>> -> memref<10000x128xf32, #tpu.memory_space<hbm>>
    tpu.wait_indirect_dma semaphore(%arg15 : memref<!tpu.dma_semaphore, #tpu.memory_space<semaphore_mem>>) src(%dma_wait3A_84 : memref<10000x128xf32, #tpu.memory_space<hbm>>) dst(%arg8 : memref<50x128xf32, #tpu.memory_space<vmem>>)
    %dma_wait3A_85 = arith.constant 0 : i32
    %dma_wait3A_86 = arith.constant 0 : i32
    %dma_wait3A_87 = arith.constant 0 : i32
    %dma_wait3A_88 = tpu.memref_slice %arg6[%dma_wait3A_85, %dma_wait3A_86, %dma_wait3A_87] : memref<4x2x50xi32, #tpu.memory_space<vmem>> -> memref<1x1x50xi32, #tpu.memory_space<vmem>>
    %dma_wait3A_89 = tpu.memref_squeeze %dma_wait3A_88 : memref<1x1x50xi32, #tpu.memory_space<vmem>> -> memref<50xi32, #tpu.memory_space<vmem>>
    %dma_wait3A_90 = arith.constant 0 : i32
    %dma_wait3A_91 = arith.constant 0 : i32
    %dma_wait3A_92 = tpu.memref_slice %arg2[%dma_wait3A_90, %dma_wait3A_91] : memref<10000x128xf32, #tpu.memory_space<hbm>> -> memref<10000x128xf32, #tpu.memory_space<hbm>>
    tpu.wait_indirect_dma semaphore(%arg16 : memref<!tpu.dma_semaphore, #tpu.memory_space<semaphore_mem>>) src(%dma_wait3A_92 : memref<10000x128xf32, #tpu.memory_space<hbm>>) dst(%arg9 : memref<50x128xf32, #tpu.memory_space<vmem>>)
    %barrier3A_93 = arith.constant 0 : index
    tpu.barrier barrier_id(%barrier3A_93)
    "tpu.region"() ({
      %run_scoped3A = tpu.sem_alloc : memref<!tpu.dma_semaphore, #tpu.memory_space<semaphore_mem>>
      %dma_start3A_94 = arith.constant 0 : i32
      %dma_start3A_95 = tpu.memref_slice %arg5[%arg0, %multiple_of3A, %dma_start3A_94] : memref<2x10240x128xf32, #tpu.memory_space<hbm>> -> memref<1x640x128xf32, #tpu.memory_space<hbm>>
      %dma_start3A_96 = tpu.memref_squeeze %dma_start3A_95 : memref<1x640x128xf32, #tpu.memory_space<hbm>> -> memref<640x128xf32, #tpu.memory_space<hbm>>
      %dma_start3A_97 = arith.constant 0 : i32
      %dma_start3A_98 = tpu.memref_slice %arg12[%multiple_of3A, %dma_start3A_97] : memref<10240x128xf32, #tpu.memory_space<vmem_shared>> -> memref<640x128xf32, #tpu.memory_space<vmem_shared>>
      tpu.enqueue_dma source(%dma_start3A_98 : memref<640x128xf32, #tpu.memory_space<vmem_shared>>) target(%dma_start3A_96 : memref<640x128xf32, #tpu.memory_space<hbm>>) target_semaphore(%run_scoped3A : memref<!tpu.dma_semaphore, #tpu.memory_space<semaphore_mem>>)
      %dma_wait3A_99 = arith.constant 0 : i32
      %dma_wait3A_100 = tpu.memref_slice %arg5[%arg0, %multiple_of3A, %dma_wait3A_99] : memref<2x10240x128xf32, #tpu.memory_space<hbm>> -> memref<1x640x128xf32, #tpu.memory_space<hbm>>
      %dma_wait3A_101 = tpu.memref_squeeze %dma_wait3A_100 : memref<1x640x128xf32, #tpu.memory_space<hbm>> -> memref<640x128xf32, #tpu.memory_space<hbm>>
      %dma_wait3A_102 = arith.constant 0 : i32
      %dma_wait3A_103 = tpu.memref_slice %arg12[%multiple_of3A, %dma_wait3A_102] : memref<10240x128xf32, #tpu.memory_space<vmem_shared>> -> memref<640x128xf32, #tpu.memory_space<vmem_shared>>
      tpu.wait_dma2 semaphore(%run_scoped3A : memref<!tpu.dma_semaphore, #tpu.memory_space<semaphore_mem>>) src(%dma_wait3A_103 : memref<640x128xf32, #tpu.memory_space<vmem_shared>>) dst(%dma_wait3A_101 : memref<640x128xf32, #tpu.memory_space<hbm>>)
      tpu.yield
    }) : () -> ()
    return
  }
}

#map = affine_map<(d0, d1) -> (0, 0)>
#map1 = affine_map<(d0, d1) -> (0, 0, 0)>
module attributes {stable_mosaic.version = 14 : i64} {
  func.func @k(%arg0: i32, %arg1: i32, %arg2: memref<10000x128xf32, #tpu.memory_space<hbm>>, %arg3: memref<6400x2x50xi32, #tpu.memory_space<hbm>>, %arg4: memref<640x128xf32, #tpu.memory_space<hbm>>, %arg5: memref<2x10240x128xf32, #tpu.memory_space<hbm>>, %arg6: memref<4x2x50xi32, #tpu.memory_space<vmem>>, %arg7: memref<4x2x50xi32, #tpu.memory_space<vmem>>, %arg8: memref<50x128xf32, #tpu.memory_space<vmem>>, %arg9: memref<50x128xf32, #tpu.memory_space<vmem>>, %arg10: memref<50x128xf32, #tpu.memory_space<vmem>>, %arg11: memref<50x128xf32, #tpu.memory_space<vmem>>, %arg12: memref<10240x128xf32, #tpu.memory_space<vmem_shared>>, %arg13: memref<!tpu.dma_semaphore, #tpu.memory_space<semaphore_mem>>, %arg14: memref<!tpu.dma_semaphore, #tpu.memory_space<semaphore_mem>>, %arg15: memref<!tpu.dma_semaphore, #tpu.memory_space<semaphore_mem>>, %arg16: memref<!tpu.dma_semaphore, #tpu.memory_space<semaphore_mem>>, %arg17: memref<!tpu.dma_semaphore, #tpu.memory_space<semaphore_mem>>, %arg18: memref<!tpu.dma_semaphore, #tpu.memory_space<semaphore_mem>>, %arg19: memref<!tpu.dma_semaphore, #tpu.memory_space<semaphore_mem>>, %arg20: memref<!tpu.dma_semaphore, #tpu.memory_space<semaphore_mem>>, %arg21: memref<!tpu.dma_semaphore, #tpu.memory_space<semaphore_mem>>, %arg22: memref<!tpu.dma_semaphore, #tpu.memory_space<semaphore_mem>>) attributes {dimension_semantics = [#tpu.dimension_semantics<core_parallel>, #tpu.dimension_semantics<subcore_parallel>], iteration_bounds = array<i64: 2, 16>, scalar_prefetch = 0 : i64, scratch_operands = 17 : i64, tpu.core_type = #tpu.core_type<sc_vector_subcore>, window_params = [{transform_indices = #map}, {transform_indices = #map1}, {transform_indices = #map}, {transform_indices = #map1}]} {
    %mul3A = arith.constant 2 : i32
    %mul3A_0 = arith.muli %arg1, %mul3A : i32
    %add3A = arith.addi %mul3A_0, %arg0 : i32
    %mul3A_1 = arith.constant 640 : i32
    %mul3A_2 = arith.muli %arg1, %mul3A_1 : i32
    %multiple_of3A = tpu.assume_multiple %mul3A_2, 8 : i32
    %mul3A_3 = arith.constant 200 : i32
    %mul3A_4 = arith.muli %add3A, %mul3A_3 : i32
    %add3A_5 = arith.constant 200 : i32
    %add3A_6 = arith.addi %mul3A_4, %add3A_5 : i32
    %sub3A = arith.constant 4 : i32
    %sub3A_7 = arith.subi %add3A_6, %sub3A : i32
    %dma_start3A = arith.constant 0 : i32
    %dma_start3A_8 = arith.constant 0 : i32
    %dma_start3A_9 = tpu.memref_slice %arg3[%mul3A_4, %dma_start3A, %dma_start3A_8] : memref<6400x2x50xi32, #tpu.memory_space<hbm>> -> memref<4x2x50xi32, #tpu.memory_space<hbm>>
    %dma_start3A_10 = arith.constant 0 : i32
    %dma_start3A_11 = arith.constant 0 : i32
    %dma_start3A_12 = tpu.memref_slice %arg3[%mul3A_4, %dma_start3A_10, %dma_start3A_11] : memref<6400x2x50xi32, #tpu.memory_space<hbm>> -> memref<4x2x50xi32, #tpu.memory_space<hbm>>
    tpu.enqueue_dma source(%dma_start3A_12 : memref<4x2x50xi32, #tpu.memory_space<hbm>>) target(%arg6 : memref<4x2x50xi32, #tpu.memory_space<vmem>>) target_semaphore(%arg13 : memref<!tpu.dma_semaphore, #tpu.memory_space<semaphore_mem>>)
    %scan3A = arith.constant 0 : i32
    %scan3A_13 = arith.constant 0 : i32
    %scan3A_14 = arith.constant 50 : i32
    %scan3A_15 = arith.addi %scan3A_13, %scan3A_14 : i32
    %scan3A_16 = arith.constant 1 : i32
    scf.for %scan3A_94 = %scan3A_13 to %scan3A_15 step %scan3A_16  : i32 {
      %broadcast_in_dim3A = arith.constant 0.000000e+00 : f32
      %broadcast_in_dim3A_95 = vector.broadcast %broadcast_in_dim3A : f32 to vector<16xf32>
      %swap3A = arith.index_cast %scan3A_94 : i32 to index
      %swap3A_96 = arith.constant 0 : index
      %swap3A_97 = tpu.vector_load %arg10[%swap3A, %swap3A_96] {strides = array<i32>} : memref<50x128xf32, #tpu.memory_space<vmem>>, vector<1x16xf32>,
      %swap3A_98 = vector.shape_cast %swap3A_97 : vector<1x16xf32> to vector<16xf32>
      %swap3A_99 = vector.shape_cast %broadcast_in_dim3A_95 : vector<16xf32> to vector<1x16xf32>
      tpu.vector_store %arg10[%swap3A, %swap3A_96], %swap3A_99 {strides = array<i32>} : memref<50x128xf32, #tpu.memory_space<vmem>>, vector<1x16xf32>,
      %broadcast_in_dim3A_100 = arith.constant 0.000000e+00 : f32
      %broadcast_in_dim3A_101 = vector.broadcast %broadcast_in_dim3A_100 : f32 to vector<16xf32>
      %swap3A_102 = arith.index_cast %scan3A_94 : i32 to index
      %swap3A_103 = arith.constant 0 : index
      %swap3A_104 = tpu.vector_load %arg11[%swap3A_102, %swap3A_103] {strides = array<i32>} : memref<50x128xf32, #tpu.memory_space<vmem>>, vector<1x16xf32>,
      %swap3A_105 = vector.shape_cast %swap3A_104 : vector<1x16xf32> to vector<16xf32>
      %swap3A_106 = vector.shape_cast %broadcast_in_dim3A_101 : vector<16xf32> to vector<1x16xf32>
      tpu.vector_store %arg11[%swap3A_102, %swap3A_103], %swap3A_106 {strides = array<i32>} : memref<50x128xf32, #tpu.memory_space<vmem>>, vector<1x16xf32>,
      %broadcast_in_dim3A_107 = arith.constant 0.000000e+00 : f32
      %broadcast_in_dim3A_108 = vector.broadcast %broadcast_in_dim3A_107 : f32 to vector<16xf32>
      %swap3A_109 = arith.index_cast %scan3A_94 : i32 to index
      %swap3A_110 = arith.constant 16 : index
      %swap3A_111 = tpu.vector_load %arg10[%swap3A_109, %swap3A_110] {strides = array<i32>} : memref<50x128xf32, #tpu.memory_space<vmem>>, vector<1x16xf32>,
      %swap3A_112 = vector.shape_cast %swap3A_111 : vector<1x16xf32> to vector<16xf32>
      %swap3A_113 = vector.shape_cast %broadcast_in_dim3A_108 : vector<16xf32> to vector<1x16xf32>
      tpu.vector_store %arg10[%swap3A_109, %swap3A_110], %swap3A_113 {strides = array<i32>} : memref<50x128xf32, #tpu.memory_space<vmem>>, vector<1x16xf32>,
      %broadcast_in_dim3A_114 = arith.constant 0.000000e+00 : f32
      %broadcast_in_dim3A_115 = vector.broadcast %broadcast_in_dim3A_114 : f32 to vector<16xf32>
      %swap3A_116 = arith.index_cast %scan3A_94 : i32 to index
      %swap3A_117 = arith.constant 16 : index
      %swap3A_118 = tpu.vector_load %arg11[%swap3A_116, %swap3A_117] {strides = array<i32>} : memref<50x128xf32, #tpu.memory_space<vmem>>, vector<1x16xf32>,
      %swap3A_119 = vector.shape_cast %swap3A_118 : vector<1x16xf32> to vector<16xf32>
      %swap3A_120 = vector.shape_cast %broadcast_in_dim3A_115 : vector<16xf32> to vector<1x16xf32>
      tpu.vector_store %arg11[%swap3A_116, %swap3A_117], %swap3A_120 {strides = array<i32>} : memref<50x128xf32, #tpu.memory_space<vmem>>, vector<1x16xf32>,
      %broadcast_in_dim3A_121 = arith.constant 0.000000e+00 : f32
      %broadcast_in_dim3A_122 = vector.broadcast %broadcast_in_dim3A_121 : f32 to vector<16xf32>
      %swap3A_123 = arith.index_cast %scan3A_94 : i32 to index
      %swap3A_124 = arith.constant 32 : index
      %swap3A_125 = tpu.vector_load %arg10[%swap3A_123, %swap3A_124] {strides = array<i32>} : memref<50x128xf32, #tpu.memory_space<vmem>>, vector<1x16xf32>,
      %swap3A_126 = vector.shape_cast %swap3A_125 : vector<1x16xf32> to vector<16xf32>
      %swap3A_127 = vector.shape_cast %broadcast_in_dim3A_122 : vector<16xf32> to vector<1x16xf32>
      tpu.vector_store %arg10[%swap3A_123, %swap3A_124], %swap3A_127 {strides = array<i32>} : memref<50x128xf32, #tpu.memory_space<vmem>>, vector<1x16xf32>,
      %broadcast_in_dim3A_128 = arith.constant 0.000000e+00 : f32
      %broadcast_in_dim3A_129 = vector.broadcast %broadcast_in_dim3A_128 : f32 to vector<16xf32>
      %swap3A_130 = arith.index_cast %scan3A_94 : i32 to index
      %swap3A_131 = arith.constant 32 : index
      %swap3A_132 = tpu.vector_load %arg11[%swap3A_130, %swap3A_131] {strides = array<i32>} : memref<50x128xf32, #tpu.memory_space<vmem>>, vector<1x16xf32>,
      %swap3A_133 = vector.shape_cast %swap3A_132 : vector<1x16xf32> to vector<16xf32>
      %swap3A_134 = vector.shape_cast %broadcast_in_dim3A_129 : vector<16xf32> to vector<1x16xf32>
      tpu.vector_store %arg11[%swap3A_130, %swap3A_131], %swap3A_134 {strides = array<i32>} : memref<50x128xf32, #tpu.memory_space<vmem>>, vector<1x16xf32>,
      %broadcast_in_dim3A_135 = arith.constant 0.000000e+00 : f32
      %broadcast_in_dim3A_136 = vector.broadcast %broadcast_in_dim3A_135 : f32 to vector<16xf32>
      %swap3A_137 = arith.index_cast %scan3A_94 : i32 to index
      %swap3A_138 = arith.constant 48 : index
      %swap3A_139 = tpu.vector_load %arg10[%swap3A_137, %swap3A_138] {strides = array<i32>} : memref<50x128xf32, #tpu.memory_space<vmem>>, vector<1x16xf32>,
      %swap3A_140 = vector.shape_cast %swap3A_139 : vector<1x16xf32> to vector<16xf32>
      %swap3A_141 = vector.shape_cast %broadcast_in_dim3A_136 : vector<16xf32> to vector<1x16xf32>
      tpu.vector_store %arg10[%swap3A_137, %swap3A_138], %swap3A_141 {strides = array<i32>} : memref<50x128xf32, #tpu.memory_space<vmem>>, vector<1x16xf32>,
      %broadcast_in_dim3A_142 = arith.constant 0.000000e+00 : f32
      %broadcast_in_dim3A_143 = vector.broadcast %broadcast_in_dim3A_142 : f32 to vector<16xf32>
      %swap3A_144 = arith.index_cast %scan3A_94 : i32 to index
      %swap3A_145 = arith.constant 48 : index
      %swap3A_146 = tpu.vector_load %arg11[%swap3A_144, %swap3A_145] {strides = array<i32>} : memref<50x128xf32, #tpu.memory_space<vmem>>, vector<1x16xf32>,
      %swap3A_147 = vector.shape_cast %swap3A_146 : vector<1x16xf32> to vector<16xf32>
      %swap3A_148 = vector.shape_cast %broadcast_in_dim3A_143 : vector<16xf32> to vector<1x16xf32>
      tpu.vector_store %arg11[%swap3A_144, %swap3A_145], %swap3A_148 {strides = array<i32>} : memref<50x128xf32, #tpu.memory_space<vmem>>, vector<1x16xf32>,
      %broadcast_in_dim3A_149 = arith.constant 0.000000e+00 : f32
      %broadcast_in_dim3A_150 = vector.broadcast %broadcast_in_dim3A_149 : f32 to vector<16xf32>
      %swap3A_151 = arith.index_cast %scan3A_94 : i32 to index
      %swap3A_152 = arith.constant 64 : index
      %swap3A_153 = tpu.vector_load %arg10[%swap3A_151, %swap3A_152] {strides = array<i32>} : memref<50x128xf32, #tpu.memory_space<vmem>>, vector<1x16xf32>,
      %swap3A_154 = vector.shape_cast %swap3A_153 : vector<1x16xf32> to vector<16xf32>
      %swap3A_155 = vector.shape_cast %broadcast_in_dim3A_150 : vector<16xf32> to vector<1x16xf32>
      tpu.vector_store %arg10[%swap3A_151, %swap3A_152], %swap3A_155 {strides = array<i32>} : memref<50x128xf32, #tpu.memory_space<vmem>>, vector<1x16xf32>,
      %broadcast_in_dim3A_156 = arith.constant 0.000000e+00 : f32
      %broadcast_in_dim3A_157 = vector.broadcast %broadcast_in_dim3A_156 : f32 to vector<16xf32>
      %swap3A_158 = arith.index_cast %scan3A_94 : i32 to index
      %swap3A_159 = arith.constant 64 : index
      %swap3A_160 = tpu.vector_load %arg11[%swap3A_158, %swap3A_159] {strides = array<i32>} : memref<50x128xf32, #tpu.memory_space<vmem>>, vector<1x16xf32>,
      %swap3A_161 = vector.shape_cast %swap3A_160 : vector<1x16xf32> to vector<16xf32>
      %swap3A_162 = vector.shape_cast %broadcast_in_dim3A_157 : vector<16xf32> to vector<1x16xf32>
      tpu.vector_store %arg11[%swap3A_158, %swap3A_159], %swap3A_162 {strides = array<i32>} : memref<50x128xf32, #tpu.memory_space<vmem>>, vector<1x16xf32>,
      %broadcast_in_dim3A_163 = arith.constant 0.000000e+00 : f32
      %broadcast_in_dim3A_164 = vector.broadcast %broadcast_in_dim3A_163 : f32 to vector<16xf32>
      %swap3A_165 = arith.index_cast %scan3A_94 : i32 to index
      %swap3A_166 = arith.constant 80 : index
      %swap3A_167 = tpu.vector_load %arg10[%swap3A_165, %swap3A_166] {strides = array<i32>} : memref<50x128xf32, #tpu.memory_space<vmem>>, vector<1x16xf32>,
      %swap3A_168 = vector.shape_cast %swap3A_167 : vector<1x16xf32> to vector<16xf32>
      %swap3A_169 = vector.shape_cast %broadcast_in_dim3A_164 : vector<16xf32> to vector<1x16xf32>
      tpu.vector_store %arg10[%swap3A_165, %swap3A_166], %swap3A_169 {strides = array<i32>} : memref<50x128xf32, #tpu.memory_space<vmem>>, vector<1x16xf32>,
      %broadcast_in_dim3A_170 = arith.constant 0.000000e+00 : f32
      %broadcast_in_dim3A_171 = vector.broadcast %broadcast_in_dim3A_170 : f32 to vector<16xf32>
      %swap3A_172 = arith.index_cast %scan3A_94 : i32 to index
      %swap3A_173 = arith.constant 80 : index
      %swap3A_174 = tpu.vector_load %arg11[%swap3A_172, %swap3A_173] {strides = array<i32>} : memref<50x128xf32, #tpu.memory_space<vmem>>, vector<1x16xf32>,
      %swap3A_175 = vector.shape_cast %swap3A_174 : vector<1x16xf32> to vector<16xf32>
      %swap3A_176 = vector.shape_cast %broadcast_in_dim3A_171 : vector<16xf32> to vector<1x16xf32>
      tpu.vector_store %arg11[%swap3A_172, %swap3A_173], %swap3A_176 {strides = array<i32>} : memref<50x128xf32, #tpu.memory_space<vmem>>, vector<1x16xf32>,
      %broadcast_in_dim3A_177 = arith.constant 0.000000e+00 : f32
      %broadcast_in_dim3A_178 = vector.broadcast %broadcast_in_dim3A_177 : f32 to vector<16xf32>
      %swap3A_179 = arith.index_cast %scan3A_94 : i32 to index
      %swap3A_180 = arith.constant 96 : index
      %swap3A_181 = tpu.vector_load %arg10[%swap3A_179, %swap3A_180] {strides = array<i32>} : memref<50x128xf32, #tpu.memory_space<vmem>>, vector<1x16xf32>,
      %swap3A_182 = vector.shape_cast %swap3A_181 : vector<1x16xf32> to vector<16xf32>
      %swap3A_183 = vector.shape_cast %broadcast_in_dim3A_178 : vector<16xf32> to vector<1x16xf32>
      tpu.vector_store %arg10[%swap3A_179, %swap3A_180], %swap3A_183 {strides = array<i32>} : memref<50x128xf32, #tpu.memory_space<vmem>>, vector<1x16xf32>,
      %broadcast_in_dim3A_184 = arith.constant 0.000000e+00 : f32
      %broadcast_in_dim3A_185 = vector.broadcast %broadcast_in_dim3A_184 : f32 to vector<16xf32>
      %swap3A_186 = arith.index_cast %scan3A_94 : i32 to index
      %swap3A_187 = arith.constant 96 : index
      %swap3A_188 = tpu.vector_load %arg11[%swap3A_186, %swap3A_187] {strides = array<i32>} : memref<50x128xf32, #tpu.memory_space<vmem>>, vector<1x16xf32>,
      %swap3A_189 = vector.shape_cast %swap3A_188 : vector<1x16xf32> to vector<16xf32>
      %swap3A_190 = vector.shape_cast %broadcast_in_dim3A_185 : vector<16xf32> to vector<1x16xf32>
      tpu.vector_store %arg11[%swap3A_186, %swap3A_187], %swap3A_190 {strides = array<i32>} : memref<50x128xf32, #tpu.memory_space<vmem>>, vector<1x16xf32>,
      %broadcast_in_dim3A_191 = arith.constant 0.000000e+00 : f32
      %broadcast_in_dim3A_192 = vector.broadcast %broadcast_in_dim3A_191 : f32 to vector<16xf32>
      %swap3A_193 = arith.index_cast %scan3A_94 : i32 to index
      %swap3A_194 = arith.constant 112 : index
      %swap3A_195 = tpu.vector_load %arg10[%swap3A_193, %swap3A_194] {strides = array<i32>} : memref<50x128xf32, #tpu.memory_space<vmem>>, vector<1x16xf32>,
      %swap3A_196 = vector.shape_cast %swap3A_195 : vector<1x16xf32> to vector<16xf32>
      %swap3A_197 = vector.shape_cast %broadcast_in_dim3A_192 : vector<16xf32> to vector<1x16xf32>
      tpu.vector_store %arg10[%swap3A_193, %swap3A_194], %swap3A_197 {strides = array<i32>} : memref<50x128xf32, #tpu.memory_space<vmem>>, vector<1x16xf32>,
      %broadcast_in_dim3A_198 = arith.constant 0.000000e+00 : f32
      %broadcast_in_dim3A_199 = vector.broadcast %broadcast_in_dim3A_198 : f32 to vector<16xf32>
      %swap3A_200 = arith.index_cast %scan3A_94 : i32 to index
      %swap3A_201 = arith.constant 112 : index
      %swap3A_202 = tpu.vector_load %arg11[%swap3A_200, %swap3A_201] {strides = array<i32>} : memref<50x128xf32, #tpu.memory_space<vmem>>, vector<1x16xf32>,
      %swap3A_203 = vector.shape_cast %swap3A_202 : vector<1x16xf32> to vector<16xf32>
      %swap3A_204 = vector.shape_cast %broadcast_in_dim3A_199 : vector<16xf32> to vector<1x16xf32>
      tpu.vector_store %arg11[%swap3A_200, %swap3A_201], %swap3A_204 {strides = array<i32>} : memref<50x128xf32, #tpu.memory_space<vmem>>, vector<1x16xf32>,
    }
    %scan3A_17 = arith.constant 50 : i32
    "tpu.region"() ({
      %run_scoped3A = tpu.sem_alloc : memref<!tpu.dma_semaphore, #tpu.memory_space<semaphore_mem>>
      %dma_start3A_94 = arith.constant 0 : i32
      %dma_start3A_95 = tpu.memref_slice %arg12[%multiple_of3A, %dma_start3A_94] : memref<10240x128xf32, #tpu.memory_space<vmem_shared>> -> memref<640x128xf32, #tpu.memory_space<vmem_shared>>
      tpu.enqueue_dma source(%arg4 : memref<640x128xf32, #tpu.memory_space<hbm>>) target(%dma_start3A_95 : memref<640x128xf32, #tpu.memory_space<vmem_shared>>) target_semaphore(%run_scoped3A : memref<!tpu.dma_semaphore, #tpu.memory_space<semaphore_mem>>)
      %dma_wait3A_96 = arith.constant 0 : i32
      %dma_wait3A_97 = tpu.memref_slice %arg12[%multiple_of3A, %dma_wait3A_96] : memref<10240x128xf32, #tpu.memory_space<vmem_shared>> -> memref<640x128xf32, #tpu.memory_space<vmem_shared>>
      tpu.wait_dma2 semaphore(%run_scoped3A : memref<!tpu.dma_semaphore, #tpu.memory_space<semaphore_mem>>) src(%arg4 : memref<640x128xf32, #tpu.memory_space<hbm>>) dst(%dma_wait3A_97 : memref<640x128xf32, #tpu.memory_space<vmem_shared>>)
      tpu.yield
    }) : () -> ()
    %barrier3A = arith.constant 0 : index
    tpu.barrier barrier_id(%barrier3A)
    %dma_wait3A = arith.constant 0 : i32
    %dma_wait3A_18 = arith.constant 0 : i32
    %dma_wait3A_19 = tpu.memref_slice %arg3[%mul3A_4, %dma_wait3A, %dma_wait3A_18] : memref<6400x2x50xi32, #tpu.memory_space<hbm>> -> memref<4x2x50xi32, #tpu.memory_space<hbm>>
    %dma_wait3A_20 = arith.constant 0 : i32
    %dma_wait3A_21 = arith.constant 0 : i32
    %dma_wait3A_22 = tpu.memref_slice %arg3[%mul3A_4, %dma_wait3A_20, %dma_wait3A_21] : memref<6400x2x50xi32, #tpu.memory_space<hbm>> -> memref<4x2x50xi32, #tpu.memory_space<hbm>>
    tpu.wait_dma2 semaphore(%arg13 : memref<!tpu.dma_semaphore, #tpu.memory_space<semaphore_mem>>) src(%dma_wait3A_22 : memref<4x2x50xi32, #tpu.memory_space<hbm>>) dst(%arg6 : memref<4x2x50xi32, #tpu.memory_space<vmem>>)
    %dma_start3A_23 = arith.constant 0 : i32
    %dma_start3A_24 = arith.constant 0 : i32
    %dma_start3A_25 = arith.constant 0 : i32
    %dma_start3A_26 = tpu.memref_slice %arg6[%dma_start3A_23, %dma_start3A_24, %dma_start3A_25] : memref<4x2x50xi32, #tpu.memory_space<vmem>> -> memref<1x1x50xi32, #tpu.memory_space<vmem>>
    %dma_start3A_27 = tpu.memref_squeeze %dma_start3A_26 : memref<1x1x50xi32, #tpu.memory_space<vmem>> -> memref<50xi32, #tpu.memory_space<vmem>>
    %dma_start3A_28 = arith.constant 0 : i32
    %dma_start3A_29 = arith.constant 0 : i32
    %dma_start3A_30 = tpu.memref_slice %arg2[%dma_start3A_28, %dma_start3A_29] : memref<10000x128xf32, #tpu.memory_space<hbm>> -> memref<10000x128xf32, #tpu.memory_space<hbm>>
    tpu.enqueue_indirect_dma source(%dma_start3A_30 : memref<10000x128xf32, #tpu.memory_space<hbm>>) target(%arg8 : memref<50x128xf32, #tpu.memory_space<vmem>>) offsets(%dma_start3A_27 : memref<50xi32, #tpu.memory_space<vmem>>) semaphore(%arg15 : memref<!tpu.dma_semaphore, #tpu.memory_space<semaphore_mem>>)
    %dma_start3A_31 = arith.constant 1 : i32
    %dma_start3A_32 = arith.constant 0 : i32
    %dma_start3A_33 = arith.constant 0 : i32
    %dma_start3A_34 = tpu.memref_slice %arg6[%dma_start3A_31, %dma_start3A_32, %dma_start3A_33] : memref<4x2x50xi32, #tpu.memory_space<vmem>> -> memref<1x1x50xi32, #tpu.memory_space<vmem>>
    %dma_start3A_35 = tpu.memref_squeeze %dma_start3A_34 : memref<1x1x50xi32, #tpu.memory_space<vmem>> -> memref<50xi32, #tpu.memory_space<vmem>>
    %dma_start3A_36 = arith.constant 0 : i32
    %dma_start3A_37 = arith.constant 0 : i32
    %dma_start3A_38 = tpu.memref_slice %arg2[%dma_start3A_36, %dma_start3A_37] : memref<10000x128xf32, #tpu.memory_space<hbm>> -> memref<10000x128xf32, #tpu.memory_space<hbm>>
    tpu.enqueue_indirect_dma source(%dma_start3A_38 : memref<10000x128xf32, #tpu.memory_space<hbm>>) target(%arg9 : memref<50x128xf32, #tpu.memory_space<vmem>>) offsets(%dma_start3A_35 : memref<50xi32, #tpu.memory_space<vmem>>) semaphore(%arg16 : memref<!tpu.dma_semaphore, #tpu.memory_space<semaphore_mem>>)
    %dma_start3A_39 = arith.constant 0 : i32
    %dma_start3A_40 = arith.constant 1 : i32
    %dma_start3A_41 = arith.constant 0 : i32
    %dma_start3A_42 = tpu.memref_slice %arg6[%dma_start3A_39, %dma_start3A_40, %dma_start3A_41] : memref<4x2x50xi32, #tpu.memory_space<vmem>> -> memref<1x1x50xi32, #tpu.memory_space<vmem>>
    %dma_start3A_43 = tpu.memref_squeeze %dma_start3A_42 : memref<1x1x50xi32, #tpu.memory_space<vmem>> -> memref<50xi32, #tpu.memory_space<vmem>>
    %dma_start3A_44 = arith.constant 0 : i32
    %dma_start3A_45 = arith.constant 0 : i32
    %dma_start3A_46 = tpu.memref_slice %arg12[%dma_start3A_44, %dma_start3A_45] : memref<10240x128xf32, #tpu.memory_space<vmem_shared>> -> memref<10240x128xf32, #tpu.memory_space<vmem_shared>>
    tpu.enqueue_indirect_dma source(%arg10 : memref<50x128xf32, #tpu.memory_space<vmem>>) target(%dma_start3A_46 : memref<10240x128xf32, #tpu.memory_space<vmem_shared>>) offsets(%dma_start3A_43 : memref<50xi32, #tpu.memory_space<vmem>>) semaphore(%arg21 : memref<!tpu.dma_semaphore, #tpu.memory_space<semaphore_mem>>) {add = true}
    %dma_start3A_47 = arith.constant 0 : i32
    %dma_start3A_48 = arith.constant 1 : i32
    %dma_start3A_49 = arith.constant 0 : i32
    %dma_start3A_50 = tpu.memref_slice %arg6[%dma_start3A_47, %dma_start3A_48, %dma_start3A_49] : memref<4x2x50xi32, #tpu.memory_space<vmem>> -> memref<1x1x50xi32, #tpu.memory_space<vmem>>
    %dma_start3A_51 = tpu.memref_squeeze %dma_start3A_50 : memref<1x1x50xi32, #tpu.memory_space<vmem>> -> memref<50xi32, #tpu.memory_space<vmem>>
    %dma_start3A_52 = arith.constant 0 : i32
    %dma_start3A_53 = arith.constant 0 : i32
    %dma_start3A_54 = tpu.memref_slice %arg12[%dma_start3A_52, %dma_start3A_53] : memref<10240x128xf32, #tpu.memory_space<vmem_shared>> -> memref<10240x128xf32, #tpu.memory_space<vmem_shared>>
    tpu.enqueue_indirect_dma source(%arg11 : memref<50x128xf32, #tpu.memory_space<vmem>>) target(%dma_start3A_54 : memref<10240x128xf32, #tpu.memory_space<vmem_shared>>) offsets(%dma_start3A_51 : memref<50xi32, #tpu.memory_space<vmem>>) semaphore(%arg22 : memref<!tpu.dma_semaphore, #tpu.memory_space<semaphore_mem>>) {add = true}
    %scan3A_55 = arith.constant 0 : i32
    %scan3A_56 = arith.constant 0 : i32
    %scan3A_57 = arith.constant 25 : i32
    %scan3A_58 = arith.addi %scan3A_56, %scan3A_57 : i32
    %scan3A_59 = arith.constant 1 : i32
    scf.for %scan3A_94 = %scan3A_56 to %scan3A_58 step %scan3A_59  : i32 {
      %mul3A_95 = arith.constant 8 : i32
      %mul3A_96 = arith.muli %mul3A_95, %scan3A_94 : i32
      %add3A_97 = arith.addi %mul3A_4, %mul3A_96 : i32
      %dma_wait3A_98 = arith.constant 0 : i32
      %dma_wait3A_99 = arith.constant 0 : i32
      %dma_wait3A_100 = arith.constant 0 : i32
      %dma_wait3A_101 = tpu.memref_slice %arg6[%dma_wait3A_98, %dma_wait3A_99, %dma_wait3A_100] : memref<4x2x50xi32, #tpu.memory_space<vmem>> -> memref<1x1x50xi32, #tpu.memory_space<vmem>>
      %dma_wait3A_102 = tpu.memref_squeeze %dma_wait3A_101 : memref<1x1x50xi32, #tpu.memory_space<vmem>> -> memref<50xi32, #tpu.memory_space<vmem>>
      %dma_wait3A_103 = arith.constant 0 : i32
      %dma_wait3A_104 = arith.constant 0 : i32
      %dma_wait3A_105 = tpu.memref_slice %arg2[%dma_wait3A_103, %dma_wait3A_104] : memref<10000x128xf32, #tpu.memory_space<hbm>> -> memref<10000x128xf32, #tpu.memory_space<hbm>>
      tpu.wait_indirect_dma semaphore(%arg15 : memref<!tpu.dma_semaphore, #tpu.memory_space<semaphore_mem>>) src(%dma_wait3A_105 : memref<10000x128xf32, #tpu.memory_space<hbm>>) dst(%arg8 : memref<50x128xf32, #tpu.memory_space<vmem>>)
      %dma_start3A_106 = arith.constant 0 : i32
      %dma_start3A_107 = arith.constant 1 : i32
      %dma_start3A_108 = arith.constant 0 : i32
      %dma_start3A_109 = tpu.memref_slice %arg6[%dma_start3A_106, %dma_start3A_107, %dma_start3A_108] : memref<4x2x50xi32, #tpu.memory_space<vmem>> -> memref<1x1x50xi32, #tpu.memory_space<vmem>>
      %dma_start3A_110 = tpu.memref_squeeze %dma_start3A_109 : memref<1x1x50xi32, #tpu.memory_space<vmem>> -> memref<50xi32, #tpu.memory_space<vmem>>
      %dma_start3A_111 = arith.constant 0 : i32
      %dma_start3A_112 = arith.constant 0 : i32
      %dma_start3A_113 = tpu.memref_slice %arg12[%dma_start3A_111, %dma_start3A_112] : memref<10240x128xf32, #tpu.memory_space<vmem_shared>> -> memref<10240x128xf32, #tpu.memory_space<vmem_shared>>
      tpu.enqueue_indirect_dma source(%arg8 : memref<50x128xf32, #tpu.memory_space<vmem>>) target(%dma_start3A_113 : memref<10240x128xf32, #tpu.memory_space<vmem_shared>>) offsets(%dma_start3A_110 : memref<50xi32, #tpu.memory_space<vmem>>) semaphore(%arg19 : memref<!tpu.dma_semaphore, #tpu.memory_space<semaphore_mem>>) {add = true}
      %dma_wait3A_114 = arith.constant 0 : i32
      %dma_wait3A_115 = arith.constant 1 : i32
      %dma_wait3A_116 = arith.constant 0 : i32
      %dma_wait3A_117 = tpu.memref_slice %arg6[%dma_wait3A_114, %dma_wait3A_115, %dma_wait3A_116] : memref<4x2x50xi32, #tpu.memory_space<vmem>> -> memref<1x1x50xi32, #tpu.memory_space<vmem>>
      %dma_wait3A_118 = tpu.memref_squeeze %dma_wait3A_117 : memref<1x1x50xi32, #tpu.memory_space<vmem>> -> memref<50xi32, #tpu.memory_space<vmem>>
      %dma_wait3A_119 = arith.constant 0 : i32
      %dma_wait3A_120 = arith.constant 0 : i32
      %dma_wait3A_121 = tpu.memref_slice %arg12[%dma_wait3A_119, %dma_wait3A_120] : memref<10240x128xf32, #tpu.memory_space<vmem_shared>> -> memref<10240x128xf32, #tpu.memory_space<vmem_shared>>
      tpu.wait_indirect_dma semaphore(%arg21 : memref<!tpu.dma_semaphore, #tpu.memory_space<semaphore_mem>>) src(%arg10 : memref<50x128xf32, #tpu.memory_space<vmem>>) dst(%dma_wait3A_121 : memref<10240x128xf32, #tpu.memory_space<vmem_shared>>)
      %dma_start3A_122 = arith.constant 2 : i32
      %dma_start3A_123 = arith.constant 0 : i32
      %dma_start3A_124 = arith.constant 0 : i32
      %dma_start3A_125 = tpu.memref_slice %arg6[%dma_start3A_122, %dma_start3A_123, %dma_start3A_124] : memref<4x2x50xi32, #tpu.memory_space<vmem>> -> memref<1x1x50xi32, #tpu.memory_space<vmem>>
      %dma_start3A_126 = tpu.memref_squeeze %dma_start3A_125 : memref<1x1x50xi32, #tpu.memory_space<vmem>> -> memref<50xi32, #tpu.memory_space<vmem>>
      %dma_start3A_127 = arith.constant 0 : i32
      %dma_start3A_128 = arith.constant 0 : i32
      %dma_start3A_129 = tpu.memref_slice %arg2[%dma_start3A_127, %dma_start3A_128] : memref<10000x128xf32, #tpu.memory_space<hbm>> -> memref<10000x128xf32, #tpu.memory_space<hbm>>
      tpu.enqueue_indirect_dma source(%dma_start3A_129 : memref<10000x128xf32, #tpu.memory_space<hbm>>) target(%arg10 : memref<50x128xf32, #tpu.memory_space<vmem>>) offsets(%dma_start3A_126 : memref<50xi32, #tpu.memory_space<vmem>>) semaphore(%arg17 : memref<!tpu.dma_semaphore, #tpu.memory_space<semaphore_mem>>)
      %add3A_130 = arith.constant 4 : i32
      %add3A_131 = arith.addi %add3A_97, %add3A_130 : i32
      %dma_start3A_132 = arith.constant 0 : i32
      %dma_start3A_133 = arith.constant 0 : i32
      %dma_start3A_134 = tpu.memref_slice %arg3[%add3A_131, %dma_start3A_132, %dma_start3A_133] : memref<6400x2x50xi32, #tpu.memory_space<hbm>> -> memref<4x2x50xi32, #tpu.memory_space<hbm>>
      %dma_start3A_135 = arith.constant 0 : i32
      %dma_start3A_136 = arith.constant 0 : i32
      %dma_start3A_137 = tpu.memref_slice %arg3[%add3A_131, %dma_start3A_135, %dma_start3A_136] : memref<6400x2x50xi32, #tpu.memory_space<hbm>> -> memref<4x2x50xi32, #tpu.memory_space<hbm>>
      tpu.enqueue_dma source(%dma_start3A_137 : memref<4x2x50xi32, #tpu.memory_space<hbm>>) target(%arg7 : memref<4x2x50xi32, #tpu.memory_space<vmem>>) target_semaphore(%arg14 : memref<!tpu.dma_semaphore, #tpu.memory_space<semaphore_mem>>)
      %dma_wait3A_138 = arith.constant 0 : i32
      %dma_wait3A_139 = arith.constant 0 : i32
      %dma_wait3A_140 = arith.constant 0 : i32
      %dma_wait3A_141 = tpu.memref_slice %arg6[%dma_wait3A_138, %dma_wait3A_139, %dma_wait3A_140] : memref<4x2x50xi32, #tpu.memory_space<vmem>> -> memref<1x1x50xi32, #tpu.memory_space<vmem>>
      %dma_wait3A_142 = tpu.memref_squeeze %dma_wait3A_141 : memref<1x1x50xi32, #tpu.memory_space<vmem>> -> memref<50xi32, #tpu.memory_space<vmem>>
      %dma_wait3A_143 = arith.constant 0 : i32
      %dma_wait3A_144 = arith.constant 0 : i32
      %dma_wait3A_145 = tpu.memref_slice %arg2[%dma_wait3A_143, %dma_wait3A_144] : memref<10000x128xf32, #tpu.memory_space<hbm>> -> memref<10000x128xf32, #tpu.memory_space<hbm>>
      tpu.wait_indirect_dma semaphore(%arg16 : memref<!tpu.dma_semaphore, #tpu.memory_space<semaphore_mem>>) src(%dma_wait3A_145 : memref<10000x128xf32, #tpu.memory_space<hbm>>) dst(%arg9 : memref<50x128xf32, #tpu.memory_space<vmem>>)
      %dma_start3A_146 = arith.constant 1 : i32
      %dma_start3A_147 = arith.constant 1 : i32
      %dma_start3A_148 = arith.constant 0 : i32
      %dma_start3A_149 = tpu.memref_slice %arg6[%dma_start3A_146, %dma_start3A_147, %dma_start3A_148] : memref<4x2x50xi32, #tpu.memory_space<vmem>> -> memref<1x1x50xi32, #tpu.memory_space<vmem>>
      %dma_start3A_150 = tpu.memref_squeeze %dma_start3A_149 : memref<1x1x50xi32, #tpu.memory_space<vmem>> -> memref<50xi32, #tpu.memory_space<vmem>>
      %dma_start3A_151 = arith.constant 0 : i32
      %dma_start3A_152 = arith.constant 0 : i32
      %dma_start3A_153 = tpu.memref_slice %arg12[%dma_start3A_151, %dma_start3A_152] : memref<10240x128xf32, #tpu.memory_space<vmem_shared>> -> memref<10240x128xf32, #tpu.memory_space<vmem_shared>>
      tpu.enqueue_indirect_dma source(%arg9 : memref<50x128xf32, #tpu.memory_space<vmem>>) target(%dma_start3A_153 : memref<10240x128xf32, #tpu.memory_space<vmem_shared>>) offsets(%dma_start3A_150 : memref<50xi32, #tpu.memory_space<vmem>>) semaphore(%arg20 : memref<!tpu.dma_semaphore, #tpu.memory_space<semaphore_mem>>) {add = true}
      %dma_wait3A_154 = arith.constant 0 : i32
      %dma_wait3A_155 = arith.constant 1 : i32
      %dma_wait3A_156 = arith.constant 0 : i32
      %dma_wait3A_157 = tpu.memref_slice %arg6[%dma_wait3A_154, %dma_wait3A_155, %dma_wait3A_156] : memref<4x2x50xi32, #tpu.memory_space<vmem>> -> memref<1x1x50xi32, #tpu.memory_space<vmem>>
      %dma_wait3A_158 = tpu.memref_squeeze %dma_wait3A_157 : memref<1x1x50xi32, #tpu.memory_space<vmem>> -> memref<50xi32, #tpu.memory_space<vmem>>
      %dma_wait3A_159 = arith.constant 0 : i32
      %dma_wait3A_160 = arith.constant 0 : i32
      %dma_wait3A_161 = tpu.memref_slice %arg12[%dma_wait3A_159, %dma_wait3A_160] : memref<10240x128xf32, #tpu.memory_space<vmem_shared>> -> memref<10240x128xf32, #tpu.memory_space<vmem_shared>>
      tpu.wait_indirect_dma semaphore(%arg22 : memref<!tpu.dma_semaphore, #tpu.memory_space<semaphore_mem>>) src(%arg11 : memref<50x128xf32, #tpu.memory_space<vmem>>) dst(%dma_wait3A_161 : memref<10240x128xf32, #tpu.memory_space<vmem_shared>>)
      %dma_start3A_162 = arith.constant 3 : i32
      %dma_start3A_163 = arith.constant 0 : i32
      %dma_start3A_164 = arith.constant 0 : i32
      %dma_start3A_165 = tpu.memref_slice %arg6[%dma_start3A_162, %dma_start3A_163, %dma_start3A_164] : memref<4x2x50xi32, #tpu.memory_space<vmem>> -> memref<1x1x50xi32, #tpu.memory_space<vmem>>
      %dma_start3A_166 = tpu.memref_squeeze %dma_start3A_165 : memref<1x1x50xi32, #tpu.memory_space<vmem>> -> memref<50xi32, #tpu.memory_space<vmem>>
      %dma_start3A_167 = arith.constant 0 : i32
      %dma_start3A_168 = arith.constant 0 : i32
      %dma_start3A_169 = tpu.memref_slice %arg2[%dma_start3A_167, %dma_start3A_168] : memref<10000x128xf32, #tpu.memory_space<hbm>> -> memref<10000x128xf32, #tpu.memory_space<hbm>>
      tpu.enqueue_indirect_dma source(%dma_start3A_169 : memref<10000x128xf32, #tpu.memory_space<hbm>>) target(%arg11 : memref<50x128xf32, #tpu.memory_space<vmem>>) offsets(%dma_start3A_166 : memref<50xi32, #tpu.memory_space<vmem>>) semaphore(%arg18 : memref<!tpu.dma_semaphore, #tpu.memory_space<semaphore_mem>>)
      %dma_wait3A_170 = arith.constant 0 : i32
      %dma_wait3A_171 = arith.constant 0 : i32
      %dma_wait3A_172 = arith.constant 0 : i32
      %dma_wait3A_173 = tpu.memref_slice %arg6[%dma_wait3A_170, %dma_wait3A_171, %dma_wait3A_172] : memref<4x2x50xi32, #tpu.memory_space<vmem>> -> memref<1x1x50xi32, #tpu.memory_space<vmem>>
      %dma_wait3A_174 = tpu.memref_squeeze %dma_wait3A_173 : memref<1x1x50xi32, #tpu.memory_space<vmem>> -> memref<50xi32, #tpu.memory_space<vmem>>
      %dma_wait3A_175 = arith.constant 0 : i32
      %dma_wait3A_176 = arith.constant 0 : i32
      %dma_wait3A_177 = tpu.memref_slice %arg2[%dma_wait3A_175, %dma_wait3A_176] : memref<10000x128xf32, #tpu.memory_space<hbm>> -> memref<10000x128xf32, #tpu.memory_space<hbm>>
      tpu.wait_indirect_dma semaphore(%arg17 : memref<!tpu.dma_semaphore, #tpu.memory_space<semaphore_mem>>) src(%dma_wait3A_177 : memref<10000x128xf32, #tpu.memory_space<hbm>>) dst(%arg10 : memref<50x128xf32, #tpu.memory_space<vmem>>)
      %dma_start3A_178 = arith.constant 2 : i32
      %dma_start3A_179 = arith.constant 1 : i32
      %dma_start3A_180 = arith.constant 0 : i32
      %dma_start3A_181 = tpu.memref_slice %arg6[%dma_start3A_178, %dma_start3A_179, %dma_start3A_180] : memref<4x2x50xi32, #tpu.memory_space<vmem>> -> memref<1x1x50xi32, #tpu.memory_space<vmem>>
      %dma_start3A_182 = tpu.memref_squeeze %dma_start3A_181 : memref<1x1x50xi32, #tpu.memory_space<vmem>> -> memref<50xi32, #tpu.memory_space<vmem>>
      %dma_start3A_183 = arith.constant 0 : i32
      %dma_start3A_184 = arith.constant 0 : i32
      %dma_start3A_185 = tpu.memref_slice %arg12[%dma_start3A_183, %dma_start3A_184] : memref<10240x128xf32, #tpu.memory_space<vmem_shared>> -> memref<10240x128xf32, #tpu.memory_space<vmem_shared>>
      tpu.enqueue_indirect_dma source(%arg10 : memref<50x128xf32, #tpu.memory_space<vmem>>) target(%dma_start3A_185 : memref<10240x128xf32, #tpu.memory_space<vmem_shared>>) offsets(%dma_start3A_182 : memref<50xi32, #tpu.memory_space<vmem>>) semaphore(%arg21 : memref<!tpu.dma_semaphore, #tpu.memory_space<semaphore_mem>>) {add = true}
      %dma_wait3A_186 = arith.constant 0 : i32
      %dma_wait3A_187 = arith.constant 1 : i32
      %dma_wait3A_188 = arith.constant 0 : i32
      %dma_wait3A_189 = tpu.memref_slice %arg6[%dma_wait3A_186, %dma_wait3A_187, %dma_wait3A_188] : memref<4x2x50xi32, #tpu.memory_space<vmem>> -> memref<1x1x50xi32, #tpu.memory_space<vmem>>
      %dma_wait3A_190 = tpu.memref_squeeze %dma_wait3A_189 : memref<1x1x50xi32, #tpu.memory_space<vmem>> -> memref<50xi32, #tpu.memory_space<vmem>>
      %dma_wait3A_191 = arith.constant 0 : i32
      %dma_wait3A_192 = arith.constant 0 : i32
      %dma_wait3A_193 = tpu.memref_slice %arg12[%dma_wait3A_191, %dma_wait3A_192] : memref<10240x128xf32, #tpu.memory_space<vmem_shared>> -> memref<10240x128xf32, #tpu.memory_space<vmem_shared>>
      tpu.wait_indirect_dma semaphore(%arg19 : memref<!tpu.dma_semaphore, #tpu.memory_space<semaphore_mem>>) src(%arg8 : memref<50x128xf32, #tpu.memory_space<vmem>>) dst(%dma_wait3A_193 : memref<10240x128xf32, #tpu.memory_space<vmem_shared>>)
      %dma_wait3A_194 = arith.constant 0 : i32
      %dma_wait3A_195 = arith.constant 0 : i32
      %dma_wait3A_196 = tpu.memref_slice %arg3[%mul3A_4, %dma_wait3A_194, %dma_wait3A_195] : memref<6400x2x50xi32, #tpu.memory_space<hbm>> -> memref<4x2x50xi32, #tpu.memory_space<hbm>>
      %dma_wait3A_197 = arith.constant 0 : i32
      %dma_wait3A_198 = arith.constant 0 : i32
      %dma_wait3A_199 = tpu.memref_slice %arg3[%mul3A_4, %dma_wait3A_197, %dma_wait3A_198] : memref<6400x2x50xi32, #tpu.memory_space<hbm>> -> memref<4x2x50xi32, #tpu.memory_space<hbm>>
      tpu.wait_dma2 semaphore(%arg14 : memref<!tpu.dma_semaphore, #tpu.memory_space<semaphore_mem>>) src(%dma_wait3A_199 : memref<4x2x50xi32, #tpu.memory_space<hbm>>) dst(%arg7 : memref<4x2x50xi32, #tpu.memory_space<vmem>>)
      %dma_start3A_200 = arith.constant 0 : i32
      %dma_start3A_201 = arith.constant 0 : i32
      %dma_start3A_202 = arith.constant 0 : i32
      %dma_start3A_203 = tpu.memref_slice %arg7[%dma_start3A_200, %dma_start3A_201, %dma_start3A_202] : memref<4x2x50xi32, #tpu.memory_space<vmem>> -> memref<1x1x50xi32, #tpu.memory_space<vmem>>
      %dma_start3A_204 = tpu.memref_squeeze %dma_start3A_203 : memref<1x1x50xi32, #tpu.memory_space<vmem>> -> memref<50xi32, #tpu.memory_space<vmem>>
      %dma_start3A_205 = arith.constant 0 : i32
      %dma_start3A_206 = arith.constant 0 : i32
      %dma_start3A_207 = tpu.memref_slice %arg2[%dma_start3A_205, %dma_start3A_206] : memref<10000x128xf32, #tpu.memory_space<hbm>> -> memref<10000x128xf32, #tpu.memory_space<hbm>>
      tpu.enqueue_indirect_dma source(%dma_start3A_207 : memref<10000x128xf32, #tpu.memory_space<hbm>>) target(%arg8 : memref<50x128xf32, #tpu.memory_space<vmem>>) offsets(%dma_start3A_204 : memref<50xi32, #tpu.memory_space<vmem>>) semaphore(%arg15 : memref<!tpu.dma_semaphore, #tpu.memory_space<semaphore_mem>>)
      %dma_wait3A_208 = arith.constant 0 : i32
      %dma_wait3A_209 = arith.constant 0 : i32
      %dma_wait3A_210 = arith.constant 0 : i32
      %dma_wait3A_211 = tpu.memref_slice %arg6[%dma_wait3A_208, %dma_wait3A_209, %dma_wait3A_210] : memref<4x2x50xi32, #tpu.memory_space<vmem>> -> memref<1x1x50xi32, #tpu.memory_space<vmem>>
      %dma_wait3A_212 = tpu.memref_squeeze %dma_wait3A_211 : memref<1x1x50xi32, #tpu.memory_space<vmem>> -> memref<50xi32, #tpu.memory_space<vmem>>
      %dma_wait3A_213 = arith.constant 0 : i32
      %dma_wait3A_214 = arith.constant 0 : i32
      %dma_wait3A_215 = tpu.memref_slice %arg2[%dma_wait3A_213, %dma_wait3A_214] : memref<10000x128xf32, #tpu.memory_space<hbm>> -> memref<10000x128xf32, #tpu.memory_space<hbm>>
      tpu.wait_indirect_dma semaphore(%arg18 : memref<!tpu.dma_semaphore, #tpu.memory_space<semaphore_mem>>) src(%dma_wait3A_215 : memref<10000x128xf32, #tpu.memory_space<hbm>>) dst(%arg11 : memref<50x128xf32, #tpu.memory_space<vmem>>)
      %dma_start3A_216 = arith.constant 3 : i32
      %dma_start3A_217 = arith.constant 1 : i32
      %dma_start3A_218 = arith.constant 0 : i32
      %dma_start3A_219 = tpu.memref_slice %arg6[%dma_start3A_216, %dma_start3A_217, %dma_start3A_218] : memref<4x2x50xi32, #tpu.memory_space<vmem>> -> memref<1x1x50xi32, #tpu.memory_space<vmem>>
      %dma_start3A_220 = tpu.memref_squeeze %dma_start3A_219 : memref<1x1x50xi32, #tpu.memory_space<vmem>> -> memref<50xi32, #tpu.memory_space<vmem>>
      %dma_start3A_221 = arith.constant 0 : i32
      %dma_start3A_222 = arith.constant 0 : i32
      %dma_start3A_223 = tpu.memref_slice %arg12[%dma_start3A_221, %dma_start3A_222] : memref<10240x128xf32, #tpu.memory_space<vmem_shared>> -> memref<10240x128xf32, #tpu.memory_space<vmem_shared>>
      tpu.enqueue_indirect_dma source(%arg11 : memref<50x128xf32, #tpu.memory_space<vmem>>) target(%dma_start3A_223 : memref<10240x128xf32, #tpu.memory_space<vmem_shared>>) offsets(%dma_start3A_220 : memref<50xi32, #tpu.memory_space<vmem>>) semaphore(%arg22 : memref<!tpu.dma_semaphore, #tpu.memory_space<semaphore_mem>>) {add = true}
      %dma_wait3A_224 = arith.constant 0 : i32
      %dma_wait3A_225 = arith.constant 1 : i32
      %dma_wait3A_226 = arith.constant 0 : i32
      %dma_wait3A_227 = tpu.memref_slice %arg6[%dma_wait3A_224, %dma_wait3A_225, %dma_wait3A_226] : memref<4x2x50xi32, #tpu.memory_space<vmem>> -> memref<1x1x50xi32, #tpu.memory_space<vmem>>
      %dma_wait3A_228 = tpu.memref_squeeze %dma_wait3A_227 : memref<1x1x50xi32, #tpu.memory_space<vmem>> -> memref<50xi32, #tpu.memory_space<vmem>>
      %dma_wait3A_229 = arith.constant 0 : i32
      %dma_wait3A_230 = arith.constant 0 : i32
      %dma_wait3A_231 = tpu.memref_slice %arg12[%dma_wait3A_229, %dma_wait3A_230] : memref<10240x128xf32, #tpu.memory_space<vmem_shared>> -> memref<10240x128xf32, #tpu.memory_space<vmem_shared>>
      tpu.wait_indirect_dma semaphore(%arg20 : memref<!tpu.dma_semaphore, #tpu.memory_space<semaphore_mem>>) src(%arg9 : memref<50x128xf32, #tpu.memory_space<vmem>>) dst(%dma_wait3A_231 : memref<10240x128xf32, #tpu.memory_space<vmem_shared>>)
      %dma_start3A_232 = arith.constant 1 : i32
      %dma_start3A_233 = arith.constant 0 : i32
      %dma_start3A_234 = arith.constant 0 : i32
      %dma_start3A_235 = tpu.memref_slice %arg7[%dma_start3A_232, %dma_start3A_233, %dma_start3A_234] : memref<4x2x50xi32, #tpu.memory_space<vmem>> -> memref<1x1x50xi32, #tpu.memory_space<vmem>>
      %dma_start3A_236 = tpu.memref_squeeze %dma_start3A_235 : memref<1x1x50xi32, #tpu.memory_space<vmem>> -> memref<50xi32, #tpu.memory_space<vmem>>
      %dma_start3A_237 = arith.constant 0 : i32
      %dma_start3A_238 = arith.constant 0 : i32
      %dma_start3A_239 = tpu.memref_slice %arg2[%dma_start3A_237, %dma_start3A_238] : memref<10000x128xf32, #tpu.memory_space<hbm>> -> memref<10000x128xf32, #tpu.memory_space<hbm>>
      tpu.enqueue_indirect_dma source(%dma_start3A_239 : memref<10000x128xf32, #tpu.memory_space<hbm>>) target(%arg9 : memref<50x128xf32, #tpu.memory_space<vmem>>) offsets(%dma_start3A_236 : memref<50xi32, #tpu.memory_space<vmem>>) semaphore(%arg16 : memref<!tpu.dma_semaphore, #tpu.memory_space<semaphore_mem>>)
      %dma_wait3A_240 = arith.constant 0 : i32
      %dma_wait3A_241 = arith.constant 0 : i32
      %dma_wait3A_242 = arith.constant 0 : i32
      %dma_wait3A_243 = tpu.memref_slice %arg6[%dma_wait3A_240, %dma_wait3A_241, %dma_wait3A_242] : memref<4x2x50xi32, #tpu.memory_space<vmem>> -> memref<1x1x50xi32, #tpu.memory_space<vmem>>
      %dma_wait3A_244 = tpu.memref_squeeze %dma_wait3A_243 : memref<1x1x50xi32, #tpu.memory_space<vmem>> -> memref<50xi32, #tpu.memory_space<vmem>>
      %dma_wait3A_245 = arith.constant 0 : i32
      %dma_wait3A_246 = arith.constant 0 : i32
      %dma_wait3A_247 = tpu.memref_slice %arg2[%dma_wait3A_245, %dma_wait3A_246] : memref<10000x128xf32, #tpu.memory_space<hbm>> -> memref<10000x128xf32, #tpu.memory_space<hbm>>
      tpu.wait_indirect_dma semaphore(%arg15 : memref<!tpu.dma_semaphore, #tpu.memory_space<semaphore_mem>>) src(%dma_wait3A_247 : memref<10000x128xf32, #tpu.memory_space<hbm>>) dst(%arg8 : memref<50x128xf32, #tpu.memory_space<vmem>>)
      %dma_start3A_248 = arith.constant 0 : i32
      %dma_start3A_249 = arith.constant 1 : i32
      %dma_start3A_250 = arith.constant 0 : i32
      %dma_start3A_251 = tpu.memref_slice %arg7[%dma_start3A_248, %dma_start3A_249, %dma_start3A_250] : memref<4x2x50xi32, #tpu.memory_space<vmem>> -> memref<1x1x50xi32, #tpu.memory_space<vmem>>
      %dma_start3A_252 = tpu.memref_squeeze %dma_start3A_251 : memref<1x1x50xi32, #tpu.memory_space<vmem>> -> memref<50xi32, #tpu.memory_space<vmem>>
      %dma_start3A_253 = arith.constant 0 : i32
      %dma_start3A_254 = arith.constant 0 : i32
      %dma_start3A_255 = tpu.memref_slice %arg12[%dma_start3A_253, %dma_start3A_254] : memref<10240x128xf32, #tpu.memory_space<vmem_shared>> -> memref<10240x128xf32, #tpu.memory_space<vmem_shared>>
      tpu.enqueue_indirect_dma source(%arg8 : memref<50x128xf32, #tpu.memory_space<vmem>>) target(%dma_start3A_255 : memref<10240x128xf32, #tpu.memory_space<vmem_shared>>) offsets(%dma_start3A_252 : memref<50xi32, #tpu.memory_space<vmem>>) semaphore(%arg19 : memref<!tpu.dma_semaphore, #tpu.memory_space<semaphore_mem>>) {add = true}
      %dma_wait3A_256 = arith.constant 0 : i32
      %dma_wait3A_257 = arith.constant 1 : i32
      %dma_wait3A_258 = arith.constant 0 : i32
      %dma_wait3A_259 = tpu.memref_slice %arg6[%dma_wait3A_256, %dma_wait3A_257, %dma_wait3A_258] : memref<4x2x50xi32, #tpu.memory_space<vmem>> -> memref<1x1x50xi32, #tpu.memory_space<vmem>>
      %dma_wait3A_260 = tpu.memref_squeeze %dma_wait3A_259 : memref<1x1x50xi32, #tpu.memory_space<vmem>> -> memref<50xi32, #tpu.memory_space<vmem>>
      %dma_wait3A_261 = arith.constant 0 : i32
      %dma_wait3A_262 = arith.constant 0 : i32
      %dma_wait3A_263 = tpu.memref_slice %arg12[%dma_wait3A_261, %dma_wait3A_262] : memref<10240x128xf32, #tpu.memory_space<vmem_shared>> -> memref<10240x128xf32, #tpu.memory_space<vmem_shared>>
      tpu.wait_indirect_dma semaphore(%arg21 : memref<!tpu.dma_semaphore, #tpu.memory_space<semaphore_mem>>) src(%arg10 : memref<50x128xf32, #tpu.memory_space<vmem>>) dst(%dma_wait3A_263 : memref<10240x128xf32, #tpu.memory_space<vmem_shared>>)
      %dma_start3A_264 = arith.constant 2 : i32
      %dma_start3A_265 = arith.constant 0 : i32
      %dma_start3A_266 = arith.constant 0 : i32
      %dma_start3A_267 = tpu.memref_slice %arg7[%dma_start3A_264, %dma_start3A_265, %dma_start3A_266] : memref<4x2x50xi32, #tpu.memory_space<vmem>> -> memref<1x1x50xi32, #tpu.memory_space<vmem>>
      %dma_start3A_268 = tpu.memref_squeeze %dma_start3A_267 : memref<1x1x50xi32, #tpu.memory_space<vmem>> -> memref<50xi32, #tpu.memory_space<vmem>>
      %dma_start3A_269 = arith.constant 0 : i32
      %dma_start3A_270 = arith.constant 0 : i32
      %dma_start3A_271 = tpu.memref_slice %arg2[%dma_start3A_269, %dma_start3A_270] : memref<10000x128xf32, #tpu.memory_space<hbm>> -> memref<10000x128xf32, #tpu.memory_space<hbm>>
      tpu.enqueue_indirect_dma source(%dma_start3A_271 : memref<10000x128xf32, #tpu.memory_space<hbm>>) target(%arg10 : memref<50x128xf32, #tpu.memory_space<vmem>>) offsets(%dma_start3A_268 : memref<50xi32, #tpu.memory_space<vmem>>) semaphore(%arg17 : memref<!tpu.dma_semaphore, #tpu.memory_space<semaphore_mem>>)
      %add3A_272 = arith.constant 8 : i32
      %add3A_273 = arith.addi %add3A_97, %add3A_272 : i32
      %min3A = arith.minsi %add3A_273, %sub3A_7 : i32
      %dma_start3A_274 = arith.constant 0 : i32
      %dma_start3A_275 = arith.constant 0 : i32
      %dma_start3A_276 = tpu.memref_slice %arg3[%min3A, %dma_start3A_274, %dma_start3A_275] : memref<6400x2x50xi32, #tpu.memory_space<hbm>> -> memref<4x2x50xi32, #tpu.memory_space<hbm>>
      %dma_start3A_277 = arith.constant 0 : i32
      %dma_start3A_278 = arith.constant 0 : i32
      %dma_start3A_279 = tpu.memref_slice %arg3[%min3A, %dma_start3A_277, %dma_start3A_278] : memref<6400x2x50xi32, #tpu.memory_space<hbm>> -> memref<4x2x50xi32, #tpu.memory_space<hbm>>
      tpu.enqueue_dma source(%dma_start3A_279 : memref<4x2x50xi32, #tpu.memory_space<hbm>>) target(%arg6 : memref<4x2x50xi32, #tpu.memory_space<vmem>>) target_semaphore(%arg13 : memref<!tpu.dma_semaphore, #tpu.memory_space<semaphore_mem>>)
      %dma_wait3A_280 = arith.constant 0 : i32
      %dma_wait3A_281 = arith.constant 0 : i32
      %dma_wait3A_282 = arith.constant 0 : i32
      %dma_wait3A_283 = tpu.memref_slice %arg6[%dma_wait3A_280, %dma_wait3A_281, %dma_wait3A_282] : memref<4x2x50xi32, #tpu.memory_space<vmem>> -> memref<1x1x50xi32, #tpu.memory_space<vmem>>
      %dma_wait3A_284 = tpu.memref_squeeze %dma_wait3A_283 : memref<1x1x50xi32, #tpu.memory_space<vmem>> -> memref<50xi32, #tpu.memory_space<vmem>>
      %dma_wait3A_285 = arith.constant 0 : i32
      %dma_wait3A_286 = arith.constant 0 : i32
      %dma_wait3A_287 = tpu.memref_slice %arg2[%dma_wait3A_285, %dma_wait3A_286] : memref<10000x128xf32, #tpu.memory_space<hbm>> -> memref<10000x128xf32, #tpu.memory_space<hbm>>
      tpu.wait_indirect_dma semaphore(%arg16 : memref<!tpu.dma_semaphore, #tpu.memory_space<semaphore_mem>>) src(%dma_wait3A_287 : memref<10000x128xf32, #tpu.memory_space<hbm>>) dst(%arg9 : memref<50x128xf32, #tpu.memory_space<vmem>>)
      %dma_start3A_288 = arith.constant 1 : i32
      %dma_start3A_289 = arith.constant 1 : i32
      %dma_start3A_290 = arith.constant 0 : i32
      %dma_start3A_291 = tpu.memref_slice %arg7[%dma_start3A_288, %dma_start3A_289, %dma_start3A_290] : memref<4x2x50xi32, #tpu.memory_space<vmem>> -> memref<1x1x50xi32, #tpu.memory_space<vmem>>
      %dma_start3A_292 = tpu.memref_squeeze %dma_start3A_291 : memref<1x1x50xi32, #tpu.memory_space<vmem>> -> memref<50xi32, #tpu.memory_space<vmem>>
      %dma_start3A_293 = arith.constant 0 : i32
      %dma_start3A_294 = arith.constant 0 : i32
      %dma_start3A_295 = tpu.memref_slice %arg12[%dma_start3A_293, %dma_start3A_294] : memref<10240x128xf32, #tpu.memory_space<vmem_shared>> -> memref<10240x128xf32, #tpu.memory_space<vmem_shared>>
      tpu.enqueue_indirect_dma source(%arg9 : memref<50x128xf32, #tpu.memory_space<vmem>>) target(%dma_start3A_295 : memref<10240x128xf32, #tpu.memory_space<vmem_shared>>) offsets(%dma_start3A_292 : memref<50xi32, #tpu.memory_space<vmem>>) semaphore(%arg20 : memref<!tpu.dma_semaphore, #tpu.memory_space<semaphore_mem>>) {add = true}
      %dma_wait3A_296 = arith.constant 0 : i32
      %dma_wait3A_297 = arith.constant 1 : i32
      %dma_wait3A_298 = arith.constant 0 : i32
      %dma_wait3A_299 = tpu.memref_slice %arg6[%dma_wait3A_296, %dma_wait3A_297, %dma_wait3A_298] : memref<4x2x50xi32, #tpu.memory_space<vmem>> -> memref<1x1x50xi32, #tpu.memory_space<vmem>>
      %dma_wait3A_300 = tpu.memref_squeeze %dma_wait3A_299 : memref<1x1x50xi32, #tpu.memory_space<vmem>> -> memref<50xi32, #tpu.memory_space<vmem>>
      %dma_wait3A_301 = arith.constant 0 : i32
      %dma_wait3A_302 = arith.constant 0 : i32
      %dma_wait3A_303 = tpu.memref_slice %arg12[%dma_wait3A_301, %dma_wait3A_302] : memref<10240x128xf32, #tpu.memory_space<vmem_shared>> -> memref<10240x128xf32, #tpu.memory_space<vmem_shared>>
      tpu.wait_indirect_dma semaphore(%arg22 : memref<!tpu.dma_semaphore, #tpu.memory_space<semaphore_mem>>) src(%arg11 : memref<50x128xf32, #tpu.memory_space<vmem>>) dst(%dma_wait3A_303 : memref<10240x128xf32, #tpu.memory_space<vmem_shared>>)
      %dma_start3A_304 = arith.constant 3 : i32
      %dma_start3A_305 = arith.constant 0 : i32
      %dma_start3A_306 = arith.constant 0 : i32
      %dma_start3A_307 = tpu.memref_slice %arg7[%dma_start3A_304, %dma_start3A_305, %dma_start3A_306] : memref<4x2x50xi32, #tpu.memory_space<vmem>> -> memref<1x1x50xi32, #tpu.memory_space<vmem>>
      %dma_start3A_308 = tpu.memref_squeeze %dma_start3A_307 : memref<1x1x50xi32, #tpu.memory_space<vmem>> -> memref<50xi32, #tpu.memory_space<vmem>>
      %dma_start3A_309 = arith.constant 0 : i32
      %dma_start3A_310 = arith.constant 0 : i32
      %dma_start3A_311 = tpu.memref_slice %arg2[%dma_start3A_309, %dma_start3A_310] : memref<10000x128xf32, #tpu.memory_space<hbm>> -> memref<10000x128xf32, #tpu.memory_space<hbm>>
      tpu.enqueue_indirect_dma source(%dma_start3A_311 : memref<10000x128xf32, #tpu.memory_space<hbm>>) target(%arg11 : memref<50x128xf32, #tpu.memory_space<vmem>>) offsets(%dma_start3A_308 : memref<50xi32, #tpu.memory_space<vmem>>) semaphore(%arg18 : memref<!tpu.dma_semaphore, #tpu.memory_space<semaphore_mem>>)
      %dma_wait3A_312 = arith.constant 0 : i32
      %dma_wait3A_313 = arith.constant 0 : i32
      %dma_wait3A_314 = arith.constant 0 : i32
      %dma_wait3A_315 = tpu.memref_slice %arg6[%dma_wait3A_312, %dma_wait3A_313, %dma_wait3A_314] : memref<4x2x50xi32, #tpu.memory_space<vmem>> -> memref<1x1x50xi32, #tpu.memory_space<vmem>>
      %dma_wait3A_316 = tpu.memref_squeeze %dma_wait3A_315 : memref<1x1x50xi32, #tpu.memory_space<vmem>> -> memref<50xi32, #tpu.memory_space<vmem>>
      %dma_wait3A_317 = arith.constant 0 : i32
      %dma_wait3A_318 = arith.constant 0 : i32
      %dma_wait3A_319 = tpu.memref_slice %arg2[%dma_wait3A_317, %dma_wait3A_318] : memref<10000x128xf32, #tpu.memory_space<hbm>> -> memref<10000x128xf32, #tpu.memory_space<hbm>>
      tpu.wait_indirect_dma semaphore(%arg17 : memref<!tpu.dma_semaphore, #tpu.memory_space<semaphore_mem>>) src(%dma_wait3A_319 : memref<10000x128xf32, #tpu.memory_space<hbm>>) dst(%arg10 : memref<50x128xf32, #tpu.memory_space<vmem>>)
      %dma_start3A_320 = arith.constant 2 : i32
      %dma_start3A_321 = arith.constant 1 : i32
      %dma_start3A_322 = arith.constant 0 : i32
      %dma_start3A_323 = tpu.memref_slice %arg7[%dma_start3A_320, %dma_start3A_321, %dma_start3A_322] : memref<4x2x50xi32, #tpu.memory_space<vmem>> -> memref<1x1x50xi32, #tpu.memory_space<vmem>>
      %dma_start3A_324 = tpu.memref_squeeze %dma_start3A_323 : memref<1x1x50xi32, #tpu.memory_space<vmem>> -> memref<50xi32, #tpu.memory_space<vmem>>
      %dma_start3A_325 = arith.constant 0 : i32
      %dma_start3A_326 = arith.constant 0 : i32
      %dma_start3A_327 = tpu.memref_slice %arg12[%dma_start3A_325, %dma_start3A_326] : memref<10240x128xf32, #tpu.memory_space<vmem_shared>> -> memref<10240x128xf32, #tpu.memory_space<vmem_shared>>
      tpu.enqueue_indirect_dma source(%arg10 : memref<50x128xf32, #tpu.memory_space<vmem>>) target(%dma_start3A_327 : memref<10240x128xf32, #tpu.memory_space<vmem_shared>>) offsets(%dma_start3A_324 : memref<50xi32, #tpu.memory_space<vmem>>) semaphore(%arg21 : memref<!tpu.dma_semaphore, #tpu.memory_space<semaphore_mem>>) {add = true}
      %dma_wait3A_328 = arith.constant 0 : i32
      %dma_wait3A_329 = arith.constant 1 : i32
      %dma_wait3A_330 = arith.constant 0 : i32
      %dma_wait3A_331 = tpu.memref_slice %arg6[%dma_wait3A_328, %dma_wait3A_329, %dma_wait3A_330] : memref<4x2x50xi32, #tpu.memory_space<vmem>> -> memref<1x1x50xi32, #tpu.memory_space<vmem>>
      %dma_wait3A_332 = tpu.memref_squeeze %dma_wait3A_331 : memref<1x1x50xi32, #tpu.memory_space<vmem>> -> memref<50xi32, #tpu.memory_space<vmem>>
      %dma_wait3A_333 = arith.constant 0 : i32
      %dma_wait3A_334 = arith.constant 0 : i32
      %dma_wait3A_335 = tpu.memref_slice %arg12[%dma_wait3A_333, %dma_wait3A_334] : memref<10240x128xf32, #tpu.memory_space<vmem_shared>> -> memref<10240x128xf32, #tpu.memory_space<vmem_shared>>
      tpu.wait_indirect_dma semaphore(%arg19 : memref<!tpu.dma_semaphore, #tpu.memory_space<semaphore_mem>>) src(%arg8 : memref<50x128xf32, #tpu.memory_space<vmem>>) dst(%dma_wait3A_335 : memref<10240x128xf32, #tpu.memory_space<vmem_shared>>)
      %dma_wait3A_336 = arith.constant 0 : i32
      %dma_wait3A_337 = arith.constant 0 : i32
      %dma_wait3A_338 = tpu.memref_slice %arg3[%mul3A_4, %dma_wait3A_336, %dma_wait3A_337] : memref<6400x2x50xi32, #tpu.memory_space<hbm>> -> memref<4x2x50xi32, #tpu.memory_space<hbm>>
      %dma_wait3A_339 = arith.constant 0 : i32
      %dma_wait3A_340 = arith.constant 0 : i32
      %dma_wait3A_341 = tpu.memref_slice %arg3[%mul3A_4, %dma_wait3A_339, %dma_wait3A_340] : memref<6400x2x50xi32, #tpu.memory_space<hbm>> -> memref<4x2x50xi32, #tpu.memory_space<hbm>>
      tpu.wait_dma2 semaphore(%arg13 : memref<!tpu.dma_semaphore, #tpu.memory_space<semaphore_mem>>) src(%dma_wait3A_341 : memref<4x2x50xi32, #tpu.memory_space<hbm>>) dst(%arg6 : memref<4x2x50xi32, #tpu.memory_space<vmem>>)
      %dma_start3A_342 = arith.constant 0 : i32
      %dma_start3A_343 = arith.constant 0 : i32
      %dma_start3A_344 = arith.constant 0 : i32
      %dma_start3A_345 = tpu.memref_slice %arg6[%dma_start3A_342, %dma_start3A_343, %dma_start3A_344] : memref<4x2x50xi32, #tpu.memory_space<vmem>> -> memref<1x1x50xi32, #tpu.memory_space<vmem>>
      %dma_start3A_346 = tpu.memref_squeeze %dma_start3A_345 : memref<1x1x50xi32, #tpu.memory_space<vmem>> -> memref<50xi32, #tpu.memory_space<vmem>>
      %dma_start3A_347 = arith.constant 0 : i32
      %dma_start3A_348 = arith.constant 0 : i32
      %dma_start3A_349 = tpu.memref_slice %arg2[%dma_start3A_347, %dma_start3A_348] : memref<10000x128xf32, #tpu.memory_space<hbm>> -> memref<10000x128xf32, #tpu.memory_space<hbm>>
      tpu.enqueue_indirect_dma source(%dma_start3A_349 : memref<10000x128xf32, #tpu.memory_space<hbm>>) target(%arg8 : memref<50x128xf32, #tpu.memory_space<vmem>>) offsets(%dma_start3A_346 : memref<50xi32, #tpu.memory_space<vmem>>) semaphore(%arg15 : memref<!tpu.dma_semaphore, #tpu.memory_space<semaphore_mem>>)
      %dma_wait3A_350 = arith.constant 0 : i32
      %dma_wait3A_351 = arith.constant 0 : i32
      %dma_wait3A_352 = arith.constant 0 : i32
      %dma_wait3A_353 = tpu.memref_slice %arg6[%dma_wait3A_350, %dma_wait3A_351, %dma_wait3A_352] : memref<4x2x50xi32, #tpu.memory_space<vmem>> -> memref<1x1x50xi32, #tpu.memory_space<vmem>>
      %dma_wait3A_354 = tpu.memref_squeeze %dma_wait3A_353 : memref<1x1x50xi32, #tpu.memory_space<vmem>> -> memref<50xi32, #tpu.memory_space<vmem>>
      %dma_wait3A_355 = arith.constant 0 : i32
      %dma_wait3A_356 = arith.constant 0 : i32
      %dma_wait3A_357 = tpu.memref_slice %arg2[%dma_wait3A_355, %dma_wait3A_356] : memref<10000x128xf32, #tpu.memory_space<hbm>> -> memref<10000x128xf32, #tpu.memory_space<hbm>>
      tpu.wait_indirect_dma semaphore(%arg18 : memref<!tpu.dma_semaphore, #tpu.memory_space<semaphore_mem>>) src(%dma_wait3A_357 : memref<10000x128xf32, #tpu.memory_space<hbm>>) dst(%arg11 : memref<50x128xf32, #tpu.memory_space<vmem>>)
      %dma_start3A_358 = arith.constant 3 : i32
      %dma_start3A_359 = arith.constant 1 : i32
      %dma_start3A_360 = arith.constant 0 : i32
      %dma_start3A_361 = tpu.memref_slice %arg7[%dma_start3A_358, %dma_start3A_359, %dma_start3A_360] : memref<4x2x50xi32, #tpu.memory_space<vmem>> -> memref<1x1x50xi32, #tpu.memory_space<vmem>>
      %dma_start3A_362 = tpu.memref_squeeze %dma_start3A_361 : memref<1x1x50xi32, #tpu.memory_space<vmem>> -> memref<50xi32, #tpu.memory_space<vmem>>
      %dma_start3A_363 = arith.constant 0 : i32
      %dma_start3A_364 = arith.constant 0 : i32
      %dma_start3A_365 = tpu.memref_slice %arg12[%dma_start3A_363, %dma_start3A_364] : memref<10240x128xf32, #tpu.memory_space<vmem_shared>> -> memref<10240x128xf32, #tpu.memory_space<vmem_shared>>
      tpu.enqueue_indirect_dma source(%arg11 : memref<50x128xf32, #tpu.memory_space<vmem>>) target(%dma_start3A_365 : memref<10240x128xf32, #tpu.memory_space<vmem_shared>>) offsets(%dma_start3A_362 : memref<50xi32, #tpu.memory_space<vmem>>) semaphore(%arg22 : memref<!tpu.dma_semaphore, #tpu.memory_space<semaphore_mem>>) {add = true}
      %dma_wait3A_366 = arith.constant 0 : i32
      %dma_wait3A_367 = arith.constant 1 : i32
      %dma_wait3A_368 = arith.constant 0 : i32
      %dma_wait3A_369 = tpu.memref_slice %arg6[%dma_wait3A_366, %dma_wait3A_367, %dma_wait3A_368] : memref<4x2x50xi32, #tpu.memory_space<vmem>> -> memref<1x1x50xi32, #tpu.memory_space<vmem>>
      %dma_wait3A_370 = tpu.memref_squeeze %dma_wait3A_369 : memref<1x1x50xi32, #tpu.memory_space<vmem>> -> memref<50xi32, #tpu.memory_space<vmem>>
      %dma_wait3A_371 = arith.constant 0 : i32
      %dma_wait3A_372 = arith.constant 0 : i32
      %dma_wait3A_373 = tpu.memref_slice %arg12[%dma_wait3A_371, %dma_wait3A_372] : memref<10240x128xf32, #tpu.memory_space<vmem_shared>> -> memref<10240x128xf32, #tpu.memory_space<vmem_shared>>
      tpu.wait_indirect_dma semaphore(%arg20 : memref<!tpu.dma_semaphore, #tpu.memory_space<semaphore_mem>>) src(%arg9 : memref<50x128xf32, #tpu.memory_space<vmem>>) dst(%dma_wait3A_373 : memref<10240x128xf32, #tpu.memory_space<vmem_shared>>)
      %dma_start3A_374 = arith.constant 1 : i32
      %dma_start3A_375 = arith.constant 0 : i32
      %dma_start3A_376 = arith.constant 0 : i32
      %dma_start3A_377 = tpu.memref_slice %arg6[%dma_start3A_374, %dma_start3A_375, %dma_start3A_376] : memref<4x2x50xi32, #tpu.memory_space<vmem>> -> memref<1x1x50xi32, #tpu.memory_space<vmem>>
      %dma_start3A_378 = tpu.memref_squeeze %dma_start3A_377 : memref<1x1x50xi32, #tpu.memory_space<vmem>> -> memref<50xi32, #tpu.memory_space<vmem>>
      %dma_start3A_379 = arith.constant 0 : i32
      %dma_start3A_380 = arith.constant 0 : i32
      %dma_start3A_381 = tpu.memref_slice %arg2[%dma_start3A_379, %dma_start3A_380] : memref<10000x128xf32, #tpu.memory_space<hbm>> -> memref<10000x128xf32, #tpu.memory_space<hbm>>
      tpu.enqueue_indirect_dma source(%dma_start3A_381 : memref<10000x128xf32, #tpu.memory_space<hbm>>) target(%arg9 : memref<50x128xf32, #tpu.memory_space<vmem>>) offsets(%dma_start3A_378 : memref<50xi32, #tpu.memory_space<vmem>>) semaphore(%arg16 : memref<!tpu.dma_semaphore, #tpu.memory_space<semaphore_mem>>)
    }
    %scan3A_60 = arith.constant 25 : i32
    %dma_wait3A_61 = arith.constant 0 : i32
    %dma_wait3A_62 = arith.constant 1 : i32
    %dma_wait3A_63 = arith.constant 0 : i32
    %dma_wait3A_64 = tpu.memref_slice %arg6[%dma_wait3A_61, %dma_wait3A_62, %dma_wait3A_63] : memref<4x2x50xi32, #tpu.memory_space<vmem>> -> memref<1x1x50xi32, #tpu.memory_space<vmem>>
    %dma_wait3A_65 = tpu.memref_squeeze %dma_wait3A_64 : memref<1x1x50xi32, #tpu.memory_space<vmem>> -> memref<50xi32, #tpu.memory_space<vmem>>
    %dma_wait3A_66 = arith.constant 0 : i32
    %dma_wait3A_67 = arith.constant 0 : i32
    %dma_wait3A_68 = tpu.memref_slice %arg12[%dma_wait3A_66, %dma_wait3A_67] : memref<10240x128xf32, #tpu.memory_space<vmem_shared>> -> memref<10240x128xf32, #tpu.memory_space<vmem_shared>>
    tpu.wait_indirect_dma semaphore(%arg21 : memref<!tpu.dma_semaphore, #tpu.memory_space<semaphore_mem>>) src(%arg10 : memref<50x128xf32, #tpu.memory_space<vmem>>) dst(%dma_wait3A_68 : memref<10240x128xf32, #tpu.memory_space<vmem_shared>>)
    %dma_wait3A_69 = arith.constant 0 : i32
    %dma_wait3A_70 = arith.constant 1 : i32
    %dma_wait3A_71 = arith.constant 0 : i32
    %dma_wait3A_72 = tpu.memref_slice %arg6[%dma_wait3A_69, %dma_wait3A_70, %dma_wait3A_71] : memref<4x2x50xi32, #tpu.memory_space<vmem>> -> memref<1x1x50xi32, #tpu.memory_space<vmem>>
    %dma_wait3A_73 = tpu.memref_squeeze %dma_wait3A_72 : memref<1x1x50xi32, #tpu.memory_space<vmem>> -> memref<50xi32, #tpu.memory_space<vmem>>
    %dma_wait3A_74 = arith.constant 0 : i32
    %dma_wait3A_75 = arith.constant 0 : i32
    %dma_wait3A_76 = tpu.memref_slice %arg12[%dma_wait3A_74, %dma_wait3A_75] : memref<10240x128xf32, #tpu.memory_space<vmem_shared>> -> memref<10240x128xf32, #tpu.memory_space<vmem_shared>>
    tpu.wait_indirect_dma semaphore(%arg22 : memref<!tpu.dma_semaphore, #tpu.memory_space<semaphore_mem>>) src(%arg11 : memref<50x128xf32, #tpu.memory_space<vmem>>) dst(%dma_wait3A_76 : memref<10240x128xf32, #tpu.memory_space<vmem_shared>>)
    %dma_wait3A_77 = arith.constant 0 : i32
    %dma_wait3A_78 = arith.constant 0 : i32
    %dma_wait3A_79 = arith.constant 0 : i32
    %dma_wait3A_80 = tpu.memref_slice %arg6[%dma_wait3A_77, %dma_wait3A_78, %dma_wait3A_79] : memref<4x2x50xi32, #tpu.memory_space<vmem>> -> memref<1x1x50xi32, #tpu.memory_space<vmem>>
    %dma_wait3A_81 = tpu.memref_squeeze %dma_wait3A_80 : memref<1x1x50xi32, #tpu.memory_space<vmem>> -> memref<50xi32, #tpu.memory_space<vmem>>
    %dma_wait3A_82 = arith.constant 0 : i32
    %dma_wait3A_83 = arith.constant 0 : i32
    %dma_wait3A_84 = tpu.memref_slice %arg2[%dma_wait3A_82, %dma_wait3A_83] : memref<10000x128xf32, #tpu.memory_space<hbm>> -> memref<10000x128xf32, #tpu.memory_space<hbm>>
    tpu.wait_indirect_dma semaphore(%arg15 : memref<!tpu.dma_semaphore, #tpu.memory_space<semaphore_mem>>) src(%dma_wait3A_84 : memref<10000x128xf32, #tpu.memory_space<hbm>>) dst(%arg8 : memref<50x128xf32, #tpu.memory_space<vmem>>)
    %dma_wait3A_85 = arith.constant 0 : i32
    %dma_wait3A_86 = arith.constant 0 : i32
    %dma_wait3A_87 = arith.constant 0 : i32
    %dma_wait3A_88 = tpu.memref_slice %arg6[%dma_wait3A_85, %dma_wait3A_86, %dma_wait3A_87] : memref<4x2x50xi32, #tpu.memory_space<vmem>> -> memref<1x1x50xi32, #tpu.memory_space<vmem>>
    %dma_wait3A_89 = tpu.memref_squeeze %dma_wait3A_88 : memref<1x1x50xi32, #tpu.memory_space<vmem>> -> memref<50xi32, #tpu.memory_space<vmem>>
    %dma_wait3A_90 = arith.constant 0 : i32
    %dma_wait3A_91 = arith.constant 0 : i32
    %dma_wait3A_92 = tpu.memref_slice %arg2[%dma_wait3A_90, %dma_wait3A_91] : memref<10000x128xf32, #tpu.memory_space<hbm>> -> memref<10000x128xf32, #tpu.memory_space<hbm>>
    tpu.wait_indirect_dma semaphore(%arg16 : memref<!tpu.dma_semaphore, #tpu.memory_space<semaphore_mem>>) src(%dma_wait3A_92 : memref<10000x128xf32, #tpu.memory_space<hbm>>) dst(%arg9 : memref<50x128xf32, #tpu.memory_space<vmem>>)
    %barrier3A_93 = arith.constant 0 : index
    tpu.barrier barrier_id(%barrier3A_93)
    "tpu.region"() ({
      %run_scoped3A = tpu.sem_alloc : memref<!tpu.dma_semaphore, #tpu.memory_space<semaphore_mem>>
      %dma_start3A_94 = arith.constant 0 : i32
      %dma_start3A_95 = tpu.memref_slice %arg5[%arg0, %multiple_of3A, %dma_start3A_94] : memref<2x10240x128xf32, #tpu.memory_space<hbm>> -> memref<1x640x128xf32, #tpu.memory_space<hbm>>
      %dma_start3A_96 = tpu.memref_squeeze %dma_start3A_95 : memref<1x640x128xf32, #tpu.memory_space<hbm>> -> memref<640x128xf32, #tpu.memory_space<hbm>>
      %dma_start3A_97 = arith.constant 0 : i32
      %dma_start3A_98 = tpu.memref_slice %arg12[%multiple_of3A, %dma_start3A_97] : memref<10240x128xf32, #tpu.memory_space<vmem_shared>> -> memref<640x128xf32, #tpu.memory_space<vmem_shared>>
      tpu.enqueue_dma source(%dma_start3A_98 : memref<640x128xf32, #tpu.memory_space<vmem_shared>>) target(%dma_start3A_96 : memref<640x128xf32, #tpu.memory_space<hbm>>) target_semaphore(%run_scoped3A : memref<!tpu.dma_semaphore, #tpu.memory_space<semaphore_mem>>)
      %dma_wait3A_99 = arith.constant 0 : i32
      %dma_wait3A_100 = tpu.memref_slice %arg5[%arg0, %multiple_of3A, %dma_wait3A_99] : memref<2x10240x128xf32, #tpu.memory_space<hbm>> -> memref<1x640x128xf32, #tpu.memory_space<hbm>>
      %dma_wait3A_101 = tpu.memref_squeeze %dma_wait3A_100 : memref<1x640x128xf32, #tpu.memory_space<hbm>> -> memref<640x128xf32, #tpu.memory_space<hbm>>
      %dma_wait3A_102 = arith.constant 0 : i32
      %dma_wait3A_103 = tpu.memref_slice %arg12[%multiple_of3A, %dma_wait3A_102] : memref<10240x128xf32, #tpu.memory_space<vmem_shared>> -> memref<640x128xf32, #tpu.memory_space<vmem_shared>>
      tpu.wait_dma2 semaphore(%run_scoped3A : memref<!tpu.dma_semaphore, #tpu.memory_space<semaphore_mem>>) src(%dma_wait3A_103 : memref<640x128xf32, #tpu.memory_space<vmem_shared>>) dst(%dma_wait3A_101 : memref<640x128xf32, #tpu.memory_space<hbm>>)
      tpu.yield
    }) : () -> ()
    return
  }
}

#map = affine_map<(d0, d1) -> (0, 0)>
#map1 = affine_map<(d0, d1) -> (0, 0, 0)>
module attributes {stable_mosaic.version = 14 : i64} {
  func.func @k(%arg0: i32, %arg1: i32, %arg2: memref<10000x128xf32, #tpu.memory_space<hbm>>, %arg3: memref<6400x2x50xi32, #tpu.memory_space<hbm>>, %arg4: memref<640x128xf32, #tpu.memory_space<hbm>>, %arg5: memref<2x10240x128xf32, #tpu.memory_space<hbm>>, %arg6: memref<4x2x50xi32, #tpu.memory_space<vmem>>, %arg7: memref<4x2x50xi32, #tpu.memory_space<vmem>>, %arg8: memref<50x128xf32, #tpu.memory_space<vmem>>, %arg9: memref<50x128xf32, #tpu.memory_space<vmem>>, %arg10: memref<50x128xf32, #tpu.memory_space<vmem>>, %arg11: memref<50x128xf32, #tpu.memory_space<vmem>>, %arg12: memref<10240x128xf32, #tpu.memory_space<vmem_shared>>, %arg13: memref<!tpu.dma_semaphore, #tpu.memory_space<semaphore_mem>>, %arg14: memref<!tpu.dma_semaphore, #tpu.memory_space<semaphore_mem>>, %arg15: memref<!tpu.dma_semaphore, #tpu.memory_space<semaphore_mem>>, %arg16: memref<!tpu.dma_semaphore, #tpu.memory_space<semaphore_mem>>, %arg17: memref<!tpu.dma_semaphore, #tpu.memory_space<semaphore_mem>>, %arg18: memref<!tpu.dma_semaphore, #tpu.memory_space<semaphore_mem>>, %arg19: memref<!tpu.dma_semaphore, #tpu.memory_space<semaphore_mem>>, %arg20: memref<!tpu.dma_semaphore, #tpu.memory_space<semaphore_mem>>, %arg21: memref<!tpu.dma_semaphore, #tpu.memory_space<semaphore_mem>>, %arg22: memref<!tpu.dma_semaphore, #tpu.memory_space<semaphore_mem>>) attributes {dimension_semantics = [#tpu.dimension_semantics<core_parallel>, #tpu.dimension_semantics<subcore_parallel>], iteration_bounds = array<i64: 2, 16>, scalar_prefetch = 0 : i64, scratch_operands = 17 : i64, tpu.core_type = #tpu.core_type<sc_vector_subcore>, window_params = [{transform_indices = #map}, {transform_indices = #map1}, {transform_indices = #map}, {transform_indices = #map1}]} {
    %mul3A = arith.constant 2 : i32
    %mul3A_0 = arith.muli %arg1, %mul3A : i32
    %add3A = arith.addi %mul3A_0, %arg0 : i32
    %mul3A_1 = arith.constant 640 : i32
    %mul3A_2 = arith.muli %arg1, %mul3A_1 : i32
    %multiple_of3A = tpu.assume_multiple %mul3A_2, 8 : i32
    %mul3A_3 = arith.constant 200 : i32
    %mul3A_4 = arith.muli %add3A, %mul3A_3 : i32
    %add3A_5 = arith.constant 200 : i32
    %add3A_6 = arith.addi %mul3A_4, %add3A_5 : i32
    %sub3A = arith.constant 4 : i32
    %sub3A_7 = arith.subi %add3A_6, %sub3A : i32
    %dma_start3A = arith.constant 0 : i32
    %dma_start3A_8 = arith.constant 0 : i32
    %dma_start3A_9 = tpu.memref_slice %arg3[%mul3A_4, %dma_start3A, %dma_start3A_8] : memref<6400x2x50xi32, #tpu.memory_space<hbm>> -> memref<4x2x50xi32, #tpu.memory_space<hbm>>
    %dma_start3A_10 = arith.constant 0 : i32
    %dma_start3A_11 = arith.constant 0 : i32
    %dma_start3A_12 = tpu.memref_slice %arg3[%mul3A_4, %dma_start3A_10, %dma_start3A_11] : memref<6400x2x50xi32, #tpu.memory_space<hbm>> -> memref<4x2x50xi32, #tpu.memory_space<hbm>>
    tpu.enqueue_dma source(%dma_start3A_12 : memref<4x2x50xi32, #tpu.memory_space<hbm>>) target(%arg6 : memref<4x2x50xi32, #tpu.memory_space<vmem>>) target_semaphore(%arg13 : memref<!tpu.dma_semaphore, #tpu.memory_space<semaphore_mem>>)
    %scan3A = arith.constant 0 : i32
    %scan3A_13 = arith.constant 0 : i32
    %scan3A_14 = arith.constant 50 : i32
    %scan3A_15 = arith.addi %scan3A_13, %scan3A_14 : i32
    %scan3A_16 = arith.constant 1 : i32
    scf.for %scan3A_94 = %scan3A_13 to %scan3A_15 step %scan3A_16  : i32 {
      %broadcast_in_dim3A = arith.constant 0.000000e+00 : f32
      %broadcast_in_dim3A_95 = vector.broadcast %broadcast_in_dim3A : f32 to vector<16xf32>
      %swap3A = arith.index_cast %scan3A_94 : i32 to index
      %swap3A_96 = arith.constant 0 : index
      %swap3A_97 = tpu.vector_load %arg10[%swap3A, %swap3A_96] {strides = array<i32>} : memref<50x128xf32, #tpu.memory_space<vmem>>, vector<1x16xf32>,
      %swap3A_98 = vector.shape_cast %swap3A_97 : vector<1x16xf32> to vector<16xf32>
      %swap3A_99 = vector.shape_cast %broadcast_in_dim3A_95 : vector<16xf32> to vector<1x16xf32>
      tpu.vector_store %arg10[%swap3A, %swap3A_96], %swap3A_99 {strides = array<i32>} : memref<50x128xf32, #tpu.memory_space<vmem>>, vector<1x16xf32>,
      %broadcast_in_dim3A_100 = arith.constant 0.000000e+00 : f32
      %broadcast_in_dim3A_101 = vector.broadcast %broadcast_in_dim3A_100 : f32 to vector<16xf32>
      %swap3A_102 = arith.index_cast %scan3A_94 : i32 to index
      %swap3A_103 = arith.constant 0 : index
      %swap3A_104 = tpu.vector_load %arg11[%swap3A_102, %swap3A_103] {strides = array<i32>} : memref<50x128xf32, #tpu.memory_space<vmem>>, vector<1x16xf32>,
      %swap3A_105 = vector.shape_cast %swap3A_104 : vector<1x16xf32> to vector<16xf32>
      %swap3A_106 = vector.shape_cast %broadcast_in_dim3A_101 : vector<16xf32> to vector<1x16xf32>
      tpu.vector_store %arg11[%swap3A_102, %swap3A_103], %swap3A_106 {strides = array<i32>} : memref<50x128xf32, #tpu.memory_space<vmem>>, vector<1x16xf32>,
      %broadcast_in_dim3A_107 = arith.constant 0.000000e+00 : f32
      %broadcast_in_dim3A_108 = vector.broadcast %broadcast_in_dim3A_107 : f32 to vector<16xf32>
      %swap3A_109 = arith.index_cast %scan3A_94 : i32 to index
      %swap3A_110 = arith.constant 16 : index
      %swap3A_111 = tpu.vector_load %arg10[%swap3A_109, %swap3A_110] {strides = array<i32>} : memref<50x128xf32, #tpu.memory_space<vmem>>, vector<1x16xf32>,
      %swap3A_112 = vector.shape_cast %swap3A_111 : vector<1x16xf32> to vector<16xf32>
      %swap3A_113 = vector.shape_cast %broadcast_in_dim3A_108 : vector<16xf32> to vector<1x16xf32>
      tpu.vector_store %arg10[%swap3A_109, %swap3A_110], %swap3A_113 {strides = array<i32>} : memref<50x128xf32, #tpu.memory_space<vmem>>, vector<1x16xf32>,
      %broadcast_in_dim3A_114 = arith.constant 0.000000e+00 : f32
      %broadcast_in_dim3A_115 = vector.broadcast %broadcast_in_dim3A_114 : f32 to vector<16xf32>
      %swap3A_116 = arith.index_cast %scan3A_94 : i32 to index
      %swap3A_117 = arith.constant 16 : index
      %swap3A_118 = tpu.vector_load %arg11[%swap3A_116, %swap3A_117] {strides = array<i32>} : memref<50x128xf32, #tpu.memory_space<vmem>>, vector<1x16xf32>,
      %swap3A_119 = vector.shape_cast %swap3A_118 : vector<1x16xf32> to vector<16xf32>
      %swap3A_120 = vector.shape_cast %broadcast_in_dim3A_115 : vector<16xf32> to vector<1x16xf32>
      tpu.vector_store %arg11[%swap3A_116, %swap3A_117], %swap3A_120 {strides = array<i32>} : memref<50x128xf32, #tpu.memory_space<vmem>>, vector<1x16xf32>,
      %broadcast_in_dim3A_121 = arith.constant 0.000000e+00 : f32
      %broadcast_in_dim3A_122 = vector.broadcast %broadcast_in_dim3A_121 : f32 to vector<16xf32>
      %swap3A_123 = arith.index_cast %scan3A_94 : i32 to index
      %swap3A_124 = arith.constant 32 : index
      %swap3A_125 = tpu.vector_load %arg10[%swap3A_123, %swap3A_124] {strides = array<i32>} : memref<50x128xf32, #tpu.memory_space<vmem>>, vector<1x16xf32>,
      %swap3A_126 = vector.shape_cast %swap3A_125 : vector<1x16xf32> to vector<16xf32>
      %swap3A_127 = vector.shape_cast %broadcast_in_dim3A_122 : vector<16xf32> to vector<1x16xf32>
      tpu.vector_store %arg10[%swap3A_123, %swap3A_124], %swap3A_127 {strides = array<i32>} : memref<50x128xf32, #tpu.memory_space<vmem>>, vector<1x16xf32>,
      %broadcast_in_dim3A_128 = arith.constant 0.000000e+00 : f32
      %broadcast_in_dim3A_129 = vector.broadcast %broadcast_in_dim3A_128 : f32 to vector<16xf32>
      %swap3A_130 = arith.index_cast %scan3A_94 : i32 to index
      %swap3A_131 = arith.constant 32 : index
      %swap3A_132 = tpu.vector_load %arg11[%swap3A_130, %swap3A_131] {strides = array<i32>} : memref<50x128xf32, #tpu.memory_space<vmem>>, vector<1x16xf32>,
      %swap3A_133 = vector.shape_cast %swap3A_132 : vector<1x16xf32> to vector<16xf32>
      %swap3A_134 = vector.shape_cast %broadcast_in_dim3A_129 : vector<16xf32> to vector<1x16xf32>
      tpu.vector_store %arg11[%swap3A_130, %swap3A_131], %swap3A_134 {strides = array<i32>} : memref<50x128xf32, #tpu.memory_space<vmem>>, vector<1x16xf32>,
      %broadcast_in_dim3A_135 = arith.constant 0.000000e+00 : f32
      %broadcast_in_dim3A_136 = vector.broadcast %broadcast_in_dim3A_135 : f32 to vector<16xf32>
      %swap3A_137 = arith.index_cast %scan3A_94 : i32 to index
      %swap3A_138 = arith.constant 48 : index
      %swap3A_139 = tpu.vector_load %arg10[%swap3A_137, %swap3A_138] {strides = array<i32>} : memref<50x128xf32, #tpu.memory_space<vmem>>, vector<1x16xf32>,
      %swap3A_140 = vector.shape_cast %swap3A_139 : vector<1x16xf32> to vector<16xf32>
      %swap3A_141 = vector.shape_cast %broadcast_in_dim3A_136 : vector<16xf32> to vector<1x16xf32>
      tpu.vector_store %arg10[%swap3A_137, %swap3A_138], %swap3A_141 {strides = array<i32>} : memref<50x128xf32, #tpu.memory_space<vmem>>, vector<1x16xf32>,
      %broadcast_in_dim3A_142 = arith.constant 0.000000e+00 : f32
      %broadcast_in_dim3A_143 = vector.broadcast %broadcast_in_dim3A_142 : f32 to vector<16xf32>
      %swap3A_144 = arith.index_cast %scan3A_94 : i32 to index
      %swap3A_145 = arith.constant 48 : index
      %swap3A_146 = tpu.vector_load %arg11[%swap3A_144, %swap3A_145] {strides = array<i32>} : memref<50x128xf32, #tpu.memory_space<vmem>>, vector<1x16xf32>,
      %swap3A_147 = vector.shape_cast %swap3A_146 : vector<1x16xf32> to vector<16xf32>
      %swap3A_148 = vector.shape_cast %broadcast_in_dim3A_143 : vector<16xf32> to vector<1x16xf32>
      tpu.vector_store %arg11[%swap3A_144, %swap3A_145], %swap3A_148 {strides = array<i32>} : memref<50x128xf32, #tpu.memory_space<vmem>>, vector<1x16xf32>,
      %broadcast_in_dim3A_149 = arith.constant 0.000000e+00 : f32
      %broadcast_in_dim3A_150 = vector.broadcast %broadcast_in_dim3A_149 : f32 to vector<16xf32>
      %swap3A_151 = arith.index_cast %scan3A_94 : i32 to index
      %swap3A_152 = arith.constant 64 : index
      %swap3A_153 = tpu.vector_load %arg10[%swap3A_151, %swap3A_152] {strides = array<i32>} : memref<50x128xf32, #tpu.memory_space<vmem>>, vector<1x16xf32>,
      %swap3A_154 = vector.shape_cast %swap3A_153 : vector<1x16xf32> to vector<16xf32>
      %swap3A_155 = vector.shape_cast %broadcast_in_dim3A_150 : vector<16xf32> to vector<1x16xf32>
      tpu.vector_store %arg10[%swap3A_151, %swap3A_152], %swap3A_155 {strides = array<i32>} : memref<50x128xf32, #tpu.memory_space<vmem>>, vector<1x16xf32>,
      %broadcast_in_dim3A_156 = arith.constant 0.000000e+00 : f32
      %broadcast_in_dim3A_157 = vector.broadcast %broadcast_in_dim3A_156 : f32 to vector<16xf32>
      %swap3A_158 = arith.index_cast %scan3A_94 : i32 to index
      %swap3A_159 = arith.constant 64 : index
      %swap3A_160 = tpu.vector_load %arg11[%swap3A_158, %swap3A_159] {strides = array<i32>} : memref<50x128xf32, #tpu.memory_space<vmem>>, vector<1x16xf32>,
      %swap3A_161 = vector.shape_cast %swap3A_160 : vector<1x16xf32> to vector<16xf32>
      %swap3A_162 = vector.shape_cast %broadcast_in_dim3A_157 : vector<16xf32> to vector<1x16xf32>
      tpu.vector_store %arg11[%swap3A_158, %swap3A_159], %swap3A_162 {strides = array<i32>} : memref<50x128xf32, #tpu.memory_space<vmem>>, vector<1x16xf32>,
      %broadcast_in_dim3A_163 = arith.constant 0.000000e+00 : f32
      %broadcast_in_dim3A_164 = vector.broadcast %broadcast_in_dim3A_163 : f32 to vector<16xf32>
      %swap3A_165 = arith.index_cast %scan3A_94 : i32 to index
      %swap3A_166 = arith.constant 80 : index
      %swap3A_167 = tpu.vector_load %arg10[%swap3A_165, %swap3A_166] {strides = array<i32>} : memref<50x128xf32, #tpu.memory_space<vmem>>, vector<1x16xf32>,
      %swap3A_168 = vector.shape_cast %swap3A_167 : vector<1x16xf32> to vector<16xf32>
      %swap3A_169 = vector.shape_cast %broadcast_in_dim3A_164 : vector<16xf32> to vector<1x16xf32>
      tpu.vector_store %arg10[%swap3A_165, %swap3A_166], %swap3A_169 {strides = array<i32>} : memref<50x128xf32, #tpu.memory_space<vmem>>, vector<1x16xf32>,
      %broadcast_in_dim3A_170 = arith.constant 0.000000e+00 : f32
      %broadcast_in_dim3A_171 = vector.broadcast %broadcast_in_dim3A_170 : f32 to vector<16xf32>
      %swap3A_172 = arith.index_cast %scan3A_94 : i32 to index
      %swap3A_173 = arith.constant 80 : index
      %swap3A_174 = tpu.vector_load %arg11[%swap3A_172, %swap3A_173] {strides = array<i32>} : memref<50x128xf32, #tpu.memory_space<vmem>>, vector<1x16xf32>,
      %swap3A_175 = vector.shape_cast %swap3A_174 : vector<1x16xf32> to vector<16xf32>
      %swap3A_176 = vector.shape_cast %broadcast_in_dim3A_171 : vector<16xf32> to vector<1x16xf32>
      tpu.vector_store %arg11[%swap3A_172, %swap3A_173], %swap3A_176 {strides = array<i32>} : memref<50x128xf32, #tpu.memory_space<vmem>>, vector<1x16xf32>,
      %broadcast_in_dim3A_177 = arith.constant 0.000000e+00 : f32
      %broadcast_in_dim3A_178 = vector.broadcast %broadcast_in_dim3A_177 : f32 to vector<16xf32>
      %swap3A_179 = arith.index_cast %scan3A_94 : i32 to index
      %swap3A_180 = arith.constant 96 : index
      %swap3A_181 = tpu.vector_load %arg10[%swap3A_179, %swap3A_180] {strides = array<i32>} : memref<50x128xf32, #tpu.memory_space<vmem>>, vector<1x16xf32>,
      %swap3A_182 = vector.shape_cast %swap3A_181 : vector<1x16xf32> to vector<16xf32>
      %swap3A_183 = vector.shape_cast %broadcast_in_dim3A_178 : vector<16xf32> to vector<1x16xf32>
      tpu.vector_store %arg10[%swap3A_179, %swap3A_180], %swap3A_183 {strides = array<i32>} : memref<50x128xf32, #tpu.memory_space<vmem>>, vector<1x16xf32>,
      %broadcast_in_dim3A_184 = arith.constant 0.000000e+00 : f32
      %broadcast_in_dim3A_185 = vector.broadcast %broadcast_in_dim3A_184 : f32 to vector<16xf32>
      %swap3A_186 = arith.index_cast %scan3A_94 : i32 to index
      %swap3A_187 = arith.constant 96 : index
      %swap3A_188 = tpu.vector_load %arg11[%swap3A_186, %swap3A_187] {strides = array<i32>} : memref<50x128xf32, #tpu.memory_space<vmem>>, vector<1x16xf32>,
      %swap3A_189 = vector.shape_cast %swap3A_188 : vector<1x16xf32> to vector<16xf32>
      %swap3A_190 = vector.shape_cast %broadcast_in_dim3A_185 : vector<16xf32> to vector<1x16xf32>
      tpu.vector_store %arg11[%swap3A_186, %swap3A_187], %swap3A_190 {strides = array<i32>} : memref<50x128xf32, #tpu.memory_space<vmem>>, vector<1x16xf32>,
      %broadcast_in_dim3A_191 = arith.constant 0.000000e+00 : f32
      %broadcast_in_dim3A_192 = vector.broadcast %broadcast_in_dim3A_191 : f32 to vector<16xf32>
      %swap3A_193 = arith.index_cast %scan3A_94 : i32 to index
      %swap3A_194 = arith.constant 112 : index
      %swap3A_195 = tpu.vector_load %arg10[%swap3A_193, %swap3A_194] {strides = array<i32>} : memref<50x128xf32, #tpu.memory_space<vmem>>, vector<1x16xf32>,
      %swap3A_196 = vector.shape_cast %swap3A_195 : vector<1x16xf32> to vector<16xf32>
      %swap3A_197 = vector.shape_cast %broadcast_in_dim3A_192 : vector<16xf32> to vector<1x16xf32>
      tpu.vector_store %arg10[%swap3A_193, %swap3A_194], %swap3A_197 {strides = array<i32>} : memref<50x128xf32, #tpu.memory_space<vmem>>, vector<1x16xf32>,
      %broadcast_in_dim3A_198 = arith.constant 0.000000e+00 : f32
      %broadcast_in_dim3A_199 = vector.broadcast %broadcast_in_dim3A_198 : f32 to vector<16xf32>
      %swap3A_200 = arith.index_cast %scan3A_94 : i32 to index
      %swap3A_201 = arith.constant 112 : index
      %swap3A_202 = tpu.vector_load %arg11[%swap3A_200, %swap3A_201] {strides = array<i32>} : memref<50x128xf32, #tpu.memory_space<vmem>>, vector<1x16xf32>,
      %swap3A_203 = vector.shape_cast %swap3A_202 : vector<1x16xf32> to vector<16xf32>
      %swap3A_204 = vector.shape_cast %broadcast_in_dim3A_199 : vector<16xf32> to vector<1x16xf32>
      tpu.vector_store %arg11[%swap3A_200, %swap3A_201], %swap3A_204 {strides = array<i32>} : memref<50x128xf32, #tpu.memory_space<vmem>>, vector<1x16xf32>,
    }
    %scan3A_17 = arith.constant 50 : i32
    "tpu.region"() ({
      %run_scoped3A = tpu.sem_alloc : memref<!tpu.dma_semaphore, #tpu.memory_space<semaphore_mem>>
      %dma_start3A_94 = arith.constant 0 : i32
      %dma_start3A_95 = tpu.memref_slice %arg12[%multiple_of3A, %dma_start3A_94] : memref<10240x128xf32, #tpu.memory_space<vmem_shared>> -> memref<640x128xf32, #tpu.memory_space<vmem_shared>>
      tpu.enqueue_dma source(%arg4 : memref<640x128xf32, #tpu.memory_space<hbm>>) target(%dma_start3A_95 : memref<640x128xf32, #tpu.memory_space<vmem_shared>>) target_semaphore(%run_scoped3A : memref<!tpu.dma_semaphore, #tpu.memory_space<semaphore_mem>>)
      %dma_wait3A_96 = arith.constant 0 : i32
      %dma_wait3A_97 = tpu.memref_slice %arg12[%multiple_of3A, %dma_wait3A_96] : memref<10240x128xf32, #tpu.memory_space<vmem_shared>> -> memref<640x128xf32, #tpu.memory_space<vmem_shared>>
      tpu.wait_dma2 semaphore(%run_scoped3A : memref<!tpu.dma_semaphore, #tpu.memory_space<semaphore_mem>>) src(%arg4 : memref<640x128xf32, #tpu.memory_space<hbm>>) dst(%dma_wait3A_97 : memref<640x128xf32, #tpu.memory_space<vmem_shared>>)
      tpu.yield
    }) : () -> ()
    %barrier3A = arith.constant 0 : index
    tpu.barrier barrier_id(%barrier3A)
    %dma_wait3A = arith.constant 0 : i32
    %dma_wait3A_18 = arith.constant 0 : i32
    %dma_wait3A_19 = tpu.memref_slice %arg3[%mul3A_4, %dma_wait3A, %dma_wait3A_18] : memref<6400x2x50xi32, #tpu.memory_space<hbm>> -> memref<4x2x50xi32, #tpu.memory_space<hbm>>
    %dma_wait3A_20 = arith.constant 0 : i32
    %dma_wait3A_21 = arith.constant 0 : i32
    %dma_wait3A_22 = tpu.memref_slice %arg3[%mul3A_4, %dma_wait3A_20, %dma_wait3A_21] : memref<6400x2x50xi32, #tpu.memory_space<hbm>> -> memref<4x2x50xi32, #tpu.memory_space<hbm>>
    tpu.wait_dma2 semaphore(%arg13 : memref<!tpu.dma_semaphore, #tpu.memory_space<semaphore_mem>>) src(%dma_wait3A_22 : memref<4x2x50xi32, #tpu.memory_space<hbm>>) dst(%arg6 : memref<4x2x50xi32, #tpu.memory_space<vmem>>)
    %dma_start3A_23 = arith.constant 0 : i32
    %dma_start3A_24 = arith.constant 0 : i32
    %dma_start3A_25 = arith.constant 0 : i32
    %dma_start3A_26 = tpu.memref_slice %arg6[%dma_start3A_23, %dma_start3A_24, %dma_start3A_25] : memref<4x2x50xi32, #tpu.memory_space<vmem>> -> memref<1x1x50xi32, #tpu.memory_space<vmem>>
    %dma_start3A_27 = tpu.memref_squeeze %dma_start3A_26 : memref<1x1x50xi32, #tpu.memory_space<vmem>> -> memref<50xi32, #tpu.memory_space<vmem>>
    %dma_start3A_28 = arith.constant 0 : i32
    %dma_start3A_29 = arith.constant 0 : i32
    %dma_start3A_30 = tpu.memref_slice %arg2[%dma_start3A_28, %dma_start3A_29] : memref<10000x128xf32, #tpu.memory_space<hbm>> -> memref<10000x128xf32, #tpu.memory_space<hbm>>
    tpu.enqueue_indirect_dma source(%dma_start3A_30 : memref<10000x128xf32, #tpu.memory_space<hbm>>) target(%arg8 : memref<50x128xf32, #tpu.memory_space<vmem>>) offsets(%dma_start3A_27 : memref<50xi32, #tpu.memory_space<vmem>>) semaphore(%arg15 : memref<!tpu.dma_semaphore, #tpu.memory_space<semaphore_mem>>)
    %dma_start3A_31 = arith.constant 1 : i32
    %dma_start3A_32 = arith.constant 0 : i32
    %dma_start3A_33 = arith.constant 0 : i32
    %dma_start3A_34 = tpu.memref_slice %arg6[%dma_start3A_31, %dma_start3A_32, %dma_start3A_33] : memref<4x2x50xi32, #tpu.memory_space<vmem>> -> memref<1x1x50xi32, #tpu.memory_space<vmem>>
    %dma_start3A_35 = tpu.memref_squeeze %dma_start3A_34 : memref<1x1x50xi32, #tpu.memory_space<vmem>> -> memref<50xi32, #tpu.memory_space<vmem>>
    %dma_start3A_36 = arith.constant 0 : i32
    %dma_start3A_37 = arith.constant 0 : i32
    %dma_start3A_38 = tpu.memref_slice %arg2[%dma_start3A_36, %dma_start3A_37] : memref<10000x128xf32, #tpu.memory_space<hbm>> -> memref<10000x128xf32, #tpu.memory_space<hbm>>
    tpu.enqueue_indirect_dma source(%dma_start3A_38 : memref<10000x128xf32, #tpu.memory_space<hbm>>) target(%arg9 : memref<50x128xf32, #tpu.memory_space<vmem>>) offsets(%dma_start3A_35 : memref<50xi32, #tpu.memory_space<vmem>>) semaphore(%arg16 : memref<!tpu.dma_semaphore, #tpu.memory_space<semaphore_mem>>)
    %dma_start3A_39 = arith.constant 0 : i32
    %dma_start3A_40 = arith.constant 1 : i32
    %dma_start3A_41 = arith.constant 0 : i32
    %dma_start3A_42 = tpu.memref_slice %arg6[%dma_start3A_39, %dma_start3A_40, %dma_start3A_41] : memref<4x2x50xi32, #tpu.memory_space<vmem>> -> memref<1x1x50xi32, #tpu.memory_space<vmem>>
    %dma_start3A_43 = tpu.memref_squeeze %dma_start3A_42 : memref<1x1x50xi32, #tpu.memory_space<vmem>> -> memref<50xi32, #tpu.memory_space<vmem>>
    %dma_start3A_44 = arith.constant 0 : i32
    %dma_start3A_45 = arith.constant 0 : i32
    %dma_start3A_46 = tpu.memref_slice %arg12[%dma_start3A_44, %dma_start3A_45] : memref<10240x128xf32, #tpu.memory_space<vmem_shared>> -> memref<10240x128xf32, #tpu.memory_space<vmem_shared>>
    tpu.enqueue_indirect_dma source(%arg10 : memref<50x128xf32, #tpu.memory_space<vmem>>) target(%dma_start3A_46 : memref<10240x128xf32, #tpu.memory_space<vmem_shared>>) offsets(%dma_start3A_43 : memref<50xi32, #tpu.memory_space<vmem>>) semaphore(%arg21 : memref<!tpu.dma_semaphore, #tpu.memory_space<semaphore_mem>>) {add = true}
    %dma_start3A_47 = arith.constant 0 : i32
    %dma_start3A_48 = arith.constant 1 : i32
    %dma_start3A_49 = arith.constant 0 : i32
    %dma_start3A_50 = tpu.memref_slice %arg6[%dma_start3A_47, %dma_start3A_48, %dma_start3A_49] : memref<4x2x50xi32, #tpu.memory_space<vmem>> -> memref<1x1x50xi32, #tpu.memory_space<vmem>>
    %dma_start3A_51 = tpu.memref_squeeze %dma_start3A_50 : memref<1x1x50xi32, #tpu.memory_space<vmem>> -> memref<50xi32, #tpu.memory_space<vmem>>
    %dma_start3A_52 = arith.constant 0 : i32
    %dma_start3A_53 = arith.constant 0 : i32
    %dma_start3A_54 = tpu.memref_slice %arg12[%dma_start3A_52, %dma_start3A_53] : memref<10240x128xf32, #tpu.memory_space<vmem_shared>> -> memref<10240x128xf32, #tpu.memory_space<vmem_shared>>
    tpu.enqueue_indirect_dma source(%arg11 : memref<50x128xf32, #tpu.memory_space<vmem>>) target(%dma_start3A_54 : memref<10240x128xf32, #tpu.memory_space<vmem_shared>>) offsets(%dma_start3A_51 : memref<50xi32, #tpu.memory_space<vmem>>) semaphore(%arg22 : memref<!tpu.dma_semaphore, #tpu.memory_space<semaphore_mem>>) {add = true}
    %scan3A_55 = arith.constant 0 : i32
    %scan3A_56 = arith.constant 0 : i32
    %scan3A_57 = arith.constant 25 : i32
    %scan3A_58 = arith.addi %scan3A_56, %scan3A_57 : i32
    %scan3A_59 = arith.constant 1 : i32
    scf.for %scan3A_94 = %scan3A_56 to %scan3A_58 step %scan3A_59  : i32 {
      %mul3A_95 = arith.constant 8 : i32
      %mul3A_96 = arith.muli %mul3A_95, %scan3A_94 : i32
      %add3A_97 = arith.addi %mul3A_4, %mul3A_96 : i32
      %dma_wait3A_98 = arith.constant 0 : i32
      %dma_wait3A_99 = arith.constant 0 : i32
      %dma_wait3A_100 = arith.constant 0 : i32
      %dma_wait3A_101 = tpu.memref_slice %arg6[%dma_wait3A_98, %dma_wait3A_99, %dma_wait3A_100] : memref<4x2x50xi32, #tpu.memory_space<vmem>> -> memref<1x1x50xi32, #tpu.memory_space<vmem>>
      %dma_wait3A_102 = tpu.memref_squeeze %dma_wait3A_101 : memref<1x1x50xi32, #tpu.memory_space<vmem>> -> memref<50xi32, #tpu.memory_space<vmem>>
      %dma_wait3A_103 = arith.constant 0 : i32
      %dma_wait3A_104 = arith.constant 0 : i32
      %dma_wait3A_105 = tpu.memref_slice %arg2[%dma_wait3A_103, %dma_wait3A_104] : memref<10000x128xf32, #tpu.memory_space<hbm>> -> memref<10000x128xf32, #tpu.memory_space<hbm>>
      tpu.wait_indirect_dma semaphore(%arg15 : memref<!tpu.dma_semaphore, #tpu.memory_space<semaphore_mem>>) src(%dma_wait3A_105 : memref<10000x128xf32, #tpu.memory_space<hbm>>) dst(%arg8 : memref<50x128xf32, #tpu.memory_space<vmem>>)
      %dma_start3A_106 = arith.constant 0 : i32
      %dma_start3A_107 = arith.constant 1 : i32
      %dma_start3A_108 = arith.constant 0 : i32
      %dma_start3A_109 = tpu.memref_slice %arg6[%dma_start3A_106, %dma_start3A_107, %dma_start3A_108] : memref<4x2x50xi32, #tpu.memory_space<vmem>> -> memref<1x1x50xi32, #tpu.memory_space<vmem>>
      %dma_start3A_110 = tpu.memref_squeeze %dma_start3A_109 : memref<1x1x50xi32, #tpu.memory_space<vmem>> -> memref<50xi32, #tpu.memory_space<vmem>>
      %dma_start3A_111 = arith.constant 0 : i32
      %dma_start3A_112 = arith.constant 0 : i32
      %dma_start3A_113 = tpu.memref_slice %arg12[%dma_start3A_111, %dma_start3A_112] : memref<10240x128xf32, #tpu.memory_space<vmem_shared>> -> memref<10240x128xf32, #tpu.memory_space<vmem_shared>>
      tpu.enqueue_indirect_dma source(%arg8 : memref<50x128xf32, #tpu.memory_space<vmem>>) target(%dma_start3A_113 : memref<10240x128xf32, #tpu.memory_space<vmem_shared>>) offsets(%dma_start3A_110 : memref<50xi32, #tpu.memory_space<vmem>>) semaphore(%arg19 : memref<!tpu.dma_semaphore, #tpu.memory_space<semaphore_mem>>) {add = true}
      %dma_wait3A_114 = arith.constant 0 : i32
      %dma_wait3A_115 = arith.constant 1 : i32
      %dma_wait3A_116 = arith.constant 0 : i32
      %dma_wait3A_117 = tpu.memref_slice %arg6[%dma_wait3A_114, %dma_wait3A_115, %dma_wait3A_116] : memref<4x2x50xi32, #tpu.memory_space<vmem>> -> memref<1x1x50xi32, #tpu.memory_space<vmem>>
      %dma_wait3A_118 = tpu.memref_squeeze %dma_wait3A_117 : memref<1x1x50xi32, #tpu.memory_space<vmem>> -> memref<50xi32, #tpu.memory_space<vmem>>
      %dma_wait3A_119 = arith.constant 0 : i32
      %dma_wait3A_120 = arith.constant 0 : i32
      %dma_wait3A_121 = tpu.memref_slice %arg12[%dma_wait3A_119, %dma_wait3A_120] : memref<10240x128xf32, #tpu.memory_space<vmem_shared>> -> memref<10240x128xf32, #tpu.memory_space<vmem_shared>>
      tpu.wait_indirect_dma semaphore(%arg21 : memref<!tpu.dma_semaphore, #tpu.memory_space<semaphore_mem>>) src(%arg10 : memref<50x128xf32, #tpu.memory_space<vmem>>) dst(%dma_wait3A_121 : memref<10240x128xf32, #tpu.memory_space<vmem_shared>>)
      %dma_start3A_122 = arith.constant 2 : i32
      %dma_start3A_123 = arith.constant 0 : i32
      %dma_start3A_124 = arith.constant 0 : i32
      %dma_start3A_125 = tpu.memref_slice %arg6[%dma_start3A_122, %dma_start3A_123, %dma_start3A_124] : memref<4x2x50xi32, #tpu.memory_space<vmem>> -> memref<1x1x50xi32, #tpu.memory_space<vmem>>
      %dma_start3A_126 = tpu.memref_squeeze %dma_start3A_125 : memref<1x1x50xi32, #tpu.memory_space<vmem>> -> memref<50xi32, #tpu.memory_space<vmem>>
      %dma_start3A_127 = arith.constant 0 : i32
      %dma_start3A_128 = arith.constant 0 : i32
      %dma_start3A_129 = tpu.memref_slice %arg2[%dma_start3A_127, %dma_start3A_128] : memref<10000x128xf32, #tpu.memory_space<hbm>> -> memref<10000x128xf32, #tpu.memory_space<hbm>>
      tpu.enqueue_indirect_dma source(%dma_start3A_129 : memref<10000x128xf32, #tpu.memory_space<hbm>>) target(%arg10 : memref<50x128xf32, #tpu.memory_space<vmem>>) offsets(%dma_start3A_126 : memref<50xi32, #tpu.memory_space<vmem>>) semaphore(%arg17 : memref<!tpu.dma_semaphore, #tpu.memory_space<semaphore_mem>>)
      %add3A_130 = arith.constant 4 : i32
      %add3A_131 = arith.addi %add3A_97, %add3A_130 : i32
      %dma_start3A_132 = arith.constant 0 : i32
      %dma_start3A_133 = arith.constant 0 : i32
      %dma_start3A_134 = tpu.memref_slice %arg3[%add3A_131, %dma_start3A_132, %dma_start3A_133] : memref<6400x2x50xi32, #tpu.memory_space<hbm>> -> memref<4x2x50xi32, #tpu.memory_space<hbm>>
      %dma_start3A_135 = arith.constant 0 : i32
      %dma_start3A_136 = arith.constant 0 : i32
      %dma_start3A_137 = tpu.memref_slice %arg3[%add3A_131, %dma_start3A_135, %dma_start3A_136] : memref<6400x2x50xi32, #tpu.memory_space<hbm>> -> memref<4x2x50xi32, #tpu.memory_space<hbm>>
      tpu.enqueue_dma source(%dma_start3A_137 : memref<4x2x50xi32, #tpu.memory_space<hbm>>) target(%arg7 : memref<4x2x50xi32, #tpu.memory_space<vmem>>) target_semaphore(%arg14 : memref<!tpu.dma_semaphore, #tpu.memory_space<semaphore_mem>>)
      %dma_wait3A_138 = arith.constant 0 : i32
      %dma_wait3A_139 = arith.constant 0 : i32
      %dma_wait3A_140 = arith.constant 0 : i32
      %dma_wait3A_141 = tpu.memref_slice %arg6[%dma_wait3A_138, %dma_wait3A_139, %dma_wait3A_140] : memref<4x2x50xi32, #tpu.memory_space<vmem>> -> memref<1x1x50xi32, #tpu.memory_space<vmem>>
      %dma_wait3A_142 = tpu.memref_squeeze %dma_wait3A_141 : memref<1x1x50xi32, #tpu.memory_space<vmem>> -> memref<50xi32, #tpu.memory_space<vmem>>
      %dma_wait3A_143 = arith.constant 0 : i32
      %dma_wait3A_144 = arith.constant 0 : i32
      %dma_wait3A_145 = tpu.memref_slice %arg2[%dma_wait3A_143, %dma_wait3A_144] : memref<10000x128xf32, #tpu.memory_space<hbm>> -> memref<10000x128xf32, #tpu.memory_space<hbm>>
      tpu.wait_indirect_dma semaphore(%arg16 : memref<!tpu.dma_semaphore, #tpu.memory_space<semaphore_mem>>) src(%dma_wait3A_145 : memref<10000x128xf32, #tpu.memory_space<hbm>>) dst(%arg9 : memref<50x128xf32, #tpu.memory_space<vmem>>)
      %dma_start3A_146 = arith.constant 1 : i32
      %dma_start3A_147 = arith.constant 1 : i32
      %dma_start3A_148 = arith.constant 0 : i32
      %dma_start3A_149 = tpu.memref_slice %arg6[%dma_start3A_146, %dma_start3A_147, %dma_start3A_148] : memref<4x2x50xi32, #tpu.memory_space<vmem>> -> memref<1x1x50xi32, #tpu.memory_space<vmem>>
      %dma_start3A_150 = tpu.memref_squeeze %dma_start3A_149 : memref<1x1x50xi32, #tpu.memory_space<vmem>> -> memref<50xi32, #tpu.memory_space<vmem>>
      %dma_start3A_151 = arith.constant 0 : i32
      %dma_start3A_152 = arith.constant 0 : i32
      %dma_start3A_153 = tpu.memref_slice %arg12[%dma_start3A_151, %dma_start3A_152] : memref<10240x128xf32, #tpu.memory_space<vmem_shared>> -> memref<10240x128xf32, #tpu.memory_space<vmem_shared>>
      tpu.enqueue_indirect_dma source(%arg9 : memref<50x128xf32, #tpu.memory_space<vmem>>) target(%dma_start3A_153 : memref<10240x128xf32, #tpu.memory_space<vmem_shared>>) offsets(%dma_start3A_150 : memref<50xi32, #tpu.memory_space<vmem>>) semaphore(%arg20 : memref<!tpu.dma_semaphore, #tpu.memory_space<semaphore_mem>>) {add = true}
      %dma_wait3A_154 = arith.constant 0 : i32
      %dma_wait3A_155 = arith.constant 1 : i32
      %dma_wait3A_156 = arith.constant 0 : i32
      %dma_wait3A_157 = tpu.memref_slice %arg6[%dma_wait3A_154, %dma_wait3A_155, %dma_wait3A_156] : memref<4x2x50xi32, #tpu.memory_space<vmem>> -> memref<1x1x50xi32, #tpu.memory_space<vmem>>
      %dma_wait3A_158 = tpu.memref_squeeze %dma_wait3A_157 : memref<1x1x50xi32, #tpu.memory_space<vmem>> -> memref<50xi32, #tpu.memory_space<vmem>>
      %dma_wait3A_159 = arith.constant 0 : i32
      %dma_wait3A_160 = arith.constant 0 : i32
      %dma_wait3A_161 = tpu.memref_slice %arg12[%dma_wait3A_159, %dma_wait3A_160] : memref<10240x128xf32, #tpu.memory_space<vmem_shared>> -> memref<10240x128xf32, #tpu.memory_space<vmem_shared>>
      tpu.wait_indirect_dma semaphore(%arg22 : memref<!tpu.dma_semaphore, #tpu.memory_space<semaphore_mem>>) src(%arg11 : memref<50x128xf32, #tpu.memory_space<vmem>>) dst(%dma_wait3A_161 : memref<10240x128xf32, #tpu.memory_space<vmem_shared>>)
      %dma_start3A_162 = arith.constant 3 : i32
      %dma_start3A_163 = arith.constant 0 : i32
      %dma_start3A_164 = arith.constant 0 : i32
      %dma_start3A_165 = tpu.memref_slice %arg6[%dma_start3A_162, %dma_start3A_163, %dma_start3A_164] : memref<4x2x50xi32, #tpu.memory_space<vmem>> -> memref<1x1x50xi32, #tpu.memory_space<vmem>>
      %dma_start3A_166 = tpu.memref_squeeze %dma_start3A_165 : memref<1x1x50xi32, #tpu.memory_space<vmem>> -> memref<50xi32, #tpu.memory_space<vmem>>
      %dma_start3A_167 = arith.constant 0 : i32
      %dma_start3A_168 = arith.constant 0 : i32
      %dma_start3A_169 = tpu.memref_slice %arg2[%dma_start3A_167, %dma_start3A_168] : memref<10000x128xf32, #tpu.memory_space<hbm>> -> memref<10000x128xf32, #tpu.memory_space<hbm>>
      tpu.enqueue_indirect_dma source(%dma_start3A_169 : memref<10000x128xf32, #tpu.memory_space<hbm>>) target(%arg11 : memref<50x128xf32, #tpu.memory_space<vmem>>) offsets(%dma_start3A_166 : memref<50xi32, #tpu.memory_space<vmem>>) semaphore(%arg18 : memref<!tpu.dma_semaphore, #tpu.memory_space<semaphore_mem>>)
      %dma_wait3A_170 = arith.constant 0 : i32
      %dma_wait3A_171 = arith.constant 0 : i32
      %dma_wait3A_172 = arith.constant 0 : i32
      %dma_wait3A_173 = tpu.memref_slice %arg6[%dma_wait3A_170, %dma_wait3A_171, %dma_wait3A_172] : memref<4x2x50xi32, #tpu.memory_space<vmem>> -> memref<1x1x50xi32, #tpu.memory_space<vmem>>
      %dma_wait3A_174 = tpu.memref_squeeze %dma_wait3A_173 : memref<1x1x50xi32, #tpu.memory_space<vmem>> -> memref<50xi32, #tpu.memory_space<vmem>>
      %dma_wait3A_175 = arith.constant 0 : i32
      %dma_wait3A_176 = arith.constant 0 : i32
      %dma_wait3A_177 = tpu.memref_slice %arg2[%dma_wait3A_175, %dma_wait3A_176] : memref<10000x128xf32, #tpu.memory_space<hbm>> -> memref<10000x128xf32, #tpu.memory_space<hbm>>
      tpu.wait_indirect_dma semaphore(%arg17 : memref<!tpu.dma_semaphore, #tpu.memory_space<semaphore_mem>>) src(%dma_wait3A_177 : memref<10000x128xf32, #tpu.memory_space<hbm>>) dst(%arg10 : memref<50x128xf32, #tpu.memory_space<vmem>>)
      %dma_start3A_178 = arith.constant 2 : i32
      %dma_start3A_179 = arith.constant 1 : i32
      %dma_start3A_180 = arith.constant 0 : i32
      %dma_start3A_181 = tpu.memref_slice %arg6[%dma_start3A_178, %dma_start3A_179, %dma_start3A_180] : memref<4x2x50xi32, #tpu.memory_space<vmem>> -> memref<1x1x50xi32, #tpu.memory_space<vmem>>
      %dma_start3A_182 = tpu.memref_squeeze %dma_start3A_181 : memref<1x1x50xi32, #tpu.memory_space<vmem>> -> memref<50xi32, #tpu.memory_space<vmem>>
      %dma_start3A_183 = arith.constant 0 : i32
      %dma_start3A_184 = arith.constant 0 : i32
      %dma_start3A_185 = tpu.memref_slice %arg12[%dma_start3A_183, %dma_start3A_184] : memref<10240x128xf32, #tpu.memory_space<vmem_shared>> -> memref<10240x128xf32, #tpu.memory_space<vmem_shared>>
      tpu.enqueue_indirect_dma source(%arg10 : memref<50x128xf32, #tpu.memory_space<vmem>>) target(%dma_start3A_185 : memref<10240x128xf32, #tpu.memory_space<vmem_shared>>) offsets(%dma_start3A_182 : memref<50xi32, #tpu.memory_space<vmem>>) semaphore(%arg21 : memref<!tpu.dma_semaphore, #tpu.memory_space<semaphore_mem>>) {add = true}
      %dma_wait3A_186 = arith.constant 0 : i32
      %dma_wait3A_187 = arith.constant 1 : i32
      %dma_wait3A_188 = arith.constant 0 : i32
      %dma_wait3A_189 = tpu.memref_slice %arg6[%dma_wait3A_186, %dma_wait3A_187, %dma_wait3A_188] : memref<4x2x50xi32, #tpu.memory_space<vmem>> -> memref<1x1x50xi32, #tpu.memory_space<vmem>>
      %dma_wait3A_190 = tpu.memref_squeeze %dma_wait3A_189 : memref<1x1x50xi32, #tpu.memory_space<vmem>> -> memref<50xi32, #tpu.memory_space<vmem>>
      %dma_wait3A_191 = arith.constant 0 : i32
      %dma_wait3A_192 = arith.constant 0 : i32
      %dma_wait3A_193 = tpu.memref_slice %arg12[%dma_wait3A_191, %dma_wait3A_192] : memref<10240x128xf32, #tpu.memory_space<vmem_shared>> -> memref<10240x128xf32, #tpu.memory_space<vmem_shared>>
      tpu.wait_indirect_dma semaphore(%arg19 : memref<!tpu.dma_semaphore, #tpu.memory_space<semaphore_mem>>) src(%arg8 : memref<50x128xf32, #tpu.memory_space<vmem>>) dst(%dma_wait3A_193 : memref<10240x128xf32, #tpu.memory_space<vmem_shared>>)
      %dma_wait3A_194 = arith.constant 0 : i32
      %dma_wait3A_195 = arith.constant 0 : i32
      %dma_wait3A_196 = tpu.memref_slice %arg3[%mul3A_4, %dma_wait3A_194, %dma_wait3A_195] : memref<6400x2x50xi32, #tpu.memory_space<hbm>> -> memref<4x2x50xi32, #tpu.memory_space<hbm>>
      %dma_wait3A_197 = arith.constant 0 : i32
      %dma_wait3A_198 = arith.constant 0 : i32
      %dma_wait3A_199 = tpu.memref_slice %arg3[%mul3A_4, %dma_wait3A_197, %dma_wait3A_198] : memref<6400x2x50xi32, #tpu.memory_space<hbm>> -> memref<4x2x50xi32, #tpu.memory_space<hbm>>
      tpu.wait_dma2 semaphore(%arg14 : memref<!tpu.dma_semaphore, #tpu.memory_space<semaphore_mem>>) src(%dma_wait3A_199 : memref<4x2x50xi32, #tpu.memory_space<hbm>>) dst(%arg7 : memref<4x2x50xi32, #tpu.memory_space<vmem>>)
      %dma_start3A_200 = arith.constant 0 : i32
      %dma_start3A_201 = arith.constant 0 : i32
      %dma_start3A_202 = arith.constant 0 : i32
      %dma_start3A_203 = tpu.memref_slice %arg7[%dma_start3A_200, %dma_start3A_201, %dma_start3A_202] : memref<4x2x50xi32, #tpu.memory_space<vmem>> -> memref<1x1x50xi32, #tpu.memory_space<vmem>>
      %dma_start3A_204 = tpu.memref_squeeze %dma_start3A_203 : memref<1x1x50xi32, #tpu.memory_space<vmem>> -> memref<50xi32, #tpu.memory_space<vmem>>
      %dma_start3A_205 = arith.constant 0 : i32
      %dma_start3A_206 = arith.constant 0 : i32
      %dma_start3A_207 = tpu.memref_slice %arg2[%dma_start3A_205, %dma_start3A_206] : memref<10000x128xf32, #tpu.memory_space<hbm>> -> memref<10000x128xf32, #tpu.memory_space<hbm>>
      tpu.enqueue_indirect_dma source(%dma_start3A_207 : memref<10000x128xf32, #tpu.memory_space<hbm>>) target(%arg8 : memref<50x128xf32, #tpu.memory_space<vmem>>) offsets(%dma_start3A_204 : memref<50xi32, #tpu.memory_space<vmem>>) semaphore(%arg15 : memref<!tpu.dma_semaphore, #tpu.memory_space<semaphore_mem>>)
      %dma_wait3A_208 = arith.constant 0 : i32
      %dma_wait3A_209 = arith.constant 0 : i32
      %dma_wait3A_210 = arith.constant 0 : i32
      %dma_wait3A_211 = tpu.memref_slice %arg6[%dma_wait3A_208, %dma_wait3A_209, %dma_wait3A_210] : memref<4x2x50xi32, #tpu.memory_space<vmem>> -> memref<1x1x50xi32, #tpu.memory_space<vmem>>
      %dma_wait3A_212 = tpu.memref_squeeze %dma_wait3A_211 : memref<1x1x50xi32, #tpu.memory_space<vmem>> -> memref<50xi32, #tpu.memory_space<vmem>>
      %dma_wait3A_213 = arith.constant 0 : i32
      %dma_wait3A_214 = arith.constant 0 : i32
      %dma_wait3A_215 = tpu.memref_slice %arg2[%dma_wait3A_213, %dma_wait3A_214] : memref<10000x128xf32, #tpu.memory_space<hbm>> -> memref<10000x128xf32, #tpu.memory_space<hbm>>
      tpu.wait_indirect_dma semaphore(%arg18 : memref<!tpu.dma_semaphore, #tpu.memory_space<semaphore_mem>>) src(%dma_wait3A_215 : memref<10000x128xf32, #tpu.memory_space<hbm>>) dst(%arg11 : memref<50x128xf32, #tpu.memory_space<vmem>>)
      %dma_start3A_216 = arith.constant 3 : i32
      %dma_start3A_217 = arith.constant 1 : i32
      %dma_start3A_218 = arith.constant 0 : i32
      %dma_start3A_219 = tpu.memref_slice %arg6[%dma_start3A_216, %dma_start3A_217, %dma_start3A_218] : memref<4x2x50xi32, #tpu.memory_space<vmem>> -> memref<1x1x50xi32, #tpu.memory_space<vmem>>
      %dma_start3A_220 = tpu.memref_squeeze %dma_start3A_219 : memref<1x1x50xi32, #tpu.memory_space<vmem>> -> memref<50xi32, #tpu.memory_space<vmem>>
      %dma_start3A_221 = arith.constant 0 : i32
      %dma_start3A_222 = arith.constant 0 : i32
      %dma_start3A_223 = tpu.memref_slice %arg12[%dma_start3A_221, %dma_start3A_222] : memref<10240x128xf32, #tpu.memory_space<vmem_shared>> -> memref<10240x128xf32, #tpu.memory_space<vmem_shared>>
      tpu.enqueue_indirect_dma source(%arg11 : memref<50x128xf32, #tpu.memory_space<vmem>>) target(%dma_start3A_223 : memref<10240x128xf32, #tpu.memory_space<vmem_shared>>) offsets(%dma_start3A_220 : memref<50xi32, #tpu.memory_space<vmem>>) semaphore(%arg22 : memref<!tpu.dma_semaphore, #tpu.memory_space<semaphore_mem>>) {add = true}
      %dma_wait3A_224 = arith.constant 0 : i32
      %dma_wait3A_225 = arith.constant 1 : i32
      %dma_wait3A_226 = arith.constant 0 : i32
      %dma_wait3A_227 = tpu.memref_slice %arg6[%dma_wait3A_224, %dma_wait3A_225, %dma_wait3A_226] : memref<4x2x50xi32, #tpu.memory_space<vmem>> -> memref<1x1x50xi32, #tpu.memory_space<vmem>>
      %dma_wait3A_228 = tpu.memref_squeeze %dma_wait3A_227 : memref<1x1x50xi32, #tpu.memory_space<vmem>> -> memref<50xi32, #tpu.memory_space<vmem>>
      %dma_wait3A_229 = arith.constant 0 : i32
      %dma_wait3A_230 = arith.constant 0 : i32
      %dma_wait3A_231 = tpu.memref_slice %arg12[%dma_wait3A_229, %dma_wait3A_230] : memref<10240x128xf32, #tpu.memory_space<vmem_shared>> -> memref<10240x128xf32, #tpu.memory_space<vmem_shared>>
      tpu.wait_indirect_dma semaphore(%arg20 : memref<!tpu.dma_semaphore, #tpu.memory_space<semaphore_mem>>) src(%arg9 : memref<50x128xf32, #tpu.memory_space<vmem>>) dst(%dma_wait3A_231 : memref<10240x128xf32, #tpu.memory_space<vmem_shared>>)
      %dma_start3A_232 = arith.constant 1 : i32
      %dma_start3A_233 = arith.constant 0 : i32
      %dma_start3A_234 = arith.constant 0 : i32
      %dma_start3A_235 = tpu.memref_slice %arg7[%dma_start3A_232, %dma_start3A_233, %dma_start3A_234] : memref<4x2x50xi32, #tpu.memory_space<vmem>> -> memref<1x1x50xi32, #tpu.memory_space<vmem>>
      %dma_start3A_236 = tpu.memref_squeeze %dma_start3A_235 : memref<1x1x50xi32, #tpu.memory_space<vmem>> -> memref<50xi32, #tpu.memory_space<vmem>>
      %dma_start3A_237 = arith.constant 0 : i32
      %dma_start3A_238 = arith.constant 0 : i32
      %dma_start3A_239 = tpu.memref_slice %arg2[%dma_start3A_237, %dma_start3A_238] : memref<10000x128xf32, #tpu.memory_space<hbm>> -> memref<10000x128xf32, #tpu.memory_space<hbm>>
      tpu.enqueue_indirect_dma source(%dma_start3A_239 : memref<10000x128xf32, #tpu.memory_space<hbm>>) target(%arg9 : memref<50x128xf32, #tpu.memory_space<vmem>>) offsets(%dma_start3A_236 : memref<50xi32, #tpu.memory_space<vmem>>) semaphore(%arg16 : memref<!tpu.dma_semaphore, #tpu.memory_space<semaphore_mem>>)
      %dma_wait3A_240 = arith.constant 0 : i32
      %dma_wait3A_241 = arith.constant 0 : i32
      %dma_wait3A_242 = arith.constant 0 : i32
      %dma_wait3A_243 = tpu.memref_slice %arg6[%dma_wait3A_240, %dma_wait3A_241, %dma_wait3A_242] : memref<4x2x50xi32, #tpu.memory_space<vmem>> -> memref<1x1x50xi32, #tpu.memory_space<vmem>>
      %dma_wait3A_244 = tpu.memref_squeeze %dma_wait3A_243 : memref<1x1x50xi32, #tpu.memory_space<vmem>> -> memref<50xi32, #tpu.memory_space<vmem>>
      %dma_wait3A_245 = arith.constant 0 : i32
      %dma_wait3A_246 = arith.constant 0 : i32
      %dma_wait3A_247 = tpu.memref_slice %arg2[%dma_wait3A_245, %dma_wait3A_246] : memref<10000x128xf32, #tpu.memory_space<hbm>> -> memref<10000x128xf32, #tpu.memory_space<hbm>>
      tpu.wait_indirect_dma semaphore(%arg15 : memref<!tpu.dma_semaphore, #tpu.memory_space<semaphore_mem>>) src(%dma_wait3A_247 : memref<10000x128xf32, #tpu.memory_space<hbm>>) dst(%arg8 : memref<50x128xf32, #tpu.memory_space<vmem>>)
      %dma_start3A_248 = arith.constant 0 : i32
      %dma_start3A_249 = arith.constant 1 : i32
      %dma_start3A_250 = arith.constant 0 : i32
      %dma_start3A_251 = tpu.memref_slice %arg7[%dma_start3A_248, %dma_start3A_249, %dma_start3A_250] : memref<4x2x50xi32, #tpu.memory_space<vmem>> -> memref<1x1x50xi32, #tpu.memory_space<vmem>>
      %dma_start3A_252 = tpu.memref_squeeze %dma_start3A_251 : memref<1x1x50xi32, #tpu.memory_space<vmem>> -> memref<50xi32, #tpu.memory_space<vmem>>
      %dma_start3A_253 = arith.constant 0 : i32
      %dma_start3A_254 = arith.constant 0 : i32
      %dma_start3A_255 = tpu.memref_slice %arg12[%dma_start3A_253, %dma_start3A_254] : memref<10240x128xf32, #tpu.memory_space<vmem_shared>> -> memref<10240x128xf32, #tpu.memory_space<vmem_shared>>
      tpu.enqueue_indirect_dma source(%arg8 : memref<50x128xf32, #tpu.memory_space<vmem>>) target(%dma_start3A_255 : memref<10240x128xf32, #tpu.memory_space<vmem_shared>>) offsets(%dma_start3A_252 : memref<50xi32, #tpu.memory_space<vmem>>) semaphore(%arg19 : memref<!tpu.dma_semaphore, #tpu.memory_space<semaphore_mem>>) {add = true}
      %dma_wait3A_256 = arith.constant 0 : i32
      %dma_wait3A_257 = arith.constant 1 : i32
      %dma_wait3A_258 = arith.constant 0 : i32
      %dma_wait3A_259 = tpu.memref_slice %arg6[%dma_wait3A_256, %dma_wait3A_257, %dma_wait3A_258] : memref<4x2x50xi32, #tpu.memory_space<vmem>> -> memref<1x1x50xi32, #tpu.memory_space<vmem>>
      %dma_wait3A_260 = tpu.memref_squeeze %dma_wait3A_259 : memref<1x1x50xi32, #tpu.memory_space<vmem>> -> memref<50xi32, #tpu.memory_space<vmem>>
      %dma_wait3A_261 = arith.constant 0 : i32
      %dma_wait3A_262 = arith.constant 0 : i32
      %dma_wait3A_263 = tpu.memref_slice %arg12[%dma_wait3A_261, %dma_wait3A_262] : memref<10240x128xf32, #tpu.memory_space<vmem_shared>> -> memref<10240x128xf32, #tpu.memory_space<vmem_shared>>
      tpu.wait_indirect_dma semaphore(%arg21 : memref<!tpu.dma_semaphore, #tpu.memory_space<semaphore_mem>>) src(%arg10 : memref<50x128xf32, #tpu.memory_space<vmem>>) dst(%dma_wait3A_263 : memref<10240x128xf32, #tpu.memory_space<vmem_shared>>)
      %dma_start3A_264 = arith.constant 2 : i32
      %dma_start3A_265 = arith.constant 0 : i32
      %dma_start3A_266 = arith.constant 0 : i32
      %dma_start3A_267 = tpu.memref_slice %arg7[%dma_start3A_264, %dma_start3A_265, %dma_start3A_266] : memref<4x2x50xi32, #tpu.memory_space<vmem>> -> memref<1x1x50xi32, #tpu.memory_space<vmem>>
      %dma_start3A_268 = tpu.memref_squeeze %dma_start3A_267 : memref<1x1x50xi32, #tpu.memory_space<vmem>> -> memref<50xi32, #tpu.memory_space<vmem>>
      %dma_start3A_269 = arith.constant 0 : i32
      %dma_start3A_270 = arith.constant 0 : i32
      %dma_start3A_271 = tpu.memref_slice %arg2[%dma_start3A_269, %dma_start3A_270] : memref<10000x128xf32, #tpu.memory_space<hbm>> -> memref<10000x128xf32, #tpu.memory_space<hbm>>
      tpu.enqueue_indirect_dma source(%dma_start3A_271 : memref<10000x128xf32, #tpu.memory_space<hbm>>) target(%arg10 : memref<50x128xf32, #tpu.memory_space<vmem>>) offsets(%dma_start3A_268 : memref<50xi32, #tpu.memory_space<vmem>>) semaphore(%arg17 : memref<!tpu.dma_semaphore, #tpu.memory_space<semaphore_mem>>)
      %add3A_272 = arith.constant 8 : i32
      %add3A_273 = arith.addi %add3A_97, %add3A_272 : i32
      %min3A = arith.minsi %add3A_273, %sub3A_7 : i32
      %dma_start3A_274 = arith.constant 0 : i32
      %dma_start3A_275 = arith.constant 0 : i32
      %dma_start3A_276 = tpu.memref_slice %arg3[%min3A, %dma_start3A_274, %dma_start3A_275] : memref<6400x2x50xi32, #tpu.memory_space<hbm>> -> memref<4x2x50xi32, #tpu.memory_space<hbm>>
      %dma_start3A_277 = arith.constant 0 : i32
      %dma_start3A_278 = arith.constant 0 : i32
      %dma_start3A_279 = tpu.memref_slice %arg3[%min3A, %dma_start3A_277, %dma_start3A_278] : memref<6400x2x50xi32, #tpu.memory_space<hbm>> -> memref<4x2x50xi32, #tpu.memory_space<hbm>>
      tpu.enqueue_dma source(%dma_start3A_279 : memref<4x2x50xi32, #tpu.memory_space<hbm>>) target(%arg6 : memref<4x2x50xi32, #tpu.memory_space<vmem>>) target_semaphore(%arg13 : memref<!tpu.dma_semaphore, #tpu.memory_space<semaphore_mem>>)
      %dma_wait3A_280 = arith.constant 0 : i32
      %dma_wait3A_281 = arith.constant 0 : i32
      %dma_wait3A_282 = arith.constant 0 : i32
      %dma_wait3A_283 = tpu.memref_slice %arg6[%dma_wait3A_280, %dma_wait3A_281, %dma_wait3A_282] : memref<4x2x50xi32, #tpu.memory_space<vmem>> -> memref<1x1x50xi32, #tpu.memory_space<vmem>>
      %dma_wait3A_284 = tpu.memref_squeeze %dma_wait3A_283 : memref<1x1x50xi32, #tpu.memory_space<vmem>> -> memref<50xi32, #tpu.memory_space<vmem>>
      %dma_wait3A_285 = arith.constant 0 : i32
      %dma_wait3A_286 = arith.constant 0 : i32
      %dma_wait3A_287 = tpu.memref_slice %arg2[%dma_wait3A_285, %dma_wait3A_286] : memref<10000x128xf32, #tpu.memory_space<hbm>> -> memref<10000x128xf32, #tpu.memory_space<hbm>>
      tpu.wait_indirect_dma semaphore(%arg16 : memref<!tpu.dma_semaphore, #tpu.memory_space<semaphore_mem>>) src(%dma_wait3A_287 : memref<10000x128xf32, #tpu.memory_space<hbm>>) dst(%arg9 : memref<50x128xf32, #tpu.memory_space<vmem>>)
      %dma_start3A_288 = arith.constant 1 : i32
      %dma_start3A_289 = arith.constant 1 : i32
      %dma_start3A_290 = arith.constant 0 : i32
      %dma_start3A_291 = tpu.memref_slice %arg7[%dma_start3A_288, %dma_start3A_289, %dma_start3A_290] : memref<4x2x50xi32, #tpu.memory_space<vmem>> -> memref<1x1x50xi32, #tpu.memory_space<vmem>>
      %dma_start3A_292 = tpu.memref_squeeze %dma_start3A_291 : memref<1x1x50xi32, #tpu.memory_space<vmem>> -> memref<50xi32, #tpu.memory_space<vmem>>
      %dma_start3A_293 = arith.constant 0 : i32
      %dma_start3A_294 = arith.constant 0 : i32
      %dma_start3A_295 = tpu.memref_slice %arg12[%dma_start3A_293, %dma_start3A_294] : memref<10240x128xf32, #tpu.memory_space<vmem_shared>> -> memref<10240x128xf32, #tpu.memory_space<vmem_shared>>
      tpu.enqueue_indirect_dma source(%arg9 : memref<50x128xf32, #tpu.memory_space<vmem>>) target(%dma_start3A_295 : memref<10240x128xf32, #tpu.memory_space<vmem_shared>>) offsets(%dma_start3A_292 : memref<50xi32, #tpu.memory_space<vmem>>) semaphore(%arg20 : memref<!tpu.dma_semaphore, #tpu.memory_space<semaphore_mem>>) {add = true}
      %dma_wait3A_296 = arith.constant 0 : i32
      %dma_wait3A_297 = arith.constant 1 : i32
      %dma_wait3A_298 = arith.constant 0 : i32
      %dma_wait3A_299 = tpu.memref_slice %arg6[%dma_wait3A_296, %dma_wait3A_297, %dma_wait3A_298] : memref<4x2x50xi32, #tpu.memory_space<vmem>> -> memref<1x1x50xi32, #tpu.memory_space<vmem>>
      %dma_wait3A_300 = tpu.memref_squeeze %dma_wait3A_299 : memref<1x1x50xi32, #tpu.memory_space<vmem>> -> memref<50xi32, #tpu.memory_space<vmem>>
      %dma_wait3A_301 = arith.constant 0 : i32
      %dma_wait3A_302 = arith.constant 0 : i32
      %dma_wait3A_303 = tpu.memref_slice %arg12[%dma_wait3A_301, %dma_wait3A_302] : memref<10240x128xf32, #tpu.memory_space<vmem_shared>> -> memref<10240x128xf32, #tpu.memory_space<vmem_shared>>
      tpu.wait_indirect_dma semaphore(%arg22 : memref<!tpu.dma_semaphore, #tpu.memory_space<semaphore_mem>>) src(%arg11 : memref<50x128xf32, #tpu.memory_space<vmem>>) dst(%dma_wait3A_303 : memref<10240x128xf32, #tpu.memory_space<vmem_shared>>)
      %dma_start3A_304 = arith.constant 3 : i32
      %dma_start3A_305 = arith.constant 0 : i32
      %dma_start3A_306 = arith.constant 0 : i32
      %dma_start3A_307 = tpu.memref_slice %arg7[%dma_start3A_304, %dma_start3A_305, %dma_start3A_306] : memref<4x2x50xi32, #tpu.memory_space<vmem>> -> memref<1x1x50xi32, #tpu.memory_space<vmem>>
      %dma_start3A_308 = tpu.memref_squeeze %dma_start3A_307 : memref<1x1x50xi32, #tpu.memory_space<vmem>> -> memref<50xi32, #tpu.memory_space<vmem>>
      %dma_start3A_309 = arith.constant 0 : i32
      %dma_start3A_310 = arith.constant 0 : i32
      %dma_start3A_311 = tpu.memref_slice %arg2[%dma_start3A_309, %dma_start3A_310] : memref<10000x128xf32, #tpu.memory_space<hbm>> -> memref<10000x128xf32, #tpu.memory_space<hbm>>
      tpu.enqueue_indirect_dma source(%dma_start3A_311 : memref<10000x128xf32, #tpu.memory_space<hbm>>) target(%arg11 : memref<50x128xf32, #tpu.memory_space<vmem>>) offsets(%dma_start3A_308 : memref<50xi32, #tpu.memory_space<vmem>>) semaphore(%arg18 : memref<!tpu.dma_semaphore, #tpu.memory_space<semaphore_mem>>)
      %dma_wait3A_312 = arith.constant 0 : i32
      %dma_wait3A_313 = arith.constant 0 : i32
      %dma_wait3A_314 = arith.constant 0 : i32
      %dma_wait3A_315 = tpu.memref_slice %arg6[%dma_wait3A_312, %dma_wait3A_313, %dma_wait3A_314] : memref<4x2x50xi32, #tpu.memory_space<vmem>> -> memref<1x1x50xi32, #tpu.memory_space<vmem>>
      %dma_wait3A_316 = tpu.memref_squeeze %dma_wait3A_315 : memref<1x1x50xi32, #tpu.memory_space<vmem>> -> memref<50xi32, #tpu.memory_space<vmem>>
      %dma_wait3A_317 = arith.constant 0 : i32
      %dma_wait3A_318 = arith.constant 0 : i32
      %dma_wait3A_319 = tpu.memref_slice %arg2[%dma_wait3A_317, %dma_wait3A_318] : memref<10000x128xf32, #tpu.memory_space<hbm>> -> memref<10000x128xf32, #tpu.memory_space<hbm>>
      tpu.wait_indirect_dma semaphore(%arg17 : memref<!tpu.dma_semaphore, #tpu.memory_space<semaphore_mem>>) src(%dma_wait3A_319 : memref<10000x128xf32, #tpu.memory_space<hbm>>) dst(%arg10 : memref<50x128xf32, #tpu.memory_space<vmem>>)
      %dma_start3A_320 = arith.constant 2 : i32
      %dma_start3A_321 = arith.constant 1 : i32
      %dma_start3A_322 = arith.constant 0 : i32
      %dma_start3A_323 = tpu.memref_slice %arg7[%dma_start3A_320, %dma_start3A_321, %dma_start3A_322] : memref<4x2x50xi32, #tpu.memory_space<vmem>> -> memref<1x1x50xi32, #tpu.memory_space<vmem>>
      %dma_start3A_324 = tpu.memref_squeeze %dma_start3A_323 : memref<1x1x50xi32, #tpu.memory_space<vmem>> -> memref<50xi32, #tpu.memory_space<vmem>>
      %dma_start3A_325 = arith.constant 0 : i32
      %dma_start3A_326 = arith.constant 0 : i32
      %dma_start3A_327 = tpu.memref_slice %arg12[%dma_start3A_325, %dma_start3A_326] : memref<10240x128xf32, #tpu.memory_space<vmem_shared>> -> memref<10240x128xf32, #tpu.memory_space<vmem_shared>>
      tpu.enqueue_indirect_dma source(%arg10 : memref<50x128xf32, #tpu.memory_space<vmem>>) target(%dma_start3A_327 : memref<10240x128xf32, #tpu.memory_space<vmem_shared>>) offsets(%dma_start3A_324 : memref<50xi32, #tpu.memory_space<vmem>>) semaphore(%arg21 : memref<!tpu.dma_semaphore, #tpu.memory_space<semaphore_mem>>) {add = true}
      %dma_wait3A_328 = arith.constant 0 : i32
      %dma_wait3A_329 = arith.constant 1 : i32
      %dma_wait3A_330 = arith.constant 0 : i32
      %dma_wait3A_331 = tpu.memref_slice %arg6[%dma_wait3A_328, %dma_wait3A_329, %dma_wait3A_330] : memref<4x2x50xi32, #tpu.memory_space<vmem>> -> memref<1x1x50xi32, #tpu.memory_space<vmem>>
      %dma_wait3A_332 = tpu.memref_squeeze %dma_wait3A_331 : memref<1x1x50xi32, #tpu.memory_space<vmem>> -> memref<50xi32, #tpu.memory_space<vmem>>
      %dma_wait3A_333 = arith.constant 0 : i32
      %dma_wait3A_334 = arith.constant 0 : i32
      %dma_wait3A_335 = tpu.memref_slice %arg12[%dma_wait3A_333, %dma_wait3A_334] : memref<10240x128xf32, #tpu.memory_space<vmem_shared>> -> memref<10240x128xf32, #tpu.memory_space<vmem_shared>>
      tpu.wait_indirect_dma semaphore(%arg19 : memref<!tpu.dma_semaphore, #tpu.memory_space<semaphore_mem>>) src(%arg8 : memref<50x128xf32, #tpu.memory_space<vmem>>) dst(%dma_wait3A_335 : memref<10240x128xf32, #tpu.memory_space<vmem_shared>>)
      %dma_wait3A_336 = arith.constant 0 : i32
      %dma_wait3A_337 = arith.constant 0 : i32
      %dma_wait3A_338 = tpu.memref_slice %arg3[%mul3A_4, %dma_wait3A_336, %dma_wait3A_337] : memref<6400x2x50xi32, #tpu.memory_space<hbm>> -> memref<4x2x50xi32, #tpu.memory_space<hbm>>
      %dma_wait3A_339 = arith.constant 0 : i32
      %dma_wait3A_340 = arith.constant 0 : i32
      %dma_wait3A_341 = tpu.memref_slice %arg3[%mul3A_4, %dma_wait3A_339, %dma_wait3A_340] : memref<6400x2x50xi32, #tpu.memory_space<hbm>> -> memref<4x2x50xi32, #tpu.memory_space<hbm>>
      tpu.wait_dma2 semaphore(%arg13 : memref<!tpu.dma_semaphore, #tpu.memory_space<semaphore_mem>>) src(%dma_wait3A_341 : memref<4x2x50xi32, #tpu.memory_space<hbm>>) dst(%arg6 : memref<4x2x50xi32, #tpu.memory_space<vmem>>)
      %dma_start3A_342 = arith.constant 0 : i32
      %dma_start3A_343 = arith.constant 0 : i32
      %dma_start3A_344 = arith.constant 0 : i32
      %dma_start3A_345 = tpu.memref_slice %arg6[%dma_start3A_342, %dma_start3A_343, %dma_start3A_344] : memref<4x2x50xi32, #tpu.memory_space<vmem>> -> memref<1x1x50xi32, #tpu.memory_space<vmem>>
      %dma_start3A_346 = tpu.memref_squeeze %dma_start3A_345 : memref<1x1x50xi32, #tpu.memory_space<vmem>> -> memref<50xi32, #tpu.memory_space<vmem>>
      %dma_start3A_347 = arith.constant 0 : i32
      %dma_start3A_348 = arith.constant 0 : i32
      %dma_start3A_349 = tpu.memref_slice %arg2[%dma_start3A_347, %dma_start3A_348] : memref<10000x128xf32, #tpu.memory_space<hbm>> -> memref<10000x128xf32, #tpu.memory_space<hbm>>
      tpu.enqueue_indirect_dma source(%dma_start3A_349 : memref<10000x128xf32, #tpu.memory_space<hbm>>) target(%arg8 : memref<50x128xf32, #tpu.memory_space<vmem>>) offsets(%dma_start3A_346 : memref<50xi32, #tpu.memory_space<vmem>>) semaphore(%arg15 : memref<!tpu.dma_semaphore, #tpu.memory_space<semaphore_mem>>)
      %dma_wait3A_350 = arith.constant 0 : i32
      %dma_wait3A_351 = arith.constant 0 : i32
      %dma_wait3A_352 = arith.constant 0 : i32
      %dma_wait3A_353 = tpu.memref_slice %arg6[%dma_wait3A_350, %dma_wait3A_351, %dma_wait3A_352] : memref<4x2x50xi32, #tpu.memory_space<vmem>> -> memref<1x1x50xi32, #tpu.memory_space<vmem>>
      %dma_wait3A_354 = tpu.memref_squeeze %dma_wait3A_353 : memref<1x1x50xi32, #tpu.memory_space<vmem>> -> memref<50xi32, #tpu.memory_space<vmem>>
      %dma_wait3A_355 = arith.constant 0 : i32
      %dma_wait3A_356 = arith.constant 0 : i32
      %dma_wait3A_357 = tpu.memref_slice %arg2[%dma_wait3A_355, %dma_wait3A_356] : memref<10000x128xf32, #tpu.memory_space<hbm>> -> memref<10000x128xf32, #tpu.memory_space<hbm>>
      tpu.wait_indirect_dma semaphore(%arg18 : memref<!tpu.dma_semaphore, #tpu.memory_space<semaphore_mem>>) src(%dma_wait3A_357 : memref<10000x128xf32, #tpu.memory_space<hbm>>) dst(%arg11 : memref<50x128xf32, #tpu.memory_space<vmem>>)
      %dma_start3A_358 = arith.constant 3 : i32
      %dma_start3A_359 = arith.constant 1 : i32
      %dma_start3A_360 = arith.constant 0 : i32
      %dma_start3A_361 = tpu.memref_slice %arg7[%dma_start3A_358, %dma_start3A_359, %dma_start3A_360] : memref<4x2x50xi32, #tpu.memory_space<vmem>> -> memref<1x1x50xi32, #tpu.memory_space<vmem>>
      %dma_start3A_362 = tpu.memref_squeeze %dma_start3A_361 : memref<1x1x50xi32, #tpu.memory_space<vmem>> -> memref<50xi32, #tpu.memory_space<vmem>>
      %dma_start3A_363 = arith.constant 0 : i32
      %dma_start3A_364 = arith.constant 0 : i32
      %dma_start3A_365 = tpu.memref_slice %arg12[%dma_start3A_363, %dma_start3A_364] : memref<10240x128xf32, #tpu.memory_space<vmem_shared>> -> memref<10240x128xf32, #tpu.memory_space<vmem_shared>>
      tpu.enqueue_indirect_dma source(%arg11 : memref<50x128xf32, #tpu.memory_space<vmem>>) target(%dma_start3A_365 : memref<10240x128xf32, #tpu.memory_space<vmem_shared>>) offsets(%dma_start3A_362 : memref<50xi32, #tpu.memory_space<vmem>>) semaphore(%arg22 : memref<!tpu.dma_semaphore, #tpu.memory_space<semaphore_mem>>) {add = true}
      %dma_wait3A_366 = arith.constant 0 : i32
      %dma_wait3A_367 = arith.constant 1 : i32
      %dma_wait3A_368 = arith.constant 0 : i32
      %dma_wait3A_369 = tpu.memref_slice %arg6[%dma_wait3A_366, %dma_wait3A_367, %dma_wait3A_368] : memref<4x2x50xi32, #tpu.memory_space<vmem>> -> memref<1x1x50xi32, #tpu.memory_space<vmem>>
      %dma_wait3A_370 = tpu.memref_squeeze %dma_wait3A_369 : memref<1x1x50xi32, #tpu.memory_space<vmem>> -> memref<50xi32, #tpu.memory_space<vmem>>
      %dma_wait3A_371 = arith.constant 0 : i32
      %dma_wait3A_372 = arith.constant 0 : i32
      %dma_wait3A_373 = tpu.memref_slice %arg12[%dma_wait3A_371, %dma_wait3A_372] : memref<10240x128xf32, #tpu.memory_space<vmem_shared>> -> memref<10240x128xf32, #tpu.memory_space<vmem_shared>>
      tpu.wait_indirect_dma semaphore(%arg20 : memref<!tpu.dma_semaphore, #tpu.memory_space<semaphore_mem>>) src(%arg9 : memref<50x128xf32, #tpu.memory_space<vmem>>) dst(%dma_wait3A_373 : memref<10240x128xf32, #tpu.memory_space<vmem_shared>>)
      %dma_start3A_374 = arith.constant 1 : i32
      %dma_start3A_375 = arith.constant 0 : i32
      %dma_start3A_376 = arith.constant 0 : i32
      %dma_start3A_377 = tpu.memref_slice %arg6[%dma_start3A_374, %dma_start3A_375, %dma_start3A_376] : memref<4x2x50xi32, #tpu.memory_space<vmem>> -> memref<1x1x50xi32, #tpu.memory_space<vmem>>
      %dma_start3A_378 = tpu.memref_squeeze %dma_start3A_377 : memref<1x1x50xi32, #tpu.memory_space<vmem>> -> memref<50xi32, #tpu.memory_space<vmem>>
      %dma_start3A_379 = arith.constant 0 : i32
      %dma_start3A_380 = arith.constant 0 : i32
      %dma_start3A_381 = tpu.memref_slice %arg2[%dma_start3A_379, %dma_start3A_380] : memref<10000x128xf32, #tpu.memory_space<hbm>> -> memref<10000x128xf32, #tpu.memory_space<hbm>>
      tpu.enqueue_indirect_dma source(%dma_start3A_381 : memref<10000x128xf32, #tpu.memory_space<hbm>>) target(%arg9 : memref<50x128xf32, #tpu.memory_space<vmem>>) offsets(%dma_start3A_378 : memref<50xi32, #tpu.memory_space<vmem>>) semaphore(%arg16 : memref<!tpu.dma_semaphore, #tpu.memory_space<semaphore_mem>>)
    }
    %scan3A_60 = arith.constant 25 : i32
    %dma_wait3A_61 = arith.constant 0 : i32
    %dma_wait3A_62 = arith.constant 1 : i32
    %dma_wait3A_63 = arith.constant 0 : i32
    %dma_wait3A_64 = tpu.memref_slice %arg6[%dma_wait3A_61, %dma_wait3A_62, %dma_wait3A_63] : memref<4x2x50xi32, #tpu.memory_space<vmem>> -> memref<1x1x50xi32, #tpu.memory_space<vmem>>
    %dma_wait3A_65 = tpu.memref_squeeze %dma_wait3A_64 : memref<1x1x50xi32, #tpu.memory_space<vmem>> -> memref<50xi32, #tpu.memory_space<vmem>>
    %dma_wait3A_66 = arith.constant 0 : i32
    %dma_wait3A_67 = arith.constant 0 : i32
    %dma_wait3A_68 = tpu.memref_slice %arg12[%dma_wait3A_66, %dma_wait3A_67] : memref<10240x128xf32, #tpu.memory_space<vmem_shared>> -> memref<10240x128xf32, #tpu.memory_space<vmem_shared>>
    tpu.wait_indirect_dma semaphore(%arg21 : memref<!tpu.dma_semaphore, #tpu.memory_space<semaphore_mem>>) src(%arg10 : memref<50x128xf32, #tpu.memory_space<vmem>>) dst(%dma_wait3A_68 : memref<10240x128xf32, #tpu.memory_space<vmem_shared>>)
    %dma_wait3A_69 = arith.constant 0 : i32
    %dma_wait3A_70 = arith.constant 1 : i32
    %dma_wait3A_71 = arith.constant 0 : i32
    %dma_wait3A_72 = tpu.memref_slice %arg6[%dma_wait3A_69, %dma_wait3A_70, %dma_wait3A_71] : memref<4x2x50xi32, #tpu.memory_space<vmem>> -> memref<1x1x50xi32, #tpu.memory_space<vmem>>
    %dma_wait3A_73 = tpu.memref_squeeze %dma_wait3A_72 : memref<1x1x50xi32, #tpu.memory_space<vmem>> -> memref<50xi32, #tpu.memory_space<vmem>>
    %dma_wait3A_74 = arith.constant 0 : i32
    %dma_wait3A_75 = arith.constant 0 : i32
    %dma_wait3A_76 = tpu.memref_slice %arg12[%dma_wait3A_74, %dma_wait3A_75] : memref<10240x128xf32, #tpu.memory_space<vmem_shared>> -> memref<10240x128xf32, #tpu.memory_space<vmem_shared>>
    tpu.wait_indirect_dma semaphore(%arg22 : memref<!tpu.dma_semaphore, #tpu.memory_space<semaphore_mem>>) src(%arg11 : memref<50x128xf32, #tpu.memory_space<vmem>>) dst(%dma_wait3A_76 : memref<10240x128xf32, #tpu.memory_space<vmem_shared>>)
    %dma_wait3A_77 = arith.constant 0 : i32
    %dma_wait3A_78 = arith.constant 0 : i32
    %dma_wait3A_79 = arith.constant 0 : i32
    %dma_wait3A_80 = tpu.memref_slice %arg6[%dma_wait3A_77, %dma_wait3A_78, %dma_wait3A_79] : memref<4x2x50xi32, #tpu.memory_space<vmem>> -> memref<1x1x50xi32, #tpu.memory_space<vmem>>
    %dma_wait3A_81 = tpu.memref_squeeze %dma_wait3A_80 : memref<1x1x50xi32, #tpu.memory_space<vmem>> -> memref<50xi32, #tpu.memory_space<vmem>>
    %dma_wait3A_82 = arith.constant 0 : i32
    %dma_wait3A_83 = arith.constant 0 : i32
    %dma_wait3A_84 = tpu.memref_slice %arg2[%dma_wait3A_82, %dma_wait3A_83] : memref<10000x128xf32, #tpu.memory_space<hbm>> -> memref<10000x128xf32, #tpu.memory_space<hbm>>
    tpu.wait_indirect_dma semaphore(%arg15 : memref<!tpu.dma_semaphore, #tpu.memory_space<semaphore_mem>>) src(%dma_wait3A_84 : memref<10000x128xf32, #tpu.memory_space<hbm>>) dst(%arg8 : memref<50x128xf32, #tpu.memory_space<vmem>>)
    %dma_wait3A_85 = arith.constant 0 : i32
    %dma_wait3A_86 = arith.constant 0 : i32
    %dma_wait3A_87 = arith.constant 0 : i32
    %dma_wait3A_88 = tpu.memref_slice %arg6[%dma_wait3A_85, %dma_wait3A_86, %dma_wait3A_87] : memref<4x2x50xi32, #tpu.memory_space<vmem>> -> memref<1x1x50xi32, #tpu.memory_space<vmem>>
    %dma_wait3A_89 = tpu.memref_squeeze %dma_wait3A_88 : memref<1x1x50xi32, #tpu.memory_space<vmem>> -> memref<50xi32, #tpu.memory_space<vmem>>
    %dma_wait3A_90 = arith.constant 0 : i32
    %dma_wait3A_91 = arith.constant 0 : i32
    %dma_wait3A_92 = tpu.memref_slice %arg2[%dma_wait3A_90, %dma_wait3A_91] : memref<10000x128xf32, #tpu.memory_space<hbm>> -> memref<10000x128xf32, #tpu.memory_space<hbm>>
    tpu.wait_indirect_dma semaphore(%arg16 : memref<!tpu.dma_semaphore, #tpu.memory_space<semaphore_mem>>) src(%dma_wait3A_92 : memref<10000x128xf32, #tpu.memory_space<hbm>>) dst(%arg9 : memref<50x128xf32, #tpu.memory_space<vmem>>)
    %barrier3A_93 = arith.constant 0 : index
    tpu.barrier barrier_id(%barrier3A_93)
    "tpu.region"() ({
      %run_scoped3A = tpu.sem_alloc : memref<!tpu.dma_semaphore, #tpu.memory_space<semaphore_mem>>
      %dma_start3A_94 = arith.constant 0 : i32
      %dma_start3A_95 = tpu.memref_slice %arg5[%arg0, %multiple_of3A, %dma_start3A_94] : memref<2x10240x128xf32, #tpu.memory_space<hbm>> -> memref<1x640x128xf32, #tpu.memory_space<hbm>>
      %dma_start3A_96 = tpu.memref_squeeze %dma_start3A_95 : memref<1x640x128xf32, #tpu.memory_space<hbm>> -> memref<640x128xf32, #tpu.memory_space<hbm>>
      %dma_start3A_97 = arith.constant 0 : i32
      %dma_start3A_98 = tpu.memref_slice %arg12[%multiple_of3A, %dma_start3A_97] : memref<10240x128xf32, #tpu.memory_space<vmem_shared>> -> memref<640x128xf32, #tpu.memory_space<vmem_shared>>
      tpu.enqueue_dma source(%dma_start3A_98 : memref<640x128xf32, #tpu.memory_space<vmem_shared>>) target(%dma_start3A_96 : memref<640x128xf32, #tpu.memory_space<hbm>>) target_semaphore(%run_scoped3A : memref<!tpu.dma_semaphore, #tpu.memory_space<semaphore_mem>>)
      %dma_wait3A_99 = arith.constant 0 : i32
      %dma_wait3A_100 = tpu.memref_slice %arg5[%arg0, %multiple_of3A, %dma_wait3A_99] : memref<2x10240x128xf32, #tpu.memory_space<hbm>> -> memref<1x640x128xf32, #tpu.memory_space<hbm>>
      %dma_wait3A_101 = tpu.memref_squeeze %dma_wait3A_100 : memref<1x640x128xf32, #tpu.memory_space<hbm>> -> memref<640x128xf32, #tpu.memory_space<hbm>>
      %dma_wait3A_102 = arith.constant 0 : i32
      %dma_wait3A_103 = tpu.memref_slice %arg12[%multiple_of3A, %dma_wait3A_102] : memref<10240x128xf32, #tpu.memory_space<vmem_shared>> -> memref<640x128xf32, #tpu.memory_space<vmem_shared>>
      tpu.wait_dma2 semaphore(%run_scoped3A : memref<!tpu.dma_semaphore, #tpu.memory_space<semaphore_mem>>) src(%dma_wait3A_103 : memref<640x128xf32, #tpu.memory_space<vmem_shared>>) dst(%dma_wait3A_101 : memref<640x128xf32, #tpu.memory_space<hbm>>)
      tpu.yield
    }) : () -> ()
    return
  }
}

module attributes {stable_mosaic.version = 14 : i64} {
  func.func @body(%arg0: i32, %arg1: memref<2x2000x128xf32, #tpu.memory_space<vmem>>, %arg2: memref<2000x128xf32, #tpu.memory_space<vmem>>, %arg3: memref<2000x128xf32, #tpu.memory_space<vmem>>, %arg4: memref<2000x128xf32, #tpu.memory_space<vmem>>) attributes {dimension_semantics = [#tpu.dimension_semantics<arbitrary>], iteration_bounds = array<i64: 5>, scalar_prefetch = 0 : i64, scratch_operands = 0 : i64, tpu.core_type = #tpu.core_type<tc>, window_params = [{transform_indices = @transform_0, window_bounds = array<i64: 2, 2000, 128>}, {transform_indices = @transform_1, window_bounds = array<i64: 2000, 128>}, {transform_indices = @transform_2, window_bounds = array<i64: 2000, 128>}, {transform_indices = @transform_3, window_bounds = array<i64: 2000, 128>}]} {
    %get3A = arith.constant 0 : index
    %get3A_0 = arith.constant 0 : index
    %get3A_1 = arith.constant 0 : index
    %get3A_2 = vector.load %arg1[%get3A, %get3A_0, %get3A_1] : memref<2x2000x128xf32, #tpu.memory_space<vmem>>, vector<1x2000x128xf32>
    %get3A_3 = vector.shape_cast %get3A_2 : vector<1x2000x128xf32> to vector<2000x128xf32>
    %slice3A = vector.extract_strided_slice %get3A_3 {offsets = [0, 0], sizes = [2000, 1], strides = [1, 1]} : vector<2000x128xf32> to vector<2000x1xf32>
    %get3A_4 = arith.constant 1 : index
    %get3A_5 = arith.constant 0 : index
    %get3A_6 = arith.constant 0 : index
    %get3A_7 = vector.load %arg1[%get3A_4, %get3A_5, %get3A_6] : memref<2x2000x128xf32, #tpu.memory_space<vmem>>, vector<1x2000x128xf32>
    %get3A_8 = vector.shape_cast %get3A_7 : vector<1x2000x128xf32> to vector<2000x128xf32>
    %slice3A_9 = vector.extract_strided_slice %get3A_8 {offsets = [0, 0], sizes = [2000, 1], strides = [1, 1]} : vector<2000x128xf32> to vector<2000x1xf32>
    %add3A = arith.addf %slice3A, %slice3A_9 : vector<2000x1xf32>
    %gt3A = arith.constant 0.000000e+00 : f32
    %gt3A_10 = vector.broadcast %gt3A : f32 to vector<2000x1xf32>
    %gt3A_11 = arith.cmpf ogt, %add3A, %gt3A_10 : vector<2000x1xf32>
    %rsqrt3A = math.rsqrt %add3A : vector<2000x1xf32>
    %jit3A = arith.constant 0.000000e+00 : f32
    %broadcast_in_dim3A = vector.broadcast %jit3A : f32 to vector<2000x1xf32>
    %select_n3A = arith.select %gt3A_11, %rsqrt3A, %broadcast_in_dim3A : vector<2000x1xi1>, vector<2000x1xf32>
    %broadcast_in_dim3A_12 = vector.shape_cast %select_n3A : vector<2000x1xf32> to vector<2000x1xf32>
    %broadcast_in_dim3A_13 = vector.broadcast %broadcast_in_dim3A_12 : vector<2000x1xf32> to vector<2000x128xf32>
    %swap3A = arith.constant 0 : index
    %swap3A_14 = arith.constant 0 : index
    %swap3A_15 = vector.load %arg3[%swap3A, %swap3A_14] : memref<2000x128xf32, #tpu.memory_space<vmem>>, vector<2000x128xf32>
    tpu.vector_store %arg3[%swap3A, %swap3A_14], %broadcast_in_dim3A_13 {strides = array<i32>} : memref<2000x128xf32, #tpu.memory_space<vmem>>, vector<2000x128xf32>,
    %get3A_16 = arith.constant 0 : index
    %get3A_17 = arith.constant 0 : index
    %get3A_18 = vector.load %arg2[%get3A_16, %get3A_17] : memref<2000x128xf32, #tpu.memory_space<vmem>>, vector<2000x128xf32>
    %mul3A = vector.broadcast %select_n3A : vector<2000x1xf32> to vector<2000x128xf32>
    %mul3A_19 = arith.mulf %get3A_18, %mul3A : vector<2000x128xf32>
    %swap3A_20 = arith.constant 0 : index
    %swap3A_21 = arith.constant 0 : index
    %swap3A_22 = vector.load %arg4[%swap3A_20, %swap3A_21] : memref<2000x128xf32, #tpu.memory_space<vmem>>, vector<2000x128xf32>
    tpu.vector_store %arg4[%swap3A_20, %swap3A_21], %mul3A_19 {strides = array<i32>} : memref<2000x128xf32, #tpu.memory_space<vmem>>, vector<2000x128xf32>,
    return
  }
  func.func @transform_0(%arg0: i32) -> (i32, i32, i32) {
    %c0_i32 = arith.constant 0 : i32
    %c0_i32_0 = arith.constant 0 : i32
    %c0_i32_1 = arith.constant 0 : i32
    return %c0_i32, %arg0, %c0_i32_0 : i32, i32, i32
  }
  func.func @transform_1(%arg0: i32) -> (i32, i32) {
    %c0_i32 = arith.constant 0 : i32
    %c0_i32_0 = arith.constant 0 : i32
    return %arg0, %c0_i32 : i32, i32
  }
  func.func @transform_2(%arg0: i32) -> (i32, i32) {
    %c0_i32 = arith.constant 0 : i32
    %c0_i32_0 = arith.constant 0 : i32
    return %arg0, %c0_i32 : i32, i32
  }
  func.func @transform_3(%arg0: i32) -> (i32, i32) {
    %c0_i32 = arith.constant 0 : i32
    %c0_i32_0 = arith.constant 0 : i32
    return %arg0, %c0_i32 : i32, i32
  }
}

module attributes {stable_mosaic.version = 14 : i64} {
  func.func @body(%arg0: i32, %arg1: memref<2x2000x128xf32, #tpu.memory_space<vmem>>, %arg2: memref<2000x128xf32, #tpu.memory_space<vmem>>, %arg3: memref<2000x128xf32, #tpu.memory_space<vmem>>) attributes {dimension_semantics = [#tpu.dimension_semantics<arbitrary>], iteration_bounds = array<i64: 5>, scalar_prefetch = 0 : i64, scratch_operands = 0 : i64, tpu.core_type = #tpu.core_type<tc>, window_params = [{transform_indices = @transform_0, window_bounds = array<i64: 2, 2000, 128>}, {transform_indices = @transform_1, window_bounds = array<i64: 2000, 128>}, {transform_indices = @transform_2, window_bounds = array<i64: 2000, 128>}]} {
    %get3A = arith.constant 0 : index
    %get3A_0 = arith.constant 0 : index
    %get3A_1 = vector.load %arg2[%get3A, %get3A_0] : memref<2000x128xf32, #tpu.memory_space<vmem>>, vector<2000x128xf32>
    %mul3A = arith.mulf %get3A_1, %get3A_1 : vector<2000x128xf32>
    %get3A_2 = arith.constant 0 : index
    %get3A_3 = arith.constant 0 : index
    %get3A_4 = arith.constant 0 : index
    %get3A_5 = vector.load %arg1[%get3A_2, %get3A_3, %get3A_4] : memref<2x2000x128xf32, #tpu.memory_space<vmem>>, vector<1x2000x128xf32>
    %get3A_6 = vector.shape_cast %get3A_5 : vector<1x2000x128xf32> to vector<2000x128xf32>
    %get3A_7 = arith.constant 1 : index
    %get3A_8 = arith.constant 0 : index
    %get3A_9 = arith.constant 0 : index
    %get3A_10 = vector.load %arg1[%get3A_7, %get3A_8, %get3A_9] : memref<2x2000x128xf32, #tpu.memory_space<vmem>>, vector<1x2000x128xf32>
    %get3A_11 = vector.shape_cast %get3A_10 : vector<1x2000x128xf32> to vector<2000x128xf32>
    %add3A = arith.addf %get3A_6, %get3A_11 : vector<2000x128xf32>
    %mul3A_12 = arith.mulf %mul3A, %add3A : vector<2000x128xf32>
    %neg3A = arith.constant 0.000000e+00 : f32
    %neg3A_13 = vector.broadcast %neg3A : f32 to vector<2000x128xf32>
    %neg3A_14 = arith.subf %neg3A_13, %mul3A_12 : vector<2000x128xf32>
    %swap3A = arith.constant 0 : index
    %swap3A_15 = arith.constant 0 : index
    %swap3A_16 = vector.load %arg3[%swap3A, %swap3A_15] : memref<2000x128xf32, #tpu.memory_space<vmem>>, vector<2000x128xf32>
    tpu.vector_store %arg3[%swap3A, %swap3A_15], %neg3A_14 {strides = array<i32>} : memref<2000x128xf32, #tpu.memory_space<vmem>>, vector<2000x128xf32>,
    return
  }
  func.func @transform_0(%arg0: i32) -> (i32, i32, i32) {
    %c0_i32 = arith.constant 0 : i32
    %c0_i32_0 = arith.constant 0 : i32
    %c0_i32_1 = arith.constant 0 : i32
    return %c0_i32, %arg0, %c0_i32_0 : i32, i32, i32
  }
  func.func @transform_1(%arg0: i32) -> (i32, i32) {
    %c0_i32 = arith.constant 0 : i32
    %c0_i32_0 = arith.constant 0 : i32
    return %arg0, %c0_i32 : i32, i32
  }
  func.func @transform_2(%arg0: i32) -> (i32, i32) {
    %c0_i32 = arith.constant 0 : i32
    %c0_i32_0 = arith.constant 0 : i32
    return %arg0, %c0_i32 : i32, i32
  }
}

module attributes {stable_mosaic.version = 14 : i64} {
  func.func @body(%arg0: i32, %arg1: memref<2x2000x128xf32, #tpu.memory_space<vmem>>, %arg2: memref<2000x128xf32, #tpu.memory_space<vmem>>, %arg3: memref<2000x128xf32, #tpu.memory_space<vmem>>, %arg4: memref<3x128x128xf32, #tpu.memory_space<vmem>>, %arg5: memref<2000x128xf32, #tpu.memory_space<vmem>>) attributes {dimension_semantics = [#tpu.dimension_semantics<arbitrary>], iteration_bounds = array<i64: 5>, scalar_prefetch = 0 : i64, scratch_operands = 0 : i64, tpu.core_type = #tpu.core_type<tc>, window_params = [{transform_indices = @transform_0, window_bounds = array<i64: 2, 2000, 128>}, {transform_indices = @transform_1, window_bounds = array<i64: 2000, 128>}, {transform_indices = @transform_2, window_bounds = array<i64: 2000, 128>}, {pipeline_mode = #tpu.pipeline_mode<synchronous>, transform_indices = @transform_3, window_bounds = array<i64: 3, 128, 128>}, {transform_indices = @transform_4, window_bounds = array<i64: 2000, 128>}]} {
    %get3A = arith.constant 0 : index
    %get3A_0 = arith.constant 0 : index
    %get3A_1 = vector.load %arg2[%get3A, %get3A_0] : memref<2000x128xf32, #tpu.memory_space<vmem>>, vector<2000x128xf32>
    %get3A_2 = arith.constant 0 : index
    %get3A_3 = arith.constant 0 : index
    %get3A_4 = arith.constant 0 : index
    %get3A_5 = vector.load %arg1[%get3A_2, %get3A_3, %get3A_4] : memref<2x2000x128xf32, #tpu.memory_space<vmem>>, vector<1x2000x128xf32>
    %get3A_6 = vector.shape_cast %get3A_5 : vector<1x2000x128xf32> to vector<2000x128xf32>
    %get3A_7 = arith.constant 1 : index
    %get3A_8 = arith.constant 0 : index
    %get3A_9 = arith.constant 0 : index
    %get3A_10 = vector.load %arg1[%get3A_7, %get3A_8, %get3A_9] : memref<2x2000x128xf32, #tpu.memory_space<vmem>>, vector<1x2000x128xf32>
    %get3A_11 = vector.shape_cast %get3A_10 : vector<1x2000x128xf32> to vector<2000x128xf32>
    %add3A = arith.addf %get3A_6, %get3A_11 : vector<2000x128xf32>
    %mul3A = arith.mulf %get3A_1, %add3A : vector<2000x128xf32>
    %neg3A = arith.constant 0.000000e+00 : f32
    %neg3A_12 = vector.broadcast %neg3A : f32 to vector<2000x128xf32>
    %neg3A_13 = arith.subf %neg3A_12, %mul3A : vector<2000x128xf32>
    %get3A_14 = arith.constant 0 : index
    %get3A_15 = arith.constant 0 : index
    %get3A_16 = vector.load %arg3[%get3A_14, %get3A_15] : memref<2000x128xf32, #tpu.memory_space<vmem>>, vector<2000x128xf32>
    %get3A_17 = arith.constant 0 : index
    %get3A_18 = arith.constant 0 : index
    %get3A_19 = arith.constant 0 : index
    %get3A_20 = vector.load %arg4[%get3A_17, %get3A_18, %get3A_19] : memref<3x128x128xf32, #tpu.memory_space<vmem>>, vector<1x128x128xf32>
    %get3A_21 = vector.shape_cast %get3A_20 : vector<1x128x128xf32> to vector<128x128xf32>
    %dot_general3A = arith.constant dense<0.000000e+00> : vector<2000x128xf32>
    %dot_general3A_22 = tpu.matmul %get3A_16, %get3A_21, %dot_general3A {dimension_numbers = #tpu.dot_dimension_numbers<[1], [0], [0], [1], [0, 0, 1, 1], [], []>, transpose_lhs_hint = false} : vector<2000x128xf32>, vector<128x128xf32>, vector<2000x128xf32> -> vector<2000x128xf32>
    %get3A_23 = arith.constant 1 : index
    %get3A_24 = arith.constant 0 : index
    %get3A_25 = arith.constant 0 : index
    %get3A_26 = vector.load %arg4[%get3A_23, %get3A_24, %get3A_25] : memref<3x128x128xf32, #tpu.memory_space<vmem>>, vector<1x128x128xf32>
    %get3A_27 = vector.shape_cast %get3A_26 : vector<1x128x128xf32> to vector<128x128xf32>
    %dot_general3A_28 = arith.constant dense<0.000000e+00> : vector<2000x128xf32>
    %dot_general3A_29 = tpu.matmul %neg3A_13, %get3A_27, %dot_general3A_28 {dimension_numbers = #tpu.dot_dimension_numbers<[1], [0], [0], [1], [0, 0, 1, 1], [], []>, transpose_lhs_hint = false} : vector<2000x128xf32>, vector<128x128xf32>, vector<2000x128xf32> -> vector<2000x128xf32>
    %add3A_30 = arith.addf %dot_general3A_22, %dot_general3A_29 : vector<2000x128xf32>
    %swap3A = arith.constant 0 : index
    %swap3A_31 = arith.constant 0 : index
    %swap3A_32 = vector.load %arg5[%swap3A, %swap3A_31] : memref<2000x128xf32, #tpu.memory_space<vmem>>, vector<2000x128xf32>
    tpu.vector_store %arg5[%swap3A, %swap3A_31], %add3A_30 {strides = array<i32>} : memref<2000x128xf32, #tpu.memory_space<vmem>>, vector<2000x128xf32>,
    return
  }
  func.func @transform_0(%arg0: i32) -> (i32, i32, i32) {
    %c0_i32 = arith.constant 0 : i32
    %c0_i32_0 = arith.constant 0 : i32
    %c0_i32_1 = arith.constant 0 : i32
    return %c0_i32, %arg0, %c0_i32_0 : i32, i32, i32
  }
  func.func @transform_1(%arg0: i32) -> (i32, i32) {
    %c0_i32 = arith.constant 0 : i32
    %c0_i32_0 = arith.constant 0 : i32
    return %arg0, %c0_i32 : i32, i32
  }
  func.func @transform_2(%arg0: i32) -> (i32, i32) {
    %c0_i32 = arith.constant 0 : i32
    %c0_i32_0 = arith.constant 0 : i32
    return %arg0, %c0_i32 : i32, i32
  }
  func.func @transform_3(%arg0: i32) -> (i32, i32, i32) {
    %c0_i32 = arith.constant 0 : i32
    %c0_i32_0 = arith.constant 0 : i32
    %c0_i32_1 = arith.constant 0 : i32
    %c0_i32_2 = arith.constant 0 : i32
    return %c0_i32, %c0_i32_0, %c0_i32_1 : i32, i32, i32
  }
  func.func @transform_4(%arg0: i32) -> (i32, i32) {
    %c0_i32 = arith.constant 0 : i32
    %c0_i32_0 = arith.constant 0 : i32
    return %arg0, %c0_i32 : i32, i32
  }
}

module attributes {stable_mosaic.version = 14 : i64} {
  func.func @body(%arg0: i32, %arg1: memref<2x2000x128xf32, #tpu.memory_space<vmem>>, %arg2: memref<2000x128xf32, #tpu.memory_space<vmem>>, %arg3: memref<2000x128xf32, #tpu.memory_space<vmem>>, %arg4: memref<2000x128xf32, #tpu.memory_space<vmem>>, %arg5: memref<3x128x128xf32, #tpu.memory_space<vmem>>, %arg6: memref<1x128xf32, #tpu.memory_space<vmem>>, %arg7: memref<2000x128xf32, #tpu.memory_space<vmem>>, %arg8: memref<2000x128xf32, #tpu.memory_space<vmem>>) attributes {dimension_semantics = [#tpu.dimension_semantics<arbitrary>], iteration_bounds = array<i64: 5>, scalar_prefetch = 0 : i64, scratch_operands = 0 : i64, tpu.core_type = #tpu.core_type<tc>, window_params = [{transform_indices = @transform_0, window_bounds = array<i64: 2, 2000, 128>}, {transform_indices = @transform_1, window_bounds = array<i64: 2000, 128>}, {transform_indices = @transform_2, window_bounds = array<i64: 2000, 128>}, {transform_indices = @transform_3, window_bounds = array<i64: 2000, 128>}, {pipeline_mode = #tpu.pipeline_mode<synchronous>, transform_indices = @transform_4, window_bounds = array<i64: 3, 128, 128>}, {pipeline_mode = #tpu.pipeline_mode<synchronous>, transform_indices = @transform_5, window_bounds = array<i64: 1, 128>}, {transform_indices = @transform_6, window_bounds = array<i64: 2000, 128>}, {transform_indices = @transform_7, window_bounds = array<i64: 2000, 128>}]} {
    %get3A = arith.constant 0 : index
    %get3A_0 = arith.constant 0 : index
    %get3A_1 = vector.load %arg2[%get3A, %get3A_0] : memref<2000x128xf32, #tpu.memory_space<vmem>>, vector<2000x128xf32>
    %mul3A = arith.constant -2.000000e+00 : f32
    %mul3A_2 = vector.broadcast %mul3A : f32 to vector<2000x128xf32>
    %mul3A_3 = arith.mulf %mul3A_2, %get3A_1 : vector<2000x128xf32>
    %get3A_4 = arith.constant 0 : index
    %get3A_5 = arith.constant 0 : index
    %get3A_6 = arith.constant 0 : index
    %get3A_7 = vector.load %arg1[%get3A_4, %get3A_5, %get3A_6] : memref<2x2000x128xf32, #tpu.memory_space<vmem>>, vector<1x2000x128xf32>
    %get3A_8 = vector.shape_cast %get3A_7 : vector<1x2000x128xf32> to vector<2000x128xf32>
    %get3A_9 = arith.constant 1 : index
    %get3A_10 = arith.constant 0 : index
    %get3A_11 = arith.constant 0 : index
    %get3A_12 = vector.load %arg1[%get3A_9, %get3A_10, %get3A_11] : memref<2x2000x128xf32, #tpu.memory_space<vmem>>, vector<1x2000x128xf32>
    %get3A_13 = vector.shape_cast %get3A_12 : vector<1x2000x128xf32> to vector<2000x128xf32>
    %add3A = arith.addf %get3A_8, %get3A_13 : vector<2000x128xf32>
    %mul3A_14 = arith.mulf %mul3A_3, %add3A : vector<2000x128xf32>
    %get3A_15 = arith.constant 0 : index
    %get3A_16 = arith.constant 0 : index
    %get3A_17 = vector.load %arg3[%get3A_15, %get3A_16] : memref<2000x128xf32, #tpu.memory_space<vmem>>, vector<2000x128xf32>
    %sub3A = arith.subf %mul3A_14, %get3A_17 : vector<2000x128xf32>
    %get3A_18 = arith.constant 0 : index
    %get3A_19 = arith.constant 0 : index
    %get3A_20 = vector.load %arg4[%get3A_18, %get3A_19] : memref<2000x128xf32, #tpu.memory_space<vmem>>, vector<2000x128xf32>
    %get3A_21 = arith.constant 2 : index
    %get3A_22 = arith.constant 0 : index
    %get3A_23 = arith.constant 0 : index
    %get3A_24 = vector.load %arg5[%get3A_21, %get3A_22, %get3A_23] : memref<3x128x128xf32, #tpu.memory_space<vmem>>, vector<1x128x128xf32>
    %get3A_25 = vector.shape_cast %get3A_24 : vector<1x128x128xf32> to vector<128x128xf32>
    %dot_general3A = arith.constant dense<0.000000e+00> : vector<2000x128xf32>
    %dot_general3A_26 = tpu.matmul %sub3A, %get3A_25, %dot_general3A {dimension_numbers = #tpu.dot_dimension_numbers<[1], [0], [0], [1], [0, 0, 1, 1], [], []>, transpose_lhs_hint = false} : vector<2000x128xf32>, vector<128x128xf32>, vector<2000x128xf32> -> vector<2000x128xf32>
    %add3A_27 = arith.addf %get3A_20, %dot_general3A_26 : vector<2000x128xf32>
    %get3A_28 = arith.constant 0 : index
    %get3A_29 = arith.constant 0 : index
    %get3A_30 = vector.load %arg6[%get3A_28, %get3A_29] : memref<1x128xf32, #tpu.memory_space<vmem>>, vector<1x128xf32>
    %add3A_31 = vector.broadcast %get3A_30 : vector<1x128xf32> to vector<2000x128xf32>
    %add3A_32 = arith.addf %add3A_27, %add3A_31 : vector<2000x128xf32>
    %max3A = arith.constant 0.000000e+00 : f32
    %max3A_33 = vector.broadcast %max3A : f32 to vector<2000x128xf32>
    %max3A_34 = arith.maximumf %add3A_32, %max3A_33 : vector<2000x128xf32>
    %swap3A = arith.constant 0 : index
    %swap3A_35 = arith.constant 0 : index
    %swap3A_36 = vector.load %arg7[%swap3A, %swap3A_35] : memref<2000x128xf32, #tpu.memory_space<vmem>>, vector<2000x128xf32>
    tpu.vector_store %arg7[%swap3A, %swap3A_35], %max3A_34 {strides = array<i32>} : memref<2000x128xf32, #tpu.memory_space<vmem>>, vector<2000x128xf32>,
    %mul3A_37 = arith.mulf %get3A_1, %max3A_34 : vector<2000x128xf32>
    %swap3A_38 = arith.constant 0 : index
    %swap3A_39 = arith.constant 0 : index
    %swap3A_40 = vector.load %arg8[%swap3A_38, %swap3A_39] : memref<2000x128xf32, #tpu.memory_space<vmem>>, vector<2000x128xf32>
    tpu.vector_store %arg8[%swap3A_38, %swap3A_39], %mul3A_37 {strides = array<i32>} : memref<2000x128xf32, #tpu.memory_space<vmem>>, vector<2000x128xf32>,
    return
  }
  func.func @transform_0(%arg0: i32) -> (i32, i32, i32) {
    %c0_i32 = arith.constant 0 : i32
    %c0_i32_0 = arith.constant 0 : i32
    %c0_i32_1 = arith.constant 0 : i32
    return %c0_i32, %arg0, %c0_i32_0 : i32, i32, i32
  }
  func.func @transform_1(%arg0: i32) -> (i32, i32) {
    %c0_i32 = arith.constant 0 : i32
    %c0_i32_0 = arith.constant 0 : i32
    return %arg0, %c0_i32 : i32, i32
  }
  func.func @transform_2(%arg0: i32) -> (i32, i32) {
    %c0_i32 = arith.constant 0 : i32
    %c0_i32_0 = arith.constant 0 : i32
    return %arg0, %c0_i32 : i32, i32
  }
  func.func @transform_3(%arg0: i32) -> (i32, i32) {
    %c0_i32 = arith.constant 0 : i32
    %c0_i32_0 = arith.constant 0 : i32
    return %arg0, %c0_i32 : i32, i32
  }
  func.func @transform_4(%arg0: i32) -> (i32, i32, i32) {
    %c0_i32 = arith.constant 0 : i32
    %c0_i32_0 = arith.constant 0 : i32
    %c0_i32_1 = arith.constant 0 : i32
    %c0_i32_2 = arith.constant 0 : i32
    return %c0_i32, %c0_i32_0, %c0_i32_1 : i32, i32, i32
  }
  func.func @transform_5(%arg0: i32) -> (i32, i32) {
    %c0_i32 = arith.constant 0 : i32
    %c0_i32_0 = arith.constant 0 : i32
    %c0_i32_1 = arith.constant 0 : i32
    return %c0_i32, %c0_i32_0 : i32, i32
  }
  func.func @transform_6(%arg0: i32) -> (i32, i32) {
    %c0_i32 = arith.constant 0 : i32
    %c0_i32_0 = arith.constant 0 : i32
    return %arg0, %c0_i32 : i32, i32
  }
  func.func @transform_7(%arg0: i32) -> (i32, i32) {
    %c0_i32 = arith.constant 0 : i32
    %c0_i32_0 = arith.constant 0 : i32
    return %arg0, %c0_i32 : i32, i32
  }
}

module attributes {stable_mosaic.version = 14 : i64} {
  func.func @body(%arg0: i32, %arg1: memref<2x2000x128xf32, #tpu.memory_space<vmem>>, %arg2: memref<2000x128xf32, #tpu.memory_space<vmem>>, %arg3: memref<2000x128xf32, #tpu.memory_space<vmem>>, %arg4: memref<2000x128xf32, #tpu.memory_space<vmem>>, %arg5: memref<3x128x128xf32, #tpu.memory_space<vmem>>, %arg6: memref<1x128xf32, #tpu.memory_space<vmem>>, %arg7: memref<2000x128xf32, #tpu.memory_space<vmem>>) attributes {dimension_semantics = [#tpu.dimension_semantics<arbitrary>], iteration_bounds = array<i64: 5>, scalar_prefetch = 0 : i64, scratch_operands = 0 : i64, tpu.core_type = #tpu.core_type<tc>, window_params = [{transform_indices = @transform_0, window_bounds = array<i64: 2, 2000, 128>}, {transform_indices = @transform_1, window_bounds = array<i64: 2000, 128>}, {transform_indices = @transform_2, window_bounds = array<i64: 2000, 128>}, {transform_indices = @transform_3, window_bounds = array<i64: 2000, 128>}, {pipeline_mode = #tpu.pipeline_mode<synchronous>, transform_indices = @transform_4, window_bounds = array<i64: 3, 128, 128>}, {pipeline_mode = #tpu.pipeline_mode<synchronous>, transform_indices = @transform_5, window_bounds = array<i64: 1, 128>}, {transform_indices = @transform_6, window_bounds = array<i64: 2000, 128>}]} {
    %get3A = arith.constant 0 : index
    %get3A_0 = arith.constant 0 : index
    %get3A_1 = vector.load %arg2[%get3A, %get3A_0] : memref<2000x128xf32, #tpu.memory_space<vmem>>, vector<2000x128xf32>
    %mul3A = arith.constant -2.000000e+00 : f32
    %mul3A_2 = vector.broadcast %mul3A : f32 to vector<2000x128xf32>
    %mul3A_3 = arith.mulf %mul3A_2, %get3A_1 : vector<2000x128xf32>
    %get3A_4 = arith.constant 0 : index
    %get3A_5 = arith.constant 0 : index
    %get3A_6 = arith.constant 0 : index
    %get3A_7 = vector.load %arg1[%get3A_4, %get3A_5, %get3A_6] : memref<2x2000x128xf32, #tpu.memory_space<vmem>>, vector<1x2000x128xf32>
    %get3A_8 = vector.shape_cast %get3A_7 : vector<1x2000x128xf32> to vector<2000x128xf32>
    %get3A_9 = arith.constant 1 : index
    %get3A_10 = arith.constant 0 : index
    %get3A_11 = arith.constant 0 : index
    %get3A_12 = vector.load %arg1[%get3A_9, %get3A_10, %get3A_11] : memref<2x2000x128xf32, #tpu.memory_space<vmem>>, vector<1x2000x128xf32>
    %get3A_13 = vector.shape_cast %get3A_12 : vector<1x2000x128xf32> to vector<2000x128xf32>
    %add3A = arith.addf %get3A_8, %get3A_13 : vector<2000x128xf32>
    %mul3A_14 = arith.mulf %mul3A_3, %add3A : vector<2000x128xf32>
    %get3A_15 = arith.constant 0 : index
    %get3A_16 = arith.constant 0 : index
    %get3A_17 = vector.load %arg3[%get3A_15, %get3A_16] : memref<2000x128xf32, #tpu.memory_space<vmem>>, vector<2000x128xf32>
    %sub3A = arith.subf %mul3A_14, %get3A_17 : vector<2000x128xf32>
    %get3A_18 = arith.constant 0 : index
    %get3A_19 = arith.constant 0 : index
    %get3A_20 = vector.load %arg4[%get3A_18, %get3A_19] : memref<2000x128xf32, #tpu.memory_space<vmem>>, vector<2000x128xf32>
    %get3A_21 = arith.constant 2 : index
    %get3A_22 = arith.constant 0 : index
    %get3A_23 = arith.constant 0 : index
    %get3A_24 = vector.load %arg5[%get3A_21, %get3A_22, %get3A_23] : memref<3x128x128xf32, #tpu.memory_space<vmem>>, vector<1x128x128xf32>
    %get3A_25 = vector.shape_cast %get3A_24 : vector<1x128x128xf32> to vector<128x128xf32>
    %dot_general3A = arith.constant dense<0.000000e+00> : vector<2000x128xf32>
    %dot_general3A_26 = tpu.matmul %sub3A, %get3A_25, %dot_general3A {dimension_numbers = #tpu.dot_dimension_numbers<[1], [0], [0], [1], [0, 0, 1, 1], [], []>, transpose_lhs_hint = false} : vector<2000x128xf32>, vector<128x128xf32>, vector<2000x128xf32> -> vector<2000x128xf32>
    %add3A_27 = arith.addf %get3A_20, %dot_general3A_26 : vector<2000x128xf32>
    %get3A_28 = arith.constant 0 : index
    %get3A_29 = arith.constant 0 : index
    %get3A_30 = vector.load %arg6[%get3A_28, %get3A_29] : memref<1x128xf32, #tpu.memory_space<vmem>>, vector<1x128xf32>
    %add3A_31 = vector.broadcast %get3A_30 : vector<1x128xf32> to vector<2000x128xf32>
    %add3A_32 = arith.addf %add3A_27, %add3A_31 : vector<2000x128xf32>
    %swap3A = arith.constant 0 : index
    %swap3A_33 = arith.constant 0 : index
    %swap3A_34 = vector.load %arg7[%swap3A, %swap3A_33] : memref<2000x128xf32, #tpu.memory_space<vmem>>, vector<2000x128xf32>
    tpu.vector_store %arg7[%swap3A, %swap3A_33], %add3A_32 {strides = array<i32>} : memref<2000x128xf32, #tpu.memory_space<vmem>>, vector<2000x128xf32>,
    return
  }
  func.func @transform_0(%arg0: i32) -> (i32, i32, i32) {
    %c0_i32 = arith.constant 0 : i32
    %c0_i32_0 = arith.constant 0 : i32
    %c0_i32_1 = arith.constant 0 : i32
    return %c0_i32, %arg0, %c0_i32_0 : i32, i32, i32
  }
  func.func @transform_1(%arg0: i32) -> (i32, i32) {
    %c0_i32 = arith.constant 0 : i32
    %c0_i32_0 = arith.constant 0 : i32
    return %arg0, %c0_i32 : i32, i32
  }
  func.func @transform_2(%arg0: i32) -> (i32, i32) {
    %c0_i32 = arith.constant 0 : i32
    %c0_i32_0 = arith.constant 0 : i32
    return %arg0, %c0_i32 : i32, i32
  }
  func.func @transform_3(%arg0: i32) -> (i32, i32) {
    %c0_i32 = arith.constant 0 : i32
    %c0_i32_0 = arith.constant 0 : i32
    return %arg0, %c0_i32 : i32, i32
  }
  func.func @transform_4(%arg0: i32) -> (i32, i32, i32) {
    %c0_i32 = arith.constant 0 : i32
    %c0_i32_0 = arith.constant 0 : i32
    %c0_i32_1 = arith.constant 0 : i32
    %c0_i32_2 = arith.constant 0 : i32
    return %c0_i32, %c0_i32_0, %c0_i32_1 : i32, i32, i32
  }
  func.func @transform_5(%arg0: i32) -> (i32, i32) {
    %c0_i32 = arith.constant 0 : i32
    %c0_i32_0 = arith.constant 0 : i32
    %c0_i32_1 = arith.constant 0 : i32
    return %c0_i32, %c0_i32_0 : i32, i32
  }
  func.func @transform_6(%arg0: i32) -> (i32, i32) {
    %c0_i32 = arith.constant 0 : i32
    %c0_i32_0 = arith.constant 0 : i32
    return %arg0, %c0_i32 : i32, i32
  }
}

</mosaic_0001>

<sc_bundles>
// kernel: kernel.14.cloned.1.call-start
scs
__scs_entry_jumppad:
0x0: {  	(pc) =	sbr.rel $0x88, $3  }
0x1: {  	(tag) =	ssettag $0x0;
	lr =	simm.s32 $0x1  }
0x2: {  	[smem:$0x3F9B] =	sst lr;
	_ =	strace $0xD0000000  }
0x3: {  	_ = 	snop  }
0x4: {  	_ = 	snop  }
0x5: {  	_ = 	snop  }
0x6: {  	_ = 	snop  }
0x7: {  	_ = 	snop  }
__scs_overlays_trampoline_lowered:
0x8: {  	[smem:$0x3FAA] =	sst s0  }
0x9: {  	[smem:$0x3FAB] =	sst s1  }
0xa: {  	[smem:$0x3FAC] =	sst s2  }
0xb: {  	[smem:$0x3FAD] =	sst s3  }
0xc: {  	[smem:$0x3FAE] =	sst s4  }
0xd: {  	[smem:$0x3FAF] =	sst s5  }
0xe: {  	[smem:$0x3FB0] =	sst s6  }
0xf: {  	[smem:$0x3FB1] =	sst s7  }
0x10: {  	[smem:$0x3FB2] =	sst s8  }
0x11: {  	[smem:$0x3FB3] =	sst s9;
	s0 =	simm.s32 @!p0 $0x0  }
0x12: {  	s1 =	sld [smem:$0x3F99];
	s0 =	simm.s32 @p0 $0x1  }
0x13: {  	[smem:$0x3FB4] =	sst s0;
	s0 =	simm.s32 @!p1 $0x0  }
0x14: {  	s2 =	sld [smem:$0x3F98];
	s0 =	simm.s32 @p1 $0x1  }
0x15: {  	[smem:$0x3FB5] =	sst s0;
	s0 =	simm.s32 @!p2 $0x0  }
0x16: {  	s3 =	sld [smem:$0x3FDB];
	s0 =	simm.s32 @p2 $0x1  }
0x17: {  	s4 =	simm.s32 $0x1BF5;
	[smem:$0x3FB7] =	sst s0  }
0x18: {  	s0 =	sld [smem:$0x3F9A];
	_ =	swait.ge [sflag:s4], $0x0  }
0x19: {  	s7 =	sld [smem:$0x3F9B]  }
0x1a: {  	s8 =	sadd.s32 $0xFFFFE003, lr  }
0x1b: {  	s9 =	sadd.s32 $0xFFFFFEF7, lr;
	s5 =	simm.s32 $0xFFFFFFFF;
	p2 =	slt.u32 s8, $0xFFFFF086  }
0x1c: {  	p1 =	slt.u32 s9, $0xF7A;
	s5 =	simm.s32 @!p2 $0x0  }
0x1d: {  	s5 =	simm.s32 @p1 $0x1;
	p0 =	seq.s32 s7, s2  }
0x1e: {  	s7 =	smul.u32 @!p0 $0xF7A, s2;
	p2 =	seq.s32 @!p0 s5, $0x0  }
0x1f: {  	s9 =	smul.u32 $0xF7A, s1;
	s8 =	simm.s32 @!p0 $0x1BF5;
	p2 =	por !p2, p0  }
0x20: {  	[sflag:s8] =	ssyncset.s32 @!p0 $0xFFFFF086;
	s6 =	sadd.s32 @!p0 s3, s7;
	s7 =	simm.s32 @!p0 $0x108  }
0x21: {  	s3 =	sadd.s32 s3, s9;
	s6 =	sadd.s32 @!p0 $0x88, s6;
	s7 =	simm.s32 @p2 $0x1082  }
0x22: {  	[simem:s7], [sflag:s8] =	dma.local @!p0 [hbm:s6], $0xF7A  }
0x23: {  	s9 =	sor.u32 $0xD0000000, s2;
	s6 =	simm.s32 $0x108;
	_ =	swait.ge @!p0 [sflag:s8], $0x0  }
0x24: {  	s3 =	sadd.s32 $0x88, s3;
	s6 =	simm.s32 @!p1 $0x1082;
	[sflag:s4] =	ssyncset.s32 $0xFFFFF086  }
0x25: {  	[simem:s6], [sflag:s4] =	dma.local [hbm:s3], $0xF7A  }
0x26: {  	[smem:$0x3F9B] =	sst s1;
	(tag) =	ssettag s2;
	_ =	strace s9  }
0x27: {  	s1 =	sld [smem:$0x3FAB]  }
0x28: {  	s2 =	sld [smem:$0x3FAC]  }
0x29: {  	s4 =	sld [smem:$0x3FAE]  }
0x2a: {  	p0 =	seq.s32 s5, $0x0;
	s5 =	sld [smem:$0x3FAF]  }
0x2b: {  	s6 =	sld [smem:$0x3FB0]  }
0x2c: {  	s7 =	sld [smem:$0x3FB1]  }
0x2d: {  	s3 =	simm.s32 $0x108;
	s8 =	sld [smem:$0x3FB2]  }
0x2e: {  	s3 =	simm.s32 @!p0 $0x1082;
	s9 =	sld [smem:$0x3FB3]  }
0x2f: {  	lr =	sadd.s32 s0, s3;
	s0 =	sld [smem:$0x3FAA]  }
0x30: {  	s3 =	sld [smem:$0x3FAD]  }
0x31: {  	[smem:$0x3FB6] =	sst s10  }
0x32: {  	s10 =	sld [smem:$0x3FB4];
	_ =	sdelay $0x3  }
0x33: {  	p0 =	seq.s32 s10, $0x1;
	s10 =	sld [smem:$0x3FB6];
	_ =	sdelay $0x3  }
0x34: {  	[smem:$0x3FB6] =	sst s10  }
0x35: {  	s10 =	sld [smem:$0x3FB5];
	_ =	sdelay $0x3  }
0x36: {  	p1 =	seq.s32 s10, $0x1;
	s10 =	sld [smem:$0x3FB6];
	_ =	sdelay $0x3  }
0x37: {  	[smem:$0x3FB6] =	sst s10  }
0x38: {  	s10 =	sld [smem:$0x3FB7]  }
0x39: {  	_ = 	snop;
	(pc) =	sbr.ind lr, $3  }
0x3a: {  	_ = 	snop  }
0x3b: {  	_ = 	snop  }
0x3c: {  	p2 =	seq.s32 s10, $0x1;
	s10 =	sld [smem:$0x3FB6]  }
0x3d: {  	_ =	shalt  }
0x3e: {  	_ =	shalt  }
0x3f: {  	_ =	shalt  }
0x40: {  	_ =	shalt  }
0x41: {  	_ =	shalt  }
0x42: {  	_ =	shalt  }
0x43: {  	_ =	shalt  }
0x44: {  	_ =	shalt  }
0x45: {  	_ =	shalt  }
0x46: {  	_ =	shalt  }
0x47: {  	_ =	shalt  }
0x48: {  	_ =	shalt  }
0x49: {  	_ =	shalt  }
0x4a: {  	_ =	shalt  }
0x4b: {  	_ =	shalt  }
0x4c: {  	_ =	shalt  }
0x4d: {  	_ =	shalt  }
0x4e: {  	_ =	shalt  }
0x4f: {  	_ =	shalt  }
0x50: {  	_ =	shalt  }
0x51: {  	_ =	shalt  }
0x52: {  	_ =	shalt  }
0x53: {  	_ =	shalt  }
0x54: {  	_ =	shalt  }
0x55: {  	_ =	shalt  }
0x56: {  	_ =	shalt  }
0x57: {  	_ =	shalt  }
0x58: {  	_ =	shalt  }
0x59: {  	_ =	shalt  }
0x5a: {  	_ =	shalt  }
0x5b: {  	_ =	shalt  }
0x5c: {  	_ =	shalt  }
0x5d: {  	_ =	shalt  }
0x5e: {  	_ =	shalt  }
0x5f: {  	_ =	shalt  }
0x60: {  	_ =	shalt  }
0x61: {  	_ =	shalt  }
0x62: {  	_ =	shalt  }
0x63: {  	_ =	shalt  }
0x64: {  	_ =	shalt  }
0x65: {  	_ =	shalt  }
0x66: {  	_ =	shalt  }
0x67: {  	_ =	shalt  }
0x68: {  	_ =	shalt  }
0x69: {  	_ =	shalt  }
0x6a: {  	_ =	shalt  }
0x6b: {  	_ =	shalt  }
0x6c: {  	_ =	shalt  }
0x6d: {  	_ =	shalt  }
0x6e: {  	_ =	shalt  }
0x6f: {  	_ =	shalt  }
0x70: {  	_ =	shalt  }
0x71: {  	_ =	shalt  }
0x72: {  	_ =	shalt  }
0x73: {  	_ =	shalt  }
0x74: {  	_ =	shalt  }
0x75: {  	_ =	shalt  }
0x76: {  	_ =	shalt  }
0x77: {  	_ =	shalt  }
0x78: {  	_ =	shalt  }
0x79: {  	_ =	shalt  }
0x7a: {  	_ =	shalt  }
0x7b: {  	_ =	shalt  }
0x7c: {  	_ =	shalt  }
0x7d: {  	_ =	shalt  }
0x7e: {  	_ =	shalt  }
0x7f: {  	_ =	shalt  }
0x80: {  	_ =	shalt  }
0x81: {  	_ =	shalt  }
0x82: {  	_ =	shalt  }
0x83: {  	_ =	shalt  }
0x84: {  	_ =	shalt  }
0x85: {  	_ =	shalt  }
0x86: {  	_ =	shalt  }
0x87: {  	_ =	shalt  }
.Lfunc_end0:
.L_simem_size_0:
called_computation_lowered:
.L_overlay_start_0:
0x88: {  	s2 =	sld [smem:$0x3FD9]  }
0x89: {  	s3 =	sld [smem:$0x3FFE];
	_ =	sdelay $0x1  }
0x8a: {  	s1 =	srdreg.scid  }
0x8b: {  	s0 =	sand.u32 $0x1, s1  }
0x8c: {  	s17 =	sshll.u32 s0, $0xA;
	s2 =	sadd.s32 s3, s2  }
0x8d: {  	s2 =	sadd.s32 s2, s17  }
0x8e: {  	[smem:$0x3FC2] =	sst s2  }
0x8f: {  	_ = 	snop  }
0x90: {  	s2 =	sld [smem:$0x3FD0];
	(tm) =	ssettm $0x1  }
0x91: {  	s18 =	sld [smem:$0x3FFB];
	_ =	sdelay $0x3  }
0x92: {  	_ =	strace s18  }
0x93: {  	s3 =	sld [smem:$0x3FFC];
	_ =	sdelay $0x3  }
0x94: {  	_ =	strace s3  }
0x95: {  	s3 =	sld [smem:$0x3FFD];
	_ =	sdelay $0x3  }
0x96: {  	_ =	strace s3  }
0x97: {  	_ =	strace $0x8FFFFFFF  }
0x98: {  	s19 =	sld [smem:$0x3FDB];
	_ =	sdelay $0x1  }
0x99: {  	s4 =	simm.s32 $_scs_section_size  }
0x9a: {  	s5 =	simm.s32 $_size__tile_overlayer_lowered;
	s6 =	simm.s32 $_tile_overlayer_lowered  }
0x9b: {  	s22 =	simm.s32 $0x1BFF;
	s21 =	sshll.u32 s6, $0x1;
	s3 =	sadd.s32 s4, s19  }
0x9c: {  	s7 =	simm.s32 $0x0;
	s20 =	sshll.u32 s5, $0x1;
	s5 =	sadd.s32 s21, s3  }
0x9d: {  	[timem:s7], [sflag:s22] =	dma.local [hbm:s5], s20  }
0x9e: {  	_ =	swait.ge [sflag:s22], s20  }
0x9f: {  	s4 =	ssub.s32 $0x0, s20;
	[sflag:s22] =	ssyncset.done $0x0  }
0xa0: {  	[sflag:s22] =	ssyncadd.s32 s4;
	_ =	sdelay $0x1  }
0xa1: {  	s23 =	simm.s32 $0x1B8B  }
0xa2: {  	_ =	swait.ge [sflag:s23], $0x1  }
0xa3: {  	[sflag:s23] =	ssyncset.done $0x0  }
0xa4: {  	s25 =	simm.s32 $0x1B8E;
	s24 =	sld [smem:$0x3FFE];
	[sflag:s23] =	ssyncadd.s32 $0xFFFFFFFF  }
0xa5: {  	s26 =	simm.s32 $execute0_lowered;
	[smem:$0x3FD2] =	sst s25  }
0xa6: {  	s5 =	sshll.u32 s26, $0x1;
	_ =	strace $0x80000046;
	[dreg:$0x1] =	wrdreg $0xFFFFFFFF  }
0xa7: {  	s28 =	simm.s32 $_size_execute0_lowered;
	s3 =	sadd.s32 s3, s5;
	[dreg:$0x0] =	wrdreg $0x0  }
0xa8: {  	s5 =	sshll.u32 s28, $0x1;
	[dreg:$0x2] =	wrdreg s3  }
0xa9: {  	[dreg:$0x3] =	wrdreg s5  }
0xaa: {  	[dreg:$0x4] =	wrdreg $0xC0  }
0xab: {  	_ =	task [dreg:s7], $0x5FFFF  }
0xac: {  	[dreg:$0x1] =	wrdreg $0xFFFFFFFF  }
0xad: {  	[dreg:$0x0] =	wrdreg $0x60  }
0xae: {  	[dreg:$0x2] =	wrdreg s2  }
0xaf: {  	[dreg:$0x3] =	wrdreg s24  }
0xb0: {  	[dreg:$0x4] =	wrdreg $0x50000  }
0xb1: {  	[dreg:$0x5] =	wrdreg $0x9  }
0xb2: {  	_ =	task.clear_ibuf [dreg:s7], $0x6FFFF;
	_ =	strace $0x90000046  }
0xb3: {  	s29 =	simm.s32 $0x9;
	_ =	strace $0x80000048  }
0xb4: {  	_ =	swait.ge [sflag:s29], $0x1  }
0xb5: {  	[sflag:s29] =	ssyncadd.s32 $0xFFFFFFFF  }
0xb6: {  	_ =	strace $0x90000048  }
0xb7: {  	_ =	sfence  }
0xb8: {  	s30 =	sld [smem:$0x0];
	_ =	sdelay $0x2  }
0xb9: {  	s31 =	sshll.u32 s1, $0xD;
	s1 =	sshrl.u32 s1, $0x2  }
0xba: {  	s3 =	sand.u32 $0x4000, s31;
	s1 =	sadd.s32 s1, s30  }
0xbb: {  	s0 =	sor.u32 s3, s0;
	s1 =	sshll.u32 s1, $0x11  }
0xbc: {  	s0 =	sor.u32 s1, s0  }
0xbd: {  	s0 =	sadd.s32 $0x8F2B, s0  }
0xbe: {  	[sflag:s0] =	ssyncadd.remote.s32 $0x1  }
0xbf: {  	_ =	sfence.sel $0xFFFF  }
0xc0: {  	[dreg:$0x0] =	wrdreg $0xFFFFFFFF;
	(pc) =	sbr.abs _section_cstart, $3  }
0xc1: {  	[dreg:$0x1] =	wrdreg $0xFFFFFFFF  }
0xc2: {  	_ =	task.clear_ibuf [dreg:s7], $0x2FFFF;
	_ =	strace $0x9FFFFFFF  }
0xc3: {  	(tm) =	ssettm $0x7FFFFFFF  }
tec
execute0_lowered:
.L_overlay_start_1:
0x0: {  	(tag) =	ssettag $0x1  }
0x1: {  	s1 =	rddreg [dreg:$0x0]  }
0x2: {  	s0 =	rddreg [dreg:$0x1]  }
0x3: {  	s3 =	rddreg [dreg:$0x2]  }
0x4: {  	s2 =	srdreg.scid;
	s13 =	stileid.u32  }
0x5: {  	s4 =	simm.s32 $0x0;
	s12 =	simm.s32 $0x1000;
	s26 =	simm.s32 $0x100  }
0x6: {  	s28 =	simm.s32 $0x900;
	s29 =	simm.s32 $0xA00;
	s30 =	simm.s32 $0xB00  }
0x7: {  	s31 =	simm.s32 $0xC00;
	s2 =	sand.u32 $0x1, s2;
	s7 =	smul.u32 $0x14000, s13  }
0x8: {  	s6 =	sshll.u32 s13, $0x1;
	[smem:$0x7FF] =	sst s4;
	s17 =	smul.u32 $0x50000, s13  }
0x9: {  	s9 =	sadd.s32 $0x3800, s0;
	s15 =	sadd.s32 $0x4000, s0;
	s11 =	smul.u32 $0x1400, s13  }
0xa: {  	s21 =	smul.u32 $0xA0, s13;
	s25 =	sshll.u32 s13, $0x6;
	s13 =	simm.s32 $0x4  }
0xb: {  	s5 =	smul.u32 $0x140000, s2;
	_ =	strace $0x80000047;
	[dreg:$0x6] =	wrdreg s9  }
0xc: {  	s6 =	sor.u32 s2, s6;
	[dreg:$0x7] =	wrdreg s15;
	s19 =	smul.u32 $0xA00, s2  }
0xd: {  	s16 =	ssub.s32 $0x2, s2;
	s2 =	smul.u32 $0x50, s2;
	s14 =	sor.u32 $0x1C04, s25  }
0xe: {  	[dreg:$0x5] =	wrdreg s26;
	s25 =	simm.s32 $0x3;
	s8 =	smul.u32 $0x50, s6  }
0xf: {  	s26 =	simm.s32 $0x2;
	s6 =	smul.u32 $0xA00, s6;
	s10 =	sshrl.u32 s16, $0x1  }
0x10: {  	s20 =	sshrl.u32 s17, $0x2;
	s22 =	sadd.s32 s11, s1;
	s17 =	simm.s32 $0x1  }
0x11: {  	s5 =	sadd.s32 s7, s5;
	s18 =	ssub.s32 s16, s10;
	s23 =	sadd.s32 s19, s22  }
0x12: {  	s24 =	sadd.s32 s2, s21;
	s16 =	simm.s32 $0x800;
	s19 =	simm.s32 $0x200  }
0x13: {  	s21 =	simm.s32 $0x400;
	s22 =	simm.s32 $0x500;
	s2 =	simm.s32 $0xE00  }
0x14: {  	s5 =	sshrl.u32 s5, $0x3;
	s6 =	sadd.s32 s1, s6;
	s8 =	sadd.s32 $0x48, s8  }
0x15: {  	[dreg:$0x4] =	wrdreg s24;
	s24 =	simm.s32 $0x700;
	s0 =	sadd.s32 s5, s0  }
0x16: {  	[dreg:$0x8] =	wrdreg s6;
	s6 =	sadd.s32 s20, s3;
	s5 =	smax.u32 s18, $0x1  }
0x17: {  	s18 =	simm.s32 $0x7D;
	s20 =	simm.s32 $0x300;
	s0 =	sadd.s32 $0x6800, s0  }
0x18: {  	[dreg:$0xa] =	wrdreg s5;
	s15 =	sshrl.u32 s6, $0x3;
	s5 =	simm.s32 $0xF00  }
0x19: {  	s6 =	simm.s32 $0x0;
	[dreg:$0x9] =	wrdreg s0;
	s0 =	sadd.s32 $0x100, s23  }
0x1a: {  	s23 =	simm.s32 $0x600;
	[dreg:$0xb] =	wrdreg s0;
	s0 =	simm.s32 $0xD00  }
.LBB2_1:
0x1b: {  	s7 =	rddreg [dreg:$0x8]  }
0x1c: {  	[tilespmem:s4], [sflag:$0x1] =	stream.linear.gather [hbm4b:s7+s4], $0x800, $0x38;
	[tilespmem:$0x19000] =	vst v63  }
0x1d: {  	s10 =	rddreg [dreg:$0x6]  }
0x1e: {  	[tilespmem:s12], [sflag:$0x4] =	stream.linear.gather [hbm4b:s10+s4], $0x3E80, $0x38;
	[tilespmem:$0x19000] =	vst v63  }
0x1f: {  	_ =	swait.ge [sflag:s13], $0x3E80  }
0x20: {  	[sflag:s13] =	ssyncset.done $0x0  }
0x21: {  	s11 =	rddreg [dreg:$0x7];
	[sflag:s13] =	ssyncadd.s32 $0xFFFFC180  }
0x22: {  	[spmem:s15], [sflag:s14] =	dma.local [hbm:s11], $0x2800  }
0x23: {  	_ =	swait.ge [sflag:s13], $0x2800  }
0x24: {  	[sflag:s13] =	ssyncset.done $0x0  }
0x25: {  	[sflag:s13] =	ssyncadd.s32 $0xFFFFD800  }
0x26: {  	[bflag:$0x0] =	sbarrier.arrive $0xFFFF  }
0x27: {  	s11 =	rddreg [dreg:$0xb]  }
0x28: {  	[tilespmem:s16], [sflag:$0x2] =	stream.linear.gather [hbm4b:s11+s4], $0x800, $0x38;
	[tilespmem:$0x19000] =	vst v63  }
0x29: {  	_ =	swait.ge [sflag:s17], $0x800  }
0x2a: {  	[sflag:s17] =	ssyncset.done $0x0  }
0x2b: {  	[sflag:s17] =	ssyncadd.s32 $0xFFFFF800  }
0x2c: {  	[spmem:s3] =	stream.indirect.scatter.add.f32 [tilespmem:s12], [sflag:$0x3], $0x80, s4, s18, $0xb8;
	[tilespmem:$0x19000] =	vst v63  }
0x2d: {  	s9 =	rddreg [dreg:$0x5]  }
0x2e: {  	[spmem:s3] =	stream.indirect.scatter.add.f32 [tilespmem:s12], [sflag:$0x3], $0x80, s9, s18, $0xb8;
	[tilespmem:$0x19000] =	vst v63  }
0x2f: {  	_ = 	snop  }
0x30: {  	[spmem:s3] =	stream.indirect.scatter.add.f32 [tilespmem:s12], [sflag:$0x3], $0x80, s19, s18, $0xb8;
	[tilespmem:$0x19000] =	vst v63  }
0x31: {  	_ = 	snop  }
0x32: {  	[spmem:s3] =	stream.indirect.scatter.add.f32 [tilespmem:s12], [sflag:$0x3], $0x80, s20, s18, $0xb8;
	[tilespmem:$0x19000] =	vst v63  }
0x33: {  	_ = 	snop  }
0x34: {  	[spmem:s3] =	stream.indirect.scatter.add.f32 [tilespmem:s12], [sflag:$0x3], $0x80, s21, s18, $0xb8;
	[tilespmem:$0x19000] =	vst v63  }
0x35: {  	_ = 	snop  }
0x36: {  	[spmem:s3] =	stream.indirect.scatter.add.f32 [tilespmem:s12], [sflag:$0x3], $0x80, s22, s18, $0xb8;
	[tilespmem:$0x19000] =	vst v63  }
0x37: {  	_ = 	snop  }
0x38: {  	[spmem:s3] =	stream.indirect.scatter.add.f32 [tilespmem:s12], [sflag:$0x3], $0x80, s23, s18, $0xb8;
	[tilespmem:$0x19000] =	vst v63  }
0x39: {  	_ = 	snop  }
0x3a: {  	[spmem:s3] =	stream.indirect.scatter.add.f32 [tilespmem:s12], [sflag:$0x3], $0x80, s24, s18, $0xb8;
	[tilespmem:$0x19000] =	vst v63  }
0x3b: {  	_ =	swait.ge [sflag:s25], $0x3E80  }
0x3c: {  	[sflag:s25] =	ssyncset.done $0x0  }
0x3d: {  	[sflag:s25] =	ssyncadd.s32 $0xFFFFC180  }
0x3e: {  	_ =	swait.ge [sflag:s25], $0x3E80  }
0x3f: {  	[sflag:s25] =	ssyncset.done $0x0  }
0x40: {  	[sflag:s25] =	ssyncadd.s32 $0xFFFFC180  }
0x41: {  	_ =	swait.ge [sflag:s25], $0x3E80  }
0x42: {  	[sflag:s25] =	ssyncset.done $0x0  }
0x43: {  	[sflag:s25] =	ssyncadd.s32 $0xFFFFC180  }
0x44: {  	_ =	swait.ge [sflag:s25], $0x3E80  }
0x45: {  	[sflag:s25] =	ssyncset.done $0x0  }
0x46: {  	[sflag:s25] =	ssyncadd.s32 $0xFFFFC180  }
0x47: {  	_ =	swait.ge [sflag:s25], $0x3E80  }
0x48: {  	[sflag:s25] =	ssyncset.done $0x0  }
0x49: {  	[sflag:s25] =	ssyncadd.s32 $0xFFFFC180  }
0x4a: {  	_ =	swait.ge [sflag:s25], $0x3E80  }
0x4b: {  	[sflag:s25] =	ssyncset.done $0x0  }
0x4c: {  	[sflag:s25] =	ssyncadd.s32 $0xFFFFC180  }
0x4d: {  	_ =	swait.ge [sflag:s25], $0x3E80  }
0x4e: {  	[sflag:s25] =	ssyncset.done $0x0  }
0x4f: {  	[sflag:s25] =	ssyncadd.s32 $0xFFFFC180  }
0x50: {  	_ =	swait.ge [sflag:s25], $0x3E80  }
0x51: {  	s10 =	rddreg [dreg:$0x4]  }
0x52: {  	s7 =	sadd.s32 $0x10, s10  }
0x53: {  	s10 =	smov.u32 s8;
	p0 =	slt.s32 s7, s8  }
0x54: {  	s10 =	smov.u32 @p0 s7  }
0x55: {  	s7 =	sshll.u32 s10, $0x5  }
0x56: {  	[sflag:s25] =	ssyncset.done $0x0;
	s7 =	sand.u32 $0x1FFFFF00, s7  }
0x57: {  	[sflag:s25] =	ssyncadd.s32 $0xFFFFC180;
	s7 =	sadd.s32 s1, s7  }
0x58: {  	[tilespmem:s4], [sflag:$0x1] =	stream.linear.gather [hbm4b:s7+s4], $0x800, $0x38;
	[tilespmem:$0x19000] =	vst v63  }
0x59: {  	_ =	swait.ge [sflag:s26], $0x800  }
0x5a: {  	[sflag:s26] =	ssyncset.done $0x0  }
0x5b: {  	[sflag:s26] =	ssyncadd.s32 $0xFFFFF800  }
0x5c: {  	[spmem:s3] =	stream.indirect.scatter.add.f32 [tilespmem:s12], [sflag:$0x3], $0x80, s16, s18, $0xb8;
	[tilespmem:$0x19000] =	vst v63  }
0x5d: {  	_ = 	snop  }
0x5e: {  	[spmem:s3] =	stream.indirect.scatter.add.f32 [tilespmem:s12], [sflag:$0x3], $0x80, s28, s18, $0xb8;
	[tilespmem:$0x19000] =	vst v63  }
0x5f: {  	_ = 	snop  }
0x60: {  	[spmem:s3] =	stream.indirect.scatter.add.f32 [tilespmem:s12], [sflag:$0x3], $0x80, s29, s18, $0xb8;
	[tilespmem:$0x19000] =	vst v63  }
0x61: {  	_ = 	snop  }
0x62: {  	[spmem:s3] =	stream.indirect.scatter.add.f32 [tilespmem:s12], [sflag:$0x3], $0x80, s30, s18, $0xb8;
	[tilespmem:$0x19000] =	vst v63  }
0x63: {  	_ = 	snop  }
0x64: {  	[spmem:s3] =	stream.indirect.scatter.add.f32 [tilespmem:s12], [sflag:$0x3], $0x80, s31, s18, $0xb8;
	[tilespmem:$0x19000] =	vst v63  }
0x65: {  	_ = 	snop  }
0x66: {  	[spmem:s3] =	stream.indirect.scatter.add.f32 [tilespmem:s12], [sflag:$0x3], $0x80, s0, s18, $0xb8;
	[tilespmem:$0x19000] =	vst v63  }
0x67: {  	_ = 	snop  }
0x68: {  	[spmem:s3] =	stream.indirect.scatter.add.f32 [tilespmem:s12], [sflag:$0x3], $0x80, s2, s18, $0xb8;
	[tilespmem:$0x19000] =	vst v63  }
0x69: {  	_ = 	snop  }
0x6a: {  	[spmem:s3] =	stream.indirect.scatter.add.f32 [tilespmem:s12], [sflag:$0x3], $0x80, s5, s18, $0xb8;
	[tilespmem:$0x19000] =	vst v63  }
0x6b: {  	_ =	swait.ge [sflag:s25], $0x3E80  }
0x6c: {  	[sflag:s25] =	ssyncset.done $0x0  }
0x6d: {  	[sflag:s25] =	ssyncadd.s32 $0xFFFFC180  }
0x6e: {  	_ =	swait.ge [sflag:s25], $0x3E80  }
0x6f: {  	[sflag:s25] =	ssyncset.done $0x0  }
0x70: {  	[sflag:s25] =	ssyncadd.s32 $0xFFFFC180  }
0x71: {  	_ =	swait.ge [sflag:s25], $0x3E80  }
0x72: {  	[sflag:s25] =	ssyncset.done $0x0  }
0x73: {  	[sflag:s25] =	ssyncadd.s32 $0xFFFFC180  }
0x74: {  	_ =	swait.ge [sflag:s25], $0x3E80  }
0x75: {  	[sflag:s25] =	ssyncset.done $0x0  }
0x76: {  	[sflag:s25] =	ssyncadd.s32 $0xFFFFC180  }
0x77: {  	_ =	swait.ge [sflag:s25], $0x3E80  }
0x78: {  	[sflag:s25] =	ssyncset.done $0x0  }
0x79: {  	[sflag:s25] =	ssyncadd.s32 $0xFFFFC180  }
0x7a: {  	_ =	swait.ge [sflag:s25], $0x3E80  }
0x7b: {  	[sflag:s25] =	ssyncset.done $0x0  }
0x7c: {  	[sflag:s25] =	ssyncadd.s32 $0xFFFFC180  }
0x7d: {  	_ =	swait.ge [sflag:s25], $0x3E80  }
0x7e: {  	[sflag:s25] =	ssyncset.done $0x0  }
0x7f: {  	[sflag:s25] =	ssyncadd.s32 $0xFFFFC180  }
0x80: {  	_ =	swait.ge [sflag:s25], $0x3E80  }
0x81: {  	s7 =	simm.s32 $0x20;
	[sflag:s25] =	ssyncset.done $0x0  }
.LBB2_2:
0x82: {  	[sflag:s25] =	ssyncadd.s32 $0xFFFFC180;
	s11 =	sadd.s32 $0x200, s11  }
0x83: {  	[tilespmem:s16], [sflag:$0x2] =	stream.linear.gather [hbm4b:s11+s4], $0x800, $0x38;
	[tilespmem:$0x19000] =	vst v63  }
0x84: {  	_ =	swait.ge [sflag:s17], $0x800  }
0x85: {  	[sflag:s17] =	ssyncset.done $0x0  }
0x86: {  	[sflag:s17] =	ssyncadd.s32 $0xFFFFF800  }
0x87: {  	[spmem:s3] =	stream.indirect.scatter.add.f32 [tilespmem:s12], [sflag:$0x3], $0x80, s4, s18, $0xb8;
	[tilespmem:$0x19000] =	vst v63  }
0x88: {  	s9 =	rddreg [dreg:$0x5]  }
0x89: {  	[spmem:s3] =	stream.indirect.scatter.add.f32 [tilespmem:s12], [sflag:$0x3], $0x80, s9, s18, $0xb8;
	[tilespmem:$0x19000] =	vst v63  }
0x8a: {  	_ = 	snop  }
0x8b: {  	[spmem:s3] =	stream.indirect.scatter.add.f32 [tilespmem:s12], [sflag:$0x3], $0x80, s19, s18, $0xb8;
	[tilespmem:$0x19000] =	vst v63  }
0x8c: {  	_ = 	snop  }
0x8d: {  	[spmem:s3] =	stream.indirect.scatter.add.f32 [tilespmem:s12], [sflag:$0x3], $0x80, s20, s18, $0xb8;
	[tilespmem:$0x19000] =	vst v63  }
0x8e: {  	_ = 	snop  }
0x8f: {  	[spmem:s3] =	stream.indirect.scatter.add.f32 [tilespmem:s12], [sflag:$0x3], $0x80, s21, s18, $0xb8;
	[tilespmem:$0x19000] =	vst v63  }
0x90: {  	_ = 	snop  }
0x91: {  	[spmem:s3] =	stream.indirect.scatter.add.f32 [tilespmem:s12], [sflag:$0x3], $0x80, s22, s18, $0xb8;
	[tilespmem:$0x19000] =	vst v63  }
0x92: {  	_ = 	snop  }
0x93: {  	[spmem:s3] =	stream.indirect.scatter.add.f32 [tilespmem:s12], [sflag:$0x3], $0x80, s23, s18, $0xb8;
	[tilespmem:$0x19000] =	vst v63  }
0x94: {  	_ = 	snop  }
0x95: {  	[spmem:s3] =	stream.indirect.scatter.add.f32 [tilespmem:s12], [sflag:$0x3], $0x80, s24, s18, $0xb8;
	[tilespmem:$0x19000] =	vst v63  }
0x96: {  	_ =	swait.ge [sflag:s25], $0x3E80  }
0x97: {  	[sflag:s25] =	ssyncset.done $0x0  }
0x98: {  	[sflag:s25] =	ssyncadd.s32 $0xFFFFC180  }
0x99: {  	_ =	swait.ge [sflag:s25], $0x3E80  }
0x9a: {  	[sflag:s25] =	ssyncset.done $0x0  }
0x9b: {  	[sflag:s25] =	ssyncadd.s32 $0xFFFFC180  }
0x9c: {  	_ =	swait.ge [sflag:s25], $0x3E80  }
0x9d: {  	[sflag:s25] =	ssyncset.done $0x0  }
0x9e: {  	[sflag:s25] =	ssyncadd.s32 $0xFFFFC180  }
0x9f: {  	_ =	swait.ge [sflag:s25], $0x3E80  }
0xa0: {  	[sflag:s25] =	ssyncset.done $0x0  }
0xa1: {  	[sflag:s25] =	ssyncadd.s32 $0xFFFFC180  }
0xa2: {  	_ =	swait.ge [sflag:s25], $0x3E80  }
0xa3: {  	[sflag:s25] =	ssyncset.done $0x0  }
0xa4: {  	[sflag:s25] =	ssyncadd.s32 $0xFFFFC180  }
0xa5: {  	_ =	swait.ge [sflag:s25], $0x3E80  }
0xa6: {  	[sflag:s25] =	ssyncset.done $0x0  }
0xa7: {  	[sflag:s25] =	ssyncadd.s32 $0xFFFFC180  }
0xa8: {  	_ =	swait.ge [sflag:s25], $0x3E80  }
0xa9: {  	[sflag:s25] =	ssyncset.done $0x0  }
0xaa: {  	[sflag:s25] =	ssyncadd.s32 $0xFFFFC180  }
0xab: {  	_ =	swait.ge [sflag:s25], $0x3E80  }
0xac: {  	s10 =	smov.u32 s7;
	s9 =	rddreg [dreg:$0x4]  }
0xad: {  	s9 =	sadd.s32 s10, s9  }
0xae: {  	s10 =	smov.u32 s8;
	p1 =	slt.s32 s9, s8  }
0xaf: {  	s10 =	smov.u32 @p1 s9  }
0xb0: {  	s9 =	sshll.u32 s10, $0x5  }
0xb1: {  	[sflag:s25] =	ssyncset.done $0x0;
	s9 =	sand.u32 $0x1FFFFF00, s9  }
0xb2: {  	[sflag:s25] =	ssyncadd.s32 $0xFFFFC180;
	s9 =	sadd.s32 s1, s9  }
0xb3: {  	[tilespmem:s4], [sflag:$0x1] =	stream.linear.gather [hbm4b:s9+s4], $0x800, $0x38;
	[tilespmem:$0x19000] =	vst v63  }
0xb4: {  	_ =	swait.ge [sflag:s26], $0x800  }
0xb5: {  	[sflag:s26] =	ssyncset.done $0x0  }
0xb6: {  	[sflag:s26] =	ssyncadd.s32 $0xFFFFF800  }
0xb7: {  	[spmem:s3] =	stream.indirect.scatter.add.f32 [tilespmem:s12], [sflag:$0x3], $0x80, s16, s18, $0xb8;
	[tilespmem:$0x19000] =	vst v63  }
0xb8: {  	_ = 	snop  }
0xb9: {  	[spmem:s3] =	stream.indirect.scatter.add.f32 [tilespmem:s12], [sflag:$0x3], $0x80, s28, s18, $0xb8;
	[tilespmem:$0x19000] =	vst v63  }
0xba: {  	_ = 	snop  }
0xbb: {  	[spmem:s3] =	stream.indirect.scatter.add.f32 [tilespmem:s12], [sflag:$0x3], $0x80, s29, s18, $0xb8;
	[tilespmem:$0x19000] =	vst v63  }
0xbc: {  	_ = 	snop  }
0xbd: {  	[spmem:s3] =	stream.indirect.scatter.add.f32 [tilespmem:s12], [sflag:$0x3], $0x80, s30, s18, $0xb8;
	[tilespmem:$0x19000] =	vst v63  }
0xbe: {  	_ = 	snop  }
0xbf: {  	[spmem:s3] =	stream.indirect.scatter.add.f32 [tilespmem:s12], [sflag:$0x3], $0x80, s31, s18, $0xb8;
	[tilespmem:$0x19000] =	vst v63  }
0xc0: {  	_ = 	snop  }
0xc1: {  	[spmem:s3] =	stream.indirect.scatter.add.f32 [tilespmem:s12], [sflag:$0x3], $0x80, s0, s18, $0xb8;
	[tilespmem:$0x19000] =	vst v63  }
0xc2: {  	_ = 	snop  }
0xc3: {  	[spmem:s3] =	stream.indirect.scatter.add.f32 [tilespmem:s12], [sflag:$0x3], $0x80, s2, s18, $0xb8;
	[tilespmem:$0x19000] =	vst v63  }
0xc4: {  	_ = 	snop  }
0xc5: {  	[spmem:s3] =	stream.indirect.scatter.add.f32 [tilespmem:s12], [sflag:$0x3], $0x80, s5, s18, $0xb8;
	[tilespmem:$0x19000] =	vst v63  }
0xc6: {  	_ =	swait.ge [sflag:s25], $0x3E80  }
0xc7: {  	[sflag:s25] =	ssyncset.done $0x0  }
0xc8: {  	[sflag:s25] =	ssyncadd.s32 $0xFFFFC180  }
0xc9: {  	_ =	swait.ge [sflag:s25], $0x3E80  }
0xca: {  	[sflag:s25] =	ssyncset.done $0x0  }
0xcb: {  	[sflag:s25] =	ssyncadd.s32 $0xFFFFC180  }
0xcc: {  	_ =	swait.ge [sflag:s25], $0x3E80  }
0xcd: {  	[sflag:s25] =	ssyncset.done $0x0  }
0xce: {  	[sflag:s25] =	ssyncadd.s32 $0xFFFFC180  }
0xcf: {  	_ =	swait.ge [sflag:s25], $0x3E80  }
0xd0: {  	[sflag:s25] =	ssyncset.done $0x0  }
0xd1: {  	[sflag:s25] =	ssyncadd.s32 $0xFFFFC180  }
0xd2: {  	_ =	swait.ge [sflag:s25], $0x3E80  }
0xd3: {  	[sflag:s25] =	ssyncset.done $0x0  }
0xd4: {  	[sflag:s25] =	ssyncadd.s32 $0xFFFFC180  }
0xd5: {  	_ =	swait.ge [sflag:s25], $0x3E80  }
0xd6: {  	[sflag:s25] =	ssyncset.done $0x0  }
0xd7: {  	p0 =	sne.s32 s7, $0x50;
	[sflag:s25] =	ssyncadd.s32 $0xFFFFC180  }
.Ltmp0:
0xd8: {  	_ =	swait.ge [sflag:s25], $0x3E80;
	(pc) =	sbr.rel @p0 .LBB2_2-.Ltmp0, $4  }
0xd9: {  	[sflag:s25] =	ssyncset.done $0x0  }
0xda: {  	[sflag:s25] =	ssyncadd.s32 $0xFFFFC180  }
0xdb: {  	_ =	swait.ge [sflag:s25], $0x3E80  }
0xdc: {  	s7 =	sadd.s32 $0x10, s7;
	[sflag:s25] =	ssyncset.done $0x0  }
0xdd: {  	[sflag:s25] =	ssyncadd.s32 $0xFFFFC180  }
0xde: {  	_ =	swait.ge [sflag:s17], $0x800  }
0xdf: {  	[sflag:s17] =	ssyncset.done $0x0  }
0xe0: {  	[sflag:s17] =	ssyncadd.s32 $0xFFFFF800  }
0xe1: {  	[bflag:$0x0] =	sbarrier.arrive $0xFFFF  }
0xe2: {  	s7 =	rddreg [dreg:$0x9]  }
0xe3: {  	[hbm:s7], [sflag:s14] =	dma.local [spmem:s15], $0x2800  }
0xe4: {  	_ =	swait.ge [sflag:s13], $0x2800  }
0xe5: {  	s6 =	sadd.s32 $0x1, s6;
	s11 =	rddreg [dreg:$0xa]  }
0xe6: {  	p0 =	sne.s32 s6, s11  }
.Ltmp1:
0xe7: {  	_ = 	snop;
	(pc) =	sbr.rel @p0 .LBB2_1-.Ltmp1, $3  }
0xe8: {  	_ =	sdelay $0x1  }
0xe9: {  	[sflag:s13] =	ssyncset.done $0x0  }
0xea: {  	[sflag:s13] =	ssyncadd.s32 $0xFFFFD800  }
0xeb: {  	_ =	sfence.sel $0x180000  }
0xec: {  	[bflag:$0x0] =	sbarrier.arrive $0xFFFF  }
0xed: {  	_ =	strace $0x90000047  }
0xee: {  	s0 =	stileid.u32;
	[bflag:$0x2] =	sbarrier.arrive $0xFFFF  }
0xef: {  	p0 =	sne.s32 s0, $0x0;
	s0 =	rddreg [dreg:$0x3]  }
0xf0: {  	s0 =	sadd.s32 @!p0 $0x100000, s0  }
0xf1: {  	[sflag:s0] =	ssyncadd.tile.s32 @!p0 $0x1;
	_ =	shalt  }
.Lfunc_end2:
_tile_overlayer_lowered:
.L_overlay_start_2:
0xf2: {  	(tag) =	ssettag $0x2  }
0xf3: {  	s0 =	rddreg [dreg:$0x0];
	s2 =	stileid.u32  }
0xf4: {  	s1 =	rddreg [dreg:$0x1];
	p0 =	sne.s32 s2, $0x0  }
0xf5: {  	s3 =	rddreg [dreg:$0x2];
	[bflag:$0x3] =	sbarrier.arrive $0xFFFF;
	s2 =	simm.s32 @!p0 $0x1C04  }
0xf6: {  	[timem:s3], [sflag:s2] =	dma.local @!p0 [hbm:s0], s1  }
0xf7: {  	s0 =	simm.s32 @!p0 $0x4  }
0xf8: {  	_ =	swait.ge @!p0 [sflag:s0], s1  }
0xf9: {  	s1 =	ssub.s32 @!p0 $0x0, s1;
	[sflag:s0] =	ssyncset.done @!p0 $0x0  }
0xfa: {  	[sflag:s0] =	ssyncadd.s32 @!p0 s1  }
0xfb: {  	[bflag:$0x3] =	sbarrier.arrive $0xFFFF  }
0xfc: {  	_ =	shalt  }

// kernel: kernel.17.cloned.1.call-start
scs
__scs_entry_jumppad:
0x0: {  	(pc) =	sbr.rel $0x88, $3  }
0x1: {  	(tag) =	ssettag $0x0;
	lr =	simm.s32 $0x1  }
0x2: {  	[smem:$0x3F9B] =	sst lr;
	_ =	strace $0xD0000000  }
0x3: {  	_ = 	snop  }
0x4: {  	_ = 	snop  }
0x5: {  	_ = 	snop  }
0x6: {  	_ = 	snop  }
0x7: {  	_ = 	snop  }
__scs_overlays_trampoline_lowered:
0x8: {  	[smem:$0x3FAA] =	sst s0  }
0x9: {  	[smem:$0x3FAB] =	sst s1  }
0xa: {  	[smem:$0x3FAC] =	sst s2  }
0xb: {  	[smem:$0x3FAD] =	sst s3  }
0xc: {  	[smem:$0x3FAE] =	sst s4  }
0xd: {  	[smem:$0x3FAF] =	sst s5  }
0xe: {  	[smem:$0x3FB0] =	sst s6  }
0xf: {  	[smem:$0x3FB1] =	sst s7  }
0x10: {  	[smem:$0x3FB2] =	sst s8  }
0x11: {  	[smem:$0x3FB3] =	sst s9;
	s0 =	simm.s32 @!p0 $0x0  }
0x12: {  	s1 =	sld [smem:$0x3F99];
	s0 =	simm.s32 @p0 $0x1  }
0x13: {  	[smem:$0x3FB4] =	sst s0;
	s0 =	simm.s32 @!p1 $0x0  }
0x14: {  	s2 =	sld [smem:$0x3F98];
	s0 =	simm.s32 @p1 $0x1  }
0x15: {  	[smem:$0x3FB5] =	sst s0;
	s0 =	simm.s32 @!p2 $0x0  }
0x16: {  	s3 =	sld [smem:$0x3FDB];
	s0 =	simm.s32 @p2 $0x1  }
0x17: {  	s4 =	simm.s32 $0x1BF5;
	[smem:$0x3FB7] =	sst s0  }
0x18: {  	s0 =	sld [smem:$0x3F9A];
	_ =	swait.ge [sflag:s4], $0x0  }
0x19: {  	s7 =	sld [smem:$0x3F9B]  }
0x1a: {  	s8 =	sadd.s32 $0xFFFFE003, lr  }
0x1b: {  	s9 =	sadd.s32 $0xFFFFFEF7, lr;
	s5 =	simm.s32 $0xFFFFFFFF;
	p2 =	slt.u32 s8, $0xFFFFF086  }
0x1c: {  	p1 =	slt.u32 s9, $0xF7A;
	s5 =	simm.s32 @!p2 $0x0  }
0x1d: {  	s5 =	simm.s32 @p1 $0x1;
	p0 =	seq.s32 s7, s2  }
0x1e: {  	s7 =	smul.u32 @!p0 $0xF7A, s2;
	p2 =	seq.s32 @!p0 s5, $0x0  }
0x1f: {  	s9 =	smul.u32 $0xF7A, s1;
	s8 =	simm.s32 @!p0 $0x1BF5;
	p2 =	por !p2, p0  }
0x20: {  	[sflag:s8] =	ssyncset.s32 @!p0 $0xFFFFF086;
	s6 =	sadd.s32 @!p0 s3, s7;
	s7 =	simm.s32 @!p0 $0x108  }
0x21: {  	s3 =	sadd.s32 s3, s9;
	s6 =	sadd.s32 @!p0 $0x88, s6;
	s7 =	simm.s32 @p2 $0x1082  }
0x22: {  	[simem:s7], [sflag:s8] =	dma.local @!p0 [hbm:s6], $0xF7A  }
0x23: {  	s9 =	sor.u32 $0xD0000000, s2;
	s6 =	simm.s32 $0x108;
	_ =	swait.ge @!p0 [sflag:s8], $0x0  }
0x24: {  	s3 =	sadd.s32 $0x88, s3;
	s6 =	simm.s32 @!p1 $0x1082;
	[sflag:s4] =	ssyncset.s32 $0xFFFFF086  }
0x25: {  	[simem:s6], [sflag:s4] =	dma.local [hbm:s3], $0xF7A  }
0x26: {  	[smem:$0x3F9B] =	sst s1;
	(tag) =	ssettag s2;
	_ =	strace s9  }
0x27: {  	s1 =	sld [smem:$0x3FAB]  }
0x28: {  	s2 =	sld [smem:$0x3FAC]  }
0x29: {  	s4 =	sld [smem:$0x3FAE]  }
0x2a: {  	p0 =	seq.s32 s5, $0x0;
	s5 =	sld [smem:$0x3FAF]  }
0x2b: {  	s6 =	sld [smem:$0x3FB0]  }
0x2c: {  	s7 =	sld [smem:$0x3FB1]  }
0x2d: {  	s3 =	simm.s32 $0x108;
	s8 =	sld [smem:$0x3FB2]  }
0x2e: {  	s3 =	simm.s32 @!p0 $0x1082;
	s9 =	sld [smem:$0x3FB3]  }
0x2f: {  	lr =	sadd.s32 s0, s3;
	s0 =	sld [smem:$0x3FAA]  }
0x30: {  	s3 =	sld [smem:$0x3FAD]  }
0x31: {  	[smem:$0x3FB6] =	sst s10  }
0x32: {  	s10 =	sld [smem:$0x3FB4];
	_ =	sdelay $0x3  }
0x33: {  	p0 =	seq.s32 s10, $0x1;
	s10 =	sld [smem:$0x3FB6];
	_ =	sdelay $0x3  }
0x34: {  	[smem:$0x3FB6] =	sst s10  }
0x35: {  	s10 =	sld [smem:$0x3FB5];
	_ =	sdelay $0x3  }
0x36: {  	p1 =	seq.s32 s10, $0x1;
	s10 =	sld [smem:$0x3FB6];
	_ =	sdelay $0x3  }
0x37: {  	[smem:$0x3FB6] =	sst s10  }
0x38: {  	s10 =	sld [smem:$0x3FB7]  }
0x39: {  	_ = 	snop;
	(pc) =	sbr.ind lr, $3  }
0x3a: {  	_ = 	snop  }
0x3b: {  	_ = 	snop  }
0x3c: {  	p2 =	seq.s32 s10, $0x1;
	s10 =	sld [smem:$0x3FB6]  }
0x3d: {  	_ =	shalt  }
0x3e: {  	_ =	shalt  }
0x3f: {  	_ =	shalt  }
0x40: {  	_ =	shalt  }
0x41: {  	_ =	shalt  }
0x42: {  	_ =	shalt  }
0x43: {  	_ =	shalt  }
0x44: {  	_ =	shalt  }
0x45: {  	_ =	shalt  }
0x46: {  	_ =	shalt  }
0x47: {  	_ =	shalt  }
0x48: {  	_ =	shalt  }
0x49: {  	_ =	shalt  }
0x4a: {  	_ =	shalt  }
0x4b: {  	_ =	shalt  }
0x4c: {  	_ =	shalt  }
0x4d: {  	_ =	shalt  }
0x4e: {  	_ =	shalt  }
0x4f: {  	_ =	shalt  }
0x50: {  	_ =	shalt  }
0x51: {  	_ =	shalt  }
0x52: {  	_ =	shalt  }
0x53: {  	_ =	shalt  }
0x54: {  	_ =	shalt  }
0x55: {  	_ =	shalt  }
0x56: {  	_ =	shalt  }
0x57: {  	_ =	shalt  }
0x58: {  	_ =	shalt  }
0x59: {  	_ =	shalt  }
0x5a: {  	_ =	shalt  }
0x5b: {  	_ =	shalt  }
0x5c: {  	_ =	shalt  }
0x5d: {  	_ =	shalt  }
0x5e: {  	_ =	shalt  }
0x5f: {  	_ =	shalt  }
0x60: {  	_ =	shalt  }
0x61: {  	_ =	shalt  }
0x62: {  	_ =	shalt  }
0x63: {  	_ =	shalt  }
0x64: {  	_ =	shalt  }
0x65: {  	_ =	shalt  }
0x66: {  	_ =	shalt  }
0x67: {  	_ =	shalt  }
0x68: {  	_ =	shalt  }
0x69: {  	_ =	shalt  }
0x6a: {  	_ =	shalt  }
0x6b: {  	_ =	shalt  }
0x6c: {  	_ =	shalt  }
0x6d: {  	_ =	shalt  }
0x6e: {  	_ =	shalt  }
0x6f: {  	_ =	shalt  }
0x70: {  	_ =	shalt  }
0x71: {  	_ =	shalt  }
0x72: {  	_ =	shalt  }
0x73: {  	_ =	shalt  }
0x74: {  	_ =	shalt  }
0x75: {  	_ =	shalt  }
0x76: {  	_ =	shalt  }
0x77: {  	_ =	shalt  }
0x78: {  	_ =	shalt  }
0x79: {  	_ =	shalt  }
0x7a: {  	_ =	shalt  }
0x7b: {  	_ =	shalt  }
0x7c: {  	_ =	shalt  }
0x7d: {  	_ =	shalt  }
0x7e: {  	_ =	shalt  }
0x7f: {  	_ =	shalt  }
0x80: {  	_ =	shalt  }
0x81: {  	_ =	shalt  }
0x82: {  	_ =	shalt  }
0x83: {  	_ =	shalt  }
0x84: {  	_ =	shalt  }
0x85: {  	_ =	shalt  }
0x86: {  	_ =	shalt  }
0x87: {  	_ =	shalt  }
.Lfunc_end0:
.L_simem_size_0:
called_computation.1_lowered:
.L_overlay_start_0:
0x88: {  	s2 =	sld [smem:$0x3FD9]  }
0x89: {  	s3 =	sld [smem:$0x3FFE];
	_ =	sdelay $0x1  }
0x8a: {  	s1 =	srdreg.scid  }
0x8b: {  	s0 =	sand.u32 $0x1, s1  }
0x8c: {  	s17 =	sshll.u32 s0, $0xA;
	s2 =	sadd.s32 s3, s2  }
0x8d: {  	s2 =	sadd.s32 s2, s17  }
0x8e: {  	[smem:$0x3FC2] =	sst s2  }
0x8f: {  	_ = 	snop  }
0x90: {  	s2 =	sld [smem:$0x3FD0];
	(tm) =	ssettm $0x1  }
0x91: {  	s18 =	sld [smem:$0x3FFB];
	_ =	sdelay $0x3  }
0x92: {  	_ =	strace s18  }
0x93: {  	s3 =	sld [smem:$0x3FFC];
	_ =	sdelay $0x3  }
0x94: {  	_ =	strace s3  }
0x95: {  	s3 =	sld [smem:$0x3FFD];
	_ =	sdelay $0x3  }
0x96: {  	_ =	strace s3  }
0x97: {  	_ =	strace $0x8FFFFFFF  }
0x98: {  	s19 =	sld [smem:$0x3FDB];
	_ =	sdelay $0x1  }
0x99: {  	s4 =	simm.s32 $_scs_section_size  }
0x9a: {  	s5 =	simm.s32 $_size__tile_overlayer_lowered;
	s6 =	simm.s32 $_tile_overlayer_lowered  }
0x9b: {  	s22 =	simm.s32 $0x1BFF;
	s21 =	sshll.u32 s6, $0x1;
	s3 =	sadd.s32 s4, s19  }
0x9c: {  	s7 =	simm.s32 $0x0;
	s20 =	sshll.u32 s5, $0x1;
	s5 =	sadd.s32 s21, s3  }
0x9d: {  	[timem:s7], [sflag:s22] =	dma.local [hbm:s5], s20  }
0x9e: {  	_ =	swait.ge [sflag:s22], s20  }
0x9f: {  	s4 =	ssub.s32 $0x0, s20;
	[sflag:s22] =	ssyncset.done $0x0  }
0xa0: {  	[sflag:s22] =	ssyncadd.s32 s4;
	_ =	sdelay $0x1  }
0xa1: {  	s23 =	simm.s32 $0x1B8B  }
0xa2: {  	_ =	swait.ge [sflag:s23], $0x1  }
0xa3: {  	[sflag:s23] =	ssyncset.done $0x0  }
0xa4: {  	s25 =	simm.s32 $0x1B8E;
	s24 =	sld [smem:$0x3FFE];
	[sflag:s23] =	ssyncadd.s32 $0xFFFFFFFF  }
0xa5: {  	s26 =	simm.s32 $execute0_lowered;
	[smem:$0x3FD2] =	sst s25  }
0xa6: {  	s5 =	sshll.u32 s26, $0x1;
	_ =	strace $0x80000049;
	[dreg:$0x1] =	wrdreg $0xFFFFFFFF  }
0xa7: {  	s28 =	simm.s32 $_size_execute0_lowered;
	s3 =	sadd.s32 s3, s5;
	[dreg:$0x0] =	wrdreg $0x0  }
0xa8: {  	s5 =	sshll.u32 s28, $0x1;
	[dreg:$0x2] =	wrdreg s3  }
0xa9: {  	[dreg:$0x3] =	wrdreg s5  }
0xaa: {  	[dreg:$0x4] =	wrdreg $0xC0  }
0xab: {  	_ =	task [dreg:s7], $0x5FFFF  }
0xac: {  	[dreg:$0x1] =	wrdreg $0xFFFFFFFF  }
0xad: {  	[dreg:$0x0] =	wrdreg $0x60  }
0xae: {  	[dreg:$0x2] =	wrdreg s2  }
0xaf: {  	[dreg:$0x3] =	wrdreg s24  }
0xb0: {  	[dreg:$0x4] =	wrdreg $0x78000  }
0xb1: {  	[dreg:$0x5] =	wrdreg $0x9  }
0xb2: {  	_ =	task.clear_ibuf [dreg:s7], $0x6FFFF;
	_ =	strace $0x90000049  }
0xb3: {  	s29 =	simm.s32 $0x9;
	_ =	strace $0x8000004B  }
0xb4: {  	_ =	swait.ge [sflag:s29], $0x1  }
0xb5: {  	[sflag:s29] =	ssyncadd.s32 $0xFFFFFFFF  }
0xb6: {  	_ =	strace $0x9000004B  }
0xb7: {  	_ =	sfence  }
0xb8: {  	s30 =	sld [smem:$0x0];
	_ =	sdelay $0x2  }
0xb9: {  	s31 =	sshll.u32 s1, $0xD;
	s1 =	sshrl.u32 s1, $0x2  }
0xba: {  	s3 =	sand.u32 $0x4000, s31;
	s1 =	sadd.s32 s1, s30  }
0xbb: {  	s0 =	sor.u32 s3, s0;
	s1 =	sshll.u32 s1, $0x11  }
0xbc: {  	s0 =	sor.u32 s1, s0  }
0xbd: {  	s0 =	sadd.s32 $0x8F2B, s0  }
0xbe: {  	[sflag:s0] =	ssyncadd.remote.s32 $0x1  }
0xbf: {  	_ =	sfence.sel $0xFFFF  }
0xc0: {  	[dreg:$0x0] =	wrdreg $0xFFFFFFFF;
	(pc) =	sbr.abs _section_cstart, $3  }
0xc1: {  	[dreg:$0x1] =	wrdreg $0xFFFFFFFF  }
0xc2: {  	_ =	task.clear_ibuf [dreg:s7], $0x2FFFF;
	_ =	strace $0x9FFFFFFF  }
0xc3: {  	(tm) =	ssettm $0x7FFFFFFF  }
tec
execute0_lowered:
.L_overlay_start_1:
0x0: {  	(tag) =	ssettag $0x1  }
0x1: {  	s1 =	rddreg [dreg:$0x0]  }
0x2: {  	s0 =	rddreg [dreg:$0x1]  }
0x3: {  	s2 =	rddreg [dreg:$0x2];
	s3 =	srdreg.scid;
	s4 =	simm.s32 $0x0  }
0x4: {  	s12 =	stileid.u32;
	s15 =	simm.s32 $0x200;
	s16 =	simm.s32 $0x180  }
0x5: {  	s17 =	simm.s32 $0x300;
	s28 =	simm.s32 $0xA;
	s29 =	simm.s32 $0x5  }
0x6: {  	s30 =	simm.s32 $0x7;
	s31 =	simm.s32 $0x2;
	s7 =	smul.u32 $0x14000, s12  }
0x7: {  	s3 =	sand.u32 $0x1, s3;
	[smem:$0x7FF] =	sst s4;
	s10 =	smul.u32 $0x50000, s12  }
0x8: {  	s8 =	sshll.u32 s12, $0x1;
	s5 =	sadd.s32 $0x56800, s0;
	s11 =	smul.u32 $0x3200, s12  }
0x9: {  	s9 =	sadd.s32 $0x4000, s0;
	s23 =	smul.u32 $0x190, s12;
	s24 =	sshll.u32 s12, $0x6  }
0xa: {  	s6 =	smul.u32 $0x140000, s3;
	_ =	strace $0x8000004A;
	[dreg:$0x11] =	wrdreg s9  }
0xb: {  	s8 =	sor.u32 s3, s8;
	s19 =	ssub.s32 $0x2, s3;
	[dreg:$0x5] =	wrdreg s15  }
0xc: {  	s25 =	smul.u32 $0xC8, s3;
	s9 =	sor.u32 $0x1C0B, s24;
	[dreg:$0x6] =	wrdreg s16  }
0xd: {  	s26 =	smul.u32 $0x1900, s3;
	[dreg:$0x7] =	wrdreg s17;
	s15 =	simm.s32 $0x1  }
0xe: {  	s16 =	simm.s32 $0x32;
	s17 =	simm.s32 $0x800;
	s18 =	smul.u32 $0xC8, s8  }
0xf: {  	s24 =	simm.s32 $0x700;
	s3 =	simm.s32 $0x8;
	s8 =	smul.u32 $0x1900, s8  }
0x10: {  	s20 =	sshrl.u32 s19, $0x1;
	s22 =	sshrl.u32 s10, $0x2;
	s11 =	sadd.s32 s11, s5  }
0x11: {  	[dreg:$0xe] =	wrdreg s24;
	s24 =	simm.s32 $0x9;
	s6 =	sadd.s32 s7, s6  }
0x12: {  	s14 =	sadd.s32 s25, s23;
	s23 =	simm.s32 $0x580;
	s25 =	simm.s32 $0x680  }
0x13: {  	s6 =	sshrl.u32 s6, $0x3;
	s13 =	sadd.s32 $0xC4, s18;
	[dreg:$0x4] =	wrdreg s14  }
0x14: {  	s21 =	sadd.s32 s5, s8;
	s8 =	sadd.s32 s22, s2;
	[dreg:$0xd] =	wrdreg s23  }
0x15: {  	s14 =	simm.s32 $0xB;
	s18 =	simm.s32 $0x280;
	[dreg:$0xf] =	wrdreg s25  }
0x16: {  	s22 =	simm.s32 $0x600;
	s23 =	simm.s32 $0x3;
	[dreg:$0x12] =	wrdreg s21  }
0x17: {  	s25 =	simm.s32 $0x400;
	s0 =	sadd.s32 s6, s0;
	[dreg:$0x8] =	wrdreg s18  }
0x18: {  	s6 =	ssub.s32 s19, s20;
	s19 =	simm.s32 $0x380;
	[dreg:$0xc] =	wrdreg s22  }
0x19: {  	s12 =	sshrl.u32 s8, $0x3;
	s20 =	simm.s32 $0x500;
	[dreg:$0x9] =	wrdreg s19  }
0x1a: {  	s21 =	simm.s32 $0x480;
	s18 =	simm.s32 $0x100;
	[dreg:$0xa] =	wrdreg s20  }
0x1b: {  	s22 =	simm.s32 $0x5C00;
	s0 =	sadd.s32 $0x6800, s0;
	[dreg:$0xb] =	wrdreg s21  }
0x1c: {  	s7 =	smax.u32 s6, $0x1;
	s19 =	simm.s32 $0x2400;
	[dreg:$0x16] =	wrdreg s12  }
0x1d: {  	s20 =	simm.s32 $0x80;
	s21 =	simm.s32 $0x4000;
	[dreg:$0x13] =	wrdreg s0  }
0x1e: {  	[dreg:$0x14] =	wrdreg s7;
	s0 =	sadd.s32 s26, s11;
	s26 =	simm.s32 $0x780  }
0x1f: {  	s6 =	simm.s32 $0x0;
	s0 =	sadd.s32 $0x80, s0;
	[dreg:$0x10] =	wrdreg s26  }
0x20: {  	v0 =	vimm.f32 $0.0e+00;
	s26 =	simm.s32 $0x4;
	[dreg:$0x15] =	wrdreg s0;
	s0 =	simm.s32 $0x6  }
.LBB2_1:
0x21: {  	s7 =	rddreg [dreg:$0x12];
	s8 =	simm.s32 $0x0;
	s11 =	simm.s32 $0x200  }
0x22: {  	[tilespmem:s4], [sflag:$0x1] =	stream.linear.gather [hbm4b:s7+s4], $0x400, $0x38;
	[tilespmem:$0x1B800] =	vst v63  }
.LBB2_2:
0x23: {  	p0 =	sne.s32 s11, $0x6200;
	[tilespmem:s8+$0x5C70] =	vst v0  }
0x24: {  	[tilespmem:s8+$0x4000] =	vst v0  }
0x25: {  	[tilespmem:s8+$0x5C00] =	vst v0  }
0x26: {  	[tilespmem:s8+$0x4010] =	vst v0  }
0x27: {  	[tilespmem:s8+$0x5C10] =	vst v0  }
0x28: {  	[tilespmem:s8+$0x4020] =	vst v0  }
0x29: {  	[tilespmem:s8+$0x5C20] =	vst v0  }
0x2a: {  	[tilespmem:s8+$0x4030] =	vst v0  }
0x2b: {  	[tilespmem:s8+$0x5C30] =	vst v0  }
0x2c: {  	[tilespmem:s8+$0x4040] =	vst v0  }
0x2d: {  	[tilespmem:s8+$0x5C40] =	vst v0  }
.Ltmp0:
0x2e: {  	[tilespmem:s8+$0x4050] =	vst v0;
	(pc) =	sbr.rel @p0 .LBB2_2-.Ltmp0, $4  }
0x2f: {  	[tilespmem:s8+$0x5C50] =	vst v0  }
0x30: {  	[tilespmem:s8+$0x4060] =	vst v0  }
0x31: {  	[tilespmem:s8+$0x5C60] =	vst v0  }
0x32: {  	[tilespmem:s8+$0x4070] =	vst v0;
	s8 =	sshra.s32 s11, $0x2;
	s11 =	sadd.s32 $0x200, s11  }
0x33: {  	[tilespmem:s8+$0x5C70] =	vst v0  }
0x34: {  	[tilespmem:s8+$0x4000] =	vst v0  }
0x35: {  	[tilespmem:s8+$0x5C00] =	vst v0  }
0x36: {  	[tilespmem:s8+$0x4010] =	vst v0  }
0x37: {  	[tilespmem:s8+$0x5C10] =	vst v0  }
0x38: {  	[tilespmem:s8+$0x4020] =	vst v0  }
0x39: {  	[tilespmem:s8+$0x5C20] =	vst v0  }
0x3a: {  	[tilespmem:s8+$0x4030] =	vst v0  }
0x3b: {  	[tilespmem:s8+$0x5C30] =	vst v0  }
0x3c: {  	[tilespmem:s8+$0x4040] =	vst v0  }
0x3d: {  	[tilespmem:s8+$0x5C40] =	vst v0  }
0x3e: {  	[tilespmem:s8+$0x4050] =	vst v0  }
0x3f: {  	[tilespmem:s8+$0x5C50] =	vst v0  }
0x40: {  	[tilespmem:s8+$0x4060] =	vst v0  }
0x41: {  	[tilespmem:s8+$0x5C60] =	vst v0  }
0x42: {  	[tilespmem:s8+$0x4070] =	vst v0;
	s7 =	rddreg [dreg:$0x11]  }
0x43: {  	[spmem:s12], [sflag:s9] =	dma.local [hbm:s7], $0x2800  }
0x44: {  	_ =	swait.ge [sflag:s14], $0x2800  }
0x45: {  	[sflag:s14] =	ssyncset.done $0x0  }
0x46: {  	[sflag:s14] =	ssyncadd.s32 $0xFFFFD800  }
0x47: {  	[bflag:$0x0] =	sbarrier.arrive $0xFFFF  }
0x48: {  	_ =	swait.ge [sflag:s15], $0x400  }
0x49: {  	[sflag:s15] =	ssyncset.done $0x0  }
0x4a: {  	[sflag:s15] =	ssyncadd.s32 $0xFFFFFC00  }
0x4b: {  	[tilespmem:s17], [sflag:$0x3] =	stream.indirect.gather [hbm4b:s1+s16], $0x80, s4, s16, $0xb8;
	[tilespmem:$0x1B800] =	vst v63  }
0x4c: {  	_ = 	snop  }
0x4d: {  	[tilespmem:s19], [sflag:$0x4] =	stream.indirect.gather [hbm4b:s1+s16], $0x80, s18, s16, $0xb8;
	[tilespmem:$0x1B800] =	vst v63  }
0x4e: {  	_ = 	snop  }
0x4f: {  	[spmem:s2] =	stream.indirect.scatter.add.f32 [tilespmem:s21], [sflag:$0x9], $0x80, s20, s16, $0xb8;
	[tilespmem:$0x1B800] =	vst v63  }
0x50: {  	_ = 	snop  }
0x51: {  	[spmem:s2] =	stream.indirect.scatter.add.f32 [tilespmem:s22], [sflag:$0xA], $0x80, s20, s16, $0xb8;
	[tilespmem:$0x1B800] =	vst v63  }
0x52: {  	_ =	swait.ge [sflag:s23], $0x1900  }
0x53: {  	[sflag:s23] =	ssyncset.done $0x0  }
0x54: {  	[sflag:s23] =	ssyncadd.s32 $0xFFFFE700  }
0x55: {  	[spmem:s2] =	stream.indirect.scatter.add.f32 [tilespmem:s17], [sflag:$0x7], $0x80, s20, s16, $0xb8;
	[tilespmem:$0x1B800] =	vst v63  }
0x56: {  	_ =	swait.ge [sflag:s24], $0x1900  }
0x57: {  	[sflag:s24] =	ssyncset.done $0x0  }
0x58: {  	s10 =	smov.u32 s9;
	s9 =	rddreg [dreg:$0x5];
	[sflag:s24] =	ssyncadd.s32 $0xFFFFE700  }
0x59: {  	[tilespmem:s21], [sflag:$0x5] =	stream.indirect.gather [hbm4b:s1+s16], $0x80, s9, s16, $0xb8;
	[tilespmem:$0x1B800] =	vst v63  }
0x5a: {  	s12 =	rddreg [dreg:$0x15]  }
0x5b: {  	[tilespmem:s25], [sflag:$0x2] =	stream.linear.gather [hbm4b:s12+s4], $0x400, $0x38;
	[tilespmem:$0x1B800] =	vst v63  }
0x5c: {  	_ =	swait.ge [sflag:s26], $0x1900  }
0x5d: {  	[sflag:s26] =	ssyncset.done $0x0  }
0x5e: {  	s11 =	rddreg [dreg:$0x6];
	[sflag:s26] =	ssyncadd.s32 $0xFFFFE700  }
0x5f: {  	[spmem:s2] =	stream.indirect.scatter.add.f32 [tilespmem:s19], [sflag:$0x8], $0x80, s11, s16, $0xb8;
	[tilespmem:$0x1B800] =	vst v63  }
0x60: {  	_ =	swait.ge [sflag:s28], $0x1900  }
0x61: {  	[sflag:s28] =	ssyncset.done $0x0  }
0x62: {  	s7 =	rddreg [dreg:$0x7];
	[sflag:s28] =	ssyncadd.s32 $0xFFFFE700  }
0x63: {  	[tilespmem:s22], [sflag:$0x6] =	stream.indirect.gather [hbm4b:s1+s16], $0x80, s7, s16, $0xb8;
	[tilespmem:$0x1B800] =	vst v63  }
0x64: {  	_ =	swait.ge [sflag:s29], $0x1900  }
0x65: {  	[sflag:s29] =	ssyncset.done $0x0  }
0x66: {  	s9 =	rddreg [dreg:$0x8];
	[sflag:s29] =	ssyncadd.s32 $0xFFFFE700  }
0x67: {  	[spmem:s2] =	stream.indirect.scatter.add.f32 [tilespmem:s21], [sflag:$0x9], $0x80, s9, s16, $0xb8;
	[tilespmem:$0x1B800] =	vst v63  }
0x68: {  	_ =	swait.ge [sflag:s30], $0x1900  }
0x69: {  	[sflag:s30] =	ssyncset.done $0x0  }
0x6a: {  	[sflag:s30] =	ssyncadd.s32 $0xFFFFE700  }
0x6b: {  	_ =	swait.ge [sflag:s31], $0x400  }
0x6c: {  	[sflag:s31] =	ssyncset.done $0x0  }
0x6d: {  	[sflag:s31] =	ssyncadd.s32 $0xFFFFFC00  }
0x6e: {  	[tilespmem:s17], [sflag:$0x3] =	stream.indirect.gather [hbm4b:s1+s16], $0x80, s25, s16, $0xb8;
	[tilespmem:$0x1B800] =	vst v63  }
0x6f: {  	_ =	swait.ge [sflag:s0], $0x1900  }
0x70: {  	[sflag:s0] =	ssyncset.done $0x0  }
0x71: {  	s11 =	rddreg [dreg:$0x9];
	[sflag:s0] =	ssyncadd.s32 $0xFFFFE700  }
0x72: {  	[spmem:s2] =	stream.indirect.scatter.add.f32 [tilespmem:s22], [sflag:$0xA], $0x80, s11, s16, $0xb8;
	[tilespmem:$0x1B800] =	vst v63  }
0x73: {  	_ =	swait.ge [sflag:s3], $0x1900  }
0x74: {  	[sflag:s3] =	ssyncset.done $0x0  }
0x75: {  	s7 =	rddreg [dreg:$0xa];
	[sflag:s3] =	ssyncadd.s32 $0xFFFFE700  }
0x76: {  	[tilespmem:s19], [sflag:$0x4] =	stream.indirect.gather [hbm4b:s1+s16], $0x80, s7, s16, $0xb8;
	[tilespmem:$0x1B800] =	vst v63  }
0x77: {  	_ =	swait.ge [sflag:s23], $0x1900  }
0x78: {  	[sflag:s23] =	ssyncset.done $0x0  }
0x79: {  	s9 =	rddreg [dreg:$0xb];
	[sflag:s23] =	ssyncadd.s32 $0xFFFFE700  }
0x7a: {  	[spmem:s2] =	stream.indirect.scatter.add.f32 [tilespmem:s17], [sflag:$0x7], $0x80, s9, s16, $0xb8;
	[tilespmem:$0x1B800] =	vst v63  }
0x7b: {  	_ =	swait.ge [sflag:s24], $0x1900  }
0x7c: {  	s11 =	rddreg [dreg:$0x4]  }
0x7d: {  	s7 =	rddreg [dreg:$0xc];
	[sflag:s24] =	ssyncset.done $0x0;
	s8 =	sadd.s32 $0x8, s11  }
0x7e: {  	s11 =	smov.u32 s13;
	[sflag:s24] =	ssyncadd.s32 $0xFFFFE700;
	p0 =	slt.s32 s8, s13  }
0x7f: {  	[tilespmem:s21], [sflag:$0x5] =	stream.indirect.gather [hbm4b:s1+s16], $0x80, s7, s16, $0xb8;
	[tilespmem:$0x1B800] =	vst v63  }
0x80: {  	s11 =	smov.u32 @p0 s8  }
0x81: {  	s11 =	sshll.u32 s11, $0x5  }
0x82: {  	s11 =	sand.u32 $0x1FFFFF80, s11  }
0x83: {  	s9 =	sadd.s32 s5, s11  }
0x84: {  	[tilespmem:s4], [sflag:$0x1] =	stream.linear.gather [hbm4b:s9+s4], $0x400, $0x38;
	[tilespmem:$0x1B800] =	vst v63  }
0x85: {  	_ =	swait.ge [sflag:s26], $0x1900  }
0x86: {  	[sflag:s26] =	ssyncset.done $0x0  }
0x87: {  	s11 =	rddreg [dreg:$0xd];
	[sflag:s26] =	ssyncadd.s32 $0xFFFFE700  }
0x88: {  	[spmem:s2] =	stream.indirect.scatter.add.f32 [tilespmem:s19], [sflag:$0x8], $0x80, s11, s16, $0xb8;
	[tilespmem:$0x1B800] =	vst v63  }
0x89: {  	_ =	swait.ge [sflag:s28], $0x1900  }
0x8a: {  	[sflag:s28] =	ssyncset.done $0x0  }
0x8b: {  	s7 =	rddreg [dreg:$0xe];
	[sflag:s28] =	ssyncadd.s32 $0xFFFFE700  }
0x8c: {  	[tilespmem:s22], [sflag:$0x6] =	stream.indirect.gather [hbm4b:s1+s16], $0x80, s7, s16, $0xb8;
	[tilespmem:$0x1B800] =	vst v63  }
0x8d: {  	_ =	swait.ge [sflag:s29], $0x1900  }
0x8e: {  	[sflag:s29] =	ssyncset.done $0x0  }
0x8f: {  	s9 =	rddreg [dreg:$0xf];
	[sflag:s29] =	ssyncadd.s32 $0xFFFFE700  }
0x90: {  	[spmem:s2] =	stream.indirect.scatter.add.f32 [tilespmem:s21], [sflag:$0x9], $0x80, s9, s16, $0xb8;
	[tilespmem:$0x1B800] =	vst v63  }
0x91: {  	_ =	swait.ge [sflag:s30], $0x1900  }
0x92: {  	[sflag:s30] =	ssyncset.done $0x0  }
0x93: {  	[sflag:s30] =	ssyncadd.s32 $0xFFFFE700  }
0x94: {  	_ =	swait.ge [sflag:s15], $0x400  }
0x95: {  	[sflag:s15] =	ssyncset.done $0x0  }
0x96: {  	[sflag:s15] =	ssyncadd.s32 $0xFFFFFC00  }
0x97: {  	[tilespmem:s17], [sflag:$0x3] =	stream.indirect.gather [hbm4b:s1+s16], $0x80, s4, s16, $0xb8;
	[tilespmem:$0x1B800] =	vst v63  }
0x98: {  	_ =	swait.ge [sflag:s0], $0x1900  }
0x99: {  	[sflag:s0] =	ssyncset.done $0x0  }
0x9a: {  	s11 =	rddreg [dreg:$0x10];
	[sflag:s0] =	ssyncadd.s32 $0xFFFFE700  }
0x9b: {  	[spmem:s2] =	stream.indirect.scatter.add.f32 [tilespmem:s22], [sflag:$0xA], $0x80, s11, s16, $0xb8;
	[tilespmem:$0x1B800] =	vst v63  }
0x9c: {  	s8 =	simm.s32 $0x10;
	_ =	swait.ge [sflag:s3], $0x1900  }
.LBB2_4:
0x9d: {  	[sflag:s3] =	ssyncset.done $0x0  }
0x9e: {  	[sflag:s3] =	ssyncadd.s32 $0xFFFFE700  }
0x9f: {  	[tilespmem:s19], [sflag:$0x4] =	stream.indirect.gather [hbm4b:s1+s16], $0x80, s18, s16, $0xb8;
	[tilespmem:$0x1B800] =	vst v63  }
0xa0: {  	_ =	swait.ge [sflag:s23], $0x1900  }
0xa1: {  	[sflag:s23] =	ssyncset.done $0x0  }
0xa2: {  	[sflag:s23] =	ssyncadd.s32 $0xFFFFE700  }
0xa3: {  	[spmem:s2] =	stream.indirect.scatter.add.f32 [tilespmem:s17], [sflag:$0x7], $0x80, s20, s16, $0xb8;
	[tilespmem:$0x1B800] =	vst v63  }
0xa4: {  	_ =	swait.ge [sflag:s24], $0x1900  }
0xa5: {  	[sflag:s24] =	ssyncset.done $0x0  }
0xa6: {  	s9 =	rddreg [dreg:$0x5];
	[sflag:s24] =	ssyncadd.s32 $0xFFFFE700  }
0xa7: {  	[tilespmem:s21], [sflag:$0x5] =	stream.indirect.gather [hbm4b:s1+s16], $0x80, s9, s16, $0xb8;
	[tilespmem:$0x1B800] =	vst v63  }
0xa8: {  	s12 =	sadd.s32 $0x100, s12  }
0xa9: {  	[tilespmem:s25], [sflag:$0x2] =	stream.linear.gather [hbm4b:s12+s4], $0x400, $0x38;
	[tilespmem:$0x1B800] =	vst v63  }
0xaa: {  	_ =	swait.ge [sflag:s26], $0x1900  }
0xab: {  	[sflag:s26] =	ssyncset.done $0x0  }
0xac: {  	s7 =	rddreg [dreg:$0x6];
	[sflag:s26] =	ssyncadd.s32 $0xFFFFE700  }
0xad: {  	[spmem:s2] =	stream.indirect.scatter.add.f32 [tilespmem:s19], [sflag:$0x8], $0x80, s7, s16, $0xb8;
	[tilespmem:$0x1B800] =	vst v63  }
0xae: {  	_ =	swait.ge [sflag:s28], $0x1900  }
0xaf: {  	[sflag:s28] =	ssyncset.done $0x0  }
0xb0: {  	s7 =	rddreg [dreg:$0x7];
	[sflag:s28] =	ssyncadd.s32 $0xFFFFE700  }
0xb1: {  	[tilespmem:s22], [sflag:$0x6] =	stream.indirect.gather [hbm4b:s1+s16], $0x80, s7, s16, $0xb8;
	[tilespmem:$0x1B800] =	vst v63  }
0xb2: {  	_ =	swait.ge [sflag:s29], $0x1900  }
0xb3: {  	[sflag:s29] =	ssyncset.done $0x0  }
0xb4: {  	s7 =	rddreg [dreg:$0x8];
	[sflag:s29] =	ssyncadd.s32 $0xFFFFE700  }
0xb5: {  	[spmem:s2] =	stream.indirect.scatter.add.f32 [tilespmem:s21], [sflag:$0x9], $0x80, s7, s16, $0xb8;
	[tilespmem:$0x1B800] =	vst v63  }
0xb6: {  	_ =	swait.ge [sflag:s30], $0x1900  }
0xb7: {  	[sflag:s30] =	ssyncset.done $0x0  }
0xb8: {  	[sflag:s30] =	ssyncadd.s32 $0xFFFFE700  }
0xb9: {  	_ =	swait.ge [sflag:s31], $0x400  }
0xba: {  	[sflag:s31] =	ssyncset.done $0x0  }
0xbb: {  	[sflag:s31] =	ssyncadd.s32 $0xFFFFFC00  }
0xbc: {  	[tilespmem:s17], [sflag:$0x3] =	stream.indirect.gather [hbm4b:s1+s16], $0x80, s25, s16, $0xb8;
	[tilespmem:$0x1B800] =	vst v63  }
0xbd: {  	_ =	swait.ge [sflag:s0], $0x1900  }
0xbe: {  	[sflag:s0] =	ssyncset.done $0x0  }
0xbf: {  	s7 =	rddreg [dreg:$0x9];
	[sflag:s0] =	ssyncadd.s32 $0xFFFFE700  }
0xc0: {  	[spmem:s2] =	stream.indirect.scatter.add.f32 [tilespmem:s22], [sflag:$0xA], $0x80, s7, s16, $0xb8;
	[tilespmem:$0x1B800] =	vst v63  }
0xc1: {  	_ =	swait.ge [sflag:s3], $0x1900  }
0xc2: {  	[sflag:s3] =	ssyncset.done $0x0  }
0xc3: {  	s7 =	rddreg [dreg:$0xa];
	[sflag:s3] =	ssyncadd.s32 $0xFFFFE700  }
0xc4: {  	[tilespmem:s19], [sflag:$0x4] =	stream.indirect.gather [hbm4b:s1+s16], $0x80, s7, s16, $0xb8;
	[tilespmem:$0x1B800] =	vst v63  }
0xc5: {  	_ =	swait.ge [sflag:s23], $0x1900  }
0xc6: {  	[sflag:s23] =	ssyncset.done $0x0  }
0xc7: {  	s7 =	rddreg [dreg:$0xb];
	[sflag:s23] =	ssyncadd.s32 $0xFFFFE700  }
0xc8: {  	[spmem:s2] =	stream.indirect.scatter.add.f32 [tilespmem:s17], [sflag:$0x7], $0x80, s7, s16, $0xb8;
	[tilespmem:$0x1B800] =	vst v63  }
0xc9: {  	_ =	swait.ge [sflag:s24], $0x1900  }
0xca: {  	s11 =	smov.u32 s8;
	s7 =	rddreg [dreg:$0x4]  }
0xcb: {  	[sflag:s24] =	ssyncset.done $0x0;
	s9 =	sadd.s32 s11, s7;
	s11 =	rddreg [dreg:$0xc]  }
0xcc: {  	s7 =	smov.u32 s13;
	[sflag:s24] =	ssyncadd.s32 $0xFFFFE700;
	p1 =	slt.s32 s9, s13  }
0xcd: {  	[tilespmem:s21], [sflag:$0x5] =	stream.indirect.gather [hbm4b:s1+s16], $0x80, s11, s16, $0xb8;
	[tilespmem:$0x1B800] =	vst v63  }
0xce: {  	s7 =	smov.u32 @p1 s9  }
0xcf: {  	s7 =	sshll.u32 s7, $0x5  }
0xd0: {  	s7 =	sand.u32 $0x1FFFFF80, s7  }
0xd1: {  	s7 =	sadd.s32 s5, s7  }
0xd2: {  	[tilespmem:s4], [sflag:$0x1] =	stream.linear.gather [hbm4b:s7+s4], $0x400, $0x38;
	[tilespmem:$0x1B800] =	vst v63  }
0xd3: {  	_ =	swait.ge [sflag:s26], $0x1900  }
0xd4: {  	[sflag:s26] =	ssyncset.done $0x0  }
0xd5: {  	s9 =	rddreg [dreg:$0xd];
	[sflag:s26] =	ssyncadd.s32 $0xFFFFE700  }
0xd6: {  	[spmem:s2] =	stream.indirect.scatter.add.f32 [tilespmem:s19], [sflag:$0x8], $0x80, s9, s16, $0xb8;
	[tilespmem:$0x1B800] =	vst v63  }
0xd7: {  	_ =	swait.ge [sflag:s28], $0x1900  }
0xd8: {  	[sflag:s28] =	ssyncset.done $0x0  }
0xd9: {  	s11 =	rddreg [dreg:$0xe];
	[sflag:s28] =	ssyncadd.s32 $0xFFFFE700  }
0xda: {  	[tilespmem:s22], [sflag:$0x6] =	stream.indirect.gather [hbm4b:s1+s16], $0x80, s11, s16, $0xb8;
	[tilespmem:$0x1B800] =	vst v63  }
0xdb: {  	_ =	swait.ge [sflag:s29], $0x1900  }
0xdc: {  	[sflag:s29] =	ssyncset.done $0x0  }
0xdd: {  	s9 =	rddreg [dreg:$0xf];
	[sflag:s29] =	ssyncadd.s32 $0xFFFFE700  }
0xde: {  	[spmem:s2] =	stream.indirect.scatter.add.f32 [tilespmem:s21], [sflag:$0x9], $0x80, s9, s16, $0xb8;
	[tilespmem:$0x1B800] =	vst v63  }
0xdf: {  	_ =	swait.ge [sflag:s30], $0x1900  }
0xe0: {  	[sflag:s30] =	ssyncset.done $0x0  }
0xe1: {  	[sflag:s30] =	ssyncadd.s32 $0xFFFFE700  }
0xe2: {  	_ =	swait.ge [sflag:s15], $0x400  }
0xe3: {  	[sflag:s15] =	ssyncset.done $0x0  }
0xe4: {  	p0 =	sne.s32 s8, $0xC8;
	[sflag:s15] =	ssyncadd.s32 $0xFFFFFC00  }
0xe5: {  	[tilespmem:s17], [sflag:$0x3] =	stream.indirect.gather [hbm4b:s1+s16], $0x80, s4, s16, $0xb8;
	[tilespmem:$0x1B800] =	vst v63  }
.Ltmp1:
0xe6: {  	_ =	swait.ge [sflag:s0], $0x1900;
	(pc) =	sbr.rel @p0 .LBB2_4-.Ltmp1, $4  }
0xe7: {  	[sflag:s0] =	ssyncset.done $0x0  }
0xe8: {  	s11 =	rddreg [dreg:$0x10];
	[sflag:s0] =	ssyncadd.s32 $0xFFFFE700  }
0xe9: {  	[spmem:s2] =	stream.indirect.scatter.add.f32 [tilespmem:s22], [sflag:$0xA], $0x80, s11, s16, $0xb8;
	[tilespmem:$0x1B800] =	vst v63  }
0xea: {  	s8 =	sadd.s32 $0x8, s8;
	_ =	swait.ge [sflag:s3], $0x1900  }
0xeb: {  	[sflag:s3] =	ssyncset.done $0x0  }
0xec: {  	[sflag:s3] =	ssyncadd.s32 $0xFFFFE700  }
0xed: {  	[tilespmem:s19], [sflag:$0x4] =	stream.indirect.gather [hbm4b:s1+s16], $0x80, s18, s16, $0xb8;
	[tilespmem:$0x1B800] =	vst v63  }
0xee: {  	_ =	swait.ge [sflag:s24], $0x1900  }
0xef: {  	[sflag:s24] =	ssyncset.done $0x0  }
0xf0: {  	[sflag:s24] =	ssyncadd.s32 $0xFFFFE700  }
0xf1: {  	_ =	swait.ge [sflag:s28], $0x1900  }
0xf2: {  	[sflag:s28] =	ssyncset.done $0x0  }
0xf3: {  	[sflag:s28] =	ssyncadd.s32 $0xFFFFE700  }
0xf4: {  	_ =	swait.ge [sflag:s23], $0x1900  }
0xf5: {  	[sflag:s23] =	ssyncset.done $0x0  }
0xf6: {  	[sflag:s23] =	ssyncadd.s32 $0xFFFFE700  }
0xf7: {  	_ =	swait.ge [sflag:s26], $0x1900  }
0xf8: {  	[sflag:s26] =	ssyncset.done $0x0  }
0xf9: {  	[sflag:s26] =	ssyncadd.s32 $0xFFFFE700  }
0xfa: {  	[bflag:$0x0] =	sbarrier.arrive $0xFFFF  }
0xfb: {  	s7 =	rddreg [dreg:$0x13]  }
0xfc: {  	s12 =	rddreg [dreg:$0x16]  }
0xfd: {  	[hbm:s7], [sflag:s10] =	dma.local [spmem:s12], $0x2800  }
0xfe: {  	_ =	swait.ge [sflag:s14], $0x2800  }
0xff: {  	s6 =	sadd.s32 $0x1, s6;
	s11 =	rddreg [dreg:$0x14]  }
0x100: {  	p0 =	sne.s32 s6, s11  }
.Ltmp2:
0x101: {  	_ = 	snop;
	(pc) =	sbr.rel @p0 .LBB2_1-.Ltmp2, $3  }
0x102: {  	_ =	sdelay $0x1  }
0x103: {  	[sflag:s14] =	ssyncset.done $0x0  }
0x104: {  	s9 =	smov.u32 s10;
	[sflag:s14] =	ssyncadd.s32 $0xFFFFD800  }
0x105: {  	_ =	sfence.sel $0x180000  }
0x106: {  	[bflag:$0x0] =	sbarrier.arrive $0xFFFF  }
0x107: {  	_ =	strace $0x9000004A  }
0x108: {  	s0 =	stileid.u32;
	[bflag:$0x2] =	sbarrier.arrive $0xFFFF  }
0x109: {  	p0 =	sne.s32 s0, $0x0;
	s0 =	rddreg [dreg:$0x3]  }
0x10a: {  	s0 =	sadd.s32 @!p0 $0x100000, s0  }
0x10b: {  	[sflag:s0] =	ssyncadd.tile.s32 @!p0 $0x1;
	_ =	shalt  }
.Lfunc_end2:
_tile_overlayer_lowered:
.L_overlay_start_2:
0x10c: {  	(tag) =	ssettag $0x2  }
0x10d: {  	s0 =	rddreg [dreg:$0x0];
	s2 =	stileid.u32  }
0x10e: {  	s1 =	rddreg [dreg:$0x1];
	p0 =	sne.s32 s2, $0x0  }
0x10f: {  	s3 =	rddreg [dreg:$0x2];
	[bflag:$0x3] =	sbarrier.arrive $0xFFFF;
	s2 =	simm.s32 @!p0 $0x1C0B  }
0x110: {  	[timem:s3], [sflag:s2] =	dma.local @!p0 [hbm:s0], s1  }
0x111: {  	s0 =	simm.s32 @!p0 $0xB  }
0x112: {  	_ =	swait.ge @!p0 [sflag:s0], s1  }
0x113: {  	s1 =	ssub.s32 @!p0 $0x0, s1;
	[sflag:s0] =	ssyncset.done @!p0 $0x0  }
0x114: {  	[sflag:s0] =	ssyncadd.s32 @!p0 s1  }
0x115: {  	[bflag:$0x3] =	sbarrier.arrive $0xFFFF  }
0x116: {  	_ =	shalt  }

// kernel: kernel.20.cloned.1.call-start
scs
__scs_entry_jumppad:
0x0: {  	(pc) =	sbr.rel $0x88, $3  }
0x1: {  	(tag) =	ssettag $0x0;
	lr =	simm.s32 $0x1  }
0x2: {  	[smem:$0x3F9B] =	sst lr;
	_ =	strace $0xD0000000  }
0x3: {  	_ = 	snop  }
0x4: {  	_ = 	snop  }
0x5: {  	_ = 	snop  }
0x6: {  	_ = 	snop  }
0x7: {  	_ = 	snop  }
__scs_overlays_trampoline_lowered:
0x8: {  	[smem:$0x3FAA] =	sst s0  }
0x9: {  	[smem:$0x3FAB] =	sst s1  }
0xa: {  	[smem:$0x3FAC] =	sst s2  }
0xb: {  	[smem:$0x3FAD] =	sst s3  }
0xc: {  	[smem:$0x3FAE] =	sst s4  }
0xd: {  	[smem:$0x3FAF] =	sst s5  }
0xe: {  	[smem:$0x3FB0] =	sst s6  }
0xf: {  	[smem:$0x3FB1] =	sst s7  }
0x10: {  	[smem:$0x3FB2] =	sst s8  }
0x11: {  	[smem:$0x3FB3] =	sst s9;
	s0 =	simm.s32 @!p0 $0x0  }
0x12: {  	s1 =	sld [smem:$0x3F99];
	s0 =	simm.s32 @p0 $0x1  }
0x13: {  	[smem:$0x3FB4] =	sst s0;
	s0 =	simm.s32 @!p1 $0x0  }
0x14: {  	s2 =	sld [smem:$0x3F98];
	s0 =	simm.s32 @p1 $0x1  }
0x15: {  	[smem:$0x3FB5] =	sst s0;
	s0 =	simm.s32 @!p2 $0x0  }
0x16: {  	s3 =	sld [smem:$0x3FDB];
	s0 =	simm.s32 @p2 $0x1  }
0x17: {  	s4 =	simm.s32 $0x1BF5;
	[smem:$0x3FB7] =	sst s0  }
0x18: {  	s0 =	sld [smem:$0x3F9A];
	_ =	swait.ge [sflag:s4], $0x0  }
0x19: {  	s7 =	sld [smem:$0x3F9B]  }
0x1a: {  	s8 =	sadd.s32 $0xFFFFE003, lr  }
0x1b: {  	s9 =	sadd.s32 $0xFFFFFEF7, lr;
	s5 =	simm.s32 $0xFFFFFFFF;
	p2 =	slt.u32 s8, $0xFFFFF086  }
0x1c: {  	p1 =	slt.u32 s9, $0xF7A;
	s5 =	simm.s32 @!p2 $0x0  }
0x1d: {  	s5 =	simm.s32 @p1 $0x1;
	p0 =	seq.s32 s7, s2  }
0x1e: {  	s7 =	smul.u32 @!p0 $0xF7A, s2;
	p2 =	seq.s32 @!p0 s5, $0x0  }
0x1f: {  	s9 =	smul.u32 $0xF7A, s1;
	s8 =	simm.s32 @!p0 $0x1BF5;
	p2 =	por !p2, p0  }
0x20: {  	[sflag:s8] =	ssyncset.s32 @!p0 $0xFFFFF086;
	s6 =	sadd.s32 @!p0 s3, s7;
	s7 =	simm.s32 @!p0 $0x108  }
0x21: {  	s3 =	sadd.s32 s3, s9;
	s6 =	sadd.s32 @!p0 $0x88, s6;
	s7 =	simm.s32 @p2 $0x1082  }
0x22: {  	[simem:s7], [sflag:s8] =	dma.local @!p0 [hbm:s6], $0xF7A  }
0x23: {  	s9 =	sor.u32 $0xD0000000, s2;
	s6 =	simm.s32 $0x108;
	_ =	swait.ge @!p0 [sflag:s8], $0x0  }
0x24: {  	s3 =	sadd.s32 $0x88, s3;
	s6 =	simm.s32 @!p1 $0x1082;
	[sflag:s4] =	ssyncset.s32 $0xFFFFF086  }
0x25: {  	[simem:s6], [sflag:s4] =	dma.local [hbm:s3], $0xF7A  }
0x26: {  	[smem:$0x3F9B] =	sst s1;
	(tag) =	ssettag s2;
	_ =	strace s9  }
0x27: {  	s1 =	sld [smem:$0x3FAB]  }
0x28: {  	s2 =	sld [smem:$0x3FAC]  }
0x29: {  	s4 =	sld [smem:$0x3FAE]  }
0x2a: {  	p0 =	seq.s32 s5, $0x0;
	s5 =	sld [smem:$0x3FAF]  }
0x2b: {  	s6 =	sld [smem:$0x3FB0]  }
0x2c: {  	s7 =	sld [smem:$0x3FB1]  }
0x2d: {  	s3 =	simm.s32 $0x108;
	s8 =	sld [smem:$0x3FB2]  }
0x2e: {  	s3 =	simm.s32 @!p0 $0x1082;
	s9 =	sld [smem:$0x3FB3]  }
0x2f: {  	lr =	sadd.s32 s0, s3;
	s0 =	sld [smem:$0x3FAA]  }
0x30: {  	s3 =	sld [smem:$0x3FAD]  }
0x31: {  	[smem:$0x3FB6] =	sst s10  }
0x32: {  	s10 =	sld [smem:$0x3FB4];
	_ =	sdelay $0x3  }
0x33: {  	p0 =	seq.s32 s10, $0x1;
	s10 =	sld [smem:$0x3FB6];
	_ =	sdelay $0x3  }
0x34: {  	[smem:$0x3FB6] =	sst s10  }
0x35: {  	s10 =	sld [smem:$0x3FB5];
	_ =	sdelay $0x3  }
0x36: {  	p1 =	seq.s32 s10, $0x1;
	s10 =	sld [smem:$0x3FB6];
	_ =	sdelay $0x3  }
0x37: {  	[smem:$0x3FB6] =	sst s10  }
0x38: {  	s10 =	sld [smem:$0x3FB7]  }
0x39: {  	_ = 	snop;
	(pc) =	sbr.ind lr, $3  }
0x3a: {  	_ = 	snop  }
0x3b: {  	_ = 	snop  }
0x3c: {  	p2 =	seq.s32 s10, $0x1;
	s10 =	sld [smem:$0x3FB6]  }
0x3d: {  	_ =	shalt  }
0x3e: {  	_ =	shalt  }
0x3f: {  	_ =	shalt  }
0x40: {  	_ =	shalt  }
0x41: {  	_ =	shalt  }
0x42: {  	_ =	shalt  }
0x43: {  	_ =	shalt  }
0x44: {  	_ =	shalt  }
0x45: {  	_ =	shalt  }
0x46: {  	_ =	shalt  }
0x47: {  	_ =	shalt  }
0x48: {  	_ =	shalt  }
0x49: {  	_ =	shalt  }
0x4a: {  	_ =	shalt  }
0x4b: {  	_ =	shalt  }
0x4c: {  	_ =	shalt  }
0x4d: {  	_ =	shalt  }
0x4e: {  	_ =	shalt  }
0x4f: {  	_ =	shalt  }
0x50: {  	_ =	shalt  }
0x51: {  	_ =	shalt  }
0x52: {  	_ =	shalt  }
0x53: {  	_ =	shalt  }
0x54: {  	_ =	shalt  }
0x55: {  	_ =	shalt  }
0x56: {  	_ =	shalt  }
0x57: {  	_ =	shalt  }
0x58: {  	_ =	shalt  }
0x59: {  	_ =	shalt  }
0x5a: {  	_ =	shalt  }
0x5b: {  	_ =	shalt  }
0x5c: {  	_ =	shalt  }
0x5d: {  	_ =	shalt  }
0x5e: {  	_ =	shalt  }
0x5f: {  	_ =	shalt  }
0x60: {  	_ =	shalt  }
0x61: {  	_ =	shalt  }
0x62: {  	_ =	shalt  }
0x63: {  	_ =	shalt  }
0x64: {  	_ =	shalt  }
0x65: {  	_ =	shalt  }
0x66: {  	_ =	shalt  }
0x67: {  	_ =	shalt  }
0x68: {  	_ =	shalt  }
0x69: {  	_ =	shalt  }
0x6a: {  	_ =	shalt  }
0x6b: {  	_ =	shalt  }
0x6c: {  	_ =	shalt  }
0x6d: {  	_ =	shalt  }
0x6e: {  	_ =	shalt  }
0x6f: {  	_ =	shalt  }
0x70: {  	_ =	shalt  }
0x71: {  	_ =	shalt  }
0x72: {  	_ =	shalt  }
0x73: {  	_ =	shalt  }
0x74: {  	_ =	shalt  }
0x75: {  	_ =	shalt  }
0x76: {  	_ =	shalt  }
0x77: {  	_ =	shalt  }
0x78: {  	_ =	shalt  }
0x79: {  	_ =	shalt  }
0x7a: {  	_ =	shalt  }
0x7b: {  	_ =	shalt  }
0x7c: {  	_ =	shalt  }
0x7d: {  	_ =	shalt  }
0x7e: {  	_ =	shalt  }
0x7f: {  	_ =	shalt  }
0x80: {  	_ =	shalt  }
0x81: {  	_ =	shalt  }
0x82: {  	_ =	shalt  }
0x83: {  	_ =	shalt  }
0x84: {  	_ =	shalt  }
0x85: {  	_ =	shalt  }
0x86: {  	_ =	shalt  }
0x87: {  	_ =	shalt  }
.Lfunc_end0:
.L_simem_size_0:
called_computation.2_lowered:
.L_overlay_start_0:
0x88: {  	s2 =	sld [smem:$0x3FD9]  }
0x89: {  	s3 =	sld [smem:$0x3FFE];
	_ =	sdelay $0x1  }
0x8a: {  	s1 =	srdreg.scid  }
0x8b: {  	s0 =	sand.u32 $0x1, s1  }
0x8c: {  	s17 =	sshll.u32 s0, $0xA;
	s2 =	sadd.s32 s3, s2  }
0x8d: {  	s2 =	sadd.s32 s2, s17  }
0x8e: {  	[smem:$0x3FC2] =	sst s2  }
0x8f: {  	_ = 	snop  }
0x90: {  	s2 =	sld [smem:$0x3FD0];
	(tm) =	ssettm $0x1  }
0x91: {  	s18 =	sld [smem:$0x3FFB];
	_ =	sdelay $0x3  }
0x92: {  	_ =	strace s18  }
0x93: {  	s3 =	sld [smem:$0x3FFC];
	_ =	sdelay $0x3  }
0x94: {  	_ =	strace s3  }
0x95: {  	s3 =	sld [smem:$0x3FFD];
	_ =	sdelay $0x3  }
0x96: {  	_ =	strace s3  }
0x97: {  	_ =	strace $0x8FFFFFFF  }
0x98: {  	s19 =	sld [smem:$0x3FDB];
	_ =	sdelay $0x1  }
0x99: {  	s4 =	simm.s32 $_scs_section_size  }
0x9a: {  	s5 =	simm.s32 $_size__tile_overlayer_lowered;
	s6 =	simm.s32 $_tile_overlayer_lowered  }
0x9b: {  	s22 =	simm.s32 $0x1BFF;
	s21 =	sshll.u32 s6, $0x1;
	s3 =	sadd.s32 s4, s19  }
0x9c: {  	s7 =	simm.s32 $0x0;
	s20 =	sshll.u32 s5, $0x1;
	s5 =	sadd.s32 s21, s3  }
0x9d: {  	[timem:s7], [sflag:s22] =	dma.local [hbm:s5], s20  }
0x9e: {  	_ =	swait.ge [sflag:s22], s20  }
0x9f: {  	s4 =	ssub.s32 $0x0, s20;
	[sflag:s22] =	ssyncset.done $0x0  }
0xa0: {  	[sflag:s22] =	ssyncadd.s32 s4;
	_ =	sdelay $0x1  }
0xa1: {  	s23 =	simm.s32 $0x1B8B  }
0xa2: {  	_ =	swait.ge [sflag:s23], $0x1  }
0xa3: {  	[sflag:s23] =	ssyncset.done $0x0  }
0xa4: {  	s25 =	simm.s32 $0x1B8E;
	s24 =	sld [smem:$0x3FFE];
	[sflag:s23] =	ssyncadd.s32 $0xFFFFFFFF  }
0xa5: {  	s26 =	simm.s32 $execute0_lowered;
	[smem:$0x3FD2] =	sst s25  }
0xa6: {  	s5 =	sshll.u32 s26, $0x1;
	_ =	strace $0x8000004C;
	[dreg:$0x1] =	wrdreg $0xFFFFFFFF  }
0xa7: {  	s28 =	simm.s32 $_size_execute0_lowered;
	s3 =	sadd.s32 s3, s5;
	[dreg:$0x0] =	wrdreg $0x0  }
0xa8: {  	s5 =	sshll.u32 s28, $0x1;
	[dreg:$0x2] =	wrdreg s3  }
0xa9: {  	[dreg:$0x3] =	wrdreg s5  }
0xaa: {  	[dreg:$0x4] =	wrdreg $0xC0  }
0xab: {  	_ =	task [dreg:s7], $0x5FFFF  }
0xac: {  	[dreg:$0x1] =	wrdreg $0xFFFFFFFF  }
0xad: {  	[dreg:$0x0] =	wrdreg $0x60  }
0xae: {  	[dreg:$0x2] =	wrdreg s2  }
0xaf: {  	[dreg:$0x3] =	wrdreg s24  }
0xb0: {  	[dreg:$0x4] =	wrdreg $0x78000  }
0xb1: {  	[dreg:$0x5] =	wrdreg $0x9  }
0xb2: {  	_ =	task.clear_ibuf [dreg:s7], $0x6FFFF;
	_ =	strace $0x9000004C  }
0xb3: {  	s29 =	simm.s32 $0x9;
	_ =	strace $0x8000004E  }
0xb4: {  	_ =	swait.ge [sflag:s29], $0x1  }
0xb5: {  	[sflag:s29] =	ssyncadd.s32 $0xFFFFFFFF  }
0xb6: {  	_ =	strace $0x9000004E  }
0xb7: {  	_ =	sfence  }
0xb8: {  	s30 =	sld [smem:$0x0];
	_ =	sdelay $0x2  }
0xb9: {  	s31 =	sshll.u32 s1, $0xD;
	s1 =	sshrl.u32 s1, $0x2  }
0xba: {  	s3 =	sand.u32 $0x4000, s31;
	s1 =	sadd.s32 s1, s30  }
0xbb: {  	s0 =	sor.u32 s3, s0;
	s1 =	sshll.u32 s1, $0x11  }
0xbc: {  	s0 =	sor.u32 s1, s0  }
0xbd: {  	s0 =	sadd.s32 $0x8F2B, s0  }
0xbe: {  	[sflag:s0] =	ssyncadd.remote.s32 $0x1  }
0xbf: {  	_ =	sfence.sel $0xFFFF  }
0xc0: {  	[dreg:$0x0] =	wrdreg $0xFFFFFFFF;
	(pc) =	sbr.abs _section_cstart, $3  }
0xc1: {  	[dreg:$0x1] =	wrdreg $0xFFFFFFFF  }
0xc2: {  	_ =	task.clear_ibuf [dreg:s7], $0x2FFFF;
	_ =	strace $0x9FFFFFFF  }
0xc3: {  	(tm) =	ssettm $0x7FFFFFFF  }
tec
execute0_lowered:
.L_overlay_start_1:
0x0: {  	(tag) =	ssettag $0x1  }
0x1: {  	s1 =	rddreg [dreg:$0x0]  }
0x2: {  	s0 =	rddreg [dreg:$0x1]  }
0x3: {  	s2 =	rddreg [dreg:$0x2];
	s3 =	srdreg.scid;
	s4 =	simm.s32 $0x0  }
0x4: {  	s12 =	stileid.u32;
	s15 =	simm.s32 $0x200;
	s16 =	simm.s32 $0x180  }
0x5: {  	s17 =	simm.s32 $0x300;
	s28 =	simm.s32 $0xA;
	s29 =	simm.s32 $0x5  }
0x6: {  	s30 =	simm.s32 $0x7;
	s31 =	simm.s32 $0x2;
	s7 =	smul.u32 $0x14000, s12  }
0x7: {  	s3 =	sand.u32 $0x1, s3;
	[smem:$0x7FF] =	sst s4;
	s10 =	smul.u32 $0x50000, s12  }
0x8: {  	s8 =	sshll.u32 s12, $0x1;
	s5 =	sadd.s32 $0x56800, s0;
	s11 =	smul.u32 $0x3200, s12  }
0x9: {  	s9 =	sadd.s32 $0x4000, s0;
	s23 =	smul.u32 $0x190, s12;
	s24 =	sshll.u32 s12, $0x6  }
0xa: {  	s6 =	smul.u32 $0x140000, s3;
	_ =	strace $0x8000004D;
	[dreg:$0x11] =	wrdreg s9  }
0xb: {  	s8 =	sor.u32 s3, s8;
	s19 =	ssub.s32 $0x2, s3;
	[dreg:$0x5] =	wrdreg s15  }
0xc: {  	s25 =	smul.u32 $0xC8, s3;
	s9 =	sor.u32 $0x1C0B, s24;
	[dreg:$0x6] =	wrdreg s16  }
0xd: {  	s26 =	smul.u32 $0x1900, s3;
	[dreg:$0x7] =	wrdreg s17;
	s15 =	simm.s32 $0x1  }
0xe: {  	s16 =	simm.s32 $0x32;
	s17 =	simm.s32 $0x800;
	s18 =	smul.u32 $0xC8, s8  }
0xf: {  	s24 =	simm.s32 $0x700;
	s3 =	simm.s32 $0x8;
	s8 =	smul.u32 $0x1900, s8  }
0x10: {  	s20 =	sshrl.u32 s19, $0x1;
	s22 =	sshrl.u32 s10, $0x2;
	s11 =	sadd.s32 s11, s5  }
0x11: {  	[dreg:$0xe] =	wrdreg s24;
	s24 =	simm.s32 $0x9;
	s6 =	sadd.s32 s7, s6  }
0x12: {  	s14 =	sadd.s32 s25, s23;
	s23 =	simm.s32 $0x580;
	s25 =	simm.s32 $0x680  }
0x13: {  	s6 =	sshrl.u32 s6, $0x3;
	s13 =	sadd.s32 $0xC4, s18;
	[dreg:$0x4] =	wrdreg s14  }
0x14: {  	s21 =	sadd.s32 s5, s8;
	s8 =	sadd.s32 s22, s2;
	[dreg:$0xd] =	wrdreg s23  }
0x15: {  	s14 =	simm.s32 $0xB;
	s18 =	simm.s32 $0x280;
	[dreg:$0xf] =	wrdreg s25  }
0x16: {  	s22 =	simm.s32 $0x600;
	s23 =	simm.s32 $0x3;
	[dreg:$0x12] =	wrdreg s21  }
0x17: {  	s25 =	simm.s32 $0x400;
	s0 =	sadd.s32 s6, s0;
	[dreg:$0x8] =	wrdreg s18  }
0x18: {  	s6 =	ssub.s32 s19, s20;
	s19 =	simm.s32 $0x380;
	[dreg:$0xc] =	wrdreg s22  }
0x19: {  	s12 =	sshrl.u32 s8, $0x3;
	s20 =	simm.s32 $0x500;
	[dreg:$0x9] =	wrdreg s19  }
0x1a: {  	s21 =	simm.s32 $0x480;
	s18 =	simm.s32 $0x100;
	[dreg:$0xa] =	wrdreg s20  }
0x1b: {  	s22 =	simm.s32 $0x5C00;
	s0 =	sadd.s32 $0x88800, s0;
	[dreg:$0xb] =	wrdreg s21  }
0x1c: {  	s7 =	smax.u32 s6, $0x1;
	s19 =	simm.s32 $0x2400;
	[dreg:$0x16] =	wrdreg s12  }
0x1d: {  	s20 =	simm.s32 $0x80;
	s21 =	simm.s32 $0x4000;
	[dreg:$0x13] =	wrdreg s0  }
0x1e: {  	[dreg:$0x14] =	wrdreg s7;
	s0 =	sadd.s32 s26, s11;
	s26 =	simm.s32 $0x780  }
0x1f: {  	s6 =	simm.s32 $0x0;
	s0 =	sadd.s32 $0x80, s0;
	[dreg:$0x10] =	wrdreg s26  }
0x20: {  	v0 =	vimm.f32 $0.0e+00;
	s26 =	simm.s32 $0x4;
	[dreg:$0x15] =	wrdreg s0;
	s0 =	simm.s32 $0x6  }
.LBB2_1:
0x21: {  	s7 =	rddreg [dreg:$0x12];
	s8 =	simm.s32 $0x0;
	s11 =	simm.s32 $0x200  }
0x22: {  	[tilespmem:s4], [sflag:$0x1] =	stream.linear.gather [hbm4b:s7+s4], $0x400, $0x38;
	[tilespmem:$0x1B800] =	vst v63  }
.LBB2_2:
0x23: {  	p0 =	sne.s32 s11, $0x6200;
	[tilespmem:s8+$0x5C70] =	vst v0  }
0x24: {  	[tilespmem:s8+$0x4000] =	vst v0  }
0x25: {  	[tilespmem:s8+$0x5C00] =	vst v0  }
0x26: {  	[tilespmem:s8+$0x4010] =	vst v0  }
0x27: {  	[tilespmem:s8+$0x5C10] =	vst v0  }
0x28: {  	[tilespmem:s8+$0x4020] =	vst v0  }
0x29: {  	[tilespmem:s8+$0x5C20] =	vst v0  }
0x2a: {  	[tilespmem:s8+$0x4030] =	vst v0  }
0x2b: {  	[tilespmem:s8+$0x5C30] =	vst v0  }
0x2c: {  	[tilespmem:s8+$0x4040] =	vst v0  }
0x2d: {  	[tilespmem:s8+$0x5C40] =	vst v0  }
.Ltmp0:
0x2e: {  	[tilespmem:s8+$0x4050] =	vst v0;
	(pc) =	sbr.rel @p0 .LBB2_2-.Ltmp0, $4  }
0x2f: {  	[tilespmem:s8+$0x5C50] =	vst v0  }
0x30: {  	[tilespmem:s8+$0x4060] =	vst v0  }
0x31: {  	[tilespmem:s8+$0x5C60] =	vst v0  }
0x32: {  	[tilespmem:s8+$0x4070] =	vst v0;
	s8 =	sshra.s32 s11, $0x2;
	s11 =	sadd.s32 $0x200, s11  }
0x33: {  	[tilespmem:s8+$0x5C70] =	vst v0  }
0x34: {  	[tilespmem:s8+$0x4000] =	vst v0  }
0x35: {  	[tilespmem:s8+$0x5C00] =	vst v0  }
0x36: {  	[tilespmem:s8+$0x4010] =	vst v0  }
0x37: {  	[tilespmem:s8+$0x5C10] =	vst v0  }
0x38: {  	[tilespmem:s8+$0x4020] =	vst v0  }
0x39: {  	[tilespmem:s8+$0x5C20] =	vst v0  }
0x3a: {  	[tilespmem:s8+$0x4030] =	vst v0  }
0x3b: {  	[tilespmem:s8+$0x5C30] =	vst v0  }
0x3c: {  	[tilespmem:s8+$0x4040] =	vst v0  }
0x3d: {  	[tilespmem:s8+$0x5C40] =	vst v0  }
0x3e: {  	[tilespmem:s8+$0x4050] =	vst v0  }
0x3f: {  	[tilespmem:s8+$0x5C50] =	vst v0  }
0x40: {  	[tilespmem:s8+$0x4060] =	vst v0  }
0x41: {  	[tilespmem:s8+$0x5C60] =	vst v0  }
0x42: {  	[tilespmem:s8+$0x4070] =	vst v0;
	s7 =	rddreg [dreg:$0x11]  }
0x43: {  	[spmem:s12], [sflag:s9] =	dma.local [hbm:s7], $0x2800  }
0x44: {  	_ =	swait.ge [sflag:s14], $0x2800  }
0x45: {  	[sflag:s14] =	ssyncset.done $0x0  }
0x46: {  	[sflag:s14] =	ssyncadd.s32 $0xFFFFD800  }
0x47: {  	[bflag:$0x0] =	sbarrier.arrive $0xFFFF  }
0x48: {  	_ =	swait.ge [sflag:s15], $0x400  }
0x49: {  	[sflag:s15] =	ssyncset.done $0x0  }
0x4a: {  	[sflag:s15] =	ssyncadd.s32 $0xFFFFFC00  }
0x4b: {  	[tilespmem:s17], [sflag:$0x3] =	stream.indirect.gather [hbm4b:s1+s16], $0x80, s4, s16, $0xb8;
	[tilespmem:$0x1B800] =	vst v63  }
0x4c: {  	_ = 	snop  }
0x4d: {  	[tilespmem:s19], [sflag:$0x4] =	stream.indirect.gather [hbm4b:s1+s16], $0x80, s18, s16, $0xb8;
	[tilespmem:$0x1B800] =	vst v63  }
0x4e: {  	_ = 	snop  }
0x4f: {  	[spmem:s2] =	stream.indirect.scatter.add.f32 [tilespmem:s21], [sflag:$0x9], $0x80, s20, s16, $0xb8;
	[tilespmem:$0x1B800] =	vst v63  }
0x50: {  	_ = 	snop  }
0x51: {  	[spmem:s2] =	stream.indirect.scatter.add.f32 [tilespmem:s22], [sflag:$0xA], $0x80, s20, s16, $0xb8;
	[tilespmem:$0x1B800] =	vst v63  }
0x52: {  	_ =	swait.ge [sflag:s23], $0x1900  }
0x53: {  	[sflag:s23] =	ssyncset.done $0x0  }
0x54: {  	[sflag:s23] =	ssyncadd.s32 $0xFFFFE700  }
0x55: {  	[spmem:s2] =	stream.indirect.scatter.add.f32 [tilespmem:s17], [sflag:$0x7], $0x80, s20, s16, $0xb8;
	[tilespmem:$0x1B800] =	vst v63  }
0x56: {  	_ =	swait.ge [sflag:s24], $0x1900  }
0x57: {  	[sflag:s24] =	ssyncset.done $0x0  }
0x58: {  	s10 =	smov.u32 s9;
	s9 =	rddreg [dreg:$0x5];
	[sflag:s24] =	ssyncadd.s32 $0xFFFFE700  }
0x59: {  	[tilespmem:s21], [sflag:$0x5] =	stream.indirect.gather [hbm4b:s1+s16], $0x80, s9, s16, $0xb8;
	[tilespmem:$0x1B800] =	vst v63  }
0x5a: {  	s12 =	rddreg [dreg:$0x15]  }
0x5b: {  	[tilespmem:s25], [sflag:$0x2] =	stream.linear.gather [hbm4b:s12+s4], $0x400, $0x38;
	[tilespmem:$0x1B800] =	vst v63  }
0x5c: {  	_ =	swait.ge [sflag:s26], $0x1900  }
0x5d: {  	[sflag:s26] =	ssyncset.done $0x0  }
0x5e: {  	s11 =	rddreg [dreg:$0x6];
	[sflag:s26] =	ssyncadd.s32 $0xFFFFE700  }
0x5f: {  	[spmem:s2] =	stream.indirect.scatter.add.f32 [tilespmem:s19], [sflag:$0x8], $0x80, s11, s16, $0xb8;
	[tilespmem:$0x1B800] =	vst v63  }
0x60: {  	_ =	swait.ge [sflag:s28], $0x1900  }
0x61: {  	[sflag:s28] =	ssyncset.done $0x0  }
0x62: {  	s7 =	rddreg [dreg:$0x7];
	[sflag:s28] =	ssyncadd.s32 $0xFFFFE700  }
0x63: {  	[tilespmem:s22], [sflag:$0x6] =	stream.indirect.gather [hbm4b:s1+s16], $0x80, s7, s16, $0xb8;
	[tilespmem:$0x1B800] =	vst v63  }
0x64: {  	_ =	swait.ge [sflag:s29], $0x1900  }
0x65: {  	[sflag:s29] =	ssyncset.done $0x0  }
0x66: {  	s9 =	rddreg [dreg:$0x8];
	[sflag:s29] =	ssyncadd.s32 $0xFFFFE700  }
0x67: {  	[spmem:s2] =	stream.indirect.scatter.add.f32 [tilespmem:s21], [sflag:$0x9], $0x80, s9, s16, $0xb8;
	[tilespmem:$0x1B800] =	vst v63  }
0x68: {  	_ =	swait.ge [sflag:s30], $0x1900  }
0x69: {  	[sflag:s30] =	ssyncset.done $0x0  }
0x6a: {  	[sflag:s30] =	ssyncadd.s32 $0xFFFFE700  }
0x6b: {  	_ =	swait.ge [sflag:s31], $0x400  }
0x6c: {  	[sflag:s31] =	ssyncset.done $0x0  }
0x6d: {  	[sflag:s31] =	ssyncadd.s32 $0xFFFFFC00  }
0x6e: {  	[tilespmem:s17], [sflag:$0x3] =	stream.indirect.gather [hbm4b:s1+s16], $0x80, s25, s16, $0xb8;
	[tilespmem:$0x1B800] =	vst v63  }
0x6f: {  	_ =	swait.ge [sflag:s0], $0x1900  }
0x70: {  	[sflag:s0] =	ssyncset.done $0x0  }
0x71: {  	s11 =	rddreg [dreg:$0x9];
	[sflag:s0] =	ssyncadd.s32 $0xFFFFE700  }
0x72: {  	[spmem:s2] =	stream.indirect.scatter.add.f32 [tilespmem:s22], [sflag:$0xA], $0x80, s11, s16, $0xb8;
	[tilespmem:$0x1B800] =	vst v63  }
0x73: {  	_ =	swait.ge [sflag:s3], $0x1900  }
0x74: {  	[sflag:s3] =	ssyncset.done $0x0  }
0x75: {  	s7 =	rddreg [dreg:$0xa];
	[sflag:s3] =	ssyncadd.s32 $0xFFFFE700  }
0x76: {  	[tilespmem:s19], [sflag:$0x4] =	stream.indirect.gather [hbm4b:s1+s16], $0x80, s7, s16, $0xb8;
	[tilespmem:$0x1B800] =	vst v63  }
0x77: {  	_ =	swait.ge [sflag:s23], $0x1900  }
0x78: {  	[sflag:s23] =	ssyncset.done $0x0  }
0x79: {  	s9 =	rddreg [dreg:$0xb];
	[sflag:s23] =	ssyncadd.s32 $0xFFFFE700  }
0x7a: {  	[spmem:s2] =	stream.indirect.scatter.add.f32 [tilespmem:s17], [sflag:$0x7], $0x80, s9, s16, $0xb8;
	[tilespmem:$0x1B800] =	vst v63  }
0x7b: {  	_ =	swait.ge [sflag:s24], $0x1900  }
0x7c: {  	s11 =	rddreg [dreg:$0x4]  }
0x7d: {  	s7 =	rddreg [dreg:$0xc];
	[sflag:s24] =	ssyncset.done $0x0;
	s8 =	sadd.s32 $0x8, s11  }
0x7e: {  	s11 =	smov.u32 s13;
	[sflag:s24] =	ssyncadd.s32 $0xFFFFE700;
	p0 =	slt.s32 s8, s13  }
0x7f: {  	[tilespmem:s21], [sflag:$0x5] =	stream.indirect.gather [hbm4b:s1+s16], $0x80, s7, s16, $0xb8;
	[tilespmem:$0x1B800] =	vst v63  }
0x80: {  	s11 =	smov.u32 @p0 s8  }
0x81: {  	s11 =	sshll.u32 s11, $0x5  }
0x82: {  	s11 =	sand.u32 $0x1FFFFF80, s11  }
0x83: {  	s9 =	sadd.s32 s5, s11  }
0x84: {  	[tilespmem:s4], [sflag:$0x1] =	stream.linear.gather [hbm4b:s9+s4], $0x400, $0x38;
	[tilespmem:$0x1B800] =	vst v63  }
0x85: {  	_ =	swait.ge [sflag:s26], $0x1900  }
0x86: {  	[sflag:s26] =	ssyncset.done $0x0  }
0x87: {  	s11 =	rddreg [dreg:$0xd];
	[sflag:s26] =	ssyncadd.s32 $0xFFFFE700  }
0x88: {  	[spmem:s2] =	stream.indirect.scatter.add.f32 [tilespmem:s19], [sflag:$0x8], $0x80, s11, s16, $0xb8;
	[tilespmem:$0x1B800] =	vst v63  }
0x89: {  	_ =	swait.ge [sflag:s28], $0x1900  }
0x8a: {  	[sflag:s28] =	ssyncset.done $0x0  }
0x8b: {  	s7 =	rddreg [dreg:$0xe];
	[sflag:s28] =	ssyncadd.s32 $0xFFFFE700  }
0x8c: {  	[tilespmem:s22], [sflag:$0x6] =	stream.indirect.gather [hbm4b:s1+s16], $0x80, s7, s16, $0xb8;
	[tilespmem:$0x1B800] =	vst v63  }
0x8d: {  	_ =	swait.ge [sflag:s29], $0x1900  }
0x8e: {  	[sflag:s29] =	ssyncset.done $0x0  }
0x8f: {  	s9 =	rddreg [dreg:$0xf];
	[sflag:s29] =	ssyncadd.s32 $0xFFFFE700  }
0x90: {  	[spmem:s2] =	stream.indirect.scatter.add.f32 [tilespmem:s21], [sflag:$0x9], $0x80, s9, s16, $0xb8;
	[tilespmem:$0x1B800] =	vst v63  }
0x91: {  	_ =	swait.ge [sflag:s30], $0x1900  }
0x92: {  	[sflag:s30] =	ssyncset.done $0x0  }
0x93: {  	[sflag:s30] =	ssyncadd.s32 $0xFFFFE700  }
0x94: {  	_ =	swait.ge [sflag:s15], $0x400  }
0x95: {  	[sflag:s15] =	ssyncset.done $0x0  }
0x96: {  	[sflag:s15] =	ssyncadd.s32 $0xFFFFFC00  }
0x97: {  	[tilespmem:s17], [sflag:$0x3] =	stream.indirect.gather [hbm4b:s1+s16], $0x80, s4, s16, $0xb8;
	[tilespmem:$0x1B800] =	vst v63  }
0x98: {  	_ =	swait.ge [sflag:s0], $0x1900  }
0x99: {  	[sflag:s0] =	ssyncset.done $0x0  }
0x9a: {  	s11 =	rddreg [dreg:$0x10];
	[sflag:s0] =	ssyncadd.s32 $0xFFFFE700  }
0x9b: {  	[spmem:s2] =	stream.indirect.scatter.add.f32 [tilespmem:s22], [sflag:$0xA], $0x80, s11, s16, $0xb8;
	[tilespmem:$0x1B800] =	vst v63  }
0x9c: {  	s8 =	simm.s32 $0x10;
	_ =	swait.ge [sflag:s3], $0x1900  }
.LBB2_4:
0x9d: {  	[sflag:s3] =	ssyncset.done $0x0  }
0x9e: {  	[sflag:s3] =	ssyncadd.s32 $0xFFFFE700  }
0x9f: {  	[tilespmem:s19], [sflag:$0x4] =	stream.indirect.gather [hbm4b:s1+s16], $0x80, s18, s16, $0xb8;
	[tilespmem:$0x1B800] =	vst v63  }
0xa0: {  	_ =	swait.ge [sflag:s23], $0x1900  }
0xa1: {  	[sflag:s23] =	ssyncset.done $0x0  }
0xa2: {  	[sflag:s23] =	ssyncadd.s32 $0xFFFFE700  }
0xa3: {  	[spmem:s2] =	stream.indirect.scatter.add.f32 [tilespmem:s17], [sflag:$0x7], $0x80, s20, s16, $0xb8;
	[tilespmem:$0x1B800] =	vst v63  }
0xa4: {  	_ =	swait.ge [sflag:s24], $0x1900  }
0xa5: {  	[sflag:s24] =	ssyncset.done $0x0  }
0xa6: {  	s9 =	rddreg [dreg:$0x5];
	[sflag:s24] =	ssyncadd.s32 $0xFFFFE700  }
0xa7: {  	[tilespmem:s21], [sflag:$0x5] =	stream.indirect.gather [hbm4b:s1+s16], $0x80, s9, s16, $0xb8;
	[tilespmem:$0x1B800] =	vst v63  }
0xa8: {  	s12 =	sadd.s32 $0x100, s12  }
0xa9: {  	[tilespmem:s25], [sflag:$0x2] =	stream.linear.gather [hbm4b:s12+s4], $0x400, $0x38;
	[tilespmem:$0x1B800] =	vst v63  }
0xaa: {  	_ =	swait.ge [sflag:s26], $0x1900  }
0xab: {  	[sflag:s26] =	ssyncset.done $0x0  }
0xac: {  	s7 =	rddreg [dreg:$0x6];
	[sflag:s26] =	ssyncadd.s32 $0xFFFFE700  }
0xad: {  	[spmem:s2] =	stream.indirect.scatter.add.f32 [tilespmem:s19], [sflag:$0x8], $0x80, s7, s16, $0xb8;
	[tilespmem:$0x1B800] =	vst v63  }
0xae: {  	_ =	swait.ge [sflag:s28], $0x1900  }
0xaf: {  	[sflag:s28] =	ssyncset.done $0x0  }
0xb0: {  	s7 =	rddreg [dreg:$0x7];
	[sflag:s28] =	ssyncadd.s32 $0xFFFFE700  }
0xb1: {  	[tilespmem:s22], [sflag:$0x6] =	stream.indirect.gather [hbm4b:s1+s16], $0x80, s7, s16, $0xb8;
	[tilespmem:$0x1B800] =	vst v63  }
0xb2: {  	_ =	swait.ge [sflag:s29], $0x1900  }
0xb3: {  	[sflag:s29] =	ssyncset.done $0x0  }
0xb4: {  	s7 =	rddreg [dreg:$0x8];
	[sflag:s29] =	ssyncadd.s32 $0xFFFFE700  }
0xb5: {  	[spmem:s2] =	stream.indirect.scatter.add.f32 [tilespmem:s21], [sflag:$0x9], $0x80, s7, s16, $0xb8;
	[tilespmem:$0x1B800] =	vst v63  }
0xb6: {  	_ =	swait.ge [sflag:s30], $0x1900  }
0xb7: {  	[sflag:s30] =	ssyncset.done $0x0  }
0xb8: {  	[sflag:s30] =	ssyncadd.s32 $0xFFFFE700  }
0xb9: {  	_ =	swait.ge [sflag:s31], $0x400  }
0xba: {  	[sflag:s31] =	ssyncset.done $0x0  }
0xbb: {  	[sflag:s31] =	ssyncadd.s32 $0xFFFFFC00  }
0xbc: {  	[tilespmem:s17], [sflag:$0x3] =	stream.indirect.gather [hbm4b:s1+s16], $0x80, s25, s16, $0xb8;
	[tilespmem:$0x1B800] =	vst v63  }
0xbd: {  	_ =	swait.ge [sflag:s0], $0x1900  }
0xbe: {  	[sflag:s0] =	ssyncset.done $0x0  }
0xbf: {  	s7 =	rddreg [dreg:$0x9];
	[sflag:s0] =	ssyncadd.s32 $0xFFFFE700  }
0xc0: {  	[spmem:s2] =	stream.indirect.scatter.add.f32 [tilespmem:s22], [sflag:$0xA], $0x80, s7, s16, $0xb8;
	[tilespmem:$0x1B800] =	vst v63  }
0xc1: {  	_ =	swait.ge [sflag:s3], $0x1900  }
0xc2: {  	[sflag:s3] =	ssyncset.done $0x0  }
0xc3: {  	s7 =	rddreg [dreg:$0xa];
	[sflag:s3] =	ssyncadd.s32 $0xFFFFE700  }
0xc4: {  	[tilespmem:s19], [sflag:$0x4] =	stream.indirect.gather [hbm4b:s1+s16], $0x80, s7, s16, $0xb8;
	[tilespmem:$0x1B800] =	vst v63  }
0xc5: {  	_ =	swait.ge [sflag:s23], $0x1900  }
0xc6: {  	[sflag:s23] =	ssyncset.done $0x0  }
0xc7: {  	s7 =	rddreg [dreg:$0xb];
	[sflag:s23] =	ssyncadd.s32 $0xFFFFE700  }
0xc8: {  	[spmem:s2] =	stream.indirect.scatter.add.f32 [tilespmem:s17], [sflag:$0x7], $0x80, s7, s16, $0xb8;
	[tilespmem:$0x1B800] =	vst v63  }
0xc9: {  	_ =	swait.ge [sflag:s24], $0x1900  }
0xca: {  	s11 =	smov.u32 s8;
	s7 =	rddreg [dreg:$0x4]  }
0xcb: {  	[sflag:s24] =	ssyncset.done $0x0;
	s9 =	sadd.s32 s11, s7;
	s11 =	rddreg [dreg:$0xc]  }
0xcc: {  	s7 =	smov.u32 s13;
	[sflag:s24] =	ssyncadd.s32 $0xFFFFE700;
	p1 =	slt.s32 s9, s13  }
0xcd: {  	[tilespmem:s21], [sflag:$0x5] =	stream.indirect.gather [hbm4b:s1+s16], $0x80, s11, s16, $0xb8;
	[tilespmem:$0x1B800] =	vst v63  }
0xce: {  	s7 =	smov.u32 @p1 s9  }
0xcf: {  	s7 =	sshll.u32 s7, $0x5  }
0xd0: {  	s7 =	sand.u32 $0x1FFFFF80, s7  }
0xd1: {  	s7 =	sadd.s32 s5, s7  }
0xd2: {  	[tilespmem:s4], [sflag:$0x1] =	stream.linear.gather [hbm4b:s7+s4], $0x400, $0x38;
	[tilespmem:$0x1B800] =	vst v63  }
0xd3: {  	_ =	swait.ge [sflag:s26], $0x1900  }
0xd4: {  	[sflag:s26] =	ssyncset.done $0x0  }
0xd5: {  	s9 =	rddreg [dreg:$0xd];
	[sflag:s26] =	ssyncadd.s32 $0xFFFFE700  }
0xd6: {  	[spmem:s2] =	stream.indirect.scatter.add.f32 [tilespmem:s19], [sflag:$0x8], $0x80, s9, s16, $0xb8;
	[tilespmem:$0x1B800] =	vst v63  }
0xd7: {  	_ =	swait.ge [sflag:s28], $0x1900  }
0xd8: {  	[sflag:s28] =	ssyncset.done $0x0  }
0xd9: {  	s11 =	rddreg [dreg:$0xe];
	[sflag:s28] =	ssyncadd.s32 $0xFFFFE700  }
0xda: {  	[tilespmem:s22], [sflag:$0x6] =	stream.indirect.gather [hbm4b:s1+s16], $0x80, s11, s16, $0xb8;
	[tilespmem:$0x1B800] =	vst v63  }
0xdb: {  	_ =	swait.ge [sflag:s29], $0x1900  }
0xdc: {  	[sflag:s29] =	ssyncset.done $0x0  }
0xdd: {  	s9 =	rddreg [dreg:$0xf];
	[sflag:s29] =	ssyncadd.s32 $0xFFFFE700  }
0xde: {  	[spmem:s2] =	stream.indirect.scatter.add.f32 [tilespmem:s21], [sflag:$0x9], $0x80, s9, s16, $0xb8;
	[tilespmem:$0x1B800] =	vst v63  }
0xdf: {  	_ =	swait.ge [sflag:s30], $0x1900  }
0xe0: {  	[sflag:s30] =	ssyncset.done $0x0  }
0xe1: {  	[sflag:s30] =	ssyncadd.s32 $0xFFFFE700  }
0xe2: {  	_ =	swait.ge [sflag:s15], $0x400  }
0xe3: {  	[sflag:s15] =	ssyncset.done $0x0  }
0xe4: {  	p0 =	sne.s32 s8, $0xC8;
	[sflag:s15] =	ssyncadd.s32 $0xFFFFFC00  }
0xe5: {  	[tilespmem:s17], [sflag:$0x3] =	stream.indirect.gather [hbm4b:s1+s16], $0x80, s4, s16, $0xb8;
	[tilespmem:$0x1B800] =	vst v63  }
.Ltmp1:
0xe6: {  	_ =	swait.ge [sflag:s0], $0x1900;
	(pc) =	sbr.rel @p0 .LBB2_4-.Ltmp1, $4  }
0xe7: {  	[sflag:s0] =	ssyncset.done $0x0  }
0xe8: {  	s11 =	rddreg [dreg:$0x10];
	[sflag:s0] =	ssyncadd.s32 $0xFFFFE700  }
0xe9: {  	[spmem:s2] =	stream.indirect.scatter.add.f32 [tilespmem:s22], [sflag:$0xA], $0x80, s11, s16, $0xb8;
	[tilespmem:$0x1B800] =	vst v63  }
0xea: {  	s8 =	sadd.s32 $0x8, s8;
	_ =	swait.ge [sflag:s3], $0x1900  }
0xeb: {  	[sflag:s3] =	ssyncset.done $0x0  }
0xec: {  	[sflag:s3] =	ssyncadd.s32 $0xFFFFE700  }
0xed: {  	[tilespmem:s19], [sflag:$0x4] =	stream.indirect.gather [hbm4b:s1+s16], $0x80, s18, s16, $0xb8;
	[tilespmem:$0x1B800] =	vst v63  }
0xee: {  	_ =	swait.ge [sflag:s24], $0x1900  }
0xef: {  	[sflag:s24] =	ssyncset.done $0x0  }
0xf0: {  	[sflag:s24] =	ssyncadd.s32 $0xFFFFE700  }
0xf1: {  	_ =	swait.ge [sflag:s28], $0x1900  }
0xf2: {  	[sflag:s28] =	ssyncset.done $0x0  }
0xf3: {  	[sflag:s28] =	ssyncadd.s32 $0xFFFFE700  }
0xf4: {  	_ =	swait.ge [sflag:s23], $0x1900  }
0xf5: {  	[sflag:s23] =	ssyncset.done $0x0  }
0xf6: {  	[sflag:s23] =	ssyncadd.s32 $0xFFFFE700  }
0xf7: {  	_ =	swait.ge [sflag:s26], $0x1900  }
0xf8: {  	[sflag:s26] =	ssyncset.done $0x0  }
0xf9: {  	[sflag:s26] =	ssyncadd.s32 $0xFFFFE700  }
0xfa: {  	[bflag:$0x0] =	sbarrier.arrive $0xFFFF  }
0xfb: {  	s7 =	rddreg [dreg:$0x13]  }
0xfc: {  	s12 =	rddreg [dreg:$0x16]  }
0xfd: {  	[hbm:s7], [sflag:s10] =	dma.local [spmem:s12], $0x2800  }
0xfe: {  	_ =	swait.ge [sflag:s14], $0x2800  }
0xff: {  	s6 =	sadd.s32 $0x1, s6;
	s11 =	rddreg [dreg:$0x14]  }
0x100: {  	p0 =	sne.s32 s6, s11  }
.Ltmp2:
0x101: {  	_ = 	snop;
	(pc) =	sbr.rel @p0 .LBB2_1-.Ltmp2, $3  }
0x102: {  	_ =	sdelay $0x1  }
0x103: {  	[sflag:s14] =	ssyncset.done $0x0  }
0x104: {  	s9 =	smov.u32 s10;
	[sflag:s14] =	ssyncadd.s32 $0xFFFFD800  }
0x105: {  	_ =	sfence.sel $0x180000  }
0x106: {  	[bflag:$0x0] =	sbarrier.arrive $0xFFFF  }
0x107: {  	_ =	strace $0x9000004D  }
0x108: {  	s0 =	stileid.u32;
	[bflag:$0x2] =	sbarrier.arrive $0xFFFF  }
0x109: {  	p0 =	sne.s32 s0, $0x0;
	s0 =	rddreg [dreg:$0x3]  }
0x10a: {  	s0 =	sadd.s32 @!p0 $0x100000, s0  }
0x10b: {  	[sflag:s0] =	ssyncadd.tile.s32 @!p0 $0x1;
	_ =	shalt  }
.Lfunc_end2:
_tile_overlayer_lowered:
.L_overlay_start_2:
0x10c: {  	(tag) =	ssettag $0x2  }
0x10d: {  	s0 =	rddreg [dreg:$0x0];
	s2 =	stileid.u32  }
0x10e: {  	s1 =	rddreg [dreg:$0x1];
	p0 =	sne.s32 s2, $0x0  }
0x10f: {  	s3 =	rddreg [dreg:$0x2];
	[bflag:$0x3] =	sbarrier.arrive $0xFFFF;
	s2 =	simm.s32 @!p0 $0x1C0B  }
0x110: {  	[timem:s3], [sflag:s2] =	dma.local @!p0 [hbm:s0], s1  }
0x111: {  	s0 =	simm.s32 @!p0 $0xB  }
0x112: {  	_ =	swait.ge @!p0 [sflag:s0], s1  }
0x113: {  	s1 =	ssub.s32 @!p0 $0x0, s1;
	[sflag:s0] =	ssyncset.done @!p0 $0x0  }
0x114: {  	[sflag:s0] =	ssyncadd.s32 @!p0 s1  }
0x115: {  	[bflag:$0x3] =	sbarrier.arrive $0xFFFF  }
0x116: {  	_ =	shalt  }

// kernel: kernel.23.cloned.1.call-start
scs
__scs_entry_jumppad:
0x0: {  	(pc) =	sbr.rel $0x88, $3  }
0x1: {  	(tag) =	ssettag $0x0;
	lr =	simm.s32 $0x1  }
0x2: {  	[smem:$0x3F9B] =	sst lr;
	_ =	strace $0xD0000000  }
0x3: {  	_ = 	snop  }
0x4: {  	_ = 	snop  }
0x5: {  	_ = 	snop  }
0x6: {  	_ = 	snop  }
0x7: {  	_ = 	snop  }
__scs_overlays_trampoline_lowered:
0x8: {  	[smem:$0x3FAA] =	sst s0  }
0x9: {  	[smem:$0x3FAB] =	sst s1  }
0xa: {  	[smem:$0x3FAC] =	sst s2  }
0xb: {  	[smem:$0x3FAD] =	sst s3  }
0xc: {  	[smem:$0x3FAE] =	sst s4  }
0xd: {  	[smem:$0x3FAF] =	sst s5  }
0xe: {  	[smem:$0x3FB0] =	sst s6  }
0xf: {  	[smem:$0x3FB1] =	sst s7  }
0x10: {  	[smem:$0x3FB2] =	sst s8  }
0x11: {  	[smem:$0x3FB3] =	sst s9;
	s0 =	simm.s32 @!p0 $0x0  }
0x12: {  	s1 =	sld [smem:$0x3F99];
	s0 =	simm.s32 @p0 $0x1  }
0x13: {  	[smem:$0x3FB4] =	sst s0;
	s0 =	simm.s32 @!p1 $0x0  }
0x14: {  	s2 =	sld [smem:$0x3F98];
	s0 =	simm.s32 @p1 $0x1  }
0x15: {  	[smem:$0x3FB5] =	sst s0;
	s0 =	simm.s32 @!p2 $0x0  }
0x16: {  	s3 =	sld [smem:$0x3FDB];
	s0 =	simm.s32 @p2 $0x1  }
0x17: {  	s4 =	simm.s32 $0x1BF5;
	[smem:$0x3FB7] =	sst s0  }
0x18: {  	s0 =	sld [smem:$0x3F9A];
	_ =	swait.ge [sflag:s4], $0x0  }
0x19: {  	s7 =	sld [smem:$0x3F9B]  }
0x1a: {  	s8 =	sadd.s32 $0xFFFFE003, lr  }
0x1b: {  	s9 =	sadd.s32 $0xFFFFFEF7, lr;
	s5 =	simm.s32 $0xFFFFFFFF;
	p2 =	slt.u32 s8, $0xFFFFF086  }
0x1c: {  	p1 =	slt.u32 s9, $0xF7A;
	s5 =	simm.s32 @!p2 $0x0  }
0x1d: {  	s5 =	simm.s32 @p1 $0x1;
	p0 =	seq.s32 s7, s2  }
0x1e: {  	s7 =	smul.u32 @!p0 $0xF7A, s2;
	p2 =	seq.s32 @!p0 s5, $0x0  }
0x1f: {  	s9 =	smul.u32 $0xF7A, s1;
	s8 =	simm.s32 @!p0 $0x1BF5;
	p2 =	por !p2, p0  }
0x20: {  	[sflag:s8] =	ssyncset.s32 @!p0 $0xFFFFF086;
	s6 =	sadd.s32 @!p0 s3, s7;
	s7 =	simm.s32 @!p0 $0x108  }
0x21: {  	s3 =	sadd.s32 s3, s9;
	s6 =	sadd.s32 @!p0 $0x88, s6;
	s7 =	simm.s32 @p2 $0x1082  }
0x22: {  	[simem:s7], [sflag:s8] =	dma.local @!p0 [hbm:s6], $0xF7A  }
0x23: {  	s9 =	sor.u32 $0xD0000000, s2;
	s6 =	simm.s32 $0x108;
	_ =	swait.ge @!p0 [sflag:s8], $0x0  }
0x24: {  	s3 =	sadd.s32 $0x88, s3;
	s6 =	simm.s32 @!p1 $0x1082;
	[sflag:s4] =	ssyncset.s32 $0xFFFFF086  }
0x25: {  	[simem:s6], [sflag:s4] =	dma.local [hbm:s3], $0xF7A  }
0x26: {  	[smem:$0x3F9B] =	sst s1;
	(tag) =	ssettag s2;
	_ =	strace s9  }
0x27: {  	s1 =	sld [smem:$0x3FAB]  }
0x28: {  	s2 =	sld [smem:$0x3FAC]  }
0x29: {  	s4 =	sld [smem:$0x3FAE]  }
0x2a: {  	p0 =	seq.s32 s5, $0x0;
	s5 =	sld [smem:$0x3FAF]  }
0x2b: {  	s6 =	sld [smem:$0x3FB0]  }
0x2c: {  	s7 =	sld [smem:$0x3FB1]  }
0x2d: {  	s3 =	simm.s32 $0x108;
	s8 =	sld [smem:$0x3FB2]  }
0x2e: {  	s3 =	simm.s32 @!p0 $0x1082;
	s9 =	sld [smem:$0x3FB3]  }
0x2f: {  	lr =	sadd.s32 s0, s3;
	s0 =	sld [smem:$0x3FAA]  }
0x30: {  	s3 =	sld [smem:$0x3FAD]  }
0x31: {  	[smem:$0x3FB6] =	sst s10  }
0x32: {  	s10 =	sld [smem:$0x3FB4];
	_ =	sdelay $0x3  }
0x33: {  	p0 =	seq.s32 s10, $0x1;
	s10 =	sld [smem:$0x3FB6];
	_ =	sdelay $0x3  }
0x34: {  	[smem:$0x3FB6] =	sst s10  }
0x35: {  	s10 =	sld [smem:$0x3FB5];
	_ =	sdelay $0x3  }
0x36: {  	p1 =	seq.s32 s10, $0x1;
	s10 =	sld [smem:$0x3FB6];
	_ =	sdelay $0x3  }
0x37: {  	[smem:$0x3FB6] =	sst s10  }
0x38: {  	s10 =	sld [smem:$0x3FB7]  }
0x39: {  	_ = 	snop;
	(pc) =	sbr.ind lr, $3  }
0x3a: {  	_ = 	snop  }
0x3b: {  	_ = 	snop  }
0x3c: {  	p2 =	seq.s32 s10, $0x1;
	s10 =	sld [smem:$0x3FB6]  }
0x3d: {  	_ =	shalt  }
0x3e: {  	_ =	shalt  }
0x3f: {  	_ =	shalt  }
0x40: {  	_ =	shalt  }
0x41: {  	_ =	shalt  }
0x42: {  	_ =	shalt  }
0x43: {  	_ =	shalt  }
0x44: {  	_ =	shalt  }
0x45: {  	_ =	shalt  }
0x46: {  	_ =	shalt  }
0x47: {  	_ =	shalt  }
0x48: {  	_ =	shalt  }
0x49: {  	_ =	shalt  }
0x4a: {  	_ =	shalt  }
0x4b: {  	_ =	shalt  }
0x4c: {  	_ =	shalt  }
0x4d: {  	_ =	shalt  }
0x4e: {  	_ =	shalt  }
0x4f: {  	_ =	shalt  }
0x50: {  	_ =	shalt  }
0x51: {  	_ =	shalt  }
0x52: {  	_ =	shalt  }
0x53: {  	_ =	shalt  }
0x54: {  	_ =	shalt  }
0x55: {  	_ =	shalt  }
0x56: {  	_ =	shalt  }
0x57: {  	_ =	shalt  }
0x58: {  	_ =	shalt  }
0x59: {  	_ =	shalt  }
0x5a: {  	_ =	shalt  }
0x5b: {  	_ =	shalt  }
0x5c: {  	_ =	shalt  }
0x5d: {  	_ =	shalt  }
0x5e: {  	_ =	shalt  }
0x5f: {  	_ =	shalt  }
0x60: {  	_ =	shalt  }
0x61: {  	_ =	shalt  }
0x62: {  	_ =	shalt  }
0x63: {  	_ =	shalt  }
0x64: {  	_ =	shalt  }
0x65: {  	_ =	shalt  }
0x66: {  	_ =	shalt  }
0x67: {  	_ =	shalt  }
0x68: {  	_ =	shalt  }
0x69: {  	_ =	shalt  }
0x6a: {  	_ =	shalt  }
0x6b: {  	_ =	shalt  }
0x6c: {  	_ =	shalt  }
0x6d: {  	_ =	shalt  }
0x6e: {  	_ =	shalt  }
0x6f: {  	_ =	shalt  }
0x70: {  	_ =	shalt  }
0x71: {  	_ =	shalt  }
0x72: {  	_ =	shalt  }
0x73: {  	_ =	shalt  }
0x74: {  	_ =	shalt  }
0x75: {  	_ =	shalt  }
0x76: {  	_ =	shalt  }
0x77: {  	_ =	shalt  }
0x78: {  	_ =	shalt  }
0x79: {  	_ =	shalt  }
0x7a: {  	_ =	shalt  }
0x7b: {  	_ =	shalt  }
0x7c: {  	_ =	shalt  }
0x7d: {  	_ =	shalt  }
0x7e: {  	_ =	shalt  }
0x7f: {  	_ =	shalt  }
0x80: {  	_ =	shalt  }
0x81: {  	_ =	shalt  }
0x82: {  	_ =	shalt  }
0x83: {  	_ =	shalt  }
0x84: {  	_ =	shalt  }
0x85: {  	_ =	shalt  }
0x86: {  	_ =	shalt  }
0x87: {  	_ =	shalt  }
.Lfunc_end0:
.L_simem_size_0:
called_computation.3_lowered:
.L_overlay_start_0:
0x88: {  	s2 =	sld [smem:$0x3FD9]  }
0x89: {  	s3 =	sld [smem:$0x3FFE];
	_ =	sdelay $0x1  }
0x8a: {  	s1 =	srdreg.scid  }
0x8b: {  	s0 =	sand.u32 $0x1, s1  }
0x8c: {  	s17 =	sshll.u32 s0, $0xA;
	s2 =	sadd.s32 s3, s2  }
0x8d: {  	s2 =	sadd.s32 s2, s17  }
0x8e: {  	[smem:$0x3FC2] =	sst s2  }
0x8f: {  	_ = 	snop  }
0x90: {  	s2 =	sld [smem:$0x3FD0];
	(tm) =	ssettm $0x1  }
0x91: {  	s18 =	sld [smem:$0x3FFB];
	_ =	sdelay $0x3  }
0x92: {  	_ =	strace s18  }
0x93: {  	s3 =	sld [smem:$0x3FFC];
	_ =	sdelay $0x3  }
0x94: {  	_ =	strace s3  }
0x95: {  	s3 =	sld [smem:$0x3FFD];
	_ =	sdelay $0x3  }
0x96: {  	_ =	strace s3  }
0x97: {  	_ =	strace $0x8FFFFFFF  }
0x98: {  	s19 =	sld [smem:$0x3FDB];
	_ =	sdelay $0x1  }
0x99: {  	s4 =	simm.s32 $_scs_section_size  }
0x9a: {  	s5 =	simm.s32 $_size__tile_overlayer_lowered;
	s6 =	simm.s32 $_tile_overlayer_lowered  }
0x9b: {  	s22 =	simm.s32 $0x1BFF;
	s21 =	sshll.u32 s6, $0x1;
	s3 =	sadd.s32 s4, s19  }
0x9c: {  	s7 =	simm.s32 $0x0;
	s20 =	sshll.u32 s5, $0x1;
	s5 =	sadd.s32 s21, s3  }
0x9d: {  	[timem:s7], [sflag:s22] =	dma.local [hbm:s5], s20  }
0x9e: {  	_ =	swait.ge [sflag:s22], s20  }
0x9f: {  	s4 =	ssub.s32 $0x0, s20;
	[sflag:s22] =	ssyncset.done $0x0  }
0xa0: {  	[sflag:s22] =	ssyncadd.s32 s4;
	_ =	sdelay $0x1  }
0xa1: {  	s23 =	simm.s32 $0x1B8B  }
0xa2: {  	_ =	swait.ge [sflag:s23], $0x1  }
0xa3: {  	[sflag:s23] =	ssyncset.done $0x0  }
0xa4: {  	s25 =	simm.s32 $0x1B8E;
	s24 =	sld [smem:$0x3FFE];
	[sflag:s23] =	ssyncadd.s32 $0xFFFFFFFF  }
0xa5: {  	s26 =	simm.s32 $execute0_lowered;
	[smem:$0x3FD2] =	sst s25  }
0xa6: {  	s5 =	sshll.u32 s26, $0x1;
	_ =	strace $0x8000004F;
	[dreg:$0x1] =	wrdreg $0xFFFFFFFF  }
0xa7: {  	s28 =	simm.s32 $_size_execute0_lowered;
	s3 =	sadd.s32 s3, s5;
	[dreg:$0x0] =	wrdreg $0x0  }
0xa8: {  	s5 =	sshll.u32 s28, $0x1;
	[dreg:$0x2] =	wrdreg s3  }
0xa9: {  	[dreg:$0x3] =	wrdreg s5  }
0xaa: {  	[dreg:$0x4] =	wrdreg $0xC0  }
0xab: {  	_ =	task [dreg:s7], $0x5FFFF  }
0xac: {  	[dreg:$0x1] =	wrdreg $0xFFFFFFFF  }
0xad: {  	[dreg:$0x0] =	wrdreg $0x60  }
0xae: {  	[dreg:$0x2] =	wrdreg s2  }
0xaf: {  	[dreg:$0x3] =	wrdreg s24  }
0xb0: {  	[dreg:$0x4] =	wrdreg $0x78000  }
0xb1: {  	[dreg:$0x5] =	wrdreg $0x9  }
0xb2: {  	_ =	task.clear_ibuf [dreg:s7], $0x6FFFF;
	_ =	strace $0x9000004F  }
0xb3: {  	s29 =	simm.s32 $0x9;
	_ =	strace $0x80000051  }
0xb4: {  	_ =	swait.ge [sflag:s29], $0x1  }
0xb5: {  	[sflag:s29] =	ssyncadd.s32 $0xFFFFFFFF  }
0xb6: {  	_ =	strace $0x90000051  }
0xb7: {  	_ =	sfence  }
0xb8: {  	s30 =	sld [smem:$0x0];
	_ =	sdelay $0x2  }
0xb9: {  	s31 =	sshll.u32 s1, $0xD;
	s1 =	sshrl.u32 s1, $0x2  }
0xba: {  	s3 =	sand.u32 $0x4000, s31;
	s1 =	sadd.s32 s1, s30  }
0xbb: {  	s0 =	sor.u32 s3, s0;
	s1 =	sshll.u32 s1, $0x11  }
0xbc: {  	s0 =	sor.u32 s1, s0  }
0xbd: {  	s0 =	sadd.s32 $0x8F2B, s0  }
0xbe: {  	[sflag:s0] =	ssyncadd.remote.s32 $0x1  }
0xbf: {  	_ =	sfence.sel $0xFFFF  }
0xc0: {  	[dreg:$0x0] =	wrdreg $0xFFFFFFFF;
	(pc) =	sbr.abs _section_cstart, $3  }
0xc1: {  	[dreg:$0x1] =	wrdreg $0xFFFFFFFF  }
0xc2: {  	_ =	task.clear_ibuf [dreg:s7], $0x2FFFF;
	_ =	strace $0x9FFFFFFF  }
0xc3: {  	(tm) =	ssettm $0x7FFFFFFF  }
tec
execute0_lowered:
.L_overlay_start_1:
0x0: {  	(tag) =	ssettag $0x1  }
0x1: {  	s1 =	rddreg [dreg:$0x0]  }
0x2: {  	s0 =	rddreg [dreg:$0x1]  }
0x3: {  	s2 =	rddreg [dreg:$0x2];
	s3 =	srdreg.scid;
	s4 =	simm.s32 $0x0  }
0x4: {  	s12 =	stileid.u32;
	s15 =	simm.s32 $0x200;
	s16 =	simm.s32 $0x180  }
0x5: {  	s17 =	simm.s32 $0x300;
	s28 =	simm.s32 $0xA;
	s29 =	simm.s32 $0x5  }
0x6: {  	s30 =	simm.s32 $0x7;
	s31 =	simm.s32 $0x2;
	s7 =	smul.u32 $0x14000, s12  }
0x7: {  	s3 =	sand.u32 $0x1, s3;
	[smem:$0x7FF] =	sst s4;
	s10 =	smul.u32 $0x50000, s12  }
0x8: {  	s8 =	sshll.u32 s12, $0x1;
	s5 =	sadd.s32 $0x56800, s0;
	s11 =	smul.u32 $0x3200, s12  }
0x9: {  	s9 =	sadd.s32 $0x4000, s0;
	s23 =	smul.u32 $0x190, s12;
	s24 =	sshll.u32 s12, $0x6  }
0xa: {  	s6 =	smul.u32 $0x140000, s3;
	_ =	strace $0x80000050;
	[dreg:$0x11] =	wrdreg s9  }
0xb: {  	s8 =	sor.u32 s3, s8;
	s19 =	ssub.s32 $0x2, s3;
	[dreg:$0x5] =	wrdreg s15  }
0xc: {  	s25 =	smul.u32 $0xC8, s3;
	s9 =	sor.u32 $0x1C0B, s24;
	[dreg:$0x6] =	wrdreg s16  }
0xd: {  	s26 =	smul.u32 $0x1900, s3;
	[dreg:$0x7] =	wrdreg s17;
	s15 =	simm.s32 $0x1  }
0xe: {  	s16 =	simm.s32 $0x32;
	s17 =	simm.s32 $0x800;
	s18 =	smul.u32 $0xC8, s8  }
0xf: {  	s24 =	simm.s32 $0x700;
	s3 =	simm.s32 $0x8;
	s8 =	smul.u32 $0x1900, s8  }
0x10: {  	s20 =	sshrl.u32 s19, $0x1;
	s22 =	sshrl.u32 s10, $0x2;
	s11 =	sadd.s32 s11, s5  }
0x11: {  	[dreg:$0xe] =	wrdreg s24;
	s24 =	simm.s32 $0x9;
	s6 =	sadd.s32 s7, s6  }
0x12: {  	s14 =	sadd.s32 s25, s23;
	s23 =	simm.s32 $0x580;
	s25 =	simm.s32 $0x680  }
0x13: {  	s6 =	sshrl.u32 s6, $0x3;
	s13 =	sadd.s32 $0xC4, s18;
	[dreg:$0x4] =	wrdreg s14  }
0x14: {  	s21 =	sadd.s32 s5, s8;
	s8 =	sadd.s32 s22, s2;
	[dreg:$0xd] =	wrdreg s23  }
0x15: {  	s14 =	simm.s32 $0xB;
	s18 =	simm.s32 $0x280;
	[dreg:$0xf] =	wrdreg s25  }
0x16: {  	s22 =	simm.s32 $0x600;
	s23 =	simm.s32 $0x3;
	[dreg:$0x12] =	wrdreg s21  }
0x17: {  	s25 =	simm.s32 $0x400;
	s0 =	sadd.s32 s6, s0;
	[dreg:$0x8] =	wrdreg s18  }
0x18: {  	s6 =	ssub.s32 s19, s20;
	s19 =	simm.s32 $0x380;
	[dreg:$0xc] =	wrdreg s22  }
0x19: {  	s12 =	sshrl.u32 s8, $0x3;
	s20 =	simm.s32 $0x500;
	[dreg:$0x9] =	wrdreg s19  }
0x1a: {  	s21 =	simm.s32 $0x480;
	s18 =	simm.s32 $0x100;
	[dreg:$0xa] =	wrdreg s20  }
0x1b: {  	s22 =	simm.s32 $0x5C00;
	s0 =	sadd.s32 $0x6800, s0;
	[dreg:$0xb] =	wrdreg s21  }
0x1c: {  	s7 =	smax.u32 s6, $0x1;
	s19 =	simm.s32 $0x2400;
	[dreg:$0x16] =	wrdreg s12  }
0x1d: {  	s20 =	simm.s32 $0x80;
	s21 =	simm.s32 $0x4000;
	[dreg:$0x13] =	wrdreg s0  }
0x1e: {  	[dreg:$0x14] =	wrdreg s7;
	s0 =	sadd.s32 s26, s11;
	s26 =	simm.s32 $0x780  }
0x1f: {  	s6 =	simm.s32 $0x0;
	s0 =	sadd.s32 $0x80, s0;
	[dreg:$0x10] =	wrdreg s26  }
0x20: {  	v0 =	vimm.f32 $0.0e+00;
	s26 =	simm.s32 $0x4;
	[dreg:$0x15] =	wrdreg s0;
	s0 =	simm.s32 $0x6  }
.LBB2_1:
0x21: {  	s7 =	rddreg [dreg:$0x12];
	s8 =	simm.s32 $0x0;
	s11 =	simm.s32 $0x200  }
0x22: {  	[tilespmem:s4], [sflag:$0x1] =	stream.linear.gather [hbm4b:s7+s4], $0x400, $0x38;
	[tilespmem:$0x1B800] =	vst v63  }
.LBB2_2:
0x23: {  	p0 =	sne.s32 s11, $0x6200;
	[tilespmem:s8+$0x5C70] =	vst v0  }
0x24: {  	[tilespmem:s8+$0x4000] =	vst v0  }
0x25: {  	[tilespmem:s8+$0x5C00] =	vst v0  }
0x26: {  	[tilespmem:s8+$0x4010] =	vst v0  }
0x27: {  	[tilespmem:s8+$0x5C10] =	vst v0  }
0x28: {  	[tilespmem:s8+$0x4020] =	vst v0  }
0x29: {  	[tilespmem:s8+$0x5C20] =	vst v0  }
0x2a: {  	[tilespmem:s8+$0x4030] =	vst v0  }
0x2b: {  	[tilespmem:s8+$0x5C30] =	vst v0  }
0x2c: {  	[tilespmem:s8+$0x4040] =	vst v0  }
0x2d: {  	[tilespmem:s8+$0x5C40] =	vst v0  }
.Ltmp0:
0x2e: {  	[tilespmem:s8+$0x4050] =	vst v0;
	(pc) =	sbr.rel @p0 .LBB2_2-.Ltmp0, $4  }
0x2f: {  	[tilespmem:s8+$0x5C50] =	vst v0  }
0x30: {  	[tilespmem:s8+$0x4060] =	vst v0  }
0x31: {  	[tilespmem:s8+$0x5C60] =	vst v0  }
0x32: {  	[tilespmem:s8+$0x4070] =	vst v0;
	s8 =	sshra.s32 s11, $0x2;
	s11 =	sadd.s32 $0x200, s11  }
0x33: {  	[tilespmem:s8+$0x5C70] =	vst v0  }
0x34: {  	[tilespmem:s8+$0x4000] =	vst v0  }
0x35: {  	[tilespmem:s8+$0x5C00] =	vst v0  }
0x36: {  	[tilespmem:s8+$0x4010] =	vst v0  }
0x37: {  	[tilespmem:s8+$0x5C10] =	vst v0  }
0x38: {  	[tilespmem:s8+$0x4020] =	vst v0  }
0x39: {  	[tilespmem:s8+$0x5C20] =	vst v0  }
0x3a: {  	[tilespmem:s8+$0x4030] =	vst v0  }
0x3b: {  	[tilespmem:s8+$0x5C30] =	vst v0  }
0x3c: {  	[tilespmem:s8+$0x4040] =	vst v0  }
0x3d: {  	[tilespmem:s8+$0x5C40] =	vst v0  }
0x3e: {  	[tilespmem:s8+$0x4050] =	vst v0  }
0x3f: {  	[tilespmem:s8+$0x5C50] =	vst v0  }
0x40: {  	[tilespmem:s8+$0x4060] =	vst v0  }
0x41: {  	[tilespmem:s8+$0x5C60] =	vst v0  }
0x42: {  	[tilespmem:s8+$0x4070] =	vst v0;
	s7 =	rddreg [dreg:$0x11]  }
0x43: {  	[spmem:s12], [sflag:s9] =	dma.local [hbm:s7], $0x2800  }
0x44: {  	_ =	swait.ge [sflag:s14], $0x2800  }
0x45: {  	[sflag:s14] =	ssyncset.done $0x0  }
0x46: {  	[sflag:s14] =	ssyncadd.s32 $0xFFFFD800  }
0x47: {  	[bflag:$0x0] =	sbarrier.arrive $0xFFFF  }
0x48: {  	_ =	swait.ge [sflag:s15], $0x400  }
0x49: {  	[sflag:s15] =	ssyncset.done $0x0  }
0x4a: {  	[sflag:s15] =	ssyncadd.s32 $0xFFFFFC00  }
0x4b: {  	[tilespmem:s17], [sflag:$0x3] =	stream.indirect.gather [hbm4b:s1+s16], $0x80, s4, s16, $0xb8;
	[tilespmem:$0x1B800] =	vst v63  }
0x4c: {  	_ = 	snop  }
0x4d: {  	[tilespmem:s19], [sflag:$0x4] =	stream.indirect.gather [hbm4b:s1+s16], $0x80, s18, s16, $0xb8;
	[tilespmem:$0x1B800] =	vst v63  }
0x4e: {  	_ = 	snop  }
0x4f: {  	[spmem:s2] =	stream.indirect.scatter.add.f32 [tilespmem:s21], [sflag:$0x9], $0x80, s20, s16, $0xb8;
	[tilespmem:$0x1B800] =	vst v63  }
0x50: {  	_ = 	snop  }
0x51: {  	[spmem:s2] =	stream.indirect.scatter.add.f32 [tilespmem:s22], [sflag:$0xA], $0x80, s20, s16, $0xb8;
	[tilespmem:$0x1B800] =	vst v63  }
0x52: {  	_ =	swait.ge [sflag:s23], $0x1900  }
0x53: {  	[sflag:s23] =	ssyncset.done $0x0  }
0x54: {  	[sflag:s23] =	ssyncadd.s32 $0xFFFFE700  }
0x55: {  	[spmem:s2] =	stream.indirect.scatter.add.f32 [tilespmem:s17], [sflag:$0x7], $0x80, s20, s16, $0xb8;
	[tilespmem:$0x1B800] =	vst v63  }
0x56: {  	_ =	swait.ge [sflag:s24], $0x1900  }
0x57: {  	[sflag:s24] =	ssyncset.done $0x0  }
0x58: {  	s10 =	smov.u32 s9;
	s9 =	rddreg [dreg:$0x5];
	[sflag:s24] =	ssyncadd.s32 $0xFFFFE700  }
0x59: {  	[tilespmem:s21], [sflag:$0x5] =	stream.indirect.gather [hbm4b:s1+s16], $0x80, s9, s16, $0xb8;
	[tilespmem:$0x1B800] =	vst v63  }
0x5a: {  	s12 =	rddreg [dreg:$0x15]  }
0x5b: {  	[tilespmem:s25], [sflag:$0x2] =	stream.linear.gather [hbm4b:s12+s4], $0x400, $0x38;
	[tilespmem:$0x1B800] =	vst v63  }
0x5c: {  	_ =	swait.ge [sflag:s26], $0x1900  }
0x5d: {  	[sflag:s26] =	ssyncset.done $0x0  }
0x5e: {  	s11 =	rddreg [dreg:$0x6];
	[sflag:s26] =	ssyncadd.s32 $0xFFFFE700  }
0x5f: {  	[spmem:s2] =	stream.indirect.scatter.add.f32 [tilespmem:s19], [sflag:$0x8], $0x80, s11, s16, $0xb8;
	[tilespmem:$0x1B800] =	vst v63  }
0x60: {  	_ =	swait.ge [sflag:s28], $0x1900  }
0x61: {  	[sflag:s28] =	ssyncset.done $0x0  }
0x62: {  	s7 =	rddreg [dreg:$0x7];
	[sflag:s28] =	ssyncadd.s32 $0xFFFFE700  }
0x63: {  	[tilespmem:s22], [sflag:$0x6] =	stream.indirect.gather [hbm4b:s1+s16], $0x80, s7, s16, $0xb8;
	[tilespmem:$0x1B800] =	vst v63  }
0x64: {  	_ =	swait.ge [sflag:s29], $0x1900  }
0x65: {  	[sflag:s29] =	ssyncset.done $0x0  }
0x66: {  	s9 =	rddreg [dreg:$0x8];
	[sflag:s29] =	ssyncadd.s32 $0xFFFFE700  }
0x67: {  	[spmem:s2] =	stream.indirect.scatter.add.f32 [tilespmem:s21], [sflag:$0x9], $0x80, s9, s16, $0xb8;
	[tilespmem:$0x1B800] =	vst v63  }
0x68: {  	_ =	swait.ge [sflag:s30], $0x1900  }
0x69: {  	[sflag:s30] =	ssyncset.done $0x0  }
0x6a: {  	[sflag:s30] =	ssyncadd.s32 $0xFFFFE700  }
0x6b: {  	_ =	swait.ge [sflag:s31], $0x400  }
0x6c: {  	[sflag:s31] =	ssyncset.done $0x0  }
0x6d: {  	[sflag:s31] =	ssyncadd.s32 $0xFFFFFC00  }
0x6e: {  	[tilespmem:s17], [sflag:$0x3] =	stream.indirect.gather [hbm4b:s1+s16], $0x80, s25, s16, $0xb8;
	[tilespmem:$0x1B800] =	vst v63  }
0x6f: {  	_ =	swait.ge [sflag:s0], $0x1900  }
0x70: {  	[sflag:s0] =	ssyncset.done $0x0  }
0x71: {  	s11 =	rddreg [dreg:$0x9];
	[sflag:s0] =	ssyncadd.s32 $0xFFFFE700  }
0x72: {  	[spmem:s2] =	stream.indirect.scatter.add.f32 [tilespmem:s22], [sflag:$0xA], $0x80, s11, s16, $0xb8;
	[tilespmem:$0x1B800] =	vst v63  }
0x73: {  	_ =	swait.ge [sflag:s3], $0x1900  }
0x74: {  	[sflag:s3] =	ssyncset.done $0x0  }
0x75: {  	s7 =	rddreg [dreg:$0xa];
	[sflag:s3] =	ssyncadd.s32 $0xFFFFE700  }
0x76: {  	[tilespmem:s19], [sflag:$0x4] =	stream.indirect.gather [hbm4b:s1+s16], $0x80, s7, s16, $0xb8;
	[tilespmem:$0x1B800] =	vst v63  }
0x77: {  	_ =	swait.ge [sflag:s23], $0x1900  }
0x78: {  	[sflag:s23] =	ssyncset.done $0x0  }
0x79: {  	s9 =	rddreg [dreg:$0xb];
	[sflag:s23] =	ssyncadd.s32 $0xFFFFE700  }
0x7a: {  	[spmem:s2] =	stream.indirect.scatter.add.f32 [tilespmem:s17], [sflag:$0x7], $0x80, s9, s16, $0xb8;
	[tilespmem:$0x1B800] =	vst v63  }
0x7b: {  	_ =	swait.ge [sflag:s24], $0x1900  }
0x7c: {  	s11 =	rddreg [dreg:$0x4]  }
0x7d: {  	s7 =	rddreg [dreg:$0xc];
	[sflag:s24] =	ssyncset.done $0x0;
	s8 =	sadd.s32 $0x8, s11  }
0x7e: {  	s11 =	smov.u32 s13;
	[sflag:s24] =	ssyncadd.s32 $0xFFFFE700;
	p0 =	slt.s32 s8, s13  }
0x7f: {  	[tilespmem:s21], [sflag:$0x5] =	stream.indirect.gather [hbm4b:s1+s16], $0x80, s7, s16, $0xb8;
	[tilespmem:$0x1B800] =	vst v63  }
0x80: {  	s11 =	smov.u32 @p0 s8  }
0x81: {  	s11 =	sshll.u32 s11, $0x5  }
0x82: {  	s11 =	sand.u32 $0x1FFFFF80, s11  }
0x83: {  	s9 =	sadd.s32 s5, s11  }
0x84: {  	[tilespmem:s4], [sflag:$0x1] =	stream.linear.gather [hbm4b:s9+s4], $0x400, $0x38;
	[tilespmem:$0x1B800] =	vst v63  }
0x85: {  	_ =	swait.ge [sflag:s26], $0x1900  }
0x86: {  	[sflag:s26] =	ssyncset.done $0x0  }
0x87: {  	s11 =	rddreg [dreg:$0xd];
	[sflag:s26] =	ssyncadd.s32 $0xFFFFE700  }
0x88: {  	[spmem:s2] =	stream.indirect.scatter.add.f32 [tilespmem:s19], [sflag:$0x8], $0x80, s11, s16, $0xb8;
	[tilespmem:$0x1B800] =	vst v63  }
0x89: {  	_ =	swait.ge [sflag:s28], $0x1900  }
0x8a: {  	[sflag:s28] =	ssyncset.done $0x0  }
0x8b: {  	s7 =	rddreg [dreg:$0xe];
	[sflag:s28] =	ssyncadd.s32 $0xFFFFE700  }
0x8c: {  	[tilespmem:s22], [sflag:$0x6] =	stream.indirect.gather [hbm4b:s1+s16], $0x80, s7, s16, $0xb8;
	[tilespmem:$0x1B800] =	vst v63  }
0x8d: {  	_ =	swait.ge [sflag:s29], $0x1900  }
0x8e: {  	[sflag:s29] =	ssyncset.done $0x0  }
0x8f: {  	s9 =	rddreg [dreg:$0xf];
	[sflag:s29] =	ssyncadd.s32 $0xFFFFE700  }
0x90: {  	[spmem:s2] =	stream.indirect.scatter.add.f32 [tilespmem:s21], [sflag:$0x9], $0x80, s9, s16, $0xb8;
	[tilespmem:$0x1B800] =	vst v63  }
0x91: {  	_ =	swait.ge [sflag:s30], $0x1900  }
0x92: {  	[sflag:s30] =	ssyncset.done $0x0  }
0x93: {  	[sflag:s30] =	ssyncadd.s32 $0xFFFFE700  }
0x94: {  	_ =	swait.ge [sflag:s15], $0x400  }
0x95: {  	[sflag:s15] =	ssyncset.done $0x0  }
0x96: {  	[sflag:s15] =	ssyncadd.s32 $0xFFFFFC00  }
0x97: {  	[tilespmem:s17], [sflag:$0x3] =	stream.indirect.gather [hbm4b:s1+s16], $0x80, s4, s16, $0xb8;
	[tilespmem:$0x1B800] =	vst v63  }
0x98: {  	_ =	swait.ge [sflag:s0], $0x1900  }
0x99: {  	[sflag:s0] =	ssyncset.done $0x0  }
0x9a: {  	s11 =	rddreg [dreg:$0x10];
	[sflag:s0] =	ssyncadd.s32 $0xFFFFE700  }
0x9b: {  	[spmem:s2] =	stream.indirect.scatter.add.f32 [tilespmem:s22], [sflag:$0xA], $0x80, s11, s16, $0xb8;
	[tilespmem:$0x1B800] =	vst v63  }
0x9c: {  	s8 =	simm.s32 $0x10;
	_ =	swait.ge [sflag:s3], $0x1900  }
.LBB2_4:
0x9d: {  	[sflag:s3] =	ssyncset.done $0x0  }
0x9e: {  	[sflag:s3] =	ssyncadd.s32 $0xFFFFE700  }
0x9f: {  	[tilespmem:s19], [sflag:$0x4] =	stream.indirect.gather [hbm4b:s1+s16], $0x80, s18, s16, $0xb8;
	[tilespmem:$0x1B800] =	vst v63  }
0xa0: {  	_ =	swait.ge [sflag:s23], $0x1900  }
0xa1: {  	[sflag:s23] =	ssyncset.done $0x0  }
0xa2: {  	[sflag:s23] =	ssyncadd.s32 $0xFFFFE700  }
0xa3: {  	[spmem:s2] =	stream.indirect.scatter.add.f32 [tilespmem:s17], [sflag:$0x7], $0x80, s20, s16, $0xb8;
	[tilespmem:$0x1B800] =	vst v63  }
0xa4: {  	_ =	swait.ge [sflag:s24], $0x1900  }
0xa5: {  	[sflag:s24] =	ssyncset.done $0x0  }
0xa6: {  	s9 =	rddreg [dreg:$0x5];
	[sflag:s24] =	ssyncadd.s32 $0xFFFFE700  }
0xa7: {  	[tilespmem:s21], [sflag:$0x5] =	stream.indirect.gather [hbm4b:s1+s16], $0x80, s9, s16, $0xb8;
	[tilespmem:$0x1B800] =	vst v63  }
0xa8: {  	s12 =	sadd.s32 $0x100, s12  }
0xa9: {  	[tilespmem:s25], [sflag:$0x2] =	stream.linear.gather [hbm4b:s12+s4], $0x400, $0x38;
	[tilespmem:$0x1B800] =	vst v63  }
0xaa: {  	_ =	swait.ge [sflag:s26], $0x1900  }
0xab: {  	[sflag:s26] =	ssyncset.done $0x0  }
0xac: {  	s7 =	rddreg [dreg:$0x6];
	[sflag:s26] =	ssyncadd.s32 $0xFFFFE700  }
0xad: {  	[spmem:s2] =	stream.indirect.scatter.add.f32 [tilespmem:s19], [sflag:$0x8], $0x80, s7, s16, $0xb8;
	[tilespmem:$0x1B800] =	vst v63  }
0xae: {  	_ =	swait.ge [sflag:s28], $0x1900  }
0xaf: {  	[sflag:s28] =	ssyncset.done $0x0  }
0xb0: {  	s7 =	rddreg [dreg:$0x7];
	[sflag:s28] =	ssyncadd.s32 $0xFFFFE700  }
0xb1: {  	[tilespmem:s22], [sflag:$0x6] =	stream.indirect.gather [hbm4b:s1+s16], $0x80, s7, s16, $0xb8;
	[tilespmem:$0x1B800] =	vst v63  }
0xb2: {  	_ =	swait.ge [sflag:s29], $0x1900  }
0xb3: {  	[sflag:s29] =	ssyncset.done $0x0  }
0xb4: {  	s7 =	rddreg [dreg:$0x8];
	[sflag:s29] =	ssyncadd.s32 $0xFFFFE700  }
0xb5: {  	[spmem:s2] =	stream.indirect.scatter.add.f32 [tilespmem:s21], [sflag:$0x9], $0x80, s7, s16, $0xb8;
	[tilespmem:$0x1B800] =	vst v63  }
0xb6: {  	_ =	swait.ge [sflag:s30], $0x1900  }
0xb7: {  	[sflag:s30] =	ssyncset.done $0x0  }
0xb8: {  	[sflag:s30] =	ssyncadd.s32 $0xFFFFE700  }
0xb9: {  	_ =	swait.ge [sflag:s31], $0x400  }
0xba: {  	[sflag:s31] =	ssyncset.done $0x0  }
0xbb: {  	[sflag:s31] =	ssyncadd.s32 $0xFFFFFC00  }
0xbc: {  	[tilespmem:s17], [sflag:$0x3] =	stream.indirect.gather [hbm4b:s1+s16], $0x80, s25, s16, $0xb8;
	[tilespmem:$0x1B800] =	vst v63  }
0xbd: {  	_ =	swait.ge [sflag:s0], $0x1900  }
0xbe: {  	[sflag:s0] =	ssyncset.done $0x0  }
0xbf: {  	s7 =	rddreg [dreg:$0x9];
	[sflag:s0] =	ssyncadd.s32 $0xFFFFE700  }
0xc0: {  	[spmem:s2] =	stream.indirect.scatter.add.f32 [tilespmem:s22], [sflag:$0xA], $0x80, s7, s16, $0xb8;
	[tilespmem:$0x1B800] =	vst v63  }
0xc1: {  	_ =	swait.ge [sflag:s3], $0x1900  }
0xc2: {  	[sflag:s3] =	ssyncset.done $0x0  }
0xc3: {  	s7 =	rddreg [dreg:$0xa];
	[sflag:s3] =	ssyncadd.s32 $0xFFFFE700  }
0xc4: {  	[tilespmem:s19], [sflag:$0x4] =	stream.indirect.gather [hbm4b:s1+s16], $0x80, s7, s16, $0xb8;
	[tilespmem:$0x1B800] =	vst v63  }
0xc5: {  	_ =	swait.ge [sflag:s23], $0x1900  }
0xc6: {  	[sflag:s23] =	ssyncset.done $0x0  }
0xc7: {  	s7 =	rddreg [dreg:$0xb];
	[sflag:s23] =	ssyncadd.s32 $0xFFFFE700  }
0xc8: {  	[spmem:s2] =	stream.indirect.scatter.add.f32 [tilespmem:s17], [sflag:$0x7], $0x80, s7, s16, $0xb8;
	[tilespmem:$0x1B800] =	vst v63  }
0xc9: {  	_ =	swait.ge [sflag:s24], $0x1900  }
0xca: {  	s11 =	smov.u32 s8;
	s7 =	rddreg [dreg:$0x4]  }
0xcb: {  	[sflag:s24] =	ssyncset.done $0x0;
	s9 =	sadd.s32 s11, s7;
	s11 =	rddreg [dreg:$0xc]  }
0xcc: {  	s7 =	smov.u32 s13;
	[sflag:s24] =	ssyncadd.s32 $0xFFFFE700;
	p1 =	slt.s32 s9, s13  }
0xcd: {  	[tilespmem:s21], [sflag:$0x5] =	stream.indirect.gather [hbm4b:s1+s16], $0x80, s11, s16, $0xb8;
	[tilespmem:$0x1B800] =	vst v63  }
0xce: {  	s7 =	smov.u32 @p1 s9  }
0xcf: {  	s7 =	sshll.u32 s7, $0x5  }
0xd0: {  	s7 =	sand.u32 $0x1FFFFF80, s7  }
0xd1: {  	s7 =	sadd.s32 s5, s7  }
0xd2: {  	[tilespmem:s4], [sflag:$0x1] =	stream.linear.gather [hbm4b:s7+s4], $0x400, $0x38;
	[tilespmem:$0x1B800] =	vst v63  }
0xd3: {  	_ =	swait.ge [sflag:s26], $0x1900  }
0xd4: {  	[sflag:s26] =	ssyncset.done $0x0  }
0xd5: {  	s9 =	rddreg [dreg:$0xd];
	[sflag:s26] =	ssyncadd.s32 $0xFFFFE700  }
0xd6: {  	[spmem:s2] =	stream.indirect.scatter.add.f32 [tilespmem:s19], [sflag:$0x8], $0x80, s9, s16, $0xb8;
	[tilespmem:$0x1B800] =	vst v63  }
0xd7: {  	_ =	swait.ge [sflag:s28], $0x1900  }
0xd8: {  	[sflag:s28] =	ssyncset.done $0x0  }
0xd9: {  	s11 =	rddreg [dreg:$0xe];
	[sflag:s28] =	ssyncadd.s32 $0xFFFFE700  }
0xda: {  	[tilespmem:s22], [sflag:$0x6] =	stream.indirect.gather [hbm4b:s1+s16], $0x80, s11, s16, $0xb8;
	[tilespmem:$0x1B800] =	vst v63  }
0xdb: {  	_ =	swait.ge [sflag:s29], $0x1900  }
0xdc: {  	[sflag:s29] =	ssyncset.done $0x0  }
0xdd: {  	s9 =	rddreg [dreg:$0xf];
	[sflag:s29] =	ssyncadd.s32 $0xFFFFE700  }
0xde: {  	[spmem:s2] =	stream.indirect.scatter.add.f32 [tilespmem:s21], [sflag:$0x9], $0x80, s9, s16, $0xb8;
	[tilespmem:$0x1B800] =	vst v63  }
0xdf: {  	_ =	swait.ge [sflag:s30], $0x1900  }
0xe0: {  	[sflag:s30] =	ssyncset.done $0x0  }
0xe1: {  	[sflag:s30] =	ssyncadd.s32 $0xFFFFE700  }
0xe2: {  	_ =	swait.ge [sflag:s15], $0x400  }
0xe3: {  	[sflag:s15] =	ssyncset.done $0x0  }
0xe4: {  	p0 =	sne.s32 s8, $0xC8;
	[sflag:s15] =	ssyncadd.s32 $0xFFFFFC00  }
0xe5: {  	[tilespmem:s17], [sflag:$0x3] =	stream.indirect.gather [hbm4b:s1+s16], $0x80, s4, s16, $0xb8;
	[tilespmem:$0x1B800] =	vst v63  }
.Ltmp1:
0xe6: {  	_ =	swait.ge [sflag:s0], $0x1900;
	(pc) =	sbr.rel @p0 .LBB2_4-.Ltmp1, $4  }
0xe7: {  	[sflag:s0] =	ssyncset.done $0x0  }
0xe8: {  	s11 =	rddreg [dreg:$0x10];
	[sflag:s0] =	ssyncadd.s32 $0xFFFFE700  }
0xe9: {  	[spmem:s2] =	stream.indirect.scatter.add.f32 [tilespmem:s22], [sflag:$0xA], $0x80, s11, s16, $0xb8;
	[tilespmem:$0x1B800] =	vst v63  }
0xea: {  	s8 =	sadd.s32 $0x8, s8;
	_ =	swait.ge [sflag:s3], $0x1900  }
0xeb: {  	[sflag:s3] =	ssyncset.done $0x0  }
0xec: {  	[sflag:s3] =	ssyncadd.s32 $0xFFFFE700  }
0xed: {  	[tilespmem:s19], [sflag:$0x4] =	stream.indirect.gather [hbm4b:s1+s16], $0x80, s18, s16, $0xb8;
	[tilespmem:$0x1B800] =	vst v63  }
0xee: {  	_ =	swait.ge [sflag:s24], $0x1900  }
0xef: {  	[sflag:s24] =	ssyncset.done $0x0  }
0xf0: {  	[sflag:s24] =	ssyncadd.s32 $0xFFFFE700  }
0xf1: {  	_ =	swait.ge [sflag:s28], $0x1900  }
0xf2: {  	[sflag:s28] =	ssyncset.done $0x0  }
0xf3: {  	[sflag:s28] =	ssyncadd.s32 $0xFFFFE700  }
0xf4: {  	_ =	swait.ge [sflag:s23], $0x1900  }
0xf5: {  	[sflag:s23] =	ssyncset.done $0x0  }
0xf6: {  	[sflag:s23] =	ssyncadd.s32 $0xFFFFE700  }
0xf7: {  	_ =	swait.ge [sflag:s26], $0x1900  }
0xf8: {  	[sflag:s26] =	ssyncset.done $0x0  }
0xf9: {  	[sflag:s26] =	ssyncadd.s32 $0xFFFFE700  }
0xfa: {  	[bflag:$0x0] =	sbarrier.arrive $0xFFFF  }
0xfb: {  	s7 =	rddreg [dreg:$0x13]  }
0xfc: {  	s12 =	rddreg [dreg:$0x16]  }
0xfd: {  	[hbm:s7], [sflag:s10] =	dma.local [spmem:s12], $0x2800  }
0xfe: {  	_ =	swait.ge [sflag:s14], $0x2800  }
0xff: {  	s6 =	sadd.s32 $0x1, s6;
	s11 =	rddreg [dreg:$0x14]  }
0x100: {  	p0 =	sne.s32 s6, s11  }
.Ltmp2:
0x101: {  	_ = 	snop;
	(pc) =	sbr.rel @p0 .LBB2_1-.Ltmp2, $3  }
0x102: {  	_ =	sdelay $0x1  }
0x103: {  	[sflag:s14] =	ssyncset.done $0x0  }
0x104: {  	s9 =	smov.u32 s10;
	[sflag:s14] =	ssyncadd.s32 $0xFFFFD800  }
0x105: {  	_ =	sfence.sel $0x180000  }
0x106: {  	[bflag:$0x0] =	sbarrier.arrive $0xFFFF  }
0x107: {  	_ =	strace $0x90000050  }
0x108: {  	s0 =	stileid.u32;
	[bflag:$0x2] =	sbarrier.arrive $0xFFFF  }
0x109: {  	p0 =	sne.s32 s0, $0x0;
	s0 =	rddreg [dreg:$0x3]  }
0x10a: {  	s0 =	sadd.s32 @!p0 $0x100000, s0  }
0x10b: {  	[sflag:s0] =	ssyncadd.tile.s32 @!p0 $0x1;
	_ =	shalt  }
.Lfunc_end2:
_tile_overlayer_lowered:
.L_overlay_start_2:
0x10c: {  	(tag) =	ssettag $0x2  }
0x10d: {  	s0 =	rddreg [dreg:$0x0];
	s2 =	stileid.u32  }
0x10e: {  	s1 =	rddreg [dreg:$0x1];
	p0 =	sne.s32 s2, $0x0  }
0x10f: {  	s3 =	rddreg [dreg:$0x2];
	[bflag:$0x3] =	sbarrier.arrive $0xFFFF;
	s2 =	simm.s32 @!p0 $0x1C0B  }
0x110: {  	[timem:s3], [sflag:s2] =	dma.local @!p0 [hbm:s0], s1  }
0x111: {  	s0 =	simm.s32 @!p0 $0xB  }
0x112: {  	_ =	swait.ge @!p0 [sflag:s0], s1  }
0x113: {  	s1 =	ssub.s32 @!p0 $0x0, s1;
	[sflag:s0] =	ssyncset.done @!p0 $0x0  }
0x114: {  	[sflag:s0] =	ssyncadd.s32 @!p0 s1  }
0x115: {  	[bflag:$0x3] =	sbarrier.arrive $0xFFFF  }
0x116: {  	_ =	shalt  }

// kernel: kernel.26.cloned.1.call-start
scs
__scs_entry_jumppad:
0x0: {  	(pc) =	sbr.rel $0x88, $3  }
0x1: {  	(tag) =	ssettag $0x0;
	lr =	simm.s32 $0x1  }
0x2: {  	[smem:$0x3F9B] =	sst lr;
	_ =	strace $0xD0000000  }
0x3: {  	_ = 	snop  }
0x4: {  	_ = 	snop  }
0x5: {  	_ = 	snop  }
0x6: {  	_ = 	snop  }
0x7: {  	_ = 	snop  }
__scs_overlays_trampoline_lowered:
0x8: {  	[smem:$0x3FAA] =	sst s0  }
0x9: {  	[smem:$0x3FAB] =	sst s1  }
0xa: {  	[smem:$0x3FAC] =	sst s2  }
0xb: {  	[smem:$0x3FAD] =	sst s3  }
0xc: {  	[smem:$0x3FAE] =	sst s4  }
0xd: {  	[smem:$0x3FAF] =	sst s5  }
0xe: {  	[smem:$0x3FB0] =	sst s6  }
0xf: {  	[smem:$0x3FB1] =	sst s7  }
0x10: {  	[smem:$0x3FB2] =	sst s8  }
0x11: {  	[smem:$0x3FB3] =	sst s9;
	s0 =	simm.s32 @!p0 $0x0  }
0x12: {  	s1 =	sld [smem:$0x3F99];
	s0 =	simm.s32 @p0 $0x1  }
0x13: {  	[smem:$0x3FB4] =	sst s0;
	s0 =	simm.s32 @!p1 $0x0  }
0x14: {  	s2 =	sld [smem:$0x3F98];
	s0 =	simm.s32 @p1 $0x1  }
0x15: {  	[smem:$0x3FB5] =	sst s0;
	s0 =	simm.s32 @!p2 $0x0  }
0x16: {  	s3 =	sld [smem:$0x3FDB];
	s0 =	simm.s32 @p2 $0x1  }
0x17: {  	s4 =	simm.s32 $0x1BF5;
	[smem:$0x3FB7] =	sst s0  }
0x18: {  	s0 =	sld [smem:$0x3F9A];
	_ =	swait.ge [sflag:s4], $0x0  }
0x19: {  	s7 =	sld [smem:$0x3F9B]  }
0x1a: {  	s8 =	sadd.s32 $0xFFFFE003, lr  }
0x1b: {  	s9 =	sadd.s32 $0xFFFFFEF7, lr;
	s5 =	simm.s32 $0xFFFFFFFF;
	p2 =	slt.u32 s8, $0xFFFFF086  }
0x1c: {  	p1 =	slt.u32 s9, $0xF7A;
	s5 =	simm.s32 @!p2 $0x0  }
0x1d: {  	s5 =	simm.s32 @p1 $0x1;
	p0 =	seq.s32 s7, s2  }
0x1e: {  	s7 =	smul.u32 @!p0 $0xF7A, s2;
	p2 =	seq.s32 @!p0 s5, $0x0  }
0x1f: {  	s9 =	smul.u32 $0xF7A, s1;
	s8 =	simm.s32 @!p0 $0x1BF5;
	p2 =	por !p2, p0  }
0x20: {  	[sflag:s8] =	ssyncset.s32 @!p0 $0xFFFFF086;
	s6 =	sadd.s32 @!p0 s3, s7;
	s7 =	simm.s32 @!p0 $0x108  }
0x21: {  	s3 =	sadd.s32 s3, s9;
	s6 =	sadd.s32 @!p0 $0x88, s6;
	s7 =	simm.s32 @p2 $0x1082  }
0x22: {  	[simem:s7], [sflag:s8] =	dma.local @!p0 [hbm:s6], $0xF7A  }
0x23: {  	s9 =	sor.u32 $0xD0000000, s2;
	s6 =	simm.s32 $0x108;
	_ =	swait.ge @!p0 [sflag:s8], $0x0  }
0x24: {  	s3 =	sadd.s32 $0x88, s3;
	s6 =	simm.s32 @!p1 $0x1082;
	[sflag:s4] =	ssyncset.s32 $0xFFFFF086  }
0x25: {  	[simem:s6], [sflag:s4] =	dma.local [hbm:s3], $0xF7A  }
0x26: {  	[smem:$0x3F9B] =	sst s1;
	(tag) =	ssettag s2;
	_ =	strace s9  }
0x27: {  	s1 =	sld [smem:$0x3FAB]  }
0x28: {  	s2 =	sld [smem:$0x3FAC]  }
0x29: {  	s4 =	sld [smem:$0x3FAE]  }
0x2a: {  	p0 =	seq.s32 s5, $0x0;
	s5 =	sld [smem:$0x3FAF]  }
0x2b: {  	s6 =	sld [smem:$0x3FB0]  }
0x2c: {  	s7 =	sld [smem:$0x3FB1]  }
0x2d: {  	s3 =	simm.s32 $0x108;
	s8 =	sld [smem:$0x3FB2]  }
0x2e: {  	s3 =	simm.s32 @!p0 $0x1082;
	s9 =	sld [smem:$0x3FB3]  }
0x2f: {  	lr =	sadd.s32 s0, s3;
	s0 =	sld [smem:$0x3FAA]  }
0x30: {  	s3 =	sld [smem:$0x3FAD]  }
0x31: {  	[smem:$0x3FB6] =	sst s10  }
0x32: {  	s10 =	sld [smem:$0x3FB4];
	_ =	sdelay $0x3  }
0x33: {  	p0 =	seq.s32 s10, $0x1;
	s10 =	sld [smem:$0x3FB6];
	_ =	sdelay $0x3  }
0x34: {  	[smem:$0x3FB6] =	sst s10  }
0x35: {  	s10 =	sld [smem:$0x3FB5];
	_ =	sdelay $0x3  }
0x36: {  	p1 =	seq.s32 s10, $0x1;
	s10 =	sld [smem:$0x3FB6];
	_ =	sdelay $0x3  }
0x37: {  	[smem:$0x3FB6] =	sst s10  }
0x38: {  	s10 =	sld [smem:$0x3FB7]  }
0x39: {  	_ = 	snop;
	(pc) =	sbr.ind lr, $3  }
0x3a: {  	_ = 	snop  }
0x3b: {  	_ = 	snop  }
0x3c: {  	p2 =	seq.s32 s10, $0x1;
	s10 =	sld [smem:$0x3FB6]  }
0x3d: {  	_ =	shalt  }
0x3e: {  	_ =	shalt  }
0x3f: {  	_ =	shalt  }
0x40: {  	_ =	shalt  }
0x41: {  	_ =	shalt  }
0x42: {  	_ =	shalt  }
0x43: {  	_ =	shalt  }
0x44: {  	_ =	shalt  }
0x45: {  	_ =	shalt  }
0x46: {  	_ =	shalt  }
0x47: {  	_ =	shalt  }
0x48: {  	_ =	shalt  }
0x49: {  	_ =	shalt  }
0x4a: {  	_ =	shalt  }
0x4b: {  	_ =	shalt  }
0x4c: {  	_ =	shalt  }
0x4d: {  	_ =	shalt  }
0x4e: {  	_ =	shalt  }
0x4f: {  	_ =	shalt  }
0x50: {  	_ =	shalt  }
0x51: {  	_ =	shalt  }
0x52: {  	_ =	shalt  }
0x53: {  	_ =	shalt  }
0x54: {  	_ =	shalt  }
0x55: {  	_ =	shalt  }
0x56: {  	_ =	shalt  }
0x57: {  	_ =	shalt  }
0x58: {  	_ =	shalt  }
0x59: {  	_ =	shalt  }
0x5a: {  	_ =	shalt  }
0x5b: {  	_ =	shalt  }
0x5c: {  	_ =	shalt  }
0x5d: {  	_ =	shalt  }
0x5e: {  	_ =	shalt  }
0x5f: {  	_ =	shalt  }
0x60: {  	_ =	shalt  }
0x61: {  	_ =	shalt  }
0x62: {  	_ =	shalt  }
0x63: {  	_ =	shalt  }
0x64: {  	_ =	shalt  }
0x65: {  	_ =	shalt  }
0x66: {  	_ =	shalt  }
0x67: {  	_ =	shalt  }
0x68: {  	_ =	shalt  }
0x69: {  	_ =	shalt  }
0x6a: {  	_ =	shalt  }
0x6b: {  	_ =	shalt  }
0x6c: {  	_ =	shalt  }
0x6d: {  	_ =	shalt  }
0x6e: {  	_ =	shalt  }
0x6f: {  	_ =	shalt  }
0x70: {  	_ =	shalt  }
0x71: {  	_ =	shalt  }
0x72: {  	_ =	shalt  }
0x73: {  	_ =	shalt  }
0x74: {  	_ =	shalt  }
0x75: {  	_ =	shalt  }
0x76: {  	_ =	shalt  }
0x77: {  	_ =	shalt  }
0x78: {  	_ =	shalt  }
0x79: {  	_ =	shalt  }
0x7a: {  	_ =	shalt  }
0x7b: {  	_ =	shalt  }
0x7c: {  	_ =	shalt  }
0x7d: {  	_ =	shalt  }
0x7e: {  	_ =	shalt  }
0x7f: {  	_ =	shalt  }
0x80: {  	_ =	shalt  }
0x81: {  	_ =	shalt  }
0x82: {  	_ =	shalt  }
0x83: {  	_ =	shalt  }
0x84: {  	_ =	shalt  }
0x85: {  	_ =	shalt  }
0x86: {  	_ =	shalt  }
0x87: {  	_ =	shalt  }
.Lfunc_end0:
.L_simem_size_0:
called_computation.4_lowered:
.L_overlay_start_0:
0x88: {  	s2 =	sld [smem:$0x3FD9]  }
0x89: {  	s3 =	sld [smem:$0x3FFE];
	_ =	sdelay $0x1  }
0x8a: {  	s1 =	srdreg.scid  }
0x8b: {  	s0 =	sand.u32 $0x1, s1  }
0x8c: {  	s17 =	sshll.u32 s0, $0xA;
	s2 =	sadd.s32 s3, s2  }
0x8d: {  	s2 =	sadd.s32 s2, s17  }
0x8e: {  	[smem:$0x3FC2] =	sst s2  }
0x8f: {  	_ = 	snop  }
0x90: {  	s2 =	sld [smem:$0x3FD0];
	(tm) =	ssettm $0x1  }
0x91: {  	s18 =	sld [smem:$0x3FFB];
	_ =	sdelay $0x3  }
0x92: {  	_ =	strace s18  }
0x93: {  	s3 =	sld [smem:$0x3FFC];
	_ =	sdelay $0x3  }
0x94: {  	_ =	strace s3  }
0x95: {  	s3 =	sld [smem:$0x3FFD];
	_ =	sdelay $0x3  }
0x96: {  	_ =	strace s3  }
0x97: {  	_ =	strace $0x8FFFFFFF  }
0x98: {  	s19 =	sld [smem:$0x3FDB];
	_ =	sdelay $0x1  }
0x99: {  	s4 =	simm.s32 $_scs_section_size  }
0x9a: {  	s5 =	simm.s32 $_size__tile_overlayer_lowered;
	s6 =	simm.s32 $_tile_overlayer_lowered  }
0x9b: {  	s22 =	simm.s32 $0x1BFF;
	s21 =	sshll.u32 s6, $0x1;
	s3 =	sadd.s32 s4, s19  }
0x9c: {  	s7 =	simm.s32 $0x0;
	s20 =	sshll.u32 s5, $0x1;
	s5 =	sadd.s32 s21, s3  }
0x9d: {  	[timem:s7], [sflag:s22] =	dma.local [hbm:s5], s20  }
0x9e: {  	_ =	swait.ge [sflag:s22], s20  }
0x9f: {  	s4 =	ssub.s32 $0x0, s20;
	[sflag:s22] =	ssyncset.done $0x0  }
0xa0: {  	[sflag:s22] =	ssyncadd.s32 s4;
	_ =	sdelay $0x1  }
0xa1: {  	s23 =	simm.s32 $0x1B8B  }
0xa2: {  	_ =	swait.ge [sflag:s23], $0x1  }
0xa3: {  	[sflag:s23] =	ssyncset.done $0x0  }
0xa4: {  	s25 =	simm.s32 $0x1B8E;
	s24 =	sld [smem:$0x3FFE];
	[sflag:s23] =	ssyncadd.s32 $0xFFFFFFFF  }
0xa5: {  	s26 =	simm.s32 $execute0_lowered;
	[smem:$0x3FD2] =	sst s25  }
0xa6: {  	s5 =	sshll.u32 s26, $0x1;
	_ =	strace $0x80000052;
	[dreg:$0x1] =	wrdreg $0xFFFFFFFF  }
0xa7: {  	s28 =	simm.s32 $_size_execute0_lowered;
	s3 =	sadd.s32 s3, s5;
	[dreg:$0x0] =	wrdreg $0x0  }
0xa8: {  	s5 =	sshll.u32 s28, $0x1;
	[dreg:$0x2] =	wrdreg s3  }
0xa9: {  	[dreg:$0x3] =	wrdreg s5  }
0xaa: {  	[dreg:$0x4] =	wrdreg $0xC0  }
0xab: {  	_ =	task [dreg:s7], $0x5FFFF  }
0xac: {  	[dreg:$0x1] =	wrdreg $0xFFFFFFFF  }
0xad: {  	[dreg:$0x0] =	wrdreg $0x60  }
0xae: {  	[dreg:$0x2] =	wrdreg s2  }
0xaf: {  	[dreg:$0x3] =	wrdreg s24  }
0xb0: {  	[dreg:$0x4] =	wrdreg $0x78000  }
0xb1: {  	[dreg:$0x5] =	wrdreg $0x9  }
0xb2: {  	_ =	task.clear_ibuf [dreg:s7], $0x6FFFF;
	_ =	strace $0x90000052  }
0xb3: {  	s29 =	simm.s32 $0x9;
	_ =	strace $0x80000054  }
0xb4: {  	_ =	swait.ge [sflag:s29], $0x1  }
0xb5: {  	[sflag:s29] =	ssyncadd.s32 $0xFFFFFFFF  }
0xb6: {  	_ =	strace $0x90000054  }
0xb7: {  	_ =	sfence  }
0xb8: {  	s30 =	sld [smem:$0x0];
	_ =	sdelay $0x2  }
0xb9: {  	s31 =	sshll.u32 s1, $0xD;
	s1 =	sshrl.u32 s1, $0x2  }
0xba: {  	s3 =	sand.u32 $0x4000, s31;
	s1 =	sadd.s32 s1, s30  }
0xbb: {  	s0 =	sor.u32 s3, s0;
	s1 =	sshll.u32 s1, $0x11  }
0xbc: {  	s0 =	sor.u32 s1, s0  }
0xbd: {  	s0 =	sadd.s32 $0x8F2B, s0  }
0xbe: {  	[sflag:s0] =	ssyncadd.remote.s32 $0x1  }
0xbf: {  	_ =	sfence.sel $0xFFFF  }
0xc0: {  	[dreg:$0x0] =	wrdreg $0xFFFFFFFF;
	(pc) =	sbr.abs _section_cstart, $3  }
0xc1: {  	[dreg:$0x1] =	wrdreg $0xFFFFFFFF  }
0xc2: {  	_ =	task.clear_ibuf [dreg:s7], $0x2FFFF;
	_ =	strace $0x9FFFFFFF  }
0xc3: {  	(tm) =	ssettm $0x7FFFFFFF  }
tec
execute0_lowered:
.L_overlay_start_1:
0x0: {  	(tag) =	ssettag $0x1  }
0x1: {  	s1 =	rddreg [dreg:$0x0]  }
0x2: {  	s0 =	rddreg [dreg:$0x1]  }
0x3: {  	s2 =	rddreg [dreg:$0x2];
	s3 =	srdreg.scid;
	s4 =	simm.s32 $0x0  }
0x4: {  	s12 =	stileid.u32;
	s15 =	simm.s32 $0x200;
	s16 =	simm.s32 $0x180  }
0x5: {  	s17 =	simm.s32 $0x300;
	s28 =	simm.s32 $0xA;
	s29 =	simm.s32 $0x5  }
0x6: {  	s30 =	simm.s32 $0x7;
	s31 =	simm.s32 $0x2;
	s7 =	smul.u32 $0x14000, s12  }
0x7: {  	s3 =	sand.u32 $0x1, s3;
	[smem:$0x7FF] =	sst s4;
	s10 =	smul.u32 $0x50000, s12  }
0x8: {  	s8 =	sshll.u32 s12, $0x1;
	s5 =	sadd.s32 $0x56800, s0;
	s11 =	smul.u32 $0x3200, s12  }
0x9: {  	s9 =	sadd.s32 $0x4000, s0;
	s23 =	smul.u32 $0x190, s12;
	s24 =	sshll.u32 s12, $0x6  }
0xa: {  	s6 =	smul.u32 $0x140000, s3;
	_ =	strace $0x80000053;
	[dreg:$0x11] =	wrdreg s9  }
0xb: {  	s8 =	sor.u32 s3, s8;
	s19 =	ssub.s32 $0x2, s3;
	[dreg:$0x5] =	wrdreg s15  }
0xc: {  	s25 =	smul.u32 $0xC8, s3;
	s9 =	sor.u32 $0x1C0B, s24;
	[dreg:$0x6] =	wrdreg s16  }
0xd: {  	s26 =	smul.u32 $0x1900, s3;
	[dreg:$0x7] =	wrdreg s17;
	s15 =	simm.s32 $0x1  }
0xe: {  	s16 =	simm.s32 $0x32;
	s17 =	simm.s32 $0x800;
	s18 =	smul.u32 $0xC8, s8  }
0xf: {  	s24 =	simm.s32 $0x700;
	s3 =	simm.s32 $0x8;
	s8 =	smul.u32 $0x1900, s8  }
0x10: {  	s20 =	sshrl.u32 s19, $0x1;
	s22 =	sshrl.u32 s10, $0x2;
	s11 =	sadd.s32 s11, s5  }
0x11: {  	[dreg:$0xe] =	wrdreg s24;
	s24 =	simm.s32 $0x9;
	s6 =	sadd.s32 s7, s6  }
0x12: {  	s14 =	sadd.s32 s25, s23;
	s23 =	simm.s32 $0x580;
	s25 =	simm.s32 $0x680  }
0x13: {  	s6 =	sshrl.u32 s6, $0x3;
	s13 =	sadd.s32 $0xC4, s18;
	[dreg:$0x4] =	wrdreg s14  }
0x14: {  	s21 =	sadd.s32 s5, s8;
	s8 =	sadd.s32 s22, s2;
	[dreg:$0xd] =	wrdreg s23  }
0x15: {  	s14 =	simm.s32 $0xB;
	s18 =	simm.s32 $0x280;
	[dreg:$0xf] =	wrdreg s25  }
0x16: {  	s22 =	simm.s32 $0x600;
	s23 =	simm.s32 $0x3;
	[dreg:$0x12] =	wrdreg s21  }
0x17: {  	s25 =	simm.s32 $0x400;
	s0 =	sadd.s32 s6, s0;
	[dreg:$0x8] =	wrdreg s18  }
0x18: {  	s6 =	ssub.s32 s19, s20;
	s19 =	simm.s32 $0x380;
	[dreg:$0xc] =	wrdreg s22  }
0x19: {  	s12 =	sshrl.u32 s8, $0x3;
	s20 =	simm.s32 $0x500;
	[dreg:$0x9] =	wrdreg s19  }
0x1a: {  	s21 =	simm.s32 $0x480;
	s18 =	simm.s32 $0x100;
	[dreg:$0xa] =	wrdreg s20  }
0x1b: {  	s22 =	simm.s32 $0x5C00;
	s0 =	sadd.s32 $0x88800, s0;
	[dreg:$0xb] =	wrdreg s21  }
0x1c: {  	s7 =	smax.u32 s6, $0x1;
	s19 =	simm.s32 $0x2400;
	[dreg:$0x16] =	wrdreg s12  }
0x1d: {  	s20 =	simm.s32 $0x80;
	s21 =	simm.s32 $0x4000;
	[dreg:$0x13] =	wrdreg s0  }
0x1e: {  	[dreg:$0x14] =	wrdreg s7;
	s0 =	sadd.s32 s26, s11;
	s26 =	simm.s32 $0x780  }
0x1f: {  	s6 =	simm.s32 $0x0;
	s0 =	sadd.s32 $0x80, s0;
	[dreg:$0x10] =	wrdreg s26  }
0x20: {  	v0 =	vimm.f32 $0.0e+00;
	s26 =	simm.s32 $0x4;
	[dreg:$0x15] =	wrdreg s0;
	s0 =	simm.s32 $0x6  }
.LBB2_1:
0x21: {  	s7 =	rddreg [dreg:$0x12];
	s8 =	simm.s32 $0x0;
	s11 =	simm.s32 $0x200  }
0x22: {  	[tilespmem:s4], [sflag:$0x1] =	stream.linear.gather [hbm4b:s7+s4], $0x400, $0x38;
	[tilespmem:$0x1B800] =	vst v63  }
.LBB2_2:
0x23: {  	p0 =	sne.s32 s11, $0x6200;
	[tilespmem:s8+$0x5C70] =	vst v0  }
0x24: {  	[tilespmem:s8+$0x4000] =	vst v0  }
0x25: {  	[tilespmem:s8+$0x5C00] =	vst v0  }
0x26: {  	[tilespmem:s8+$0x4010] =	vst v0  }
0x27: {  	[tilespmem:s8+$0x5C10] =	vst v0  }
0x28: {  	[tilespmem:s8+$0x4020] =	vst v0  }
0x29: {  	[tilespmem:s8+$0x5C20] =	vst v0  }
0x2a: {  	[tilespmem:s8+$0x4030] =	vst v0  }
0x2b: {  	[tilespmem:s8+$0x5C30] =	vst v0  }
0x2c: {  	[tilespmem:s8+$0x4040] =	vst v0  }
0x2d: {  	[tilespmem:s8+$0x5C40] =	vst v0  }
.Ltmp0:
0x2e: {  	[tilespmem:s8+$0x4050] =	vst v0;
	(pc) =	sbr.rel @p0 .LBB2_2-.Ltmp0, $4  }
0x2f: {  	[tilespmem:s8+$0x5C50] =	vst v0  }
0x30: {  	[tilespmem:s8+$0x4060] =	vst v0  }
0x31: {  	[tilespmem:s8+$0x5C60] =	vst v0  }
0x32: {  	[tilespmem:s8+$0x4070] =	vst v0;
	s8 =	sshra.s32 s11, $0x2;
	s11 =	sadd.s32 $0x200, s11  }
0x33: {  	[tilespmem:s8+$0x5C70] =	vst v0  }
0x34: {  	[tilespmem:s8+$0x4000] =	vst v0  }
0x35: {  	[tilespmem:s8+$0x5C00] =	vst v0  }
0x36: {  	[tilespmem:s8+$0x4010] =	vst v0  }
0x37: {  	[tilespmem:s8+$0x5C10] =	vst v0  }
0x38: {  	[tilespmem:s8+$0x4020] =	vst v0  }
0x39: {  	[tilespmem:s8+$0x5C20] =	vst v0  }
0x3a: {  	[tilespmem:s8+$0x4030] =	vst v0  }
0x3b: {  	[tilespmem:s8+$0x5C30] =	vst v0  }
0x3c: {  	[tilespmem:s8+$0x4040] =	vst v0  }
0x3d: {  	[tilespmem:s8+$0x5C40] =	vst v0  }
0x3e: {  	[tilespmem:s8+$0x4050] =	vst v0  }
0x3f: {  	[tilespmem:s8+$0x5C50] =	vst v0  }
0x40: {  	[tilespmem:s8+$0x4060] =	vst v0  }
0x41: {  	[tilespmem:s8+$0x5C60] =	vst v0  }
0x42: {  	[tilespmem:s8+$0x4070] =	vst v0;
	s7 =	rddreg [dreg:$0x11]  }
0x43: {  	[spmem:s12], [sflag:s9] =	dma.local [hbm:s7], $0x2800  }
0x44: {  	_ =	swait.ge [sflag:s14], $0x2800  }
0x45: {  	[sflag:s14] =	ssyncset.done $0x0  }
0x46: {  	[sflag:s14] =	ssyncadd.s32 $0xFFFFD800  }
0x47: {  	[bflag:$0x0] =	sbarrier.arrive $0xFFFF  }
0x48: {  	_ =	swait.ge [sflag:s15], $0x400  }
0x49: {  	[sflag:s15] =	ssyncset.done $0x0  }
0x4a: {  	[sflag:s15] =	ssyncadd.s32 $0xFFFFFC00  }
0x4b: {  	[tilespmem:s17], [sflag:$0x3] =	stream.indirect.gather [hbm4b:s1+s16], $0x80, s4, s16, $0xb8;
	[tilespmem:$0x1B800] =	vst v63  }
0x4c: {  	_ = 	snop  }
0x4d: {  	[tilespmem:s19], [sflag:$0x4] =	stream.indirect.gather [hbm4b:s1+s16], $0x80, s18, s16, $0xb8;
	[tilespmem:$0x1B800] =	vst v63  }
0x4e: {  	_ = 	snop  }
0x4f: {  	[spmem:s2] =	stream.indirect.scatter.add.f32 [tilespmem:s21], [sflag:$0x9], $0x80, s20, s16, $0xb8;
	[tilespmem:$0x1B800] =	vst v63  }
0x50: {  	_ = 	snop  }
0x51: {  	[spmem:s2] =	stream.indirect.scatter.add.f32 [tilespmem:s22], [sflag:$0xA], $0x80, s20, s16, $0xb8;
	[tilespmem:$0x1B800] =	vst v63  }
0x52: {  	_ =	swait.ge [sflag:s23], $0x1900  }
0x53: {  	[sflag:s23] =	ssyncset.done $0x0  }
0x54: {  	[sflag:s23] =	ssyncadd.s32 $0xFFFFE700  }
0x55: {  	[spmem:s2] =	stream.indirect.scatter.add.f32 [tilespmem:s17], [sflag:$0x7], $0x80, s20, s16, $0xb8;
	[tilespmem:$0x1B800] =	vst v63  }
0x56: {  	_ =	swait.ge [sflag:s24], $0x1900  }
0x57: {  	[sflag:s24] =	ssyncset.done $0x0  }
0x58: {  	s10 =	smov.u32 s9;
	s9 =	rddreg [dreg:$0x5];
	[sflag:s24] =	ssyncadd.s32 $0xFFFFE700  }
0x59: {  	[tilespmem:s21], [sflag:$0x5] =	stream.indirect.gather [hbm4b:s1+s16], $0x80, s9, s16, $0xb8;
	[tilespmem:$0x1B800] =	vst v63  }
0x5a: {  	s12 =	rddreg [dreg:$0x15]  }
0x5b: {  	[tilespmem:s25], [sflag:$0x2] =	stream.linear.gather [hbm4b:s12+s4], $0x400, $0x38;
	[tilespmem:$0x1B800] =	vst v63  }
0x5c: {  	_ =	swait.ge [sflag:s26], $0x1900  }
0x5d: {  	[sflag:s26] =	ssyncset.done $0x0  }
0x5e: {  	s11 =	rddreg [dreg:$0x6];
	[sflag:s26] =	ssyncadd.s32 $0xFFFFE700  }
0x5f: {  	[spmem:s2] =	stream.indirect.scatter.add.f32 [tilespmem:s19], [sflag:$0x8], $0x80, s11, s16, $0xb8;
	[tilespmem:$0x1B800] =	vst v63  }
0x60: {  	_ =	swait.ge [sflag:s28], $0x1900  }
0x61: {  	[sflag:s28] =	ssyncset.done $0x0  }
0x62: {  	s7 =	rddreg [dreg:$0x7];
	[sflag:s28] =	ssyncadd.s32 $0xFFFFE700  }
0x63: {  	[tilespmem:s22], [sflag:$0x6] =	stream.indirect.gather [hbm4b:s1+s16], $0x80, s7, s16, $0xb8;
	[tilespmem:$0x1B800] =	vst v63  }
0x64: {  	_ =	swait.ge [sflag:s29], $0x1900  }
0x65: {  	[sflag:s29] =	ssyncset.done $0x0  }
0x66: {  	s9 =	rddreg [dreg:$0x8];
	[sflag:s29] =	ssyncadd.s32 $0xFFFFE700  }
0x67: {  	[spmem:s2] =	stream.indirect.scatter.add.f32 [tilespmem:s21], [sflag:$0x9], $0x80, s9, s16, $0xb8;
	[tilespmem:$0x1B800] =	vst v63  }
0x68: {  	_ =	swait.ge [sflag:s30], $0x1900  }
0x69: {  	[sflag:s30] =	ssyncset.done $0x0  }
0x6a: {  	[sflag:s30] =	ssyncadd.s32 $0xFFFFE700  }
0x6b: {  	_ =	swait.ge [sflag:s31], $0x400  }
0x6c: {  	[sflag:s31] =	ssyncset.done $0x0  }
0x6d: {  	[sflag:s31] =	ssyncadd.s32 $0xFFFFFC00  }
0x6e: {  	[tilespmem:s17], [sflag:$0x3] =	stream.indirect.gather [hbm4b:s1+s16], $0x80, s25, s16, $0xb8;
	[tilespmem:$0x1B800] =	vst v63  }
0x6f: {  	_ =	swait.ge [sflag:s0], $0x1900  }
0x70: {  	[sflag:s0] =	ssyncset.done $0x0  }
0x71: {  	s11 =	rddreg [dreg:$0x9];
	[sflag:s0] =	ssyncadd.s32 $0xFFFFE700  }
0x72: {  	[spmem:s2] =	stream.indirect.scatter.add.f32 [tilespmem:s22], [sflag:$0xA], $0x80, s11, s16, $0xb8;
	[tilespmem:$0x1B800] =	vst v63  }
0x73: {  	_ =	swait.ge [sflag:s3], $0x1900  }
0x74: {  	[sflag:s3] =	ssyncset.done $0x0  }
0x75: {  	s7 =	rddreg [dreg:$0xa];
	[sflag:s3] =	ssyncadd.s32 $0xFFFFE700  }
0x76: {  	[tilespmem:s19], [sflag:$0x4] =	stream.indirect.gather [hbm4b:s1+s16], $0x80, s7, s16, $0xb8;
	[tilespmem:$0x1B800] =	vst v63  }
0x77: {  	_ =	swait.ge [sflag:s23], $0x1900  }
0x78: {  	[sflag:s23] =	ssyncset.done $0x0  }
0x79: {  	s9 =	rddreg [dreg:$0xb];
	[sflag:s23] =	ssyncadd.s32 $0xFFFFE700  }
0x7a: {  	[spmem:s2] =	stream.indirect.scatter.add.f32 [tilespmem:s17], [sflag:$0x7], $0x80, s9, s16, $0xb8;
	[tilespmem:$0x1B800] =	vst v63  }
0x7b: {  	_ =	swait.ge [sflag:s24], $0x1900  }
0x7c: {  	s11 =	rddreg [dreg:$0x4]  }
0x7d: {  	s7 =	rddreg [dreg:$0xc];
	[sflag:s24] =	ssyncset.done $0x0;
	s8 =	sadd.s32 $0x8, s11  }
0x7e: {  	s11 =	smov.u32 s13;
	[sflag:s24] =	ssyncadd.s32 $0xFFFFE700;
	p0 =	slt.s32 s8, s13  }
0x7f: {  	[tilespmem:s21], [sflag:$0x5] =	stream.indirect.gather [hbm4b:s1+s16], $0x80, s7, s16, $0xb8;
	[tilespmem:$0x1B800] =	vst v63  }
0x80: {  	s11 =	smov.u32 @p0 s8  }
0x81: {  	s11 =	sshll.u32 s11, $0x5  }
0x82: {  	s11 =	sand.u32 $0x1FFFFF80, s11  }
0x83: {  	s9 =	sadd.s32 s5, s11  }
0x84: {  	[tilespmem:s4], [sflag:$0x1] =	stream.linear.gather [hbm4b:s9+s4], $0x400, $0x38;
	[tilespmem:$0x1B800] =	vst v63  }
0x85: {  	_ =	swait.ge [sflag:s26], $0x1900  }
0x86: {  	[sflag:s26] =	ssyncset.done $0x0  }
0x87: {  	s11 =	rddreg [dreg:$0xd];
	[sflag:s26] =	ssyncadd.s32 $0xFFFFE700  }
0x88: {  	[spmem:s2] =	stream.indirect.scatter.add.f32 [tilespmem:s19], [sflag:$0x8], $0x80, s11, s16, $0xb8;
	[tilespmem:$0x1B800] =	vst v63  }
0x89: {  	_ =	swait.ge [sflag:s28], $0x1900  }
0x8a: {  	[sflag:s28] =	ssyncset.done $0x0  }
0x8b: {  	s7 =	rddreg [dreg:$0xe];
	[sflag:s28] =	ssyncadd.s32 $0xFFFFE700  }
0x8c: {  	[tilespmem:s22], [sflag:$0x6] =	stream.indirect.gather [hbm4b:s1+s16], $0x80, s7, s16, $0xb8;
	[tilespmem:$0x1B800] =	vst v63  }
0x8d: {  	_ =	swait.ge [sflag:s29], $0x1900  }
0x8e: {  	[sflag:s29] =	ssyncset.done $0x0  }
0x8f: {  	s9 =	rddreg [dreg:$0xf];
	[sflag:s29] =	ssyncadd.s32 $0xFFFFE700  }
0x90: {  	[spmem:s2] =	stream.indirect.scatter.add.f32 [tilespmem:s21], [sflag:$0x9], $0x80, s9, s16, $0xb8;
	[tilespmem:$0x1B800] =	vst v63  }
0x91: {  	_ =	swait.ge [sflag:s30], $0x1900  }
0x92: {  	[sflag:s30] =	ssyncset.done $0x0  }
0x93: {  	[sflag:s30] =	ssyncadd.s32 $0xFFFFE700  }
0x94: {  	_ =	swait.ge [sflag:s15], $0x400  }
0x95: {  	[sflag:s15] =	ssyncset.done $0x0  }
0x96: {  	[sflag:s15] =	ssyncadd.s32 $0xFFFFFC00  }
0x97: {  	[tilespmem:s17], [sflag:$0x3] =	stream.indirect.gather [hbm4b:s1+s16], $0x80, s4, s16, $0xb8;
	[tilespmem:$0x1B800] =	vst v63  }
0x98: {  	_ =	swait.ge [sflag:s0], $0x1900  }
0x99: {  	[sflag:s0] =	ssyncset.done $0x0  }
0x9a: {  	s11 =	rddreg [dreg:$0x10];
	[sflag:s0] =	ssyncadd.s32 $0xFFFFE700  }
0x9b: {  	[spmem:s2] =	stream.indirect.scatter.add.f32 [tilespmem:s22], [sflag:$0xA], $0x80, s11, s16, $0xb8;
	[tilespmem:$0x1B800] =	vst v63  }
0x9c: {  	s8 =	simm.s32 $0x10;
	_ =	swait.ge [sflag:s3], $0x1900  }
.LBB2_4:
0x9d: {  	[sflag:s3] =	ssyncset.done $0x0  }
0x9e: {  	[sflag:s3] =	ssyncadd.s32 $0xFFFFE700  }
0x9f: {  	[tilespmem:s19], [sflag:$0x4] =	stream.indirect.gather [hbm4b:s1+s16], $0x80, s18, s16, $0xb8;
	[tilespmem:$0x1B800] =	vst v63  }
0xa0: {  	_ =	swait.ge [sflag:s23], $0x1900  }
0xa1: {  	[sflag:s23] =	ssyncset.done $0x0  }
0xa2: {  	[sflag:s23] =	ssyncadd.s32 $0xFFFFE700  }
0xa3: {  	[spmem:s2] =	stream.indirect.scatter.add.f32 [tilespmem:s17], [sflag:$0x7], $0x80, s20, s16, $0xb8;
	[tilespmem:$0x1B800] =	vst v63  }
0xa4: {  	_ =	swait.ge [sflag:s24], $0x1900  }
0xa5: {  	[sflag:s24] =	ssyncset.done $0x0  }
0xa6: {  	s9 =	rddreg [dreg:$0x5];
	[sflag:s24] =	ssyncadd.s32 $0xFFFFE700  }
0xa7: {  	[tilespmem:s21], [sflag:$0x5] =	stream.indirect.gather [hbm4b:s1+s16], $0x80, s9, s16, $0xb8;
	[tilespmem:$0x1B800] =	vst v63  }
0xa8: {  	s12 =	sadd.s32 $0x100, s12  }
0xa9: {  	[tilespmem:s25], [sflag:$0x2] =	stream.linear.gather [hbm4b:s12+s4], $0x400, $0x38;
	[tilespmem:$0x1B800] =	vst v63  }
0xaa: {  	_ =	swait.ge [sflag:s26], $0x1900  }
0xab: {  	[sflag:s26] =	ssyncset.done $0x0  }
0xac: {  	s7 =	rddreg [dreg:$0x6];
	[sflag:s26] =	ssyncadd.s32 $0xFFFFE700  }
0xad: {  	[spmem:s2] =	stream.indirect.scatter.add.f32 [tilespmem:s19], [sflag:$0x8], $0x80, s7, s16, $0xb8;
	[tilespmem:$0x1B800] =	vst v63  }
0xae: {  	_ =	swait.ge [sflag:s28], $0x1900  }
0xaf: {  	[sflag:s28] =	ssyncset.done $0x0  }
0xb0: {  	s7 =	rddreg [dreg:$0x7];
	[sflag:s28] =	ssyncadd.s32 $0xFFFFE700  }
0xb1: {  	[tilespmem:s22], [sflag:$0x6] =	stream.indirect.gather [hbm4b:s1+s16], $0x80, s7, s16, $0xb8;
	[tilespmem:$0x1B800] =	vst v63  }
0xb2: {  	_ =	swait.ge [sflag:s29], $0x1900  }
0xb3: {  	[sflag:s29] =	ssyncset.done $0x0  }
0xb4: {  	s7 =	rddreg [dreg:$0x8];
	[sflag:s29] =	ssyncadd.s32 $0xFFFFE700  }
0xb5: {  	[spmem:s2] =	stream.indirect.scatter.add.f32 [tilespmem:s21], [sflag:$0x9], $0x80, s7, s16, $0xb8;
	[tilespmem:$0x1B800] =	vst v63  }
0xb6: {  	_ =	swait.ge [sflag:s30], $0x1900  }
0xb7: {  	[sflag:s30] =	ssyncset.done $0x0  }
0xb8: {  	[sflag:s30] =	ssyncadd.s32 $0xFFFFE700  }
0xb9: {  	_ =	swait.ge [sflag:s31], $0x400  }
0xba: {  	[sflag:s31] =	ssyncset.done $0x0  }
0xbb: {  	[sflag:s31] =	ssyncadd.s32 $0xFFFFFC00  }
0xbc: {  	[tilespmem:s17], [sflag:$0x3] =	stream.indirect.gather [hbm4b:s1+s16], $0x80, s25, s16, $0xb8;
	[tilespmem:$0x1B800] =	vst v63  }
0xbd: {  	_ =	swait.ge [sflag:s0], $0x1900  }
0xbe: {  	[sflag:s0] =	ssyncset.done $0x0  }
0xbf: {  	s7 =	rddreg [dreg:$0x9];
	[sflag:s0] =	ssyncadd.s32 $0xFFFFE700  }
0xc0: {  	[spmem:s2] =	stream.indirect.scatter.add.f32 [tilespmem:s22], [sflag:$0xA], $0x80, s7, s16, $0xb8;
	[tilespmem:$0x1B800] =	vst v63  }
0xc1: {  	_ =	swait.ge [sflag:s3], $0x1900  }
0xc2: {  	[sflag:s3] =	ssyncset.done $0x0  }
0xc3: {  	s7 =	rddreg [dreg:$0xa];
	[sflag:s3] =	ssyncadd.s32 $0xFFFFE700  }
0xc4: {  	[tilespmem:s19], [sflag:$0x4] =	stream.indirect.gather [hbm4b:s1+s16], $0x80, s7, s16, $0xb8;
	[tilespmem:$0x1B800] =	vst v63  }
0xc5: {  	_ =	swait.ge [sflag:s23], $0x1900  }
0xc6: {  	[sflag:s23] =	ssyncset.done $0x0  }
0xc7: {  	s7 =	rddreg [dreg:$0xb];
	[sflag:s23] =	ssyncadd.s32 $0xFFFFE700  }
0xc8: {  	[spmem:s2] =	stream.indirect.scatter.add.f32 [tilespmem:s17], [sflag:$0x7], $0x80, s7, s16, $0xb8;
	[tilespmem:$0x1B800] =	vst v63  }
0xc9: {  	_ =	swait.ge [sflag:s24], $0x1900  }
0xca: {  	s11 =	smov.u32 s8;
	s7 =	rddreg [dreg:$0x4]  }
0xcb: {  	[sflag:s24] =	ssyncset.done $0x0;
	s9 =	sadd.s32 s11, s7;
	s11 =	rddreg [dreg:$0xc]  }
0xcc: {  	s7 =	smov.u32 s13;
	[sflag:s24] =	ssyncadd.s32 $0xFFFFE700;
	p1 =	slt.s32 s9, s13  }
0xcd: {  	[tilespmem:s21], [sflag:$0x5] =	stream.indirect.gather [hbm4b:s1+s16], $0x80, s11, s16, $0xb8;
	[tilespmem:$0x1B800] =	vst v63  }
0xce: {  	s7 =	smov.u32 @p1 s9  }
0xcf: {  	s7 =	sshll.u32 s7, $0x5  }
0xd0: {  	s7 =	sand.u32 $0x1FFFFF80, s7  }
0xd1: {  	s7 =	sadd.s32 s5, s7  }
0xd2: {  	[tilespmem:s4], [sflag:$0x1] =	stream.linear.gather [hbm4b:s7+s4], $0x400, $0x38;
	[tilespmem:$0x1B800] =	vst v63  }
0xd3: {  	_ =	swait.ge [sflag:s26], $0x1900  }
0xd4: {  	[sflag:s26] =	ssyncset.done $0x0  }
0xd5: {  	s9 =	rddreg [dreg:$0xd];
	[sflag:s26] =	ssyncadd.s32 $0xFFFFE700  }
0xd6: {  	[spmem:s2] =	stream.indirect.scatter.add.f32 [tilespmem:s19], [sflag:$0x8], $0x80, s9, s16, $0xb8;
	[tilespmem:$0x1B800] =	vst v63  }
0xd7: {  	_ =	swait.ge [sflag:s28], $0x1900  }
0xd8: {  	[sflag:s28] =	ssyncset.done $0x0  }
0xd9: {  	s11 =	rddreg [dreg:$0xe];
	[sflag:s28] =	ssyncadd.s32 $0xFFFFE700  }
0xda: {  	[tilespmem:s22], [sflag:$0x6] =	stream.indirect.gather [hbm4b:s1+s16], $0x80, s11, s16, $0xb8;
	[tilespmem:$0x1B800] =	vst v63  }
0xdb: {  	_ =	swait.ge [sflag:s29], $0x1900  }
0xdc: {  	[sflag:s29] =	ssyncset.done $0x0  }
0xdd: {  	s9 =	rddreg [dreg:$0xf];
	[sflag:s29] =	ssyncadd.s32 $0xFFFFE700  }
0xde: {  	[spmem:s2] =	stream.indirect.scatter.add.f32 [tilespmem:s21], [sflag:$0x9], $0x80, s9, s16, $0xb8;
	[tilespmem:$0x1B800] =	vst v63  }
0xdf: {  	_ =	swait.ge [sflag:s30], $0x1900  }
0xe0: {  	[sflag:s30] =	ssyncset.done $0x0  }
0xe1: {  	[sflag:s30] =	ssyncadd.s32 $0xFFFFE700  }
0xe2: {  	_ =	swait.ge [sflag:s15], $0x400  }
0xe3: {  	[sflag:s15] =	ssyncset.done $0x0  }
0xe4: {  	p0 =	sne.s32 s8, $0xC8;
	[sflag:s15] =	ssyncadd.s32 $0xFFFFFC00  }
0xe5: {  	[tilespmem:s17], [sflag:$0x3] =	stream.indirect.gather [hbm4b:s1+s16], $0x80, s4, s16, $0xb8;
	[tilespmem:$0x1B800] =	vst v63  }
.Ltmp1:
0xe6: {  	_ =	swait.ge [sflag:s0], $0x1900;
	(pc) =	sbr.rel @p0 .LBB2_4-.Ltmp1, $4  }
0xe7: {  	[sflag:s0] =	ssyncset.done $0x0  }
0xe8: {  	s11 =	rddreg [dreg:$0x10];
	[sflag:s0] =	ssyncadd.s32 $0xFFFFE700  }
0xe9: {  	[spmem:s2] =	stream.indirect.scatter.add.f32 [tilespmem:s22], [sflag:$0xA], $0x80, s11, s16, $0xb8;
	[tilespmem:$0x1B800] =	vst v63  }
0xea: {  	s8 =	sadd.s32 $0x8, s8;
	_ =	swait.ge [sflag:s3], $0x1900  }
0xeb: {  	[sflag:s3] =	ssyncset.done $0x0  }
0xec: {  	[sflag:s3] =	ssyncadd.s32 $0xFFFFE700  }
0xed: {  	[tilespmem:s19], [sflag:$0x4] =	stream.indirect.gather [hbm4b:s1+s16], $0x80, s18, s16, $0xb8;
	[tilespmem:$0x1B800] =	vst v63  }
0xee: {  	_ =	swait.ge [sflag:s24], $0x1900  }
0xef: {  	[sflag:s24] =	ssyncset.done $0x0  }
0xf0: {  	[sflag:s24] =	ssyncadd.s32 $0xFFFFE700  }
0xf1: {  	_ =	swait.ge [sflag:s28], $0x1900  }
0xf2: {  	[sflag:s28] =	ssyncset.done $0x0  }
0xf3: {  	[sflag:s28] =	ssyncadd.s32 $0xFFFFE700  }
0xf4: {  	_ =	swait.ge [sflag:s23], $0x1900  }
0xf5: {  	[sflag:s23] =	ssyncset.done $0x0  }
0xf6: {  	[sflag:s23] =	ssyncadd.s32 $0xFFFFE700  }
0xf7: {  	_ =	swait.ge [sflag:s26], $0x1900  }
0xf8: {  	[sflag:s26] =	ssyncset.done $0x0  }
0xf9: {  	[sflag:s26] =	ssyncadd.s32 $0xFFFFE700  }
0xfa: {  	[bflag:$0x0] =	sbarrier.arrive $0xFFFF  }
0xfb: {  	s7 =	rddreg [dreg:$0x13]  }
0xfc: {  	s12 =	rddreg [dreg:$0x16]  }
0xfd: {  	[hbm:s7], [sflag:s10] =	dma.local [spmem:s12], $0x2800  }
0xfe: {  	_ =	swait.ge [sflag:s14], $0x2800  }
0xff: {  	s6 =	sadd.s32 $0x1, s6;
	s11 =	rddreg [dreg:$0x14]  }
0x100: {  	p0 =	sne.s32 s6, s11  }
.Ltmp2:
0x101: {  	_ = 	snop;
	(pc) =	sbr.rel @p0 .LBB2_1-.Ltmp2, $3  }
0x102: {  	_ =	sdelay $0x1  }
0x103: {  	[sflag:s14] =	ssyncset.done $0x0  }
0x104: {  	s9 =	smov.u32 s10;
	[sflag:s14] =	ssyncadd.s32 $0xFFFFD800  }
0x105: {  	_ =	sfence.sel $0x180000  }
0x106: {  	[bflag:$0x0] =	sbarrier.arrive $0xFFFF  }
0x107: {  	_ =	strace $0x90000053  }
0x108: {  	s0 =	stileid.u32;
	[bflag:$0x2] =	sbarrier.arrive $0xFFFF  }
0x109: {  	p0 =	sne.s32 s0, $0x0;
	s0 =	rddreg [dreg:$0x3]  }
0x10a: {  	s0 =	sadd.s32 @!p0 $0x100000, s0  }
0x10b: {  	[sflag:s0] =	ssyncadd.tile.s32 @!p0 $0x1;
	_ =	shalt  }
.Lfunc_end2:
_tile_overlayer_lowered:
.L_overlay_start_2:
0x10c: {  	(tag) =	ssettag $0x2  }
0x10d: {  	s0 =	rddreg [dreg:$0x0];
	s2 =	stileid.u32  }
0x10e: {  	s1 =	rddreg [dreg:$0x1];
	p0 =	sne.s32 s2, $0x0  }
0x10f: {  	s3 =	rddreg [dreg:$0x2];
	[bflag:$0x3] =	sbarrier.arrive $0xFFFF;
	s2 =	simm.s32 @!p0 $0x1C0B  }
0x110: {  	[timem:s3], [sflag:s2] =	dma.local @!p0 [hbm:s0], s1  }
0x111: {  	s0 =	simm.s32 @!p0 $0xB  }
0x112: {  	_ =	swait.ge @!p0 [sflag:s0], s1  }
0x113: {  	s1 =	ssub.s32 @!p0 $0x0, s1;
	[sflag:s0] =	ssyncset.done @!p0 $0x0  }
0x114: {  	[sflag:s0] =	ssyncadd.s32 @!p0 s1  }
0x115: {  	[bflag:$0x3] =	sbarrier.arrive $0xFFFF  }
0x116: {  	_ =	shalt  }

</sc_bundles>
